<compile_context>
chip_gen: v7x
topology: tpu7x:2x2x1
jax: 0.10.2.dev20260603
libtpu: 0.0.44.dev20260713+nightly
codegen_flags: <defaults>
</compile_context>

<pallas_src>
import functools

import jax
import jax.numpy as jnp
from jax import lax
from jax.experimental import pallas as pl
from jax.experimental.pallas import tpu as pltpu
from jax.experimental.pallas import tpu_sc as plsc

NC = 2
NS = 16
NW = NC * NS

CH = 128
BG = 4


def _sc_mesh():
    return plsc.VectorSubcoreMesh(
        core_axis_name="c", subcore_axis_name="s", num_cores=NC, num_subcores=NS
    )


_SC_PARAMS = pltpu.CompilerParams(
    use_tc_tiling_on_sc=False, needs_layout_passes=False
)


def _zero_fill(ref2d, nrows, width):
    zero = jnp.zeros((16,), jnp.float32)

    def body(j, carry):
        for kk in range(width // 16):
            ref2d[j, pl.ds(kk * 16, 16)] = zero
        return carry

    lax.fori_loop(0, nrows, body, 0)


def _stage_edges(ei_hbm, pad_src_hbm, pad_dst_hbm, src_v, dst_v,
                 base, n_real, n_pad):
    pltpu.sync_copy(ei_hbm.at[0, pl.ds(base, n_real)],
                    src_v.at[pl.ds(0, n_real)])
    pltpu.sync_copy(ei_hbm.at[1, pl.ds(base, n_real)],
                    dst_v.at[pl.ds(0, n_real)])
    pltpu.sync_copy(pad_src_hbm.at[pl.ds(0, n_pad)],
                    src_v.at[pl.ds(n_real, n_pad)])
    pltpu.sync_copy(pad_dst_hbm.at[pl.ds(0, n_pad)],
                    dst_v.at[pl.ds(n_real, n_pad)])


def _make_deg_kernel(n_acc, ept, cpt, dw):
    rows_per_tile = n_acc // NS
    n_pad = cpt * CH - ept

    @functools.partial(
        pl.kernel,
        out_type=jax.ShapeDtypeStruct((NC * n_acc, dw), jnp.float32),
        mesh=_sc_mesh(),
        compiler_params=_SC_PARAMS,
        scratch_types=[
            pltpu.VMEM((cpt * CH,), jnp.int32),
            pltpu.VMEM((CH, dw), jnp.float32),
            pltpu.VMEM_SHARED((n_acc, dw), jnp.float32),
            pltpu.SemaphoreType.DMA,
        ],
    )
    def k(ei_hbm, pad_dst_hbm, ones_hbm, zin_hbm, out_hbm, dst_v, ones_v,
          acc_sh, sem):
        c = lax.axis_index("c")
        s = lax.axis_index("s")
        w = c * NS + s
        pltpu.sync_copy(ei_hbm.at[1, pl.ds(w * ept, ept)],
                        dst_v.at[pl.ds(0, ept)])
        pltpu.sync_copy(pad_dst_hbm.at[pl.ds(0, n_pad)],
                        dst_v.at[pl.ds(ept, n_pad)])
        pltpu.sync_copy(ones_hbm, ones_v)
        pltpu.sync_copy(
            zin_hbm.at[pl.ds(s * rows_per_tile, rows_per_tile)],
            acc_sh.at[pl.ds(s * rows_per_tile, rows_per_tile)],
        )
        plsc.subcore_barrier()

        def fire(j, carry):
            pltpu.async_copy(
                ones_v, acc_sh.at[dst_v.at[pl.ds(j * CH, CH)]], sem, add=True
            )
            return carry

        lax.fori_loop(0, cpt, fire, 0)

        def drain(j, carry):
            pltpu.make_async_copy(
                ones_v, acc_sh.at[dst_v.at[pl.ds(j * CH, CH)]], sem
            ).wait()
            return carry

        lax.fori_loop(0, cpt, drain, 0)
        plsc.subcore_barrier()
        pltpu.sync_copy(
            acc_sh.at[pl.ds(s * rows_per_tile, rows_per_tile)],
            out_hbm.at[pl.ds(c * n_acc + s * rows_per_tile, rows_per_tile)],
        )

    return k


def _pipelined_edge_loop(y_sh, acc_sh, src_v, dst_v, rows_v, semg, sems,
                         cpt, width, bg=BG):
    nb = cpt // bg
    nbp = nb // 2
    assert cpt % (2 * bg) == 0

    def gslice(h, i):
        return rows_v.at[h, pl.ds(i * CH, CH)]

    def eslice(v, b, i):
        return v.at[pl.ds((b * bg + i) * CH, CH)]

    def issue_gathers(b, h):
        for i in range(bg):
            pltpu.async_copy(y_sh.at[eslice(src_v, b, i)], gslice(h, i),
                             semg[h])

    def wait_gathers(b, h):
        for i in range(bg):
            pltpu.make_async_copy(y_sh.at[eslice(src_v, b, i)], gslice(h, i),
                                  semg[h]).wait()

    def issue_scatters(b, h):
        for i in range(bg):
            pltpu.async_copy(gslice(h, i), acc_sh.at[eslice(dst_v, b, i)],
                             sems[h], add=True)

    def wait_scatters(b, h):
        for i in range(bg):
            pltpu.make_async_copy(gslice(h, i), acc_sh.at[eslice(dst_v, b, i)],
                                  sems[h]).wait()

    issue_gathers(0, 0)

    def body(bp, carry):
        b0 = 2 * bp
        wait_gathers(b0, 0)
        issue_scatters(b0, 0)

        @pl.when(bp > 0)
        def _():
            wait_scatters(b0 - 1, 1)

        issue_gathers(b0 + 1, 1)
        wait_gathers(b0 + 1, 1)
        issue_scatters(b0 + 1, 1)

        @pl.when(bp < nbp - 1)
        def _():
            wait_scatters(b0, 0)
            issue_gathers(b0 + 2, 0)

        return carry

    lax.fori_loop(0, nbp, body, 0)
    wait_scatters(nb - 2, 0)
    wait_scatters(nb - 1, 1)


def _rsqrt_newton(x):
    i = plsc.bitcast(x, jnp.int32)
    i = jnp.full((16,), 0x5F3759DF, jnp.int32) - lax.shift_right_logical(
        i, jnp.full((16,), 1, jnp.int32)
    )
    y = plsc.bitcast(i, jnp.float32)
    for _ in range(3):
        y = y * (1.5 - 0.5 * x * y * y)
    return y


def _make_l1_kernel(n_acc, ept, cpt, width, dw):
    rows_per_tile = n_acc // NS
    colw = width // 2
    n_pad = cpt * CH - ept

    @functools.partial(
        pl.kernel,
        out_type=(
            jax.ShapeDtypeStruct((n_acc, width), jnp.float32),
            jax.ShapeDtypeStruct((n_acc,), jnp.float32),
        ),
        mesh=_sc_mesh(),
        compiler_params=_SC_PARAMS,
        scratch_types=[
            pltpu.VMEM((cpt * CH,), jnp.int32),
            pltpu.VMEM((cpt * CH,), jnp.int32),
            pltpu.VMEM((2, BG * CH, colw), jnp.float32),
            pltpu.VMEM((rows_per_tile, dw), jnp.float32),
            pltpu.VMEM((rows_per_tile, dw), jnp.float32),
            pltpu.VMEM((rows_per_tile,), jnp.float32),
            pltpu.VMEM_SHARED((n_acc, colw), jnp.float32),
            pltpu.VMEM_SHARED((n_acc, colw), jnp.float32),
            pltpu.SemaphoreType.DMA,
            pltpu.SemaphoreType.DMA,
            pltpu.SemaphoreType.DMA,
            pltpu.SemaphoreType.DMA,
        ],
    )
    def k(xw_hbm, degacc_hbm, ei_hbm, pad_src_hbm, pad_dst_hbm, zin_hbm,
          out_hbm, dinv_hbm, src_v, dst_v, rows_v, dbuf0, dbuf1, dinv_v,
          acc_sh, y_sh, semg0, semg1, sems0, sems1):
        c = lax.axis_index("c")
        s = lax.axis_index("s")
        xwb = rows_v.at[0, pl.ds(0, rows_per_tile)]
        _stage_edges(ei_hbm, pad_src_hbm, pad_dst_hbm,
                     src_v, dst_v, s * ept, ept, n_pad)
        pltpu.sync_copy(
            degacc_hbm.at[pl.ds(s * rows_per_tile, rows_per_tile)], dbuf0)
        pltpu.sync_copy(
            degacc_hbm.at[pl.ds(n_acc + s * rows_per_tile, rows_per_tile)],
            dbuf1)
        pltpu.sync_copy(
            xw_hbm.at[pl.ds(s * rows_per_tile, rows_per_tile),
                      pl.ds(c * colw, colw)],
            xwb,
        )
        lanes = lax.iota(jnp.int32, 16)
        zcol = jnp.zeros((16,), jnp.int32)

        def dv(j, carry):
            rows_i = j * 16 + lanes
            d0 = plsc.load_gather(dbuf0, [rows_i, zcol])
            d1 = plsc.load_gather(dbuf1, [rows_i, zcol])
            dinv_v[pl.ds(j * 16, 16)] = _rsqrt_newton(d0 + d1 + 1.0)
            return carry

        lax.fori_loop(0, rows_per_tile // 16, dv, 0)
        pltpu.sync_copy(dinv_v, dinv_hbm.at[pl.ds(s * rows_per_tile,
                                                  rows_per_tile)])

        def scale_rows(j, carry):
            dvec = dinv_v[pl.ds(j * 16, 16)]
            for r in range(16):
                row = j * 16 + r
                d = dvec[r]
                for kk in range(colw // 16):
                    rows_v[0, row, pl.ds(kk * 16, 16)] = (
                        rows_v[0, row, pl.ds(kk * 16, 16)] * d
                    )
            return carry

        lax.fori_loop(0, rows_per_tile // 16, scale_rows, 0)
        pltpu.sync_copy(xwb, y_sh.at[pl.ds(s * rows_per_tile,
                                           rows_per_tile)])
        pltpu.sync_copy(
            zin_hbm.at[pl.ds(s * rows_per_tile, rows_per_tile)],
            acc_sh.at[pl.ds(s * rows_per_tile, rows_per_tile)],
        )
        plsc.subcore_barrier()
        _pipelined_edge_loop(y_sh, acc_sh, src_v, dst_v, rows_v,
                             (semg0, semg1), (sems0, sems1), cpt, colw)
        plsc.subcore_barrier()
        pltpu.sync_copy(
            acc_sh.at[pl.ds(s * rows_per_tile, rows_per_tile)],
            out_hbm.at[pl.ds(s * rows_per_tile, rows_per_tile),
                       pl.ds(c * colw, colw)],
        )

    return k


def _make_colsplit_kernel(n_acc, ept, cpt, width):
    rows_per_tile = n_acc // NS
    colw = width // 2
    n_pad = cpt * CH - ept

    @functools.partial(
        pl.kernel,
        out_type=jax.ShapeDtypeStruct((n_acc, width), jnp.float32),
        mesh=_sc_mesh(),
        compiler_params=_SC_PARAMS,
        scratch_types=[
            pltpu.VMEM((cpt * CH,), jnp.int32),
            pltpu.VMEM((cpt * CH,), jnp.int32),
            pltpu.VMEM((2, BG * CH, colw), jnp.float32),
            pltpu.VMEM_SHARED((n_acc, colw), jnp.float32),
            pltpu.VMEM_SHARED((n_acc, colw), jnp.float32),
            pltpu.SemaphoreType.DMA,
            pltpu.SemaphoreType.DMA,
            pltpu.SemaphoreType.DMA,
            pltpu.SemaphoreType.DMA,
        ],
    )
    def k(y_hbm, ei_hbm, pad_src_hbm, pad_dst_hbm, zin_hbm, out_hbm,
          src_v, dst_v, rows_v, acc_sh, y_sh, semg0, semg1, sems0, sems1):
        c = lax.axis_index("c")
        s = lax.axis_index("s")
        _stage_edges(ei_hbm, pad_src_hbm, pad_dst_hbm,
                     src_v, dst_v, s * ept, ept, n_pad)
        pltpu.sync_copy(
            y_hbm.at[pl.ds(s * rows_per_tile, rows_per_tile),
                     pl.ds(c * colw, colw)],
            y_sh.at[pl.ds(s * rows_per_tile, rows_per_tile)],
        )
        pltpu.sync_copy(
            zin_hbm.at[pl.ds(s * rows_per_tile, rows_per_tile)],
            acc_sh.at[pl.ds(s * rows_per_tile, rows_per_tile)],
        )
        plsc.subcore_barrier()
        _pipelined_edge_loop(y_sh, acc_sh, src_v, dst_v, rows_v,
                             (semg0, semg1), (sems0, sems1), cpt, colw)
        plsc.subcore_barrier()
        pltpu.sync_copy(
            acc_sh.at[pl.ds(s * rows_per_tile, rows_per_tile)],
            out_hbm.at[pl.ds(s * rows_per_tile, rows_per_tile),
                       pl.ds(c * colw, colw)],
        )

    return k


def _make_scatter_kernel(n_acc, ept, cpt, width):
    rows_per_tile = n_acc // NS
    n_pad = cpt * CH - ept

    @functools.partial(
        pl.kernel,
        out_type=jax.ShapeDtypeStruct((NC, n_acc, width), jnp.float32),
        mesh=_sc_mesh(),
        compiler_params=_SC_PARAMS,
        scratch_types=[
            pltpu.VMEM((cpt * CH,), jnp.int32),
            pltpu.VMEM((cpt * CH,), jnp.int32),
            pltpu.VMEM((2, 8 * CH, width), jnp.float32),
            pltpu.VMEM_SHARED((n_acc, width), jnp.float32),
            pltpu.VMEM_SHARED((n_acc, width), jnp.float32),
            pltpu.SemaphoreType.DMA,
            pltpu.SemaphoreType.DMA,
            pltpu.SemaphoreType.DMA,
            pltpu.SemaphoreType.DMA,
        ],
    )
    def k(y_hbm, ei_hbm, pad_src_hbm, pad_dst_hbm, zin_hbm, out_hbm,
          src_v, dst_v, rows_v, acc_sh, y_sh, semg0, semg1, sems0, sems1):
        c = lax.axis_index("c")
        s = lax.axis_index("s")
        w = c * NS + s
        _stage_edges(ei_hbm, pad_src_hbm, pad_dst_hbm,
                     src_v, dst_v, w * ept, ept, n_pad)
        pltpu.sync_copy(
            y_hbm.at[pl.ds(s * rows_per_tile, rows_per_tile)],
            y_sh.at[pl.ds(s * rows_per_tile, rows_per_tile)],
        )
        pltpu.sync_copy(
            zin_hbm.at[pl.ds(s * rows_per_tile, rows_per_tile)],
            acc_sh.at[pl.ds(s * rows_per_tile, rows_per_tile)],
        )
        plsc.subcore_barrier()
        _pipelined_edge_loop(y_sh, acc_sh, src_v, dst_v, rows_v,
                             (semg0, semg1), (sems0, sems1), cpt, width, bg=8)
        plsc.subcore_barrier()
        pltpu.sync_copy(
            acc_sh.at[pl.ds(s * rows_per_tile, rows_per_tile)],
            out_hbm.at[c, pl.ds(s * rows_per_tile, rows_per_tile)],
        )

    return k




def _tc1a_body(x_ref, w1_ref, xw_ref):
    xw_ref[...] = jnp.dot(
        x_ref[...], w1_ref[...], preferred_element_type=jnp.float32
    )


def _tc2_body(s1_ref, xw_ref, dinv_ref, w2_ref, b1_ref, y2_ref):
    dinv = dinv_ref[...][:, 0:1]
    y1 = xw_ref[...] * dinv
    h = jnp.maximum((s1_ref[...] + y1) * dinv + b1_ref[...], 0.0)
    hw = jnp.dot(h, w2_ref[...], preferred_element_type=jnp.float32)
    y2_ref[...] = hw * dinv


def _tc3_body(s2_ref, y2_ref, dinv_ref, b2_ref, out_ref):
    s2 = s2_ref[...]
    dinv = dinv_ref[...][:, 0:1]
    z = (s2[0] + s2[1] + y2_ref[...]) * dinv + b2_ref[...]
    m = jnp.max(z, axis=1, keepdims=True)
    e = jnp.exp(z - m)
    out_ref[...] = z - m - jnp.log(jnp.sum(e, axis=1, keepdims=True))


def kernel(x, edge_index, W1, b1, W2, b2):
    n, d_in = x.shape
    e = edge_index.shape[1]
    h_dim = W1.shape[1]
    c_dim = W2.shape[1]
    assert e % NW == 0

    n_acc = (n // 512 + 1) * 512
    n_dummy = n_acc - n

    ept32 = e // NW
    cpt32 = -(-ept32 // (CH * 2 * BG)) * 2 * BG
    ept16 = e // NS
    cpt16 = -(-ept16 // (CH * 2 * BG)) * 2 * BG
    max_pad = max(cpt32 * CH - ept32, cpt16 * CH - ept16)
    pad_src = jnp.zeros((max_pad,), jnp.int32)
    pad_dst = n + jnp.arange(max_pad, dtype=jnp.int32) % n_dummy

    x_pad = jnp.concatenate([x, jnp.zeros((n_acc - n, d_in), x.dtype)])

    dw = 8

    degacc = _make_deg_kernel(n_acc, ept32, cpt32, dw)(
        edge_index, pad_dst, jnp.ones((CH, dw), jnp.float32),
        jnp.zeros((n_acc, dw), jnp.float32),
    )
    xw = pl.pallas_call(
        _tc1a_body,
        out_shape=jax.ShapeDtypeStruct((n_acc, h_dim), jnp.float32),
    )(x_pad, W1)

    zin_h2 = jnp.zeros((n_acc, h_dim // 2), jnp.float32)
    s1, dinv_flat = _make_l1_kernel(n_acc, ept16, cpt16, h_dim, dw)(
        xw, degacc, edge_index, pad_src, pad_dst, zin_h2
    )
    dinv = dinv_flat.reshape(n_acc, 1)

    y2 = pl.pallas_call(
        _tc2_body,
        out_shape=jax.ShapeDtypeStruct((n_acc, c_dim), jnp.float32),
    )(s1, xw, dinv, W2, b1.reshape(1, h_dim))

    zin_c = jnp.zeros((n_acc, c_dim), jnp.float32)
    s2 = _make_scatter_kernel(n_acc, ept32, cpt32, c_dim)(
        y2, edge_index, pad_src, pad_dst, zin_c
    )

    out = pl.pallas_call(
        _tc3_body,
        grid=(1,),
        in_specs=[
            pl.BlockSpec((NC, n, c_dim), lambda i: (0, 0, 0)),
            pl.BlockSpec((n, c_dim), lambda i: (0, 0)),
            pl.BlockSpec((n, 1), lambda i: (0, 0)),
            pl.BlockSpec((1, c_dim), lambda i: (0, 0)),
        ],
        out_specs=pl.BlockSpec((n, c_dim), lambda i: (0, 0)),
        out_shape=jax.ShapeDtypeStruct((n, c_dim), jnp.float32),
    )(s2, y2, dinv, b2.reshape(1, c_dim))

    return out

# --- scband reference (transcript-rebuilt; emitter-appended) ---
"""Pipeline reference for scband-net-55207509623440 (READ-ONLY COPY).

The authoritative reference and input builder live on the scoring server;
editing this copy changes nothing except your own understanding.
"""

import jax, jax.numpy as jnp
import numpy as np

N = 10000
E = 320000
D = 128
H = 64
C = 16


def setup_inputs(seed: int = 0) -> dict:
    key = jax.random.key(seed)
    k1, k2, k3, k4 = jax.random.split(key, 4)
    x = jax.random.normal(k1, (N, D), dtype=jnp.float32)
    edge_index = jax.random.randint(k2, (2, E), 0, N, dtype=jnp.int32)
    # GCNConv learned parameters (glorot-style init, zero bias like PyG)
    W1 = jax.random.normal(k3, (D, H), dtype=jnp.float32) * (1.0 / np.sqrt(D))
    b1 = jnp.zeros((H,), dtype=jnp.float32)
    W2 = jax.random.normal(k4, (H, C), dtype=jnp.float32) * (1.0 / np.sqrt(H))
    b2 = jnp.zeros((C,), dtype=jnp.float32)
    return {"x": x, "edge_index": edge_index, "W1": W1, "b1": b1, "W2": W2, "b2": b2}


def gcn_conv(x, edge_index, W, b):
    # Faithful PyG GCNConv: add self-loops, symmetric D^{-1/2}(A+I)D^{-1/2} normalization
    n = x.shape[0]
    loop = jnp.arange(n, dtype=edge_index.dtype)
    src = jnp.concatenate([edge_index[0], loop])
    dst = jnp.concatenate([edge_index[1], loop])
    deg = jnp.zeros((n,), dtype=x.dtype).at[dst].add(1.0)
    dinv = jnp.where(deg > 0, 1.0 / jnp.sqrt(deg), 0.0)
    norm = dinv[src] * dinv[dst]
    xw = x @ W
    msgs = xw[src] * norm[:, None]
    out = jax.ops.segment_sum(msgs, dst, num_segments=n)
    return out + b


def reference(x, edge_index, W1, b1, W2, b2):
    h = jax.nn.relu(gcn_conv(x, edge_index, W1, b1))
    # F.dropout with training=False is identity (eval mode)
    out = gcn_conv(h, edge_index, W2, b2)
    return jax.nn.log_softmax(out, axis=1)

if __name__ == "__main__":
    import jax
    _d = setup_inputs()
    print(jax.jit(kernel)(*tuple(_d.values())))

</pallas_src>

<mosaic_0001>
#map = affine_map<(d0, d1) -> (0, 0)>
#map1 = affine_map<(d0, d1) -> (0)>
module attributes {stable_mosaic.version = 14 : i64} {
  func.func @k(%arg0: i32, %arg1: i32, %arg2: memref<2x320000xi32, #tpu.memory_space<hbm>>, %arg3: memref<480xi32, #tpu.memory_space<hbm>>, %arg4: memref<128x8xf32, #tpu.memory_space<hbm>>, %arg5: memref<10240x8xf32, #tpu.memory_space<hbm>>, %arg6: memref<20480x8xf32, #tpu.memory_space<hbm>>, %arg7: memref<10240xi32, #tpu.memory_space<vmem>>, %arg8: memref<128x8xf32, #tpu.memory_space<vmem>>, %arg9: memref<10240x8xf32, #tpu.memory_space<vmem_shared>>, %arg10: memref<!tpu.dma_semaphore, #tpu.memory_space<semaphore_mem>>) attributes {dimension_semantics = [#tpu.dimension_semantics<core_parallel>, #tpu.dimension_semantics<subcore_parallel>], iteration_bounds = array<i64: 2, 16>, scalar_prefetch = 0 : i64, scratch_operands = 4 : i64, tpu.core_type = #tpu.core_type<sc_vector_subcore>, window_params = [{transform_indices = #map}, {transform_indices = #map1}, {transform_indices = #map}, {transform_indices = #map}, {transform_indices = #map}]} {
    %mul3A = arith.constant 16 : i32
    %mul3A_0 = arith.muli %arg0, %mul3A : i32
    %add3A = arith.addi %mul3A_0, %arg1 : i32
    %mul3A_1 = arith.constant 10000 : i32
    %mul3A_2 = arith.muli %add3A, %mul3A_1 : i32
    %run_scoped3A = arith.constant 1 : i32
    "tpu.region"() ({
      %run_scoped3A_26 = tpu.sem_alloc : memref<!tpu.dma_semaphore, #tpu.memory_space<semaphore_mem>>
      %dma_start3A = arith.constant 0 : i32
      %dma_start3A_27 = tpu.memref_slice %arg7[%dma_start3A] : memref<10240xi32, #tpu.memory_space<vmem>> -> memref<10000xi32, #tpu.memory_space<vmem>>
      %dma_start3A_28 = tpu.memref_slice %arg2[%run_scoped3A, %mul3A_2] : memref<2x320000xi32, #tpu.memory_space<hbm>> -> memref<1x10000xi32, #tpu.memory_space<hbm>>
      %dma_start3A_29 = tpu.memref_squeeze %dma_start3A_28 : memref<1x10000xi32, #tpu.memory_space<hbm>> -> memref<10000xi32, #tpu.memory_space<hbm>>
      %dma_start3A_30 = arith.constant 0 : i32
      %dma_start3A_31 = tpu.memref_slice %arg7[%dma_start3A_30] : memref<10240xi32, #tpu.memory_space<vmem>> -> memref<10000xi32, #tpu.memory_space<vmem>>
      %dma_start3A_32 = tpu.memref_slice %arg2[%run_scoped3A, %mul3A_2] : memref<2x320000xi32, #tpu.memory_space<hbm>> -> memref<1x10000xi32, #tpu.memory_space<hbm>>
      %dma_start3A_33 = tpu.memref_squeeze %dma_start3A_32 : memref<1x10000xi32, #tpu.memory_space<hbm>> -> memref<10000xi32, #tpu.memory_space<hbm>>
      tpu.enqueue_dma source(%dma_start3A_33 : memref<10000xi32, #tpu.memory_space<hbm>>) target(%dma_start3A_31 : memref<10000xi32, #tpu.memory_space<vmem>>) target_semaphore(%run_scoped3A_26 : memref<!tpu.dma_semaphore, #tpu.memory_space<semaphore_mem>>)
      %dma_wait3A = arith.constant 0 : i32
      %dma_wait3A_34 = tpu.memref_slice %arg7[%dma_wait3A] : memref<10240xi32, #tpu.memory_space<vmem>> -> memref<10000xi32, #tpu.memory_space<vmem>>
      %dma_wait3A_35 = tpu.memref_slice %arg2[%run_scoped3A, %mul3A_2] : memref<2x320000xi32, #tpu.memory_space<hbm>> -> memref<1x10000xi32, #tpu.memory_space<hbm>>
      %dma_wait3A_36 = tpu.memref_squeeze %dma_wait3A_35 : memref<1x10000xi32, #tpu.memory_space<hbm>> -> memref<10000xi32, #tpu.memory_space<hbm>>
      %dma_wait3A_37 = arith.constant 0 : i32
      %dma_wait3A_38 = tpu.memref_slice %arg7[%dma_wait3A_37] : memref<10240xi32, #tpu.memory_space<vmem>> -> memref<10000xi32, #tpu.memory_space<vmem>>
      %dma_wait3A_39 = tpu.memref_slice %arg2[%run_scoped3A, %mul3A_2] : memref<2x320000xi32, #tpu.memory_space<hbm>> -> memref<1x10000xi32, #tpu.memory_space<hbm>>
      %dma_wait3A_40 = tpu.memref_squeeze %dma_wait3A_39 : memref<1x10000xi32, #tpu.memory_space<hbm>> -> memref<10000xi32, #tpu.memory_space<hbm>>
      tpu.wait_dma2 semaphore(%run_scoped3A_26 : memref<!tpu.dma_semaphore, #tpu.memory_space<semaphore_mem>>) src(%dma_wait3A_40 : memref<10000xi32, #tpu.memory_space<hbm>>) dst(%dma_wait3A_38 : memref<10000xi32, #tpu.memory_space<vmem>>)
      tpu.yield
    }) : () -> ()
    "tpu.region"() ({
      %run_scoped3A_26 = tpu.sem_alloc : memref<!tpu.dma_semaphore, #tpu.memory_space<semaphore_mem>>
      %dma_start3A = arith.constant 10000 : i32
      %dma_start3A_27 = tpu.memref_slice %arg7[%dma_start3A] : memref<10240xi32, #tpu.memory_space<vmem>> -> memref<240xi32, #tpu.memory_space<vmem>>
      %dma_start3A_28 = arith.constant 0 : i32
      %dma_start3A_29 = tpu.memref_slice %arg3[%dma_start3A_28] : memref<480xi32, #tpu.memory_space<hbm>> -> memref<240xi32, #tpu.memory_space<hbm>>
      %dma_start3A_30 = arith.constant 10000 : i32
      %dma_start3A_31 = tpu.memref_slice %arg7[%dma_start3A_30] : memref<10240xi32, #tpu.memory_space<vmem>> -> memref<240xi32, #tpu.memory_space<vmem>>
      %dma_start3A_32 = arith.constant 0 : i32
      %dma_start3A_33 = tpu.memref_slice %arg3[%dma_start3A_32] : memref<480xi32, #tpu.memory_space<hbm>> -> memref<240xi32, #tpu.memory_space<hbm>>
      tpu.enqueue_dma source(%dma_start3A_33 : memref<240xi32, #tpu.memory_space<hbm>>) target(%dma_start3A_31 : memref<240xi32, #tpu.memory_space<vmem>>) target_semaphore(%run_scoped3A_26 : memref<!tpu.dma_semaphore, #tpu.memory_space<semaphore_mem>>)
      %dma_wait3A = arith.constant 10000 : i32
      %dma_wait3A_34 = tpu.memref_slice %arg7[%dma_wait3A] : memref<10240xi32, #tpu.memory_space<vmem>> -> memref<240xi32, #tpu.memory_space<vmem>>
      %dma_wait3A_35 = arith.constant 0 : i32
      %dma_wait3A_36 = tpu.memref_slice %arg3[%dma_wait3A_35] : memref<480xi32, #tpu.memory_space<hbm>> -> memref<240xi32, #tpu.memory_space<hbm>>
      %dma_wait3A_37 = arith.constant 10000 : i32
      %dma_wait3A_38 = tpu.memref_slice %arg7[%dma_wait3A_37] : memref<10240xi32, #tpu.memory_space<vmem>> -> memref<240xi32, #tpu.memory_space<vmem>>
      %dma_wait3A_39 = arith.constant 0 : i32
      %dma_wait3A_40 = tpu.memref_slice %arg3[%dma_wait3A_39] : memref<480xi32, #tpu.memory_space<hbm>> -> memref<240xi32, #tpu.memory_space<hbm>>
      tpu.wait_dma2 semaphore(%run_scoped3A_26 : memref<!tpu.dma_semaphore, #tpu.memory_space<semaphore_mem>>) src(%dma_wait3A_40 : memref<240xi32, #tpu.memory_space<hbm>>) dst(%dma_wait3A_38 : memref<240xi32, #tpu.memory_space<vmem>>)
      tpu.yield
    }) : () -> ()
    "tpu.region"() ({
      %run_scoped3A_26 = tpu.sem_alloc : memref<!tpu.dma_semaphore, #tpu.memory_space<semaphore_mem>>
      tpu.enqueue_dma source(%arg4 : memref<128x8xf32, #tpu.memory_space<hbm>>) target(%arg8 : memref<128x8xf32, #tpu.memory_space<vmem>>) target_semaphore(%run_scoped3A_26 : memref<!tpu.dma_semaphore, #tpu.memory_space<semaphore_mem>>)
      tpu.wait_dma2 semaphore(%run_scoped3A_26 : memref<!tpu.dma_semaphore, #tpu.memory_space<semaphore_mem>>) src(%arg4 : memref<128x8xf32, #tpu.memory_space<hbm>>) dst(%arg8 : memref<128x8xf32, #tpu.memory_space<vmem>>)
      tpu.yield
    }) : () -> ()
    %mul3A_3 = arith.constant 640 : i32
    %mul3A_4 = arith.muli %arg1, %mul3A_3 : i32
    %mul3A_5 = arith.constant 640 : i32
    %mul3A_6 = arith.muli %arg1, %mul3A_5 : i32
    "tpu.region"() ({
      %run_scoped3A_26 = tpu.sem_alloc : memref<!tpu.dma_semaphore, #tpu.memory_space<semaphore_mem>>
      %dma_start3A = arith.constant 0 : i32
      %dma_start3A_27 = tpu.memref_slice %arg9[%mul3A_6, %dma_start3A] : memref<10240x8xf32, #tpu.memory_space<vmem_shared>> -> memref<640x8xf32, #tpu.memory_space<vmem_shared>>
      %dma_start3A_28 = arith.constant 0 : i32
      %dma_start3A_29 = tpu.memref_slice %arg5[%mul3A_4, %dma_start3A_28] : memref<10240x8xf32, #tpu.memory_space<hbm>> -> memref<640x8xf32, #tpu.memory_space<hbm>>
      tpu.enqueue_dma source(%dma_start3A_29 : memref<640x8xf32, #tpu.memory_space<hbm>>) target(%dma_start3A_27 : memref<640x8xf32, #tpu.memory_space<vmem_shared>>) target_semaphore(%run_scoped3A_26 : memref<!tpu.dma_semaphore, #tpu.memory_space<semaphore_mem>>)
      %dma_wait3A = arith.constant 0 : i32
      %dma_wait3A_30 = tpu.memref_slice %arg9[%mul3A_6, %dma_wait3A] : memref<10240x8xf32, #tpu.memory_space<vmem_shared>> -> memref<640x8xf32, #tpu.memory_space<vmem_shared>>
      %dma_wait3A_31 = arith.constant 0 : i32
      %dma_wait3A_32 = tpu.memref_slice %arg5[%mul3A_4, %dma_wait3A_31] : memref<10240x8xf32, #tpu.memory_space<hbm>> -> memref<640x8xf32, #tpu.memory_space<hbm>>
      tpu.wait_dma2 semaphore(%run_scoped3A_26 : memref<!tpu.dma_semaphore, #tpu.memory_space<semaphore_mem>>) src(%dma_wait3A_32 : memref<640x8xf32, #tpu.memory_space<hbm>>) dst(%dma_wait3A_30 : memref<640x8xf32, #tpu.memory_space<vmem_shared>>)
      tpu.yield
    }) : () -> ()
    %barrier3A = arith.constant 0 : index
    tpu.barrier barrier_id(%barrier3A)
    %scan3A = arith.constant 0 : i32
    %scan3A_7 = arith.constant 0 : i32
    %scan3A_8 = arith.constant 80 : i32
    %scan3A_9 = arith.addi %scan3A_7, %scan3A_8 : i32
    %scan3A_10 = arith.constant 1 : i32
    scf.for %scan3A_26 = %scan3A_7 to %scan3A_9 step %scan3A_10  : i32 {
      %mul3A_27 = arith.constant 128 : i32
      %mul3A_28 = arith.muli %scan3A_26, %mul3A_27 : i32
      %dma_start3A = tpu.memref_slice %arg7[%mul3A_28] : memref<10240xi32, #tpu.memory_space<vmem>> -> memref<128xi32, #tpu.memory_space<vmem>>
      %dma_start3A_29 = arith.constant 0 : i32
      %dma_start3A_30 = arith.constant 0 : i32
      %dma_start3A_31 = tpu.memref_slice %arg9[%dma_start3A_29, %dma_start3A_30] : memref<10240x8xf32, #tpu.memory_space<vmem_shared>> -> memref<10240x8xf32, #tpu.memory_space<vmem_shared>>
      tpu.enqueue_indirect_dma source(%arg8 : memref<128x8xf32, #tpu.memory_space<vmem>>) target(%dma_start3A_31 : memref<10240x8xf32, #tpu.memory_space<vmem_shared>>) offsets(%dma_start3A : memref<128xi32, #tpu.memory_space<vmem>>) semaphore(%arg10 : memref<!tpu.dma_semaphore, #tpu.memory_space<semaphore_mem>>) {add = true}
    }
    %scan3A_11 = arith.constant 80 : i32
    %scan3A_12 = arith.constant 0 : i32
    %scan3A_13 = arith.constant 0 : i32
    %scan3A_14 = arith.constant 80 : i32
    %scan3A_15 = arith.addi %scan3A_13, %scan3A_14 : i32
    %scan3A_16 = arith.constant 1 : i32
    scf.for %scan3A_26 = %scan3A_13 to %scan3A_15 step %scan3A_16  : i32 {
      %mul3A_27 = arith.constant 128 : i32
      %mul3A_28 = arith.muli %scan3A_26, %mul3A_27 : i32
      %dma_wait3A = tpu.memref_slice %arg7[%mul3A_28] : memref<10240xi32, #tpu.memory_space<vmem>> -> memref<128xi32, #tpu.memory_space<vmem>>
      %dma_wait3A_29 = arith.constant 0 : i32
      %dma_wait3A_30 = arith.constant 0 : i32
      %dma_wait3A_31 = tpu.memref_slice %arg9[%dma_wait3A_29, %dma_wait3A_30] : memref<10240x8xf32, #tpu.memory_space<vmem_shared>> -> memref<10240x8xf32, #tpu.memory_space<vmem_shared>>
      tpu.wait_indirect_dma semaphore(%arg10 : memref<!tpu.dma_semaphore, #tpu.memory_space<semaphore_mem>>) src(%arg8 : memref<128x8xf32, #tpu.memory_space<vmem>>) dst(%dma_wait3A_31 : memref<10240x8xf32, #tpu.memory_space<vmem_shared>>)
    }
    %scan3A_17 = arith.constant 80 : i32
    %barrier3A_18 = arith.constant 0 : index
    tpu.barrier barrier_id(%barrier3A_18)
    %mul3A_19 = arith.constant 640 : i32
    %mul3A_20 = arith.muli %arg1, %mul3A_19 : i32
    %mul3A_21 = arith.constant 10240 : i32
    %mul3A_22 = arith.muli %arg0, %mul3A_21 : i32
    %mul3A_23 = arith.constant 640 : i32
    %mul3A_24 = arith.muli %arg1, %mul3A_23 : i32
    %add3A_25 = arith.addi %mul3A_22, %mul3A_24 : i32
    "tpu.region"() ({
      %run_scoped3A_26 = tpu.sem_alloc : memref<!tpu.dma_semaphore, #tpu.memory_space<semaphore_mem>>
      %dma_start3A = arith.constant 0 : i32
      %dma_start3A_27 = tpu.memref_slice %arg6[%add3A_25, %dma_start3A] : memref<20480x8xf32, #tpu.memory_space<hbm>> -> memref<640x8xf32, #tpu.memory_space<hbm>>
      %dma_start3A_28 = arith.constant 0 : i32
      %dma_start3A_29 = tpu.memref_slice %arg9[%mul3A_20, %dma_start3A_28] : memref<10240x8xf32, #tpu.memory_space<vmem_shared>> -> memref<640x8xf32, #tpu.memory_space<vmem_shared>>
      tpu.enqueue_dma source(%dma_start3A_29 : memref<640x8xf32, #tpu.memory_space<vmem_shared>>) target(%dma_start3A_27 : memref<640x8xf32, #tpu.memory_space<hbm>>) target_semaphore(%run_scoped3A_26 : memref<!tpu.dma_semaphore, #tpu.memory_space<semaphore_mem>>)
      %dma_wait3A = arith.constant 0 : i32
      %dma_wait3A_30 = tpu.memref_slice %arg6[%add3A_25, %dma_wait3A] : memref<20480x8xf32, #tpu.memory_space<hbm>> -> memref<640x8xf32, #tpu.memory_space<hbm>>
      %dma_wait3A_31 = arith.constant 0 : i32
      %dma_wait3A_32 = tpu.memref_slice %arg9[%mul3A_20, %dma_wait3A_31] : memref<10240x8xf32, #tpu.memory_space<vmem_shared>> -> memref<640x8xf32, #tpu.memory_space<vmem_shared>>
      tpu.wait_dma2 semaphore(%run_scoped3A_26 : memref<!tpu.dma_semaphore, #tpu.memory_space<semaphore_mem>>) src(%dma_wait3A_32 : memref<640x8xf32, #tpu.memory_space<vmem_shared>>) dst(%dma_wait3A_30 : memref<640x8xf32, #tpu.memory_space<hbm>>)
      tpu.yield
    }) : () -> ()
    return
  }
}

#map = affine_map<(d0, d1) -> (0, 0)>
#map1 = affine_map<(d0, d1) -> (0)>
module attributes {stable_mosaic.version = 14 : i64} {
  func.func @k(%arg0: i32, %arg1: i32, %arg2: memref<10240x64xf32, #tpu.memory_space<hbm>>, %arg3: memref<20480x8xf32, #tpu.memory_space<hbm>>, %arg4: memref<2x320000xi32, #tpu.memory_space<hbm>>, %arg5: memref<480xi32, #tpu.memory_space<hbm>>, %arg6: memref<480xi32, #tpu.memory_space<hbm>>, %arg7: memref<10240x32xf32, #tpu.memory_space<hbm>>, %arg8: memref<10240x64xf32, #tpu.memory_space<hbm>>, %arg9: memref<10240xf32, #tpu.memory_space<hbm>>, %arg10: memref<20480xi32, #tpu.memory_space<vmem>>, %arg11: memref<20480xi32, #tpu.memory_space<vmem>>, %arg12: memref<2x512x32xf32, #tpu.memory_space<vmem>>, %arg13: memref<640x8xf32, #tpu.memory_space<vmem>>, %arg14: memref<640x8xf32, #tpu.memory_space<vmem>>, %arg15: memref<640xf32, #tpu.memory_space<vmem>>, %arg16: memref<10240x32xf32, #tpu.memory_space<vmem_shared>>, %arg17: memref<10240x32xf32, #tpu.memory_space<vmem_shared>>, %arg18: memref<!tpu.dma_semaphore, #tpu.memory_space<semaphore_mem>>, %arg19: memref<!tpu.dma_semaphore, #tpu.memory_space<semaphore_mem>>, %arg20: memref<!tpu.dma_semaphore, #tpu.memory_space<semaphore_mem>>, %arg21: memref<!tpu.dma_semaphore, #tpu.memory_space<semaphore_mem>>) attributes {dimension_semantics = [#tpu.dimension_semantics<core_parallel>, #tpu.dimension_semantics<subcore_parallel>], iteration_bounds = array<i64: 2, 16>, scalar_prefetch = 0 : i64, scratch_operands = 12 : i64, tpu.core_type = #tpu.core_type<sc_vector_subcore>, window_params = [{transform_indices = #map}, {transform_indices = #map}, {transform_indices = #map}, {transform_indices = #map1}, {transform_indices = #map1}, {transform_indices = #map}, {transform_indices = #map}, {transform_indices = #map1}]} {
    %mul3A = arith.constant 20000 : i32
    %mul3A_0 = arith.muli %arg1, %mul3A : i32
    %run_scoped3A = arith.constant 0 : i32
    "tpu.region"() ({
      %run_scoped3A_164 = tpu.sem_alloc : memref<!tpu.dma_semaphore, #tpu.memory_space<semaphore_mem>>
      %dma_start3A_165 = arith.constant 0 : i32
      %dma_start3A_166 = tpu.memref_slice %arg10[%dma_start3A_165] : memref<20480xi32, #tpu.memory_space<vmem>> -> memref<20000xi32, #tpu.memory_space<vmem>>
      %dma_start3A_167 = tpu.memref_slice %arg4[%run_scoped3A, %mul3A_0] : memref<2x320000xi32, #tpu.memory_space<hbm>> -> memref<1x20000xi32, #tpu.memory_space<hbm>>
      %dma_start3A_168 = tpu.memref_squeeze %dma_start3A_167 : memref<1x20000xi32, #tpu.memory_space<hbm>> -> memref<20000xi32, #tpu.memory_space<hbm>>
      %dma_start3A_169 = arith.constant 0 : i32
      %dma_start3A_170 = tpu.memref_slice %arg10[%dma_start3A_169] : memref<20480xi32, #tpu.memory_space<vmem>> -> memref<20000xi32, #tpu.memory_space<vmem>>
      %dma_start3A_171 = tpu.memref_slice %arg4[%run_scoped3A, %mul3A_0] : memref<2x320000xi32, #tpu.memory_space<hbm>> -> memref<1x20000xi32, #tpu.memory_space<hbm>>
      %dma_start3A_172 = tpu.memref_squeeze %dma_start3A_171 : memref<1x20000xi32, #tpu.memory_space<hbm>> -> memref<20000xi32, #tpu.memory_space<hbm>>
      tpu.enqueue_dma source(%dma_start3A_172 : memref<20000xi32, #tpu.memory_space<hbm>>) target(%dma_start3A_170 : memref<20000xi32, #tpu.memory_space<vmem>>) target_semaphore(%run_scoped3A_164 : memref<!tpu.dma_semaphore, #tpu.memory_space<semaphore_mem>>)
      %dma_wait3A_173 = arith.constant 0 : i32
      %dma_wait3A_174 = tpu.memref_slice %arg10[%dma_wait3A_173] : memref<20480xi32, #tpu.memory_space<vmem>> -> memref<20000xi32, #tpu.memory_space<vmem>>
      %dma_wait3A_175 = tpu.memref_slice %arg4[%run_scoped3A, %mul3A_0] : memref<2x320000xi32, #tpu.memory_space<hbm>> -> memref<1x20000xi32, #tpu.memory_space<hbm>>
      %dma_wait3A_176 = tpu.memref_squeeze %dma_wait3A_175 : memref<1x20000xi32, #tpu.memory_space<hbm>> -> memref<20000xi32, #tpu.memory_space<hbm>>
      %dma_wait3A_177 = arith.constant 0 : i32
      %dma_wait3A_178 = tpu.memref_slice %arg10[%dma_wait3A_177] : memref<20480xi32, #tpu.memory_space<vmem>> -> memref<20000xi32, #tpu.memory_space<vmem>>
      %dma_wait3A_179 = tpu.memref_slice %arg4[%run_scoped3A, %mul3A_0] : memref<2x320000xi32, #tpu.memory_space<hbm>> -> memref<1x20000xi32, #tpu.memory_space<hbm>>
      %dma_wait3A_180 = tpu.memref_squeeze %dma_wait3A_179 : memref<1x20000xi32, #tpu.memory_space<hbm>> -> memref<20000xi32, #tpu.memory_space<hbm>>
      tpu.wait_dma2 semaphore(%run_scoped3A_164 : memref<!tpu.dma_semaphore, #tpu.memory_space<semaphore_mem>>) src(%dma_wait3A_180 : memref<20000xi32, #tpu.memory_space<hbm>>) dst(%dma_wait3A_178 : memref<20000xi32, #tpu.memory_space<vmem>>)
      tpu.yield
    }) : () -> ()
    %run_scoped3A_1 = arith.constant 1 : i32
    "tpu.region"() ({
      %run_scoped3A_164 = tpu.sem_alloc : memref<!tpu.dma_semaphore, #tpu.memory_space<semaphore_mem>>
      %dma_start3A_165 = arith.constant 0 : i32
      %dma_start3A_166 = tpu.memref_slice %arg11[%dma_start3A_165] : memref<20480xi32, #tpu.memory_space<vmem>> -> memref<20000xi32, #tpu.memory_space<vmem>>
      %dma_start3A_167 = tpu.memref_slice %arg4[%run_scoped3A_1, %mul3A_0] : memref<2x320000xi32, #tpu.memory_space<hbm>> -> memref<1x20000xi32, #tpu.memory_space<hbm>>
      %dma_start3A_168 = tpu.memref_squeeze %dma_start3A_167 : memref<1x20000xi32, #tpu.memory_space<hbm>> -> memref<20000xi32, #tpu.memory_space<hbm>>
      %dma_start3A_169 = arith.constant 0 : i32
      %dma_start3A_170 = tpu.memref_slice %arg11[%dma_start3A_169] : memref<20480xi32, #tpu.memory_space<vmem>> -> memref<20000xi32, #tpu.memory_space<vmem>>
      %dma_start3A_171 = tpu.memref_slice %arg4[%run_scoped3A_1, %mul3A_0] : memref<2x320000xi32, #tpu.memory_space<hbm>> -> memref<1x20000xi32, #tpu.memory_space<hbm>>
      %dma_start3A_172 = tpu.memref_squeeze %dma_start3A_171 : memref<1x20000xi32, #tpu.memory_space<hbm>> -> memref<20000xi32, #tpu.memory_space<hbm>>
      tpu.enqueue_dma source(%dma_start3A_172 : memref<20000xi32, #tpu.memory_space<hbm>>) target(%dma_start3A_170 : memref<20000xi32, #tpu.memory_space<vmem>>) target_semaphore(%run_scoped3A_164 : memref<!tpu.dma_semaphore, #tpu.memory_space<semaphore_mem>>)
      %dma_wait3A_173 = arith.constant 0 : i32
      %dma_wait3A_174 = tpu.memref_slice %arg11[%dma_wait3A_173] : memref<20480xi32, #tpu.memory_space<vmem>> -> memref<20000xi32, #tpu.memory_space<vmem>>
      %dma_wait3A_175 = tpu.memref_slice %arg4[%run_scoped3A_1, %mul3A_0] : memref<2x320000xi32, #tpu.memory_space<hbm>> -> memref<1x20000xi32, #tpu.memory_space<hbm>>
      %dma_wait3A_176 = tpu.memref_squeeze %dma_wait3A_175 : memref<1x20000xi32, #tpu.memory_space<hbm>> -> memref<20000xi32, #tpu.memory_space<hbm>>
      %dma_wait3A_177 = arith.constant 0 : i32
      %dma_wait3A_178 = tpu.memref_slice %arg11[%dma_wait3A_177] : memref<20480xi32, #tpu.memory_space<vmem>> -> memref<20000xi32, #tpu.memory_space<vmem>>
      %dma_wait3A_179 = tpu.memref_slice %arg4[%run_scoped3A_1, %mul3A_0] : memref<2x320000xi32, #tpu.memory_space<hbm>> -> memref<1x20000xi32, #tpu.memory_space<hbm>>
      %dma_wait3A_180 = tpu.memref_squeeze %dma_wait3A_179 : memref<1x20000xi32, #tpu.memory_space<hbm>> -> memref<20000xi32, #tpu.memory_space<hbm>>
      tpu.wait_dma2 semaphore(%run_scoped3A_164 : memref<!tpu.dma_semaphore, #tpu.memory_space<semaphore_mem>>) src(%dma_wait3A_180 : memref<20000xi32, #tpu.memory_space<hbm>>) dst(%dma_wait3A_178 : memref<20000xi32, #tpu.memory_space<vmem>>)
      tpu.yield
    }) : () -> ()
    "tpu.region"() ({
      %run_scoped3A_164 = tpu.sem_alloc : memref<!tpu.dma_semaphore, #tpu.memory_space<semaphore_mem>>
      %dma_start3A_165 = arith.constant 20000 : i32
      %dma_start3A_166 = tpu.memref_slice %arg10[%dma_start3A_165] : memref<20480xi32, #tpu.memory_space<vmem>> -> memref<480xi32, #tpu.memory_space<vmem>>
      %dma_start3A_167 = arith.constant 0 : i32
      %dma_start3A_168 = tpu.memref_slice %arg5[%dma_start3A_167] : memref<480xi32, #tpu.memory_space<hbm>> -> memref<480xi32, #tpu.memory_space<hbm>>
      %dma_start3A_169 = arith.constant 20000 : i32
      %dma_start3A_170 = tpu.memref_slice %arg10[%dma_start3A_169] : memref<20480xi32, #tpu.memory_space<vmem>> -> memref<480xi32, #tpu.memory_space<vmem>>
      %dma_start3A_171 = arith.constant 0 : i32
      %dma_start3A_172 = tpu.memref_slice %arg5[%dma_start3A_171] : memref<480xi32, #tpu.memory_space<hbm>> -> memref<480xi32, #tpu.memory_space<hbm>>
      tpu.enqueue_dma source(%dma_start3A_172 : memref<480xi32, #tpu.memory_space<hbm>>) target(%dma_start3A_170 : memref<480xi32, #tpu.memory_space<vmem>>) target_semaphore(%run_scoped3A_164 : memref<!tpu.dma_semaphore, #tpu.memory_space<semaphore_mem>>)
      %dma_wait3A_173 = arith.constant 20000 : i32
      %dma_wait3A_174 = tpu.memref_slice %arg10[%dma_wait3A_173] : memref<20480xi32, #tpu.memory_space<vmem>> -> memref<480xi32, #tpu.memory_space<vmem>>
      %dma_wait3A_175 = arith.constant 0 : i32
      %dma_wait3A_176 = tpu.memref_slice %arg5[%dma_wait3A_175] : memref<480xi32, #tpu.memory_space<hbm>> -> memref<480xi32, #tpu.memory_space<hbm>>
      %dma_wait3A_177 = arith.constant 20000 : i32
      %dma_wait3A_178 = tpu.memref_slice %arg10[%dma_wait3A_177] : memref<20480xi32, #tpu.memory_space<vmem>> -> memref<480xi32, #tpu.memory_space<vmem>>
      %dma_wait3A_179 = arith.constant 0 : i32
      %dma_wait3A_180 = tpu.memref_slice %arg5[%dma_wait3A_179] : memref<480xi32, #tpu.memory_space<hbm>> -> memref<480xi32, #tpu.memory_space<hbm>>
      tpu.wait_dma2 semaphore(%run_scoped3A_164 : memref<!tpu.dma_semaphore, #tpu.memory_space<semaphore_mem>>) src(%dma_wait3A_180 : memref<480xi32, #tpu.memory_space<hbm>>) dst(%dma_wait3A_178 : memref<480xi32, #tpu.memory_space<vmem>>)
      tpu.yield
    }) : () -> ()
    "tpu.region"() ({
      %run_scoped3A_164 = tpu.sem_alloc : memref<!tpu.dma_semaphore, #tpu.memory_space<semaphore_mem>>
      %dma_start3A_165 = arith.constant 20000 : i32
      %dma_start3A_166 = tpu.memref_slice %arg11[%dma_start3A_165] : memref<20480xi32, #tpu.memory_space<vmem>> -> memref<480xi32, #tpu.memory_space<vmem>>
      %dma_start3A_167 = arith.constant 0 : i32
      %dma_start3A_168 = tpu.memref_slice %arg6[%dma_start3A_167] : memref<480xi32, #tpu.memory_space<hbm>> -> memref<480xi32, #tpu.memory_space<hbm>>
      %dma_start3A_169 = arith.constant 20000 : i32
      %dma_start3A_170 = tpu.memref_slice %arg11[%dma_start3A_169] : memref<20480xi32, #tpu.memory_space<vmem>> -> memref<480xi32, #tpu.memory_space<vmem>>
      %dma_start3A_171 = arith.constant 0 : i32
      %dma_start3A_172 = tpu.memref_slice %arg6[%dma_start3A_171] : memref<480xi32, #tpu.memory_space<hbm>> -> memref<480xi32, #tpu.memory_space<hbm>>
      tpu.enqueue_dma source(%dma_start3A_172 : memref<480xi32, #tpu.memory_space<hbm>>) target(%dma_start3A_170 : memref<480xi32, #tpu.memory_space<vmem>>) target_semaphore(%run_scoped3A_164 : memref<!tpu.dma_semaphore, #tpu.memory_space<semaphore_mem>>)
      %dma_wait3A_173 = arith.constant 20000 : i32
      %dma_wait3A_174 = tpu.memref_slice %arg11[%dma_wait3A_173] : memref<20480xi32, #tpu.memory_space<vmem>> -> memref<480xi32, #tpu.memory_space<vmem>>
      %dma_wait3A_175 = arith.constant 0 : i32
      %dma_wait3A_176 = tpu.memref_slice %arg6[%dma_wait3A_175] : memref<480xi32, #tpu.memory_space<hbm>> -> memref<480xi32, #tpu.memory_space<hbm>>
      %dma_wait3A_177 = arith.constant 20000 : i32
      %dma_wait3A_178 = tpu.memref_slice %arg11[%dma_wait3A_177] : memref<20480xi32, #tpu.memory_space<vmem>> -> memref<480xi32, #tpu.memory_space<vmem>>
      %dma_wait3A_179 = arith.constant 0 : i32
      %dma_wait3A_180 = tpu.memref_slice %arg6[%dma_wait3A_179] : memref<480xi32, #tpu.memory_space<hbm>> -> memref<480xi32, #tpu.memory_space<hbm>>
      tpu.wait_dma2 semaphore(%run_scoped3A_164 : memref<!tpu.dma_semaphore, #tpu.memory_space<semaphore_mem>>) src(%dma_wait3A_180 : memref<480xi32, #tpu.memory_space<hbm>>) dst(%dma_wait3A_178 : memref<480xi32, #tpu.memory_space<vmem>>)
      tpu.yield
    }) : () -> ()
    %mul3A_2 = arith.constant 640 : i32
    %mul3A_3 = arith.muli %arg1, %mul3A_2 : i32
    "tpu.region"() ({
      %run_scoped3A_164 = tpu.sem_alloc : memref<!tpu.dma_semaphore, #tpu.memory_space<semaphore_mem>>
      %dma_start3A_165 = arith.constant 0 : i32
      %dma_start3A_166 = tpu.memref_slice %arg3[%mul3A_3, %dma_start3A_165] : memref<20480x8xf32, #tpu.memory_space<hbm>> -> memref<640x8xf32, #tpu.memory_space<hbm>>
      %dma_start3A_167 = arith.constant 0 : i32
      %dma_start3A_168 = tpu.memref_slice %arg3[%mul3A_3, %dma_start3A_167] : memref<20480x8xf32, #tpu.memory_space<hbm>> -> memref<640x8xf32, #tpu.memory_space<hbm>>
      tpu.enqueue_dma source(%dma_start3A_168 : memref<640x8xf32, #tpu.memory_space<hbm>>) target(%arg13 : memref<640x8xf32, #tpu.memory_space<vmem>>) target_semaphore(%run_scoped3A_164 : memref<!tpu.dma_semaphore, #tpu.memory_space<semaphore_mem>>)
      %dma_wait3A_169 = arith.constant 0 : i32
      %dma_wait3A_170 = tpu.memref_slice %arg3[%mul3A_3, %dma_wait3A_169] : memref<20480x8xf32, #tpu.memory_space<hbm>> -> memref<640x8xf32, #tpu.memory_space<hbm>>
      %dma_wait3A_171 = arith.constant 0 : i32
      %dma_wait3A_172 = tpu.memref_slice %arg3[%mul3A_3, %dma_wait3A_171] : memref<20480x8xf32, #tpu.memory_space<hbm>> -> memref<640x8xf32, #tpu.memory_space<hbm>>
      tpu.wait_dma2 semaphore(%run_scoped3A_164 : memref<!tpu.dma_semaphore, #tpu.memory_space<semaphore_mem>>) src(%dma_wait3A_172 : memref<640x8xf32, #tpu.memory_space<hbm>>) dst(%arg13 : memref<640x8xf32, #tpu.memory_space<vmem>>)
      tpu.yield
    }) : () -> ()
    %mul3A_4 = arith.constant 640 : i32
    %mul3A_5 = arith.muli %arg1, %mul3A_4 : i32
    %add3A = arith.constant 10240 : i32
    %add3A_6 = arith.addi %add3A, %mul3A_5 : i32
    "tpu.region"() ({
      %run_scoped3A_164 = tpu.sem_alloc : memref<!tpu.dma_semaphore, #tpu.memory_space<semaphore_mem>>
      %dma_start3A_165 = arith.constant 0 : i32
      %dma_start3A_166 = tpu.memref_slice %arg3[%add3A_6, %dma_start3A_165] : memref<20480x8xf32, #tpu.memory_space<hbm>> -> memref<640x8xf32, #tpu.memory_space<hbm>>
      %dma_start3A_167 = arith.constant 0 : i32
      %dma_start3A_168 = tpu.memref_slice %arg3[%add3A_6, %dma_start3A_167] : memref<20480x8xf32, #tpu.memory_space<hbm>> -> memref<640x8xf32, #tpu.memory_space<hbm>>
      tpu.enqueue_dma source(%dma_start3A_168 : memref<640x8xf32, #tpu.memory_space<hbm>>) target(%arg14 : memref<640x8xf32, #tpu.memory_space<vmem>>) target_semaphore(%run_scoped3A_164 : memref<!tpu.dma_semaphore, #tpu.memory_space<semaphore_mem>>)
      %dma_wait3A_169 = arith.constant 0 : i32
      %dma_wait3A_170 = tpu.memref_slice %arg3[%add3A_6, %dma_wait3A_169] : memref<20480x8xf32, #tpu.memory_space<hbm>> -> memref<640x8xf32, #tpu.memory_space<hbm>>
      %dma_wait3A_171 = arith.constant 0 : i32
      %dma_wait3A_172 = tpu.memref_slice %arg3[%add3A_6, %dma_wait3A_171] : memref<20480x8xf32, #tpu.memory_space<hbm>> -> memref<640x8xf32, #tpu.memory_space<hbm>>
      tpu.wait_dma2 semaphore(%run_scoped3A_164 : memref<!tpu.dma_semaphore, #tpu.memory_space<semaphore_mem>>) src(%dma_wait3A_172 : memref<640x8xf32, #tpu.memory_space<hbm>>) dst(%arg14 : memref<640x8xf32, #tpu.memory_space<vmem>>)
      tpu.yield
    }) : () -> ()
    %mul3A_7 = arith.constant 640 : i32
    %mul3A_8 = arith.muli %arg1, %mul3A_7 : i32
    %mul3A_9 = arith.constant 32 : i32
    %mul3A_10 = arith.muli %arg0, %mul3A_9 : i32
    %run_scoped3A_11 = arith.constant 0 : i32
    "tpu.region"() ({
      %run_scoped3A_164 = tpu.sem_alloc : memref<!tpu.dma_semaphore, #tpu.memory_space<semaphore_mem>>
      %dma_start3A_165 = arith.constant 0 : i32
      %dma_start3A_166 = arith.constant 0 : i32
      %dma_start3A_167 = tpu.memref_slice %arg12[%run_scoped3A_11, %dma_start3A_165, %dma_start3A_166] : memref<2x512x32xf32, #tpu.memory_space<vmem>> -> memref<1x640x32xf32, #tpu.memory_space<vmem>>
      %dma_start3A_168 = tpu.memref_squeeze %dma_start3A_167 : memref<1x640x32xf32, #tpu.memory_space<vmem>> -> memref<640x32xf32, #tpu.memory_space<vmem>>
      %dma_start3A_169 = tpu.memref_slice %arg2[%mul3A_8, %mul3A_10] : memref<10240x64xf32, #tpu.memory_space<hbm>> -> memref<640x32xf32, #tpu.memory_space<hbm>>
      %dma_start3A_170 = arith.constant 0 : i32
      %dma_start3A_171 = arith.constant 0 : i32
      %dma_start3A_172 = tpu.memref_slice %arg12[%run_scoped3A_11, %dma_start3A_170, %dma_start3A_171] : memref<2x512x32xf32, #tpu.memory_space<vmem>> -> memref<1x640x32xf32, #tpu.memory_space<vmem>>
      %dma_start3A_173 = tpu.memref_squeeze %dma_start3A_172 : memref<1x640x32xf32, #tpu.memory_space<vmem>> -> memref<640x32xf32, #tpu.memory_space<vmem>>
      %dma_start3A_174 = tpu.memref_slice %arg2[%mul3A_8, %mul3A_10] : memref<10240x64xf32, #tpu.memory_space<hbm>> -> memref<640x32xf32, #tpu.memory_space<hbm>>
      tpu.enqueue_dma source(%dma_start3A_174 : memref<640x32xf32, #tpu.memory_space<hbm>>) target(%dma_start3A_173 : memref<640x32xf32, #tpu.memory_space<vmem>>) target_semaphore(%run_scoped3A_164 : memref<!tpu.dma_semaphore, #tpu.memory_space<semaphore_mem>>)
      %dma_wait3A_175 = arith.constant 0 : i32
      %dma_wait3A_176 = arith.constant 0 : i32
      %dma_wait3A_177 = tpu.memref_slice %arg12[%run_scoped3A_11, %dma_wait3A_175, %dma_wait3A_176] : memref<2x512x32xf32, #tpu.memory_space<vmem>> -> memref<1x640x32xf32, #tpu.memory_space<vmem>>
      %dma_wait3A_178 = tpu.memref_squeeze %dma_wait3A_177 : memref<1x640x32xf32, #tpu.memory_space<vmem>> -> memref<640x32xf32, #tpu.memory_space<vmem>>
      %dma_wait3A_179 = tpu.memref_slice %arg2[%mul3A_8, %mul3A_10] : memref<10240x64xf32, #tpu.memory_space<hbm>> -> memref<640x32xf32, #tpu.memory_space<hbm>>
      %dma_wait3A_180 = arith.constant 0 : i32
      %dma_wait3A_181 = arith.constant 0 : i32
      %dma_wait3A_182 = tpu.memref_slice %arg12[%run_scoped3A_11, %dma_wait3A_180, %dma_wait3A_181] : memref<2x512x32xf32, #tpu.memory_space<vmem>> -> memref<1x640x32xf32, #tpu.memory_space<vmem>>
      %dma_wait3A_183 = tpu.memref_squeeze %dma_wait3A_182 : memref<1x640x32xf32, #tpu.memory_space<vmem>> -> memref<640x32xf32, #tpu.memory_space<vmem>>
      %dma_wait3A_184 = tpu.memref_slice %arg2[%mul3A_8, %mul3A_10] : memref<10240x64xf32, #tpu.memory_space<hbm>> -> memref<640x32xf32, #tpu.memory_space<hbm>>
      tpu.wait_dma2 semaphore(%run_scoped3A_164 : memref<!tpu.dma_semaphore, #tpu.memory_space<semaphore_mem>>) src(%dma_wait3A_184 : memref<640x32xf32, #tpu.memory_space<hbm>>) dst(%dma_wait3A_183 : memref<640x32xf32, #tpu.memory_space<vmem>>)
      tpu.yield
    }) : () -> ()
    %iota3A = tpu.iota {dimensions = array<i32: 0>} : vector<16xi32>
    %broadcast_in_dim3A = arith.constant 0 : i32
    %broadcast_in_dim3A_12 = vector.broadcast %broadcast_in_dim3A : i32 to vector<16xi32>
    %scan3A = arith.constant 0 : i32
    %scan3A_13 = arith.constant 0 : i32
    %scan3A_14 = arith.constant 40 : i32
    %scan3A_15 = arith.addi %scan3A_13, %scan3A_14 : i32
    %scan3A_16 = arith.constant 1 : i32
    scf.for %scan3A_164 = %scan3A_13 to %scan3A_15 step %scan3A_16  : i32 {
      %mul3A_165 = arith.constant 16 : i32
      %mul3A_166 = arith.muli %scan3A_164, %mul3A_165 : i32
      %add3A_167 = vector.broadcast %mul3A_166 : i32 to vector<16xi32>
      %add3A_168 = arith.addi %add3A_167, %iota3A : vector<16xi32>
      %gather3A = tpu.vector_load_idx %arg13[%add3A_168, %broadcast_in_dim3A_12] : memref<640x8xf32, #tpu.memory_space<vmem>>[vector<16xi32>, vector<16xi32>], vector<16xf32>,
      %gather3A_169 = tpu.vector_load_idx %arg14[%add3A_168, %broadcast_in_dim3A_12] : memref<640x8xf32, #tpu.memory_space<vmem>>[vector<16xi32>, vector<16xi32>], vector<16xf32>,
      %add3A_170 = arith.addf %gather3A, %gather3A_169 : vector<16xf32>
      %add3A_171 = arith.constant 1.000000e+00 : f32
      %add3A_172 = vector.broadcast %add3A_171 : f32 to vector<16xf32>
      %add3A_173 = arith.addf %add3A_170, %add3A_172 : vector<16xf32>
      %bitcast3A = vector.bitcast %add3A_173 : vector<16xf32> to vector<16xi32>
      %broadcast_in_dim3A_174 = arith.constant 1597463007 : i32
      %broadcast_in_dim3A_175 = vector.broadcast %broadcast_in_dim3A_174 : i32 to vector<16xi32>
      %broadcast_in_dim3A_176 = arith.constant 1 : i32
      %broadcast_in_dim3A_177 = vector.broadcast %broadcast_in_dim3A_176 : i32 to vector<16xi32>
      %shift_right_logical3A = arith.shrui %bitcast3A, %broadcast_in_dim3A_177 : vector<16xi32>
      %sub3A = arith.subi %broadcast_in_dim3A_175, %shift_right_logical3A : vector<16xi32>
      %bitcast3A_178 = vector.bitcast %sub3A : vector<16xi32> to vector<16xf32>
      %mul3A_179 = arith.constant 5.000000e-01 : f32
      %mul3A_180 = vector.broadcast %mul3A_179 : f32 to vector<16xf32>
      %mul3A_181 = arith.mulf %mul3A_180, %add3A_173 : vector<16xf32>
      %mul3A_182 = arith.mulf %mul3A_181, %bitcast3A_178 : vector<16xf32>
      %mul3A_183 = arith.mulf %mul3A_182, %bitcast3A_178 : vector<16xf32>
      %sub3A_184 = arith.constant 1.500000e+00 : f32
      %sub3A_185 = vector.broadcast %sub3A_184 : f32 to vector<16xf32>
      %sub3A_186 = arith.subf %sub3A_185, %mul3A_183 : vector<16xf32>
      %mul3A_187 = arith.mulf %bitcast3A_178, %sub3A_186 : vector<16xf32>
      %mul3A_188 = arith.constant 5.000000e-01 : f32
      %mul3A_189 = vector.broadcast %mul3A_188 : f32 to vector<16xf32>
      %mul3A_190 = arith.mulf %mul3A_189, %add3A_173 : vector<16xf32>
      %mul3A_191 = arith.mulf %mul3A_190, %mul3A_187 : vector<16xf32>
      %mul3A_192 = arith.mulf %mul3A_191, %mul3A_187 : vector<16xf32>
      %sub3A_193 = arith.constant 1.500000e+00 : f32
      %sub3A_194 = vector.broadcast %sub3A_193 : f32 to vector<16xf32>
      %sub3A_195 = arith.subf %sub3A_194, %mul3A_192 : vector<16xf32>
      %mul3A_196 = arith.mulf %mul3A_187, %sub3A_195 : vector<16xf32>
      %mul3A_197 = arith.constant 5.000000e-01 : f32
      %mul3A_198 = vector.broadcast %mul3A_197 : f32 to vector<16xf32>
      %mul3A_199 = arith.mulf %mul3A_198, %add3A_173 : vector<16xf32>
      %mul3A_200 = arith.mulf %mul3A_199, %mul3A_196 : vector<16xf32>
      %mul3A_201 = arith.mulf %mul3A_200, %mul3A_196 : vector<16xf32>
      %sub3A_202 = arith.constant 1.500000e+00 : f32
      %sub3A_203 = vector.broadcast %sub3A_202 : f32 to vector<16xf32>
      %sub3A_204 = arith.subf %sub3A_203, %mul3A_201 : vector<16xf32>
      %mul3A_205 = arith.mulf %mul3A_196, %sub3A_204 : vector<16xf32>
      %mul3A_206 = arith.constant 16 : i32
      %mul3A_207 = arith.muli %scan3A_164, %mul3A_206 : i32
      %swap3A = arith.index_cast %mul3A_207 : i32 to index
      %swap3A_208 = tpu.vector_load %arg15[%swap3A] {strides = array<i32>} : memref<640xf32, #tpu.memory_space<vmem>>, vector<16xf32>,
      tpu.vector_store %arg15[%swap3A], %mul3A_205 {strides = array<i32>} : memref<640xf32, #tpu.memory_space<vmem>>, vector<16xf32>,
    }
    %scan3A_17 = arith.constant 40 : i32
    %mul3A_18 = arith.constant 640 : i32
    %mul3A_19 = arith.muli %arg1, %mul3A_18 : i32
    "tpu.region"() ({
      %run_scoped3A_164 = tpu.sem_alloc : memref<!tpu.dma_semaphore, #tpu.memory_space<semaphore_mem>>
      %dma_start3A_165 = tpu.memref_slice %arg9[%mul3A_19] : memref<10240xf32, #tpu.memory_space<hbm>> -> memref<640xf32, #tpu.memory_space<hbm>>
      %dma_start3A_166 = tpu.memref_slice %arg9[%mul3A_19] : memref<10240xf32, #tpu.memory_space<hbm>> -> memref<640xf32, #tpu.memory_space<hbm>>
      tpu.enqueue_dma source(%arg15 : memref<640xf32, #tpu.memory_space<vmem>>) target(%dma_start3A_166 : memref<640xf32, #tpu.memory_space<hbm>>) target_semaphore(%run_scoped3A_164 : memref<!tpu.dma_semaphore, #tpu.memory_space<semaphore_mem>>)
      %dma_wait3A_167 = tpu.memref_slice %arg9[%mul3A_19] : memref<10240xf32, #tpu.memory_space<hbm>> -> memref<640xf32, #tpu.memory_space<hbm>>
      %dma_wait3A_168 = tpu.memref_slice %arg9[%mul3A_19] : memref<10240xf32, #tpu.memory_space<hbm>> -> memref<640xf32, #tpu.memory_space<hbm>>
      tpu.wait_dma2 semaphore(%run_scoped3A_164 : memref<!tpu.dma_semaphore, #tpu.memory_space<semaphore_mem>>) src(%arg15 : memref<640xf32, #tpu.memory_space<vmem>>) dst(%dma_wait3A_168 : memref<640xf32, #tpu.memory_space<hbm>>)
      tpu.yield
    }) : () -> ()
    %scan3A_20 = arith.constant 0 : i32
    %scan3A_21 = arith.constant 0 : i32
    %scan3A_22 = arith.constant 40 : i32
    %scan3A_23 = arith.addi %scan3A_21, %scan3A_22 : i32
    %scan3A_24 = arith.constant 1 : i32
    scf.for %scan3A_164 = %scan3A_21 to %scan3A_23 step %scan3A_24  : i32 {
      %mul3A_165 = arith.constant 16 : i32
      %mul3A_166 = arith.muli %scan3A_164, %mul3A_165 : i32
      %get3A = arith.index_cast %mul3A_166 : i32 to index
      %get3A_167 = tpu.vector_load %arg15[%get3A] {strides = array<i32>} : memref<640xf32, #tpu.memory_space<vmem>>, vector<16xf32>,
      %mul3A_168 = arith.constant 16 : i32
      %mul3A_169 = arith.muli %scan3A_164, %mul3A_168 : i32
      %add3A_170 = arith.constant 0 : i32
      %add3A_171 = arith.addi %mul3A_169, %add3A_170 : i32
      %slice3A = vector.extract_strided_slice %get3A_167 {offsets = [0], sizes = [1], strides = [1]} : vector<16xf32> to vector<1xf32>
      %squeeze3A = vector.extract %slice3A[0] : f32 from vector<1xf32>
      %get3A_172 = arith.constant 0 : i32
      %get3A_173 = arith.index_cast %get3A_172 : i32 to index
      %get3A_174 = arith.index_cast %add3A_171 : i32 to index
      %get3A_175 = arith.constant 0 : index
      %get3A_176 = tpu.vector_load %arg12[%get3A_173, %get3A_174, %get3A_175] {strides = array<i32>} : memref<2x512x32xf32, #tpu.memory_space<vmem>>, vector<16xf32>,
      %mul3A_177 = vector.broadcast %squeeze3A : f32 to vector<16xf32>
      %mul3A_178 = arith.mulf %get3A_176, %mul3A_177 : vector<16xf32>
      %swap3A = arith.constant 0 : i32
      %swap3A_179 = arith.index_cast %swap3A : i32 to index
      %swap3A_180 = arith.index_cast %add3A_171 : i32 to index
      %swap3A_181 = arith.constant 0 : index
      %swap3A_182 = tpu.vector_load %arg12[%swap3A_179, %swap3A_180, %swap3A_181] {strides = array<i32>} : memref<2x512x32xf32, #tpu.memory_space<vmem>>, vector<16xf32>,
      tpu.vector_store %arg12[%swap3A_179, %swap3A_180, %swap3A_181], %mul3A_178 {strides = array<i32>} : memref<2x512x32xf32, #tpu.memory_space<vmem>>, vector<16xf32>,
      %get3A_183 = arith.constant 0 : i32
      %get3A_184 = arith.index_cast %get3A_183 : i32 to index
      %get3A_185 = arith.index_cast %add3A_171 : i32 to index
      %get3A_186 = arith.constant 16 : index
      %get3A_187 = tpu.vector_load %arg12[%get3A_184, %get3A_185, %get3A_186] {strides = array<i32>} : memref<2x512x32xf32, #tpu.memory_space<vmem>>, vector<16xf32>,
      %mul3A_188 = vector.broadcast %squeeze3A : f32 to vector<16xf32>
      %mul3A_189 = arith.mulf %get3A_187, %mul3A_188 : vector<16xf32>
      %swap3A_190 = arith.constant 0 : i32
      %swap3A_191 = arith.index_cast %swap3A_190 : i32 to index
      %swap3A_192 = arith.index_cast %add3A_171 : i32 to index
      %swap3A_193 = arith.constant 16 : index
      %swap3A_194 = tpu.vector_load %arg12[%swap3A_191, %swap3A_192, %swap3A_193] {strides = array<i32>} : memref<2x512x32xf32, #tpu.memory_space<vmem>>, vector<16xf32>,
      tpu.vector_store %arg12[%swap3A_191, %swap3A_192, %swap3A_193], %mul3A_189 {strides = array<i32>} : memref<2x512x32xf32, #tpu.memory_space<vmem>>, vector<16xf32>,
      %mul3A_195 = arith.constant 16 : i32
      %mul3A_196 = arith.muli %scan3A_164, %mul3A_195 : i32
      %add3A_197 = arith.constant 1 : i32
      %add3A_198 = arith.addi %mul3A_196, %add3A_197 : i32
      %slice3A_199 = vector.extract_strided_slice %get3A_167 {offsets = [1], sizes = [1], strides = [1]} : vector<16xf32> to vector<1xf32>
      %squeeze3A_200 = vector.extract %slice3A_199[0] : f32 from vector<1xf32>
      %get3A_201 = arith.constant 0 : i32
      %get3A_202 = arith.index_cast %get3A_201 : i32 to index
      %get3A_203 = arith.index_cast %add3A_198 : i32 to index
      %get3A_204 = arith.constant 0 : index
      %get3A_205 = tpu.vector_load %arg12[%get3A_202, %get3A_203, %get3A_204] {strides = array<i32>} : memref<2x512x32xf32, #tpu.memory_space<vmem>>, vector<16xf32>,
      %mul3A_206 = vector.broadcast %squeeze3A_200 : f32 to vector<16xf32>
      %mul3A_207 = arith.mulf %get3A_205, %mul3A_206 : vector<16xf32>
      %swap3A_208 = arith.constant 0 : i32
      %swap3A_209 = arith.index_cast %swap3A_208 : i32 to index
      %swap3A_210 = arith.index_cast %add3A_198 : i32 to index
      %swap3A_211 = arith.constant 0 : index
      %swap3A_212 = tpu.vector_load %arg12[%swap3A_209, %swap3A_210, %swap3A_211] {strides = array<i32>} : memref<2x512x32xf32, #tpu.memory_space<vmem>>, vector<16xf32>,
      tpu.vector_store %arg12[%swap3A_209, %swap3A_210, %swap3A_211], %mul3A_207 {strides = array<i32>} : memref<2x512x32xf32, #tpu.memory_space<vmem>>, vector<16xf32>,
      %get3A_213 = arith.constant 0 : i32
      %get3A_214 = arith.index_cast %get3A_213 : i32 to index
      %get3A_215 = arith.index_cast %add3A_198 : i32 to index
      %get3A_216 = arith.constant 16 : index
      %get3A_217 = tpu.vector_load %arg12[%get3A_214, %get3A_215, %get3A_216] {strides = array<i32>} : memref<2x512x32xf32, #tpu.memory_space<vmem>>, vector<16xf32>,
      %mul3A_218 = vector.broadcast %squeeze3A_200 : f32 to vector<16xf32>
      %mul3A_219 = arith.mulf %get3A_217, %mul3A_218 : vector<16xf32>
      %swap3A_220 = arith.constant 0 : i32
      %swap3A_221 = arith.index_cast %swap3A_220 : i32 to index
      %swap3A_222 = arith.index_cast %add3A_198 : i32 to index
      %swap3A_223 = arith.constant 16 : index
      %swap3A_224 = tpu.vector_load %arg12[%swap3A_221, %swap3A_222, %swap3A_223] {strides = array<i32>} : memref<2x512x32xf32, #tpu.memory_space<vmem>>, vector<16xf32>,
      tpu.vector_store %arg12[%swap3A_221, %swap3A_222, %swap3A_223], %mul3A_219 {strides = array<i32>} : memref<2x512x32xf32, #tpu.memory_space<vmem>>, vector<16xf32>,
      %mul3A_225 = arith.constant 16 : i32
      %mul3A_226 = arith.muli %scan3A_164, %mul3A_225 : i32
      %add3A_227 = arith.constant 2 : i32
      %add3A_228 = arith.addi %mul3A_226, %add3A_227 : i32
      %slice3A_229 = vector.extract_strided_slice %get3A_167 {offsets = [2], sizes = [1], strides = [1]} : vector<16xf32> to vector<1xf32>
      %squeeze3A_230 = vector.extract %slice3A_229[0] : f32 from vector<1xf32>
      %get3A_231 = arith.constant 0 : i32
      %get3A_232 = arith.index_cast %get3A_231 : i32 to index
      %get3A_233 = arith.index_cast %add3A_228 : i32 to index
      %get3A_234 = arith.constant 0 : index
      %get3A_235 = tpu.vector_load %arg12[%get3A_232, %get3A_233, %get3A_234] {strides = array<i32>} : memref<2x512x32xf32, #tpu.memory_space<vmem>>, vector<16xf32>,
      %mul3A_236 = vector.broadcast %squeeze3A_230 : f32 to vector<16xf32>
      %mul3A_237 = arith.mulf %get3A_235, %mul3A_236 : vector<16xf32>
      %swap3A_238 = arith.constant 0 : i32
      %swap3A_239 = arith.index_cast %swap3A_238 : i32 to index
      %swap3A_240 = arith.index_cast %add3A_228 : i32 to index
      %swap3A_241 = arith.constant 0 : index
      %swap3A_242 = tpu.vector_load %arg12[%swap3A_239, %swap3A_240, %swap3A_241] {strides = array<i32>} : memref<2x512x32xf32, #tpu.memory_space<vmem>>, vector<16xf32>,
      tpu.vector_store %arg12[%swap3A_239, %swap3A_240, %swap3A_241], %mul3A_237 {strides = array<i32>} : memref<2x512x32xf32, #tpu.memory_space<vmem>>, vector<16xf32>,
      %get3A_243 = arith.constant 0 : i32
      %get3A_244 = arith.index_cast %get3A_243 : i32 to index
      %get3A_245 = arith.index_cast %add3A_228 : i32 to index
      %get3A_246 = arith.constant 16 : index
      %get3A_247 = tpu.vector_load %arg12[%get3A_244, %get3A_245, %get3A_246] {strides = array<i32>} : memref<2x512x32xf32, #tpu.memory_space<vmem>>, vector<16xf32>,
      %mul3A_248 = vector.broadcast %squeeze3A_230 : f32 to vector<16xf32>
      %mul3A_249 = arith.mulf %get3A_247, %mul3A_248 : vector<16xf32>
      %swap3A_250 = arith.constant 0 : i32
      %swap3A_251 = arith.index_cast %swap3A_250 : i32 to index
      %swap3A_252 = arith.index_cast %add3A_228 : i32 to index
      %swap3A_253 = arith.constant 16 : index
      %swap3A_254 = tpu.vector_load %arg12[%swap3A_251, %swap3A_252, %swap3A_253] {strides = array<i32>} : memref<2x512x32xf32, #tpu.memory_space<vmem>>, vector<16xf32>,
      tpu.vector_store %arg12[%swap3A_251, %swap3A_252, %swap3A_253], %mul3A_249 {strides = array<i32>} : memref<2x512x32xf32, #tpu.memory_space<vmem>>, vector<16xf32>,
      %mul3A_255 = arith.constant 16 : i32
      %mul3A_256 = arith.muli %scan3A_164, %mul3A_255 : i32
      %add3A_257 = arith.constant 3 : i32
      %add3A_258 = arith.addi %mul3A_256, %add3A_257 : i32
      %slice3A_259 = vector.extract_strided_slice %get3A_167 {offsets = [3], sizes = [1], strides = [1]} : vector<16xf32> to vector<1xf32>
      %squeeze3A_260 = vector.extract %slice3A_259[0] : f32 from vector<1xf32>
      %get3A_261 = arith.constant 0 : i32
      %get3A_262 = arith.index_cast %get3A_261 : i32 to index
      %get3A_263 = arith.index_cast %add3A_258 : i32 to index
      %get3A_264 = arith.constant 0 : index
      %get3A_265 = tpu.vector_load %arg12[%get3A_262, %get3A_263, %get3A_264] {strides = array<i32>} : memref<2x512x32xf32, #tpu.memory_space<vmem>>, vector<16xf32>,
      %mul3A_266 = vector.broadcast %squeeze3A_260 : f32 to vector<16xf32>
      %mul3A_267 = arith.mulf %get3A_265, %mul3A_266 : vector<16xf32>
      %swap3A_268 = arith.constant 0 : i32
      %swap3A_269 = arith.index_cast %swap3A_268 : i32 to index
      %swap3A_270 = arith.index_cast %add3A_258 : i32 to index
      %swap3A_271 = arith.constant 0 : index
      %swap3A_272 = tpu.vector_load %arg12[%swap3A_269, %swap3A_270, %swap3A_271] {strides = array<i32>} : memref<2x512x32xf32, #tpu.memory_space<vmem>>, vector<16xf32>,
      tpu.vector_store %arg12[%swap3A_269, %swap3A_270, %swap3A_271], %mul3A_267 {strides = array<i32>} : memref<2x512x32xf32, #tpu.memory_space<vmem>>, vector<16xf32>,
      %get3A_273 = arith.constant 0 : i32
      %get3A_274 = arith.index_cast %get3A_273 : i32 to index
      %get3A_275 = arith.index_cast %add3A_258 : i32 to index
      %get3A_276 = arith.constant 16 : index
      %get3A_277 = tpu.vector_load %arg12[%get3A_274, %get3A_275, %get3A_276] {strides = array<i32>} : memref<2x512x32xf32, #tpu.memory_space<vmem>>, vector<16xf32>,
      %mul3A_278 = vector.broadcast %squeeze3A_260 : f32 to vector<16xf32>
      %mul3A_279 = arith.mulf %get3A_277, %mul3A_278 : vector<16xf32>
      %swap3A_280 = arith.constant 0 : i32
      %swap3A_281 = arith.index_cast %swap3A_280 : i32 to index
      %swap3A_282 = arith.index_cast %add3A_258 : i32 to index
      %swap3A_283 = arith.constant 16 : index
      %swap3A_284 = tpu.vector_load %arg12[%swap3A_281, %swap3A_282, %swap3A_283] {strides = array<i32>} : memref<2x512x32xf32, #tpu.memory_space<vmem>>, vector<16xf32>,
      tpu.vector_store %arg12[%swap3A_281, %swap3A_282, %swap3A_283], %mul3A_279 {strides = array<i32>} : memref<2x512x32xf32, #tpu.memory_space<vmem>>, vector<16xf32>,
      %mul3A_285 = arith.constant 16 : i32
      %mul3A_286 = arith.muli %scan3A_164, %mul3A_285 : i32
      %add3A_287 = arith.constant 4 : i32
      %add3A_288 = arith.addi %mul3A_286, %add3A_287 : i32
      %slice3A_289 = vector.extract_strided_slice %get3A_167 {offsets = [4], sizes = [1], strides = [1]} : vector<16xf32> to vector<1xf32>
      %squeeze3A_290 = vector.extract %slice3A_289[0] : f32 from vector<1xf32>
      %get3A_291 = arith.constant 0 : i32
      %get3A_292 = arith.index_cast %get3A_291 : i32 to index
      %get3A_293 = arith.index_cast %add3A_288 : i32 to index
      %get3A_294 = arith.constant 0 : index
      %get3A_295 = tpu.vector_load %arg12[%get3A_292, %get3A_293, %get3A_294] {strides = array<i32>} : memref<2x512x32xf32, #tpu.memory_space<vmem>>, vector<16xf32>,
      %mul3A_296 = vector.broadcast %squeeze3A_290 : f32 to vector<16xf32>
      %mul3A_297 = arith.mulf %get3A_295, %mul3A_296 : vector<16xf32>
      %swap3A_298 = arith.constant 0 : i32
      %swap3A_299 = arith.index_cast %swap3A_298 : i32 to index
      %swap3A_300 = arith.index_cast %add3A_288 : i32 to index
      %swap3A_301 = arith.constant 0 : index
      %swap3A_302 = tpu.vector_load %arg12[%swap3A_299, %swap3A_300, %swap3A_301] {strides = array<i32>} : memref<2x512x32xf32, #tpu.memory_space<vmem>>, vector<16xf32>,
      tpu.vector_store %arg12[%swap3A_299, %swap3A_300, %swap3A_301], %mul3A_297 {strides = array<i32>} : memref<2x512x32xf32, #tpu.memory_space<vmem>>, vector<16xf32>,
      %get3A_303 = arith.constant 0 : i32
      %get3A_304 = arith.index_cast %get3A_303 : i32 to index
      %get3A_305 = arith.index_cast %add3A_288 : i32 to index
      %get3A_306 = arith.constant 16 : index
      %get3A_307 = tpu.vector_load %arg12[%get3A_304, %get3A_305, %get3A_306] {strides = array<i32>} : memref<2x512x32xf32, #tpu.memory_space<vmem>>, vector<16xf32>,
      %mul3A_308 = vector.broadcast %squeeze3A_290 : f32 to vector<16xf32>
      %mul3A_309 = arith.mulf %get3A_307, %mul3A_308 : vector<16xf32>
      %swap3A_310 = arith.constant 0 : i32
      %swap3A_311 = arith.index_cast %swap3A_310 : i32 to index
      %swap3A_312 = arith.index_cast %add3A_288 : i32 to index
      %swap3A_313 = arith.constant 16 : index
      %swap3A_314 = tpu.vector_load %arg12[%swap3A_311, %swap3A_312, %swap3A_313] {strides = array<i32>} : memref<2x512x32xf32, #tpu.memory_space<vmem>>, vector<16xf32>,
      tpu.vector_store %arg12[%swap3A_311, %swap3A_312, %swap3A_313], %mul3A_309 {strides = array<i32>} : memref<2x512x32xf32, #tpu.memory_space<vmem>>, vector<16xf32>,
      %mul3A_315 = arith.constant 16 : i32
      %mul3A_316 = arith.muli %scan3A_164, %mul3A_315 : i32
      %add3A_317 = arith.constant 5 : i32
      %add3A_318 = arith.addi %mul3A_316, %add3A_317 : i32
      %slice3A_319 = vector.extract_strided_slice %get3A_167 {offsets = [5], sizes = [1], strides = [1]} : vector<16xf32> to vector<1xf32>
      %squeeze3A_320 = vector.extract %slice3A_319[0] : f32 from vector<1xf32>
      %get3A_321 = arith.constant 0 : i32
      %get3A_322 = arith.index_cast %get3A_321 : i32 to index
      %get3A_323 = arith.index_cast %add3A_318 : i32 to index
      %get3A_324 = arith.constant 0 : index
      %get3A_325 = tpu.vector_load %arg12[%get3A_322, %get3A_323, %get3A_324] {strides = array<i32>} : memref<2x512x32xf32, #tpu.memory_space<vmem>>, vector<16xf32>,
      %mul3A_326 = vector.broadcast %squeeze3A_320 : f32 to vector<16xf32>
      %mul3A_327 = arith.mulf %get3A_325, %mul3A_326 : vector<16xf32>
      %swap3A_328 = arith.constant 0 : i32
      %swap3A_329 = arith.index_cast %swap3A_328 : i32 to index
      %swap3A_330 = arith.index_cast %add3A_318 : i32 to index
      %swap3A_331 = arith.constant 0 : index
      %swap3A_332 = tpu.vector_load %arg12[%swap3A_329, %swap3A_330, %swap3A_331] {strides = array<i32>} : memref<2x512x32xf32, #tpu.memory_space<vmem>>, vector<16xf32>,
      tpu.vector_store %arg12[%swap3A_329, %swap3A_330, %swap3A_331], %mul3A_327 {strides = array<i32>} : memref<2x512x32xf32, #tpu.memory_space<vmem>>, vector<16xf32>,
      %get3A_333 = arith.constant 0 : i32
      %get3A_334 = arith.index_cast %get3A_333 : i32 to index
      %get3A_335 = arith.index_cast %add3A_318 : i32 to index
      %get3A_336 = arith.constant 16 : index
      %get3A_337 = tpu.vector_load %arg12[%get3A_334, %get3A_335, %get3A_336] {strides = array<i32>} : memref<2x512x32xf32, #tpu.memory_space<vmem>>, vector<16xf32>,
      %mul3A_338 = vector.broadcast %squeeze3A_320 : f32 to vector<16xf32>
      %mul3A_339 = arith.mulf %get3A_337, %mul3A_338 : vector<16xf32>
      %swap3A_340 = arith.constant 0 : i32
      %swap3A_341 = arith.index_cast %swap3A_340 : i32 to index
      %swap3A_342 = arith.index_cast %add3A_318 : i32 to index
      %swap3A_343 = arith.constant 16 : index
      %swap3A_344 = tpu.vector_load %arg12[%swap3A_341, %swap3A_342, %swap3A_343] {strides = array<i32>} : memref<2x512x32xf32, #tpu.memory_space<vmem>>, vector<16xf32>,
      tpu.vector_store %arg12[%swap3A_341, %swap3A_342, %swap3A_343], %mul3A_339 {strides = array<i32>} : memref<2x512x32xf32, #tpu.memory_space<vmem>>, vector<16xf32>,
      %mul3A_345 = arith.constant 16 : i32
      %mul3A_346 = arith.muli %scan3A_164, %mul3A_345 : i32
      %add3A_347 = arith.constant 6 : i32
      %add3A_348 = arith.addi %mul3A_346, %add3A_347 : i32
      %slice3A_349 = vector.extract_strided_slice %get3A_167 {offsets = [6], sizes = [1], strides = [1]} : vector<16xf32> to vector<1xf32>
      %squeeze3A_350 = vector.extract %slice3A_349[0] : f32 from vector<1xf32>
      %get3A_351 = arith.constant 0 : i32
      %get3A_352 = arith.index_cast %get3A_351 : i32 to index
      %get3A_353 = arith.index_cast %add3A_348 : i32 to index
      %get3A_354 = arith.constant 0 : index
      %get3A_355 = tpu.vector_load %arg12[%get3A_352, %get3A_353, %get3A_354] {strides = array<i32>} : memref<2x512x32xf32, #tpu.memory_space<vmem>>, vector<16xf32>,
      %mul3A_356 = vector.broadcast %squeeze3A_350 : f32 to vector<16xf32>
      %mul3A_357 = arith.mulf %get3A_355, %mul3A_356 : vector<16xf32>
      %swap3A_358 = arith.constant 0 : i32
      %swap3A_359 = arith.index_cast %swap3A_358 : i32 to index
      %swap3A_360 = arith.index_cast %add3A_348 : i32 to index
      %swap3A_361 = arith.constant 0 : index
      %swap3A_362 = tpu.vector_load %arg12[%swap3A_359, %swap3A_360, %swap3A_361] {strides = array<i32>} : memref<2x512x32xf32, #tpu.memory_space<vmem>>, vector<16xf32>,
      tpu.vector_store %arg12[%swap3A_359, %swap3A_360, %swap3A_361], %mul3A_357 {strides = array<i32>} : memref<2x512x32xf32, #tpu.memory_space<vmem>>, vector<16xf32>,
      %get3A_363 = arith.constant 0 : i32
      %get3A_364 = arith.index_cast %get3A_363 : i32 to index
      %get3A_365 = arith.index_cast %add3A_348 : i32 to index
      %get3A_366 = arith.constant 16 : index
      %get3A_367 = tpu.vector_load %arg12[%get3A_364, %get3A_365, %get3A_366] {strides = array<i32>} : memref<2x512x32xf32, #tpu.memory_space<vmem>>, vector<16xf32>,
      %mul3A_368 = vector.broadcast %squeeze3A_350 : f32 to vector<16xf32>
      %mul3A_369 = arith.mulf %get3A_367, %mul3A_368 : vector<16xf32>
      %swap3A_370 = arith.constant 0 : i32
      %swap3A_371 = arith.index_cast %swap3A_370 : i32 to index
      %swap3A_372 = arith.index_cast %add3A_348 : i32 to index
      %swap3A_373 = arith.constant 16 : index
      %swap3A_374 = tpu.vector_load %arg12[%swap3A_371, %swap3A_372, %swap3A_373] {strides = array<i32>} : memref<2x512x32xf32, #tpu.memory_space<vmem>>, vector<16xf32>,
      tpu.vector_store %arg12[%swap3A_371, %swap3A_372, %swap3A_373], %mul3A_369 {strides = array<i32>} : memref<2x512x32xf32, #tpu.memory_space<vmem>>, vector<16xf32>,
      %mul3A_375 = arith.constant 16 : i32
      %mul3A_376 = arith.muli %scan3A_164, %mul3A_375 : i32
      %add3A_377 = arith.constant 7 : i32
      %add3A_378 = arith.addi %mul3A_376, %add3A_377 : i32
      %slice3A_379 = vector.extract_strided_slice %get3A_167 {offsets = [7], sizes = [1], strides = [1]} : vector<16xf32> to vector<1xf32>
      %squeeze3A_380 = vector.extract %slice3A_379[0] : f32 from vector<1xf32>
      %get3A_381 = arith.constant 0 : i32
      %get3A_382 = arith.index_cast %get3A_381 : i32 to index
      %get3A_383 = arith.index_cast %add3A_378 : i32 to index
      %get3A_384 = arith.constant 0 : index
      %get3A_385 = tpu.vector_load %arg12[%get3A_382, %get3A_383, %get3A_384] {strides = array<i32>} : memref<2x512x32xf32, #tpu.memory_space<vmem>>, vector<16xf32>,
      %mul3A_386 = vector.broadcast %squeeze3A_380 : f32 to vector<16xf32>
      %mul3A_387 = arith.mulf %get3A_385, %mul3A_386 : vector<16xf32>
      %swap3A_388 = arith.constant 0 : i32
      %swap3A_389 = arith.index_cast %swap3A_388 : i32 to index
      %swap3A_390 = arith.index_cast %add3A_378 : i32 to index
      %swap3A_391 = arith.constant 0 : index
      %swap3A_392 = tpu.vector_load %arg12[%swap3A_389, %swap3A_390, %swap3A_391] {strides = array<i32>} : memref<2x512x32xf32, #tpu.memory_space<vmem>>, vector<16xf32>,
      tpu.vector_store %arg12[%swap3A_389, %swap3A_390, %swap3A_391], %mul3A_387 {strides = array<i32>} : memref<2x512x32xf32, #tpu.memory_space<vmem>>, vector<16xf32>,
      %get3A_393 = arith.constant 0 : i32
      %get3A_394 = arith.index_cast %get3A_393 : i32 to index
      %get3A_395 = arith.index_cast %add3A_378 : i32 to index
      %get3A_396 = arith.constant 16 : index
      %get3A_397 = tpu.vector_load %arg12[%get3A_394, %get3A_395, %get3A_396] {strides = array<i32>} : memref<2x512x32xf32, #tpu.memory_space<vmem>>, vector<16xf32>,
      %mul3A_398 = vector.broadcast %squeeze3A_380 : f32 to vector<16xf32>
      %mul3A_399 = arith.mulf %get3A_397, %mul3A_398 : vector<16xf32>
      %swap3A_400 = arith.constant 0 : i32
      %swap3A_401 = arith.index_cast %swap3A_400 : i32 to index
      %swap3A_402 = arith.index_cast %add3A_378 : i32 to index
      %swap3A_403 = arith.constant 16 : index
      %swap3A_404 = tpu.vector_load %arg12[%swap3A_401, %swap3A_402, %swap3A_403] {strides = array<i32>} : memref<2x512x32xf32, #tpu.memory_space<vmem>>, vector<16xf32>,
      tpu.vector_store %arg12[%swap3A_401, %swap3A_402, %swap3A_403], %mul3A_399 {strides = array<i32>} : memref<2x512x32xf32, #tpu.memory_space<vmem>>, vector<16xf32>,
      %mul3A_405 = arith.constant 16 : i32
      %mul3A_406 = arith.muli %scan3A_164, %mul3A_405 : i32
      %add3A_407 = arith.constant 8 : i32
      %add3A_408 = arith.addi %mul3A_406, %add3A_407 : i32
      %slice3A_409 = vector.extract_strided_slice %get3A_167 {offsets = [8], sizes = [1], strides = [1]} : vector<16xf32> to vector<1xf32>
      %squeeze3A_410 = vector.extract %slice3A_409[0] : f32 from vector<1xf32>
      %get3A_411 = arith.constant 0 : i32
      %get3A_412 = arith.index_cast %get3A_411 : i32 to index
      %get3A_413 = arith.index_cast %add3A_408 : i32 to index
      %get3A_414 = arith.constant 0 : index
      %get3A_415 = tpu.vector_load %arg12[%get3A_412, %get3A_413, %get3A_414] {strides = array<i32>} : memref<2x512x32xf32, #tpu.memory_space<vmem>>, vector<16xf32>,
      %mul3A_416 = vector.broadcast %squeeze3A_410 : f32 to vector<16xf32>
      %mul3A_417 = arith.mulf %get3A_415, %mul3A_416 : vector<16xf32>
      %swap3A_418 = arith.constant 0 : i32
      %swap3A_419 = arith.index_cast %swap3A_418 : i32 to index
      %swap3A_420 = arith.index_cast %add3A_408 : i32 to index
      %swap3A_421 = arith.constant 0 : index
      %swap3A_422 = tpu.vector_load %arg12[%swap3A_419, %swap3A_420, %swap3A_421] {strides = array<i32>} : memref<2x512x32xf32, #tpu.memory_space<vmem>>, vector<16xf32>,
      tpu.vector_store %arg12[%swap3A_419, %swap3A_420, %swap3A_421], %mul3A_417 {strides = array<i32>} : memref<2x512x32xf32, #tpu.memory_space<vmem>>, vector<16xf32>,
      %get3A_423 = arith.constant 0 : i32
      %get3A_424 = arith.index_cast %get3A_423 : i32 to index
      %get3A_425 = arith.index_cast %add3A_408 : i32 to index
      %get3A_426 = arith.constant 16 : index
      %get3A_427 = tpu.vector_load %arg12[%get3A_424, %get3A_425, %get3A_426] {strides = array<i32>} : memref<2x512x32xf32, #tpu.memory_space<vmem>>, vector<16xf32>,
      %mul3A_428 = vector.broadcast %squeeze3A_410 : f32 to vector<16xf32>
      %mul3A_429 = arith.mulf %get3A_427, %mul3A_428 : vector<16xf32>
      %swap3A_430 = arith.constant 0 : i32
      %swap3A_431 = arith.index_cast %swap3A_430 : i32 to index
      %swap3A_432 = arith.index_cast %add3A_408 : i32 to index
      %swap3A_433 = arith.constant 16 : index
      %swap3A_434 = tpu.vector_load %arg12[%swap3A_431, %swap3A_432, %swap3A_433] {strides = array<i32>} : memref<2x512x32xf32, #tpu.memory_space<vmem>>, vector<16xf32>,
      tpu.vector_store %arg12[%swap3A_431, %swap3A_432, %swap3A_433], %mul3A_429 {strides = array<i32>} : memref<2x512x32xf32, #tpu.memory_space<vmem>>, vector<16xf32>,
      %mul3A_435 = arith.constant 16 : i32
      %mul3A_436 = arith.muli %scan3A_164, %mul3A_435 : i32
      %add3A_437 = arith.constant 9 : i32
      %add3A_438 = arith.addi %mul3A_436, %add3A_437 : i32
      %slice3A_439 = vector.extract_strided_slice %get3A_167 {offsets = [9], sizes = [1], strides = [1]} : vector<16xf32> to vector<1xf32>
      %squeeze3A_440 = vector.extract %slice3A_439[0] : f32 from vector<1xf32>
      %get3A_441 = arith.constant 0 : i32
      %get3A_442 = arith.index_cast %get3A_441 : i32 to index
      %get3A_443 = arith.index_cast %add3A_438 : i32 to index
      %get3A_444 = arith.constant 0 : index
      %get3A_445 = tpu.vector_load %arg12[%get3A_442, %get3A_443, %get3A_444] {strides = array<i32>} : memref<2x512x32xf32, #tpu.memory_space<vmem>>, vector<16xf32>,
      %mul3A_446 = vector.broadcast %squeeze3A_440 : f32 to vector<16xf32>
      %mul3A_447 = arith.mulf %get3A_445, %mul3A_446 : vector<16xf32>
      %swap3A_448 = arith.constant 0 : i32
      %swap3A_449 = arith.index_cast %swap3A_448 : i32 to index
      %swap3A_450 = arith.index_cast %add3A_438 : i32 to index
      %swap3A_451 = arith.constant 0 : index
      %swap3A_452 = tpu.vector_load %arg12[%swap3A_449, %swap3A_450, %swap3A_451] {strides = array<i32>} : memref<2x512x32xf32, #tpu.memory_space<vmem>>, vector<16xf32>,
      tpu.vector_store %arg12[%swap3A_449, %swap3A_450, %swap3A_451], %mul3A_447 {strides = array<i32>} : memref<2x512x32xf32, #tpu.memory_space<vmem>>, vector<16xf32>,
      %get3A_453 = arith.constant 0 : i32
      %get3A_454 = arith.index_cast %get3A_453 : i32 to index
      %get3A_455 = arith.index_cast %add3A_438 : i32 to index
      %get3A_456 = arith.constant 16 : index
      %get3A_457 = tpu.vector_load %arg12[%get3A_454, %get3A_455, %get3A_456] {strides = array<i32>} : memref<2x512x32xf32, #tpu.memory_space<vmem>>, vector<16xf32>,
      %mul3A_458 = vector.broadcast %squeeze3A_440 : f32 to vector<16xf32>
      %mul3A_459 = arith.mulf %get3A_457, %mul3A_458 : vector<16xf32>
      %swap3A_460 = arith.constant 0 : i32
      %swap3A_461 = arith.index_cast %swap3A_460 : i32 to index
      %swap3A_462 = arith.index_cast %add3A_438 : i32 to index
      %swap3A_463 = arith.constant 16 : index
      %swap3A_464 = tpu.vector_load %arg12[%swap3A_461, %swap3A_462, %swap3A_463] {strides = array<i32>} : memref<2x512x32xf32, #tpu.memory_space<vmem>>, vector<16xf32>,
      tpu.vector_store %arg12[%swap3A_461, %swap3A_462, %swap3A_463], %mul3A_459 {strides = array<i32>} : memref<2x512x32xf32, #tpu.memory_space<vmem>>, vector<16xf32>,
      %mul3A_465 = arith.constant 16 : i32
      %mul3A_466 = arith.muli %scan3A_164, %mul3A_465 : i32
      %add3A_467 = arith.constant 10 : i32
      %add3A_468 = arith.addi %mul3A_466, %add3A_467 : i32
      %slice3A_469 = vector.extract_strided_slice %get3A_167 {offsets = [10], sizes = [1], strides = [1]} : vector<16xf32> to vector<1xf32>
      %squeeze3A_470 = vector.extract %slice3A_469[0] : f32 from vector<1xf32>
      %get3A_471 = arith.constant 0 : i32
      %get3A_472 = arith.index_cast %get3A_471 : i32 to index
      %get3A_473 = arith.index_cast %add3A_468 : i32 to index
      %get3A_474 = arith.constant 0 : index
      %get3A_475 = tpu.vector_load %arg12[%get3A_472, %get3A_473, %get3A_474] {strides = array<i32>} : memref<2x512x32xf32, #tpu.memory_space<vmem>>, vector<16xf32>,
      %mul3A_476 = vector.broadcast %squeeze3A_470 : f32 to vector<16xf32>
      %mul3A_477 = arith.mulf %get3A_475, %mul3A_476 : vector<16xf32>
      %swap3A_478 = arith.constant 0 : i32
      %swap3A_479 = arith.index_cast %swap3A_478 : i32 to index
      %swap3A_480 = arith.index_cast %add3A_468 : i32 to index
      %swap3A_481 = arith.constant 0 : index
      %swap3A_482 = tpu.vector_load %arg12[%swap3A_479, %swap3A_480, %swap3A_481] {strides = array<i32>} : memref<2x512x32xf32, #tpu.memory_space<vmem>>, vector<16xf32>,
      tpu.vector_store %arg12[%swap3A_479, %swap3A_480, %swap3A_481], %mul3A_477 {strides = array<i32>} : memref<2x512x32xf32, #tpu.memory_space<vmem>>, vector<16xf32>,
      %get3A_483 = arith.constant 0 : i32
      %get3A_484 = arith.index_cast %get3A_483 : i32 to index
      %get3A_485 = arith.index_cast %add3A_468 : i32 to index
      %get3A_486 = arith.constant 16 : index
      %get3A_487 = tpu.vector_load %arg12[%get3A_484, %get3A_485, %get3A_486] {strides = array<i32>} : memref<2x512x32xf32, #tpu.memory_space<vmem>>, vector<16xf32>,
      %mul3A_488 = vector.broadcast %squeeze3A_470 : f32 to vector<16xf32>
      %mul3A_489 = arith.mulf %get3A_487, %mul3A_488 : vector<16xf32>
      %swap3A_490 = arith.constant 0 : i32
      %swap3A_491 = arith.index_cast %swap3A_490 : i32 to index
      %swap3A_492 = arith.index_cast %add3A_468 : i32 to index
      %swap3A_493 = arith.constant 16 : index
      %swap3A_494 = tpu.vector_load %arg12[%swap3A_491, %swap3A_492, %swap3A_493] {strides = array<i32>} : memref<2x512x32xf32, #tpu.memory_space<vmem>>, vector<16xf32>,
      tpu.vector_store %arg12[%swap3A_491, %swap3A_492, %swap3A_493], %mul3A_489 {strides = array<i32>} : memref<2x512x32xf32, #tpu.memory_space<vmem>>, vector<16xf32>,
      %mul3A_495 = arith.constant 16 : i32
      %mul3A_496 = arith.muli %scan3A_164, %mul3A_495 : i32
      %add3A_497 = arith.constant 11 : i32
      %add3A_498 = arith.addi %mul3A_496, %add3A_497 : i32
      %slice3A_499 = vector.extract_strided_slice %get3A_167 {offsets = [11], sizes = [1], strides = [1]} : vector<16xf32> to vector<1xf32>
      %squeeze3A_500 = vector.extract %slice3A_499[0] : f32 from vector<1xf32>
      %get3A_501 = arith.constant 0 : i32
      %get3A_502 = arith.index_cast %get3A_501 : i32 to index
      %get3A_503 = arith.index_cast %add3A_498 : i32 to index
      %get3A_504 = arith.constant 0 : index
      %get3A_505 = tpu.vector_load %arg12[%get3A_502, %get3A_503, %get3A_504] {strides = array<i32>} : memref<2x512x32xf32, #tpu.memory_space<vmem>>, vector<16xf32>,
      %mul3A_506 = vector.broadcast %squeeze3A_500 : f32 to vector<16xf32>
      %mul3A_507 = arith.mulf %get3A_505, %mul3A_506 : vector<16xf32>
      %swap3A_508 = arith.constant 0 : i32
      %swap3A_509 = arith.index_cast %swap3A_508 : i32 to index
      %swap3A_510 = arith.index_cast %add3A_498 : i32 to index
      %swap3A_511 = arith.constant 0 : index
      %swap3A_512 = tpu.vector_load %arg12[%swap3A_509, %swap3A_510, %swap3A_511] {strides = array<i32>} : memref<2x512x32xf32, #tpu.memory_space<vmem>>, vector<16xf32>,
      tpu.vector_store %arg12[%swap3A_509, %swap3A_510, %swap3A_511], %mul3A_507 {strides = array<i32>} : memref<2x512x32xf32, #tpu.memory_space<vmem>>, vector<16xf32>,
      %get3A_513 = arith.constant 0 : i32
      %get3A_514 = arith.index_cast %get3A_513 : i32 to index
      %get3A_515 = arith.index_cast %add3A_498 : i32 to index
      %get3A_516 = arith.constant 16 : index
      %get3A_517 = tpu.vector_load %arg12[%get3A_514, %get3A_515, %get3A_516] {strides = array<i32>} : memref<2x512x32xf32, #tpu.memory_space<vmem>>, vector<16xf32>,
      %mul3A_518 = vector.broadcast %squeeze3A_500 : f32 to vector<16xf32>
      %mul3A_519 = arith.mulf %get3A_517, %mul3A_518 : vector<16xf32>
      %swap3A_520 = arith.constant 0 : i32
      %swap3A_521 = arith.index_cast %swap3A_520 : i32 to index
      %swap3A_522 = arith.index_cast %add3A_498 : i32 to index
      %swap3A_523 = arith.constant 16 : index
      %swap3A_524 = tpu.vector_load %arg12[%swap3A_521, %swap3A_522, %swap3A_523] {strides = array<i32>} : memref<2x512x32xf32, #tpu.memory_space<vmem>>, vector<16xf32>,
      tpu.vector_store %arg12[%swap3A_521, %swap3A_522, %swap3A_523], %mul3A_519 {strides = array<i32>} : memref<2x512x32xf32, #tpu.memory_space<vmem>>, vector<16xf32>,
      %mul3A_525 = arith.constant 16 : i32
      %mul3A_526 = arith.muli %scan3A_164, %mul3A_525 : i32
      %add3A_527 = arith.constant 12 : i32
      %add3A_528 = arith.addi %mul3A_526, %add3A_527 : i32
      %slice3A_529 = vector.extract_strided_slice %get3A_167 {offsets = [12], sizes = [1], strides = [1]} : vector<16xf32> to vector<1xf32>
      %squeeze3A_530 = vector.extract %slice3A_529[0] : f32 from vector<1xf32>
      %get3A_531 = arith.constant 0 : i32
      %get3A_532 = arith.index_cast %get3A_531 : i32 to index
      %get3A_533 = arith.index_cast %add3A_528 : i32 to index
      %get3A_534 = arith.constant 0 : index
      %get3A_535 = tpu.vector_load %arg12[%get3A_532, %get3A_533, %get3A_534] {strides = array<i32>} : memref<2x512x32xf32, #tpu.memory_space<vmem>>, vector<16xf32>,
      %mul3A_536 = vector.broadcast %squeeze3A_530 : f32 to vector<16xf32>
      %mul3A_537 = arith.mulf %get3A_535, %mul3A_536 : vector<16xf32>
      %swap3A_538 = arith.constant 0 : i32
      %swap3A_539 = arith.index_cast %swap3A_538 : i32 to index
      %swap3A_540 = arith.index_cast %add3A_528 : i32 to index
      %swap3A_541 = arith.constant 0 : index
      %swap3A_542 = tpu.vector_load %arg12[%swap3A_539, %swap3A_540, %swap3A_541] {strides = array<i32>} : memref<2x512x32xf32, #tpu.memory_space<vmem>>, vector<16xf32>,
      tpu.vector_store %arg12[%swap3A_539, %swap3A_540, %swap3A_541], %mul3A_537 {strides = array<i32>} : memref<2x512x32xf32, #tpu.memory_space<vmem>>, vector<16xf32>,
      %get3A_543 = arith.constant 0 : i32
      %get3A_544 = arith.index_cast %get3A_543 : i32 to index
      %get3A_545 = arith.index_cast %add3A_528 : i32 to index
      %get3A_546 = arith.constant 16 : index
      %get3A_547 = tpu.vector_load %arg12[%get3A_544, %get3A_545, %get3A_546] {strides = array<i32>} : memref<2x512x32xf32, #tpu.memory_space<vmem>>, vector<16xf32>,
      %mul3A_548 = vector.broadcast %squeeze3A_530 : f32 to vector<16xf32>
      %mul3A_549 = arith.mulf %get3A_547, %mul3A_548 : vector<16xf32>
      %swap3A_550 = arith.constant 0 : i32
      %swap3A_551 = arith.index_cast %swap3A_550 : i32 to index
      %swap3A_552 = arith.index_cast %add3A_528 : i32 to index
      %swap3A_553 = arith.constant 16 : index
      %swap3A_554 = tpu.vector_load %arg12[%swap3A_551, %swap3A_552, %swap3A_553] {strides = array<i32>} : memref<2x512x32xf32, #tpu.memory_space<vmem>>, vector<16xf32>,
      tpu.vector_store %arg12[%swap3A_551, %swap3A_552, %swap3A_553], %mul3A_549 {strides = array<i32>} : memref<2x512x32xf32, #tpu.memory_space<vmem>>, vector<16xf32>,
      %mul3A_555 = arith.constant 16 : i32
      %mul3A_556 = arith.muli %scan3A_164, %mul3A_555 : i32
      %add3A_557 = arith.constant 13 : i32
      %add3A_558 = arith.addi %mul3A_556, %add3A_557 : i32
      %slice3A_559 = vector.extract_strided_slice %get3A_167 {offsets = [13], sizes = [1], strides = [1]} : vector<16xf32> to vector<1xf32>
      %squeeze3A_560 = vector.extract %slice3A_559[0] : f32 from vector<1xf32>
      %get3A_561 = arith.constant 0 : i32
      %get3A_562 = arith.index_cast %get3A_561 : i32 to index
      %get3A_563 = arith.index_cast %add3A_558 : i32 to index
      %get3A_564 = arith.constant 0 : index
      %get3A_565 = tpu.vector_load %arg12[%get3A_562, %get3A_563, %get3A_564] {strides = array<i32>} : memref<2x512x32xf32, #tpu.memory_space<vmem>>, vector<16xf32>,
      %mul3A_566 = vector.broadcast %squeeze3A_560 : f32 to vector<16xf32>
      %mul3A_567 = arith.mulf %get3A_565, %mul3A_566 : vector<16xf32>
      %swap3A_568 = arith.constant 0 : i32
      %swap3A_569 = arith.index_cast %swap3A_568 : i32 to index
      %swap3A_570 = arith.index_cast %add3A_558 : i32 to index
      %swap3A_571 = arith.constant 0 : index
      %swap3A_572 = tpu.vector_load %arg12[%swap3A_569, %swap3A_570, %swap3A_571] {strides = array<i32>} : memref<2x512x32xf32, #tpu.memory_space<vmem>>, vector<16xf32>,
      tpu.vector_store %arg12[%swap3A_569, %swap3A_570, %swap3A_571], %mul3A_567 {strides = array<i32>} : memref<2x512x32xf32, #tpu.memory_space<vmem>>, vector<16xf32>,
      %get3A_573 = arith.constant 0 : i32
      %get3A_574 = arith.index_cast %get3A_573 : i32 to index
      %get3A_575 = arith.index_cast %add3A_558 : i32 to index
      %get3A_576 = arith.constant 16 : index
      %get3A_577 = tpu.vector_load %arg12[%get3A_574, %get3A_575, %get3A_576] {strides = array<i32>} : memref<2x512x32xf32, #tpu.memory_space<vmem>>, vector<16xf32>,
      %mul3A_578 = vector.broadcast %squeeze3A_560 : f32 to vector<16xf32>
      %mul3A_579 = arith.mulf %get3A_577, %mul3A_578 : vector<16xf32>
      %swap3A_580 = arith.constant 0 : i32
      %swap3A_581 = arith.index_cast %swap3A_580 : i32 to index
      %swap3A_582 = arith.index_cast %add3A_558 : i32 to index
      %swap3A_583 = arith.constant 16 : index
      %swap3A_584 = tpu.vector_load %arg12[%swap3A_581, %swap3A_582, %swap3A_583] {strides = array<i32>} : memref<2x512x32xf32, #tpu.memory_space<vmem>>, vector<16xf32>,
      tpu.vector_store %arg12[%swap3A_581, %swap3A_582, %swap3A_583], %mul3A_579 {strides = array<i32>} : memref<2x512x32xf32, #tpu.memory_space<vmem>>, vector<16xf32>,
      %mul3A_585 = arith.constant 16 : i32
      %mul3A_586 = arith.muli %scan3A_164, %mul3A_585 : i32
      %add3A_587 = arith.constant 14 : i32
      %add3A_588 = arith.addi %mul3A_586, %add3A_587 : i32
      %slice3A_589 = vector.extract_strided_slice %get3A_167 {offsets = [14], sizes = [1], strides = [1]} : vector<16xf32> to vector<1xf32>
      %squeeze3A_590 = vector.extract %slice3A_589[0] : f32 from vector<1xf32>
      %get3A_591 = arith.constant 0 : i32
      %get3A_592 = arith.index_cast %get3A_591 : i32 to index
      %get3A_593 = arith.index_cast %add3A_588 : i32 to index
      %get3A_594 = arith.constant 0 : index
      %get3A_595 = tpu.vector_load %arg12[%get3A_592, %get3A_593, %get3A_594] {strides = array<i32>} : memref<2x512x32xf32, #tpu.memory_space<vmem>>, vector<16xf32>,
      %mul3A_596 = vector.broadcast %squeeze3A_590 : f32 to vector<16xf32>
      %mul3A_597 = arith.mulf %get3A_595, %mul3A_596 : vector<16xf32>
      %swap3A_598 = arith.constant 0 : i32
      %swap3A_599 = arith.index_cast %swap3A_598 : i32 to index
      %swap3A_600 = arith.index_cast %add3A_588 : i32 to index
      %swap3A_601 = arith.constant 0 : index
      %swap3A_602 = tpu.vector_load %arg12[%swap3A_599, %swap3A_600, %swap3A_601] {strides = array<i32>} : memref<2x512x32xf32, #tpu.memory_space<vmem>>, vector<16xf32>,
      tpu.vector_store %arg12[%swap3A_599, %swap3A_600, %swap3A_601], %mul3A_597 {strides = array<i32>} : memref<2x512x32xf32, #tpu.memory_space<vmem>>, vector<16xf32>,
      %get3A_603 = arith.constant 0 : i32
      %get3A_604 = arith.index_cast %get3A_603 : i32 to index
      %get3A_605 = arith.index_cast %add3A_588 : i32 to index
      %get3A_606 = arith.constant 16 : index
      %get3A_607 = tpu.vector_load %arg12[%get3A_604, %get3A_605, %get3A_606] {strides = array<i32>} : memref<2x512x32xf32, #tpu.memory_space<vmem>>, vector<16xf32>,
      %mul3A_608 = vector.broadcast %squeeze3A_590 : f32 to vector<16xf32>
      %mul3A_609 = arith.mulf %get3A_607, %mul3A_608 : vector<16xf32>
      %swap3A_610 = arith.constant 0 : i32
      %swap3A_611 = arith.index_cast %swap3A_610 : i32 to index
      %swap3A_612 = arith.index_cast %add3A_588 : i32 to index
      %swap3A_613 = arith.constant 16 : index
      %swap3A_614 = tpu.vector_load %arg12[%swap3A_611, %swap3A_612, %swap3A_613] {strides = array<i32>} : memref<2x512x32xf32, #tpu.memory_space<vmem>>, vector<16xf32>,
      tpu.vector_store %arg12[%swap3A_611, %swap3A_612, %swap3A_613], %mul3A_609 {strides = array<i32>} : memref<2x512x32xf32, #tpu.memory_space<vmem>>, vector<16xf32>,
      %mul3A_615 = arith.constant 16 : i32
      %mul3A_616 = arith.muli %scan3A_164, %mul3A_615 : i32
      %add3A_617 = arith.constant 15 : i32
      %add3A_618 = arith.addi %mul3A_616, %add3A_617 : i32
      %slice3A_619 = vector.extract_strided_slice %get3A_167 {offsets = [15], sizes = [1], strides = [1]} : vector<16xf32> to vector<1xf32>
      %squeeze3A_620 = vector.extract %slice3A_619[0] : f32 from vector<1xf32>
      %get3A_621 = arith.constant 0 : i32
      %get3A_622 = arith.index_cast %get3A_621 : i32 to index
      %get3A_623 = arith.index_cast %add3A_618 : i32 to index
      %get3A_624 = arith.constant 0 : index
      %get3A_625 = tpu.vector_load %arg12[%get3A_622, %get3A_623, %get3A_624] {strides = array<i32>} : memref<2x512x32xf32, #tpu.memory_space<vmem>>, vector<16xf32>,
      %mul3A_626 = vector.broadcast %squeeze3A_620 : f32 to vector<16xf32>
      %mul3A_627 = arith.mulf %get3A_625, %mul3A_626 : vector<16xf32>
      %swap3A_628 = arith.constant 0 : i32
      %swap3A_629 = arith.index_cast %swap3A_628 : i32 to index
      %swap3A_630 = arith.index_cast %add3A_618 : i32 to index
      %swap3A_631 = arith.constant 0 : index
      %swap3A_632 = tpu.vector_load %arg12[%swap3A_629, %swap3A_630, %swap3A_631] {strides = array<i32>} : memref<2x512x32xf32, #tpu.memory_space<vmem>>, vector<16xf32>,
      tpu.vector_store %arg12[%swap3A_629, %swap3A_630, %swap3A_631], %mul3A_627 {strides = array<i32>} : memref<2x512x32xf32, #tpu.memory_space<vmem>>, vector<16xf32>,
      %get3A_633 = arith.constant 0 : i32
      %get3A_634 = arith.index_cast %get3A_633 : i32 to index
      %get3A_635 = arith.index_cast %add3A_618 : i32 to index
      %get3A_636 = arith.constant 16 : index
      %get3A_637 = tpu.vector_load %arg12[%get3A_634, %get3A_635, %get3A_636] {strides = array<i32>} : memref<2x512x32xf32, #tpu.memory_space<vmem>>, vector<16xf32>,
      %mul3A_638 = vector.broadcast %squeeze3A_620 : f32 to vector<16xf32>
      %mul3A_639 = arith.mulf %get3A_637, %mul3A_638 : vector<16xf32>
      %swap3A_640 = arith.constant 0 : i32
      %swap3A_641 = arith.index_cast %swap3A_640 : i32 to index
      %swap3A_642 = arith.index_cast %add3A_618 : i32 to index
      %swap3A_643 = arith.constant 16 : index
      %swap3A_644 = tpu.vector_load %arg12[%swap3A_641, %swap3A_642, %swap3A_643] {strides = array<i32>} : memref<2x512x32xf32, #tpu.memory_space<vmem>>, vector<16xf32>,
      tpu.vector_store %arg12[%swap3A_641, %swap3A_642, %swap3A_643], %mul3A_639 {strides = array<i32>} : memref<2x512x32xf32, #tpu.memory_space<vmem>>, vector<16xf32>,
    }
    %scan3A_25 = arith.constant 40 : i32
    %mul3A_26 = arith.constant 640 : i32
    %mul3A_27 = arith.muli %arg1, %mul3A_26 : i32
    %run_scoped3A_28 = arith.constant 0 : i32
    "tpu.region"() ({
      %run_scoped3A_164 = tpu.sem_alloc : memref<!tpu.dma_semaphore, #tpu.memory_space<semaphore_mem>>
      %dma_start3A_165 = arith.constant 0 : i32
      %dma_start3A_166 = arith.constant 0 : i32
      %dma_start3A_167 = tpu.memref_slice %arg12[%run_scoped3A_28, %dma_start3A_165, %dma_start3A_166] : memref<2x512x32xf32, #tpu.memory_space<vmem>> -> memref<1x640x32xf32, #tpu.memory_space<vmem>>
      %dma_start3A_168 = tpu.memref_squeeze %dma_start3A_167 : memref<1x640x32xf32, #tpu.memory_space<vmem>> -> memref<640x32xf32, #tpu.memory_space<vmem>>
      %dma_start3A_169 = arith.constant 0 : i32
      %dma_start3A_170 = tpu.memref_slice %arg17[%mul3A_27, %dma_start3A_169] : memref<10240x32xf32, #tpu.memory_space<vmem_shared>> -> memref<640x32xf32, #tpu.memory_space<vmem_shared>>
      %dma_start3A_171 = arith.constant 0 : i32
      %dma_start3A_172 = tpu.memref_slice %arg17[%mul3A_27, %dma_start3A_171] : memref<10240x32xf32, #tpu.memory_space<vmem_shared>> -> memref<640x32xf32, #tpu.memory_space<vmem_shared>>
      %dma_start3A_173 = arith.constant 0 : i32
      %dma_start3A_174 = arith.constant 0 : i32
      %dma_start3A_175 = tpu.memref_slice %arg12[%run_scoped3A_28, %dma_start3A_173, %dma_start3A_174] : memref<2x512x32xf32, #tpu.memory_space<vmem>> -> memref<1x640x32xf32, #tpu.memory_space<vmem>>
      %dma_start3A_176 = tpu.memref_squeeze %dma_start3A_175 : memref<1x640x32xf32, #tpu.memory_space<vmem>> -> memref<640x32xf32, #tpu.memory_space<vmem>>
      tpu.enqueue_dma source(%dma_start3A_176 : memref<640x32xf32, #tpu.memory_space<vmem>>) target(%dma_start3A_172 : memref<640x32xf32, #tpu.memory_space<vmem_shared>>) target_semaphore(%run_scoped3A_164 : memref<!tpu.dma_semaphore, #tpu.memory_space<semaphore_mem>>)
      %dma_wait3A_177 = arith.constant 0 : i32
      %dma_wait3A_178 = arith.constant 0 : i32
      %dma_wait3A_179 = tpu.memref_slice %arg12[%run_scoped3A_28, %dma_wait3A_177, %dma_wait3A_178] : memref<2x512x32xf32, #tpu.memory_space<vmem>> -> memref<1x640x32xf32, #tpu.memory_space<vmem>>
      %dma_wait3A_180 = tpu.memref_squeeze %dma_wait3A_179 : memref<1x640x32xf32, #tpu.memory_space<vmem>> -> memref<640x32xf32, #tpu.memory_space<vmem>>
      %dma_wait3A_181 = arith.constant 0 : i32
      %dma_wait3A_182 = tpu.memref_slice %arg17[%mul3A_27, %dma_wait3A_181] : memref<10240x32xf32, #tpu.memory_space<vmem_shared>> -> memref<640x32xf32, #tpu.memory_space<vmem_shared>>
      %dma_wait3A_183 = arith.constant 0 : i32
      %dma_wait3A_184 = tpu.memref_slice %arg17[%mul3A_27, %dma_wait3A_183] : memref<10240x32xf32, #tpu.memory_space<vmem_shared>> -> memref<640x32xf32, #tpu.memory_space<vmem_shared>>
      %dma_wait3A_185 = arith.constant 0 : i32
      %dma_wait3A_186 = arith.constant 0 : i32
      %dma_wait3A_187 = tpu.memref_slice %arg12[%run_scoped3A_28, %dma_wait3A_185, %dma_wait3A_186] : memref<2x512x32xf32, #tpu.memory_space<vmem>> -> memref<1x640x32xf32, #tpu.memory_space<vmem>>
      %dma_wait3A_188 = tpu.memref_squeeze %dma_wait3A_187 : memref<1x640x32xf32, #tpu.memory_space<vmem>> -> memref<640x32xf32, #tpu.memory_space<vmem>>
      tpu.wait_dma2 semaphore(%run_scoped3A_164 : memref<!tpu.dma_semaphore, #tpu.memory_space<semaphore_mem>>) src(%dma_wait3A_188 : memref<640x32xf32, #tpu.memory_space<vmem>>) dst(%dma_wait3A_184 : memref<640x32xf32, #tpu.memory_space<vmem_shared>>)
      tpu.yield
    }) : () -> ()
    %mul3A_29 = arith.constant 640 : i32
    %mul3A_30 = arith.muli %arg1, %mul3A_29 : i32
    %mul3A_31 = arith.constant 640 : i32
    %mul3A_32 = arith.muli %arg1, %mul3A_31 : i32
    "tpu.region"() ({
      %run_scoped3A_164 = tpu.sem_alloc : memref<!tpu.dma_semaphore, #tpu.memory_space<semaphore_mem>>
      %dma_start3A_165 = arith.constant 0 : i32
      %dma_start3A_166 = tpu.memref_slice %arg16[%mul3A_32, %dma_start3A_165] : memref<10240x32xf32, #tpu.memory_space<vmem_shared>> -> memref<640x32xf32, #tpu.memory_space<vmem_shared>>
      %dma_start3A_167 = arith.constant 0 : i32
      %dma_start3A_168 = tpu.memref_slice %arg7[%mul3A_30, %dma_start3A_167] : memref<10240x32xf32, #tpu.memory_space<hbm>> -> memref<640x32xf32, #tpu.memory_space<hbm>>
      tpu.enqueue_dma source(%dma_start3A_168 : memref<640x32xf32, #tpu.memory_space<hbm>>) target(%dma_start3A_166 : memref<640x32xf32, #tpu.memory_space<vmem_shared>>) target_semaphore(%run_scoped3A_164 : memref<!tpu.dma_semaphore, #tpu.memory_space<semaphore_mem>>)
      %dma_wait3A_169 = arith.constant 0 : i32
      %dma_wait3A_170 = tpu.memref_slice %arg16[%mul3A_32, %dma_wait3A_169] : memref<10240x32xf32, #tpu.memory_space<vmem_shared>> -> memref<640x32xf32, #tpu.memory_space<vmem_shared>>
      %dma_wait3A_171 = arith.constant 0 : i32
      %dma_wait3A_172 = tpu.memref_slice %arg7[%mul3A_30, %dma_wait3A_171] : memref<10240x32xf32, #tpu.memory_space<hbm>> -> memref<640x32xf32, #tpu.memory_space<hbm>>
      tpu.wait_dma2 semaphore(%run_scoped3A_164 : memref<!tpu.dma_semaphore, #tpu.memory_space<semaphore_mem>>) src(%dma_wait3A_172 : memref<640x32xf32, #tpu.memory_space<hbm>>) dst(%dma_wait3A_170 : memref<640x32xf32, #tpu.memory_space<vmem_shared>>)
      tpu.yield
    }) : () -> ()
    %barrier3A = arith.constant 0 : index
    tpu.barrier barrier_id(%barrier3A)
    %dma_start3A = arith.constant 0 : i32
    %dma_start3A_33 = arith.constant 0 : i32
    %dma_start3A_34 = arith.constant 0 : i32
    %dma_start3A_35 = tpu.memref_slice %arg12[%dma_start3A, %dma_start3A_33, %dma_start3A_34] : memref<2x512x32xf32, #tpu.memory_space<vmem>> -> memref<1x128x32xf32, #tpu.memory_space<vmem>>
    %dma_start3A_36 = tpu.memref_squeeze %dma_start3A_35 : memref<1x128x32xf32, #tpu.memory_space<vmem>> -> memref<128x32xf32, #tpu.memory_space<vmem>>
    %dma_start3A_37 = arith.constant 0 : i32
    %dma_start3A_38 = tpu.memref_slice %arg10[%dma_start3A_37] : memref<20480xi32, #tpu.memory_space<vmem>> -> memref<128xi32, #tpu.memory_space<vmem>>
    %dma_start3A_39 = arith.constant 0 : i32
    %dma_start3A_40 = arith.constant 0 : i32
    %dma_start3A_41 = tpu.memref_slice %arg17[%dma_start3A_39, %dma_start3A_40] : memref<10240x32xf32, #tpu.memory_space<vmem_shared>> -> memref<10240x32xf32, #tpu.memory_space<vmem_shared>>
    tpu.enqueue_indirect_dma source(%dma_start3A_41 : memref<10240x32xf32, #tpu.memory_space<vmem_shared>>) target(%dma_start3A_36 : memref<128x32xf32, #tpu.memory_space<vmem>>) offsets(%dma_start3A_38 : memref<128xi32, #tpu.memory_space<vmem>>) semaphore(%arg18 : memref<!tpu.dma_semaphore, #tpu.memory_space<semaphore_mem>>)
    %dma_start3A_42 = arith.constant 0 : i32
    %dma_start3A_43 = arith.constant 128 : i32
    %dma_start3A_44 = arith.constant 0 : i32
    %dma_start3A_45 = tpu.memref_slice %arg12[%dma_start3A_42, %dma_start3A_43, %dma_start3A_44] : memref<2x512x32xf32, #tpu.memory_space<vmem>> -> memref<1x128x32xf32, #tpu.memory_space<vmem>>
    %dma_start3A_46 = tpu.memref_squeeze %dma_start3A_45 : memref<1x128x32xf32, #tpu.memory_space<vmem>> -> memref<128x32xf32, #tpu.memory_space<vmem>>
    %dma_start3A_47 = arith.constant 128 : i32
    %dma_start3A_48 = tpu.memref_slice %arg10[%dma_start3A_47] : memref<20480xi32, #tpu.memory_space<vmem>> -> memref<128xi32, #tpu.memory_space<vmem>>
    %dma_start3A_49 = arith.constant 0 : i32
    %dma_start3A_50 = arith.constant 0 : i32
    %dma_start3A_51 = tpu.memref_slice %arg17[%dma_start3A_49, %dma_start3A_50] : memref<10240x32xf32, #tpu.memory_space<vmem_shared>> -> memref<10240x32xf32, #tpu.memory_space<vmem_shared>>
    tpu.enqueue_indirect_dma source(%dma_start3A_51 : memref<10240x32xf32, #tpu.memory_space<vmem_shared>>) target(%dma_start3A_46 : memref<128x32xf32, #tpu.memory_space<vmem>>) offsets(%dma_start3A_48 : memref<128xi32, #tpu.memory_space<vmem>>) semaphore(%arg18 : memref<!tpu.dma_semaphore, #tpu.memory_space<semaphore_mem>>)
    %dma_start3A_52 = arith.constant 0 : i32
    %dma_start3A_53 = arith.constant 256 : i32
    %dma_start3A_54 = arith.constant 0 : i32
    %dma_start3A_55 = tpu.memref_slice %arg12[%dma_start3A_52, %dma_start3A_53, %dma_start3A_54] : memref<2x512x32xf32, #tpu.memory_space<vmem>> -> memref<1x128x32xf32, #tpu.memory_space<vmem>>
    %dma_start3A_56 = tpu.memref_squeeze %dma_start3A_55 : memref<1x128x32xf32, #tpu.memory_space<vmem>> -> memref<128x32xf32, #tpu.memory_space<vmem>>
    %dma_start3A_57 = arith.constant 256 : i32
    %dma_start3A_58 = tpu.memref_slice %arg10[%dma_start3A_57] : memref<20480xi32, #tpu.memory_space<vmem>> -> memref<128xi32, #tpu.memory_space<vmem>>
    %dma_start3A_59 = arith.constant 0 : i32
    %dma_start3A_60 = arith.constant 0 : i32
    %dma_start3A_61 = tpu.memref_slice %arg17[%dma_start3A_59, %dma_start3A_60] : memref<10240x32xf32, #tpu.memory_space<vmem_shared>> -> memref<10240x32xf32, #tpu.memory_space<vmem_shared>>
    tpu.enqueue_indirect_dma source(%dma_start3A_61 : memref<10240x32xf32, #tpu.memory_space<vmem_shared>>) target(%dma_start3A_56 : memref<128x32xf32, #tpu.memory_space<vmem>>) offsets(%dma_start3A_58 : memref<128xi32, #tpu.memory_space<vmem>>) semaphore(%arg18 : memref<!tpu.dma_semaphore, #tpu.memory_space<semaphore_mem>>)
    %dma_start3A_62 = arith.constant 0 : i32
    %dma_start3A_63 = arith.constant 384 : i32
    %dma_start3A_64 = arith.constant 0 : i32
    %dma_start3A_65 = tpu.memref_slice %arg12[%dma_start3A_62, %dma_start3A_63, %dma_start3A_64] : memref<2x512x32xf32, #tpu.memory_space<vmem>> -> memref<1x128x32xf32, #tpu.memory_space<vmem>>
    %dma_start3A_66 = tpu.memref_squeeze %dma_start3A_65 : memref<1x128x32xf32, #tpu.memory_space<vmem>> -> memref<128x32xf32, #tpu.memory_space<vmem>>
    %dma_start3A_67 = arith.constant 384 : i32
    %dma_start3A_68 = tpu.memref_slice %arg10[%dma_start3A_67] : memref<20480xi32, #tpu.memory_space<vmem>> -> memref<128xi32, #tpu.memory_space<vmem>>
    %dma_start3A_69 = arith.constant 0 : i32
    %dma_start3A_70 = arith.constant 0 : i32
    %dma_start3A_71 = tpu.memref_slice %arg17[%dma_start3A_69, %dma_start3A_70] : memref<10240x32xf32, #tpu.memory_space<vmem_shared>> -> memref<10240x32xf32, #tpu.memory_space<vmem_shared>>
    tpu.enqueue_indirect_dma source(%dma_start3A_71 : memref<10240x32xf32, #tpu.memory_space<vmem_shared>>) target(%dma_start3A_66 : memref<128x32xf32, #tpu.memory_space<vmem>>) offsets(%dma_start3A_68 : memref<128xi32, #tpu.memory_space<vmem>>) semaphore(%arg18 : memref<!tpu.dma_semaphore, #tpu.memory_space<semaphore_mem>>)
    %scan3A_72 = arith.constant 0 : i32
    %scan3A_73 = arith.constant 0 : i32
    %scan3A_74 = arith.constant 20 : i32
    %scan3A_75 = arith.addi %scan3A_73, %scan3A_74 : i32
    %scan3A_76 = arith.constant 1 : i32
    scf.for %scan3A_164 = %scan3A_73 to %scan3A_75 step %scan3A_76  : i32 {
      %mul3A_165 = arith.constant 2 : i32
      %mul3A_166 = arith.muli %mul3A_165, %scan3A_164 : i32
      %mul3A_167 = arith.constant 4 : i32
      %mul3A_168 = arith.muli %mul3A_166, %mul3A_167 : i32
      %add3A_169 = arith.constant 0 : i32
      %add3A_170 = arith.addi %mul3A_168, %add3A_169 : i32
      %mul3A_171 = arith.constant 128 : i32
      %mul3A_172 = arith.muli %add3A_170, %mul3A_171 : i32
      %dma_wait3A_173 = arith.constant 0 : i32
      %dma_wait3A_174 = arith.constant 0 : i32
      %dma_wait3A_175 = arith.constant 0 : i32
      %dma_wait3A_176 = tpu.memref_slice %arg12[%dma_wait3A_173, %dma_wait3A_174, %dma_wait3A_175] : memref<2x512x32xf32, #tpu.memory_space<vmem>> -> memref<1x128x32xf32, #tpu.memory_space<vmem>>
      %dma_wait3A_177 = tpu.memref_squeeze %dma_wait3A_176 : memref<1x128x32xf32, #tpu.memory_space<vmem>> -> memref<128x32xf32, #tpu.memory_space<vmem>>
      %dma_wait3A_178 = tpu.memref_slice %arg10[%mul3A_172] : memref<20480xi32, #tpu.memory_space<vmem>> -> memref<128xi32, #tpu.memory_space<vmem>>
      %dma_wait3A_179 = arith.constant 0 : i32
      %dma_wait3A_180 = arith.constant 0 : i32
      %dma_wait3A_181 = tpu.memref_slice %arg17[%dma_wait3A_179, %dma_wait3A_180] : memref<10240x32xf32, #tpu.memory_space<vmem_shared>> -> memref<10240x32xf32, #tpu.memory_space<vmem_shared>>
      tpu.wait_indirect_dma semaphore(%arg18 : memref<!tpu.dma_semaphore, #tpu.memory_space<semaphore_mem>>) src(%dma_wait3A_181 : memref<10240x32xf32, #tpu.memory_space<vmem_shared>>) dst(%dma_wait3A_177 : memref<128x32xf32, #tpu.memory_space<vmem>>)
      %mul3A_182 = arith.constant 4 : i32
      %mul3A_183 = arith.muli %mul3A_166, %mul3A_182 : i32
      %add3A_184 = arith.constant 1 : i32
      %add3A_185 = arith.addi %mul3A_183, %add3A_184 : i32
      %mul3A_186 = arith.constant 128 : i32
      %mul3A_187 = arith.muli %add3A_185, %mul3A_186 : i32
      %dma_wait3A_188 = arith.constant 0 : i32
      %dma_wait3A_189 = arith.constant 128 : i32
      %dma_wait3A_190 = arith.constant 0 : i32
      %dma_wait3A_191 = tpu.memref_slice %arg12[%dma_wait3A_188, %dma_wait3A_189, %dma_wait3A_190] : memref<2x512x32xf32, #tpu.memory_space<vmem>> -> memref<1x128x32xf32, #tpu.memory_space<vmem>>
      %dma_wait3A_192 = tpu.memref_squeeze %dma_wait3A_191 : memref<1x128x32xf32, #tpu.memory_space<vmem>> -> memref<128x32xf32, #tpu.memory_space<vmem>>
      %dma_wait3A_193 = tpu.memref_slice %arg10[%mul3A_187] : memref<20480xi32, #tpu.memory_space<vmem>> -> memref<128xi32, #tpu.memory_space<vmem>>
      %dma_wait3A_194 = arith.constant 0 : i32
      %dma_wait3A_195 = arith.constant 0 : i32
      %dma_wait3A_196 = tpu.memref_slice %arg17[%dma_wait3A_194, %dma_wait3A_195] : memref<10240x32xf32, #tpu.memory_space<vmem_shared>> -> memref<10240x32xf32, #tpu.memory_space<vmem_shared>>
      tpu.wait_indirect_dma semaphore(%arg18 : memref<!tpu.dma_semaphore, #tpu.memory_space<semaphore_mem>>) src(%dma_wait3A_196 : memref<10240x32xf32, #tpu.memory_space<vmem_shared>>) dst(%dma_wait3A_192 : memref<128x32xf32, #tpu.memory_space<vmem>>)
      %mul3A_197 = arith.constant 4 : i32
      %mul3A_198 = arith.muli %mul3A_166, %mul3A_197 : i32
      %add3A_199 = arith.constant 2 : i32
      %add3A_200 = arith.addi %mul3A_198, %add3A_199 : i32
      %mul3A_201 = arith.constant 128 : i32
      %mul3A_202 = arith.muli %add3A_200, %mul3A_201 : i32
      %dma_wait3A_203 = arith.constant 0 : i32
      %dma_wait3A_204 = arith.constant 256 : i32
      %dma_wait3A_205 = arith.constant 0 : i32
      %dma_wait3A_206 = tpu.memref_slice %arg12[%dma_wait3A_203, %dma_wait3A_204, %dma_wait3A_205] : memref<2x512x32xf32, #tpu.memory_space<vmem>> -> memref<1x128x32xf32, #tpu.memory_space<vmem>>
      %dma_wait3A_207 = tpu.memref_squeeze %dma_wait3A_206 : memref<1x128x32xf32, #tpu.memory_space<vmem>> -> memref<128x32xf32, #tpu.memory_space<vmem>>
      %dma_wait3A_208 = tpu.memref_slice %arg10[%mul3A_202] : memref<20480xi32, #tpu.memory_space<vmem>> -> memref<128xi32, #tpu.memory_space<vmem>>
      %dma_wait3A_209 = arith.constant 0 : i32
      %dma_wait3A_210 = arith.constant 0 : i32
      %dma_wait3A_211 = tpu.memref_slice %arg17[%dma_wait3A_209, %dma_wait3A_210] : memref<10240x32xf32, #tpu.memory_space<vmem_shared>> -> memref<10240x32xf32, #tpu.memory_space<vmem_shared>>
      tpu.wait_indirect_dma semaphore(%arg18 : memref<!tpu.dma_semaphore, #tpu.memory_space<semaphore_mem>>) src(%dma_wait3A_211 : memref<10240x32xf32, #tpu.memory_space<vmem_shared>>) dst(%dma_wait3A_207 : memref<128x32xf32, #tpu.memory_space<vmem>>)
      %mul3A_212 = arith.constant 4 : i32
      %mul3A_213 = arith.muli %mul3A_166, %mul3A_212 : i32
      %add3A_214 = arith.constant 3 : i32
      %add3A_215 = arith.addi %mul3A_213, %add3A_214 : i32
      %mul3A_216 = arith.constant 128 : i32
      %mul3A_217 = arith.muli %add3A_215, %mul3A_216 : i32
      %dma_wait3A_218 = arith.constant 0 : i32
      %dma_wait3A_219 = arith.constant 384 : i32
      %dma_wait3A_220 = arith.constant 0 : i32
      %dma_wait3A_221 = tpu.memref_slice %arg12[%dma_wait3A_218, %dma_wait3A_219, %dma_wait3A_220] : memref<2x512x32xf32, #tpu.memory_space<vmem>> -> memref<1x128x32xf32, #tpu.memory_space<vmem>>
      %dma_wait3A_222 = tpu.memref_squeeze %dma_wait3A_221 : memref<1x128x32xf32, #tpu.memory_space<vmem>> -> memref<128x32xf32, #tpu.memory_space<vmem>>
      %dma_wait3A_223 = tpu.memref_slice %arg10[%mul3A_217] : memref<20480xi32, #tpu.memory_space<vmem>> -> memref<128xi32, #tpu.memory_space<vmem>>
      %dma_wait3A_224 = arith.constant 0 : i32
      %dma_wait3A_225 = arith.constant 0 : i32
      %dma_wait3A_226 = tpu.memref_slice %arg17[%dma_wait3A_224, %dma_wait3A_225] : memref<10240x32xf32, #tpu.memory_space<vmem_shared>> -> memref<10240x32xf32, #tpu.memory_space<vmem_shared>>
      tpu.wait_indirect_dma semaphore(%arg18 : memref<!tpu.dma_semaphore, #tpu.memory_space<semaphore_mem>>) src(%dma_wait3A_226 : memref<10240x32xf32, #tpu.memory_space<vmem_shared>>) dst(%dma_wait3A_222 : memref<128x32xf32, #tpu.memory_space<vmem>>)
      %mul3A_227 = arith.constant 4 : i32
      %mul3A_228 = arith.muli %mul3A_166, %mul3A_227 : i32
      %add3A_229 = arith.constant 0 : i32
      %add3A_230 = arith.addi %mul3A_228, %add3A_229 : i32
      %mul3A_231 = arith.constant 128 : i32
      %mul3A_232 = arith.muli %add3A_230, %mul3A_231 : i32
      %dma_start3A_233 = arith.constant 0 : i32
      %dma_start3A_234 = arith.constant 0 : i32
      %dma_start3A_235 = arith.constant 0 : i32
      %dma_start3A_236 = tpu.memref_slice %arg12[%dma_start3A_233, %dma_start3A_234, %dma_start3A_235] : memref<2x512x32xf32, #tpu.memory_space<vmem>> -> memref<1x128x32xf32, #tpu.memory_space<vmem>>
      %dma_start3A_237 = tpu.memref_squeeze %dma_start3A_236 : memref<1x128x32xf32, #tpu.memory_space<vmem>> -> memref<128x32xf32, #tpu.memory_space<vmem>>
      %dma_start3A_238 = tpu.memref_slice %arg11[%mul3A_232] : memref<20480xi32, #tpu.memory_space<vmem>> -> memref<128xi32, #tpu.memory_space<vmem>>
      %dma_start3A_239 = arith.constant 0 : i32
      %dma_start3A_240 = arith.constant 0 : i32
      %dma_start3A_241 = tpu.memref_slice %arg16[%dma_start3A_239, %dma_start3A_240] : memref<10240x32xf32, #tpu.memory_space<vmem_shared>> -> memref<10240x32xf32, #tpu.memory_space<vmem_shared>>
      tpu.enqueue_indirect_dma source(%dma_start3A_237 : memref<128x32xf32, #tpu.memory_space<vmem>>) target(%dma_start3A_241 : memref<10240x32xf32, #tpu.memory_space<vmem_shared>>) offsets(%dma_start3A_238 : memref<128xi32, #tpu.memory_space<vmem>>) semaphore(%arg20 : memref<!tpu.dma_semaphore, #tpu.memory_space<semaphore_mem>>) {add = true}
      %mul3A_242 = arith.constant 4 : i32
      %mul3A_243 = arith.muli %mul3A_166, %mul3A_242 : i32
      %add3A_244 = arith.constant 1 : i32
      %add3A_245 = arith.addi %mul3A_243, %add3A_244 : i32
      %mul3A_246 = arith.constant 128 : i32
      %mul3A_247 = arith.muli %add3A_245, %mul3A_246 : i32
      %dma_start3A_248 = arith.constant 0 : i32
      %dma_start3A_249 = arith.constant 128 : i32
      %dma_start3A_250 = arith.constant 0 : i32
      %dma_start3A_251 = tpu.memref_slice %arg12[%dma_start3A_248, %dma_start3A_249, %dma_start3A_250] : memref<2x512x32xf32, #tpu.memory_space<vmem>> -> memref<1x128x32xf32, #tpu.memory_space<vmem>>
      %dma_start3A_252 = tpu.memref_squeeze %dma_start3A_251 : memref<1x128x32xf32, #tpu.memory_space<vmem>> -> memref<128x32xf32, #tpu.memory_space<vmem>>
      %dma_start3A_253 = tpu.memref_slice %arg11[%mul3A_247] : memref<20480xi32, #tpu.memory_space<vmem>> -> memref<128xi32, #tpu.memory_space<vmem>>
      %dma_start3A_254 = arith.constant 0 : i32
      %dma_start3A_255 = arith.constant 0 : i32
      %dma_start3A_256 = tpu.memref_slice %arg16[%dma_start3A_254, %dma_start3A_255] : memref<10240x32xf32, #tpu.memory_space<vmem_shared>> -> memref<10240x32xf32, #tpu.memory_space<vmem_shared>>
      tpu.enqueue_indirect_dma source(%dma_start3A_252 : memref<128x32xf32, #tpu.memory_space<vmem>>) target(%dma_start3A_256 : memref<10240x32xf32, #tpu.memory_space<vmem_shared>>) offsets(%dma_start3A_253 : memref<128xi32, #tpu.memory_space<vmem>>) semaphore(%arg20 : memref<!tpu.dma_semaphore, #tpu.memory_space<semaphore_mem>>) {add = true}
      %mul3A_257 = arith.constant 4 : i32
      %mul3A_258 = arith.muli %mul3A_166, %mul3A_257 : i32
      %add3A_259 = arith.constant 2 : i32
      %add3A_260 = arith.addi %mul3A_258, %add3A_259 : i32
      %mul3A_261 = arith.constant 128 : i32
      %mul3A_262 = arith.muli %add3A_260, %mul3A_261 : i32
      %dma_start3A_263 = arith.constant 0 : i32
      %dma_start3A_264 = arith.constant 256 : i32
      %dma_start3A_265 = arith.constant 0 : i32
      %dma_start3A_266 = tpu.memref_slice %arg12[%dma_start3A_263, %dma_start3A_264, %dma_start3A_265] : memref<2x512x32xf32, #tpu.memory_space<vmem>> -> memref<1x128x32xf32, #tpu.memory_space<vmem>>
      %dma_start3A_267 = tpu.memref_squeeze %dma_start3A_266 : memref<1x128x32xf32, #tpu.memory_space<vmem>> -> memref<128x32xf32, #tpu.memory_space<vmem>>
      %dma_start3A_268 = tpu.memref_slice %arg11[%mul3A_262] : memref<20480xi32, #tpu.memory_space<vmem>> -> memref<128xi32, #tpu.memory_space<vmem>>
      %dma_start3A_269 = arith.constant 0 : i32
      %dma_start3A_270 = arith.constant 0 : i32
      %dma_start3A_271 = tpu.memref_slice %arg16[%dma_start3A_269, %dma_start3A_270] : memref<10240x32xf32, #tpu.memory_space<vmem_shared>> -> memref<10240x32xf32, #tpu.memory_space<vmem_shared>>
      tpu.enqueue_indirect_dma source(%dma_start3A_267 : memref<128x32xf32, #tpu.memory_space<vmem>>) target(%dma_start3A_271 : memref<10240x32xf32, #tpu.memory_space<vmem_shared>>) offsets(%dma_start3A_268 : memref<128xi32, #tpu.memory_space<vmem>>) semaphore(%arg20 : memref<!tpu.dma_semaphore, #tpu.memory_space<semaphore_mem>>) {add = true}
      %mul3A_272 = arith.constant 4 : i32
      %mul3A_273 = arith.muli %mul3A_166, %mul3A_272 : i32
      %add3A_274 = arith.constant 3 : i32
      %add3A_275 = arith.addi %mul3A_273, %add3A_274 : i32
      %mul3A_276 = arith.constant 128 : i32
      %mul3A_277 = arith.muli %add3A_275, %mul3A_276 : i32
      %dma_start3A_278 = arith.constant 0 : i32
      %dma_start3A_279 = arith.constant 384 : i32
      %dma_start3A_280 = arith.constant 0 : i32
      %dma_start3A_281 = tpu.memref_slice %arg12[%dma_start3A_278, %dma_start3A_279, %dma_start3A_280] : memref<2x512x32xf32, #tpu.memory_space<vmem>> -> memref<1x128x32xf32, #tpu.memory_space<vmem>>
      %dma_start3A_282 = tpu.memref_squeeze %dma_start3A_281 : memref<1x128x32xf32, #tpu.memory_space<vmem>> -> memref<128x32xf32, #tpu.memory_space<vmem>>
      %dma_start3A_283 = tpu.memref_slice %arg11[%mul3A_277] : memref<20480xi32, #tpu.memory_space<vmem>> -> memref<128xi32, #tpu.memory_space<vmem>>
      %dma_start3A_284 = arith.constant 0 : i32
      %dma_start3A_285 = arith.constant 0 : i32
      %dma_start3A_286 = tpu.memref_slice %arg16[%dma_start3A_284, %dma_start3A_285] : memref<10240x32xf32, #tpu.memory_space<vmem_shared>> -> memref<10240x32xf32, #tpu.memory_space<vmem_shared>>
      tpu.enqueue_indirect_dma source(%dma_start3A_282 : memref<128x32xf32, #tpu.memory_space<vmem>>) target(%dma_start3A_286 : memref<10240x32xf32, #tpu.memory_space<vmem_shared>>) offsets(%dma_start3A_283 : memref<128xi32, #tpu.memory_space<vmem>>) semaphore(%arg20 : memref<!tpu.dma_semaphore, #tpu.memory_space<semaphore_mem>>) {add = true}
      %gt3A = arith.constant 0 : i32
      %gt3A_287 = arith.cmpi sgt, %scan3A_164, %gt3A : i32
      %convert_element_type3A = arith.extui %gt3A_287 : i1 to i32
      %cond3A = arith.constant 0 : i32
      %cond3A_288 = arith.cmpi ne, %convert_element_type3A, %cond3A : i32
      scf.if %cond3A_288 {
        %sub3A = arith.constant 1 : i32
        %sub3A_479 = arith.subi %mul3A_166, %sub3A : i32
        %mul3A_480 = arith.constant 4 : i32
        %mul3A_481 = arith.muli %sub3A_479, %mul3A_480 : i32
        %add3A_482 = arith.constant 0 : i32
        %add3A_483 = arith.addi %mul3A_481, %add3A_482 : i32
        %mul3A_484 = arith.constant 128 : i32
        %mul3A_485 = arith.muli %add3A_483, %mul3A_484 : i32
        %dma_wait3A_486 = arith.constant 1 : i32
        %dma_wait3A_487 = arith.constant 0 : i32
        %dma_wait3A_488 = arith.constant 0 : i32
        %dma_wait3A_489 = tpu.memref_slice %arg12[%dma_wait3A_486, %dma_wait3A_487, %dma_wait3A_488] : memref<2x512x32xf32, #tpu.memory_space<vmem>> -> memref<1x128x32xf32, #tpu.memory_space<vmem>>
        %dma_wait3A_490 = tpu.memref_squeeze %dma_wait3A_489 : memref<1x128x32xf32, #tpu.memory_space<vmem>> -> memref<128x32xf32, #tpu.memory_space<vmem>>
        %dma_wait3A_491 = tpu.memref_slice %arg11[%mul3A_485] : memref<20480xi32, #tpu.memory_space<vmem>> -> memref<128xi32, #tpu.memory_space<vmem>>
        %dma_wait3A_492 = arith.constant 0 : i32
        %dma_wait3A_493 = arith.constant 0 : i32
        %dma_wait3A_494 = tpu.memref_slice %arg16[%dma_wait3A_492, %dma_wait3A_493] : memref<10240x32xf32, #tpu.memory_space<vmem_shared>> -> memref<10240x32xf32, #tpu.memory_space<vmem_shared>>
        tpu.wait_indirect_dma semaphore(%arg21 : memref<!tpu.dma_semaphore, #tpu.memory_space<semaphore_mem>>) src(%dma_wait3A_490 : memref<128x32xf32, #tpu.memory_space<vmem>>) dst(%dma_wait3A_494 : memref<10240x32xf32, #tpu.memory_space<vmem_shared>>)
        %mul3A_495 = arith.constant 4 : i32
        %mul3A_496 = arith.muli %sub3A_479, %mul3A_495 : i32
        %add3A_497 = arith.constant 1 : i32
        %add3A_498 = arith.addi %mul3A_496, %add3A_497 : i32
        %mul3A_499 = arith.constant 128 : i32
        %mul3A_500 = arith.muli %add3A_498, %mul3A_499 : i32
        %dma_wait3A_501 = arith.constant 1 : i32
        %dma_wait3A_502 = arith.constant 128 : i32
        %dma_wait3A_503 = arith.constant 0 : i32
        %dma_wait3A_504 = tpu.memref_slice %arg12[%dma_wait3A_501, %dma_wait3A_502, %dma_wait3A_503] : memref<2x512x32xf32, #tpu.memory_space<vmem>> -> memref<1x128x32xf32, #tpu.memory_space<vmem>>
        %dma_wait3A_505 = tpu.memref_squeeze %dma_wait3A_504 : memref<1x128x32xf32, #tpu.memory_space<vmem>> -> memref<128x32xf32, #tpu.memory_space<vmem>>
        %dma_wait3A_506 = tpu.memref_slice %arg11[%mul3A_500] : memref<20480xi32, #tpu.memory_space<vmem>> -> memref<128xi32, #tpu.memory_space<vmem>>
        %dma_wait3A_507 = arith.constant 0 : i32
        %dma_wait3A_508 = arith.constant 0 : i32
        %dma_wait3A_509 = tpu.memref_slice %arg16[%dma_wait3A_507, %dma_wait3A_508] : memref<10240x32xf32, #tpu.memory_space<vmem_shared>> -> memref<10240x32xf32, #tpu.memory_space<vmem_shared>>
        tpu.wait_indirect_dma semaphore(%arg21 : memref<!tpu.dma_semaphore, #tpu.memory_space<semaphore_mem>>) src(%dma_wait3A_505 : memref<128x32xf32, #tpu.memory_space<vmem>>) dst(%dma_wait3A_509 : memref<10240x32xf32, #tpu.memory_space<vmem_shared>>)
        %mul3A_510 = arith.constant 4 : i32
        %mul3A_511 = arith.muli %sub3A_479, %mul3A_510 : i32
        %add3A_512 = arith.constant 2 : i32
        %add3A_513 = arith.addi %mul3A_511, %add3A_512 : i32
        %mul3A_514 = arith.constant 128 : i32
        %mul3A_515 = arith.muli %add3A_513, %mul3A_514 : i32
        %dma_wait3A_516 = arith.constant 1 : i32
        %dma_wait3A_517 = arith.constant 256 : i32
        %dma_wait3A_518 = arith.constant 0 : i32
        %dma_wait3A_519 = tpu.memref_slice %arg12[%dma_wait3A_516, %dma_wait3A_517, %dma_wait3A_518] : memref<2x512x32xf32, #tpu.memory_space<vmem>> -> memref<1x128x32xf32, #tpu.memory_space<vmem>>
        %dma_wait3A_520 = tpu.memref_squeeze %dma_wait3A_519 : memref<1x128x32xf32, #tpu.memory_space<vmem>> -> memref<128x32xf32, #tpu.memory_space<vmem>>
        %dma_wait3A_521 = tpu.memref_slice %arg11[%mul3A_515] : memref<20480xi32, #tpu.memory_space<vmem>> -> memref<128xi32, #tpu.memory_space<vmem>>
        %dma_wait3A_522 = arith.constant 0 : i32
        %dma_wait3A_523 = arith.constant 0 : i32
        %dma_wait3A_524 = tpu.memref_slice %arg16[%dma_wait3A_522, %dma_wait3A_523] : memref<10240x32xf32, #tpu.memory_space<vmem_shared>> -> memref<10240x32xf32, #tpu.memory_space<vmem_shared>>
        tpu.wait_indirect_dma semaphore(%arg21 : memref<!tpu.dma_semaphore, #tpu.memory_space<semaphore_mem>>) src(%dma_wait3A_520 : memref<128x32xf32, #tpu.memory_space<vmem>>) dst(%dma_wait3A_524 : memref<10240x32xf32, #tpu.memory_space<vmem_shared>>)
        %mul3A_525 = arith.constant 4 : i32
        %mul3A_526 = arith.muli %sub3A_479, %mul3A_525 : i32
        %add3A_527 = arith.constant 3 : i32
        %add3A_528 = arith.addi %mul3A_526, %add3A_527 : i32
        %mul3A_529 = arith.constant 128 : i32
        %mul3A_530 = arith.muli %add3A_528, %mul3A_529 : i32
        %dma_wait3A_531 = arith.constant 1 : i32
        %dma_wait3A_532 = arith.constant 384 : i32
        %dma_wait3A_533 = arith.constant 0 : i32
        %dma_wait3A_534 = tpu.memref_slice %arg12[%dma_wait3A_531, %dma_wait3A_532, %dma_wait3A_533] : memref<2x512x32xf32, #tpu.memory_space<vmem>> -> memref<1x128x32xf32, #tpu.memory_space<vmem>>
        %dma_wait3A_535 = tpu.memref_squeeze %dma_wait3A_534 : memref<1x128x32xf32, #tpu.memory_space<vmem>> -> memref<128x32xf32, #tpu.memory_space<vmem>>
        %dma_wait3A_536 = tpu.memref_slice %arg11[%mul3A_530] : memref<20480xi32, #tpu.memory_space<vmem>> -> memref<128xi32, #tpu.memory_space<vmem>>
        %dma_wait3A_537 = arith.constant 0 : i32
        %dma_wait3A_538 = arith.constant 0 : i32
        %dma_wait3A_539 = tpu.memref_slice %arg16[%dma_wait3A_537, %dma_wait3A_538] : memref<10240x32xf32, #tpu.memory_space<vmem_shared>> -> memref<10240x32xf32, #tpu.memory_space<vmem_shared>>
        tpu.wait_indirect_dma semaphore(%arg21 : memref<!tpu.dma_semaphore, #tpu.memory_space<semaphore_mem>>) src(%dma_wait3A_535 : memref<128x32xf32, #tpu.memory_space<vmem>>) dst(%dma_wait3A_539 : memref<10240x32xf32, #tpu.memory_space<vmem_shared>>)
      } else {
      }
      %add3A_289 = arith.constant 1 : i32
      %add3A_290 = arith.addi %mul3A_166, %add3A_289 : i32
      %mul3A_291 = arith.constant 4 : i32
      %mul3A_292 = arith.muli %add3A_290, %mul3A_291 : i32
      %add3A_293 = arith.constant 0 : i32
      %add3A_294 = arith.addi %mul3A_292, %add3A_293 : i32
      %mul3A_295 = arith.constant 128 : i32
      %mul3A_296 = arith.muli %add3A_294, %mul3A_295 : i32
      %dma_start3A_297 = arith.constant 1 : i32
      %dma_start3A_298 = arith.constant 0 : i32
      %dma_start3A_299 = arith.constant 0 : i32
      %dma_start3A_300 = tpu.memref_slice %arg12[%dma_start3A_297, %dma_start3A_298, %dma_start3A_299] : memref<2x512x32xf32, #tpu.memory_space<vmem>> -> memref<1x128x32xf32, #tpu.memory_space<vmem>>
      %dma_start3A_301 = tpu.memref_squeeze %dma_start3A_300 : memref<1x128x32xf32, #tpu.memory_space<vmem>> -> memref<128x32xf32, #tpu.memory_space<vmem>>
      %dma_start3A_302 = tpu.memref_slice %arg10[%mul3A_296] : memref<20480xi32, #tpu.memory_space<vmem>> -> memref<128xi32, #tpu.memory_space<vmem>>
      %dma_start3A_303 = arith.constant 0 : i32
      %dma_start3A_304 = arith.constant 0 : i32
      %dma_start3A_305 = tpu.memref_slice %arg17[%dma_start3A_303, %dma_start3A_304] : memref<10240x32xf32, #tpu.memory_space<vmem_shared>> -> memref<10240x32xf32, #tpu.memory_space<vmem_shared>>
      tpu.enqueue_indirect_dma source(%dma_start3A_305 : memref<10240x32xf32, #tpu.memory_space<vmem_shared>>) target(%dma_start3A_301 : memref<128x32xf32, #tpu.memory_space<vmem>>) offsets(%dma_start3A_302 : memref<128xi32, #tpu.memory_space<vmem>>) semaphore(%arg19 : memref<!tpu.dma_semaphore, #tpu.memory_space<semaphore_mem>>)
      %mul3A_306 = arith.constant 4 : i32
      %mul3A_307 = arith.muli %add3A_290, %mul3A_306 : i32
      %add3A_308 = arith.constant 1 : i32
      %add3A_309 = arith.addi %mul3A_307, %add3A_308 : i32
      %mul3A_310 = arith.constant 128 : i32
      %mul3A_311 = arith.muli %add3A_309, %mul3A_310 : i32
      %dma_start3A_312 = arith.constant 1 : i32
      %dma_start3A_313 = arith.constant 128 : i32
      %dma_start3A_314 = arith.constant 0 : i32
      %dma_start3A_315 = tpu.memref_slice %arg12[%dma_start3A_312, %dma_start3A_313, %dma_start3A_314] : memref<2x512x32xf32, #tpu.memory_space<vmem>> -> memref<1x128x32xf32, #tpu.memory_space<vmem>>
      %dma_start3A_316 = tpu.memref_squeeze %dma_start3A_315 : memref<1x128x32xf32, #tpu.memory_space<vmem>> -> memref<128x32xf32, #tpu.memory_space<vmem>>
      %dma_start3A_317 = tpu.memref_slice %arg10[%mul3A_311] : memref<20480xi32, #tpu.memory_space<vmem>> -> memref<128xi32, #tpu.memory_space<vmem>>
      %dma_start3A_318 = arith.constant 0 : i32
      %dma_start3A_319 = arith.constant 0 : i32
      %dma_start3A_320 = tpu.memref_slice %arg17[%dma_start3A_318, %dma_start3A_319] : memref<10240x32xf32, #tpu.memory_space<vmem_shared>> -> memref<10240x32xf32, #tpu.memory_space<vmem_shared>>
      tpu.enqueue_indirect_dma source(%dma_start3A_320 : memref<10240x32xf32, #tpu.memory_space<vmem_shared>>) target(%dma_start3A_316 : memref<128x32xf32, #tpu.memory_space<vmem>>) offsets(%dma_start3A_317 : memref<128xi32, #tpu.memory_space<vmem>>) semaphore(%arg19 : memref<!tpu.dma_semaphore, #tpu.memory_space<semaphore_mem>>)
      %mul3A_321 = arith.constant 4 : i32
      %mul3A_322 = arith.muli %add3A_290, %mul3A_321 : i32
      %add3A_323 = arith.constant 2 : i32
      %add3A_324 = arith.addi %mul3A_322, %add3A_323 : i32
      %mul3A_325 = arith.constant 128 : i32
      %mul3A_326 = arith.muli %add3A_324, %mul3A_325 : i32
      %dma_start3A_327 = arith.constant 1 : i32
      %dma_start3A_328 = arith.constant 256 : i32
      %dma_start3A_329 = arith.constant 0 : i32
      %dma_start3A_330 = tpu.memref_slice %arg12[%dma_start3A_327, %dma_start3A_328, %dma_start3A_329] : memref<2x512x32xf32, #tpu.memory_space<vmem>> -> memref<1x128x32xf32, #tpu.memory_space<vmem>>
      %dma_start3A_331 = tpu.memref_squeeze %dma_start3A_330 : memref<1x128x32xf32, #tpu.memory_space<vmem>> -> memref<128x32xf32, #tpu.memory_space<vmem>>
      %dma_start3A_332 = tpu.memref_slice %arg10[%mul3A_326] : memref<20480xi32, #tpu.memory_space<vmem>> -> memref<128xi32, #tpu.memory_space<vmem>>
      %dma_start3A_333 = arith.constant 0 : i32
      %dma_start3A_334 = arith.constant 0 : i32
      %dma_start3A_335 = tpu.memref_slice %arg17[%dma_start3A_333, %dma_start3A_334] : memref<10240x32xf32, #tpu.memory_space<vmem_shared>> -> memref<10240x32xf32, #tpu.memory_space<vmem_shared>>
      tpu.enqueue_indirect_dma source(%dma_start3A_335 : memref<10240x32xf32, #tpu.memory_space<vmem_shared>>) target(%dma_start3A_331 : memref<128x32xf32, #tpu.memory_space<vmem>>) offsets(%dma_start3A_332 : memref<128xi32, #tpu.memory_space<vmem>>) semaphore(%arg19 : memref<!tpu.dma_semaphore, #tpu.memory_space<semaphore_mem>>)
      %mul3A_336 = arith.constant 4 : i32
      %mul3A_337 = arith.muli %add3A_290, %mul3A_336 : i32
      %add3A_338 = arith.constant 3 : i32
      %add3A_339 = arith.addi %mul3A_337, %add3A_338 : i32
      %mul3A_340 = arith.constant 128 : i32
      %mul3A_341 = arith.muli %add3A_339, %mul3A_340 : i32
      %dma_start3A_342 = arith.constant 1 : i32
      %dma_start3A_343 = arith.constant 384 : i32
      %dma_start3A_344 = arith.constant 0 : i32
      %dma_start3A_345 = tpu.memref_slice %arg12[%dma_start3A_342, %dma_start3A_343, %dma_start3A_344] : memref<2x512x32xf32, #tpu.memory_space<vmem>> -> memref<1x128x32xf32, #tpu.memory_space<vmem>>
      %dma_start3A_346 = tpu.memref_squeeze %dma_start3A_345 : memref<1x128x32xf32, #tpu.memory_space<vmem>> -> memref<128x32xf32, #tpu.memory_space<vmem>>
      %dma_start3A_347 = tpu.memref_slice %arg10[%mul3A_341] : memref<20480xi32, #tpu.memory_space<vmem>> -> memref<128xi32, #tpu.memory_space<vmem>>
      %dma_start3A_348 = arith.constant 0 : i32
      %dma_start3A_349 = arith.constant 0 : i32
      %dma_start3A_350 = tpu.memref_slice %arg17[%dma_start3A_348, %dma_start3A_349] : memref<10240x32xf32, #tpu.memory_space<vmem_shared>> -> memref<10240x32xf32, #tpu.memory_space<vmem_shared>>
      tpu.enqueue_indirect_dma source(%dma_start3A_350 : memref<10240x32xf32, #tpu.memory_space<vmem_shared>>) target(%dma_start3A_346 : memref<128x32xf32, #tpu.memory_space<vmem>>) offsets(%dma_start3A_347 : memref<128xi32, #tpu.memory_space<vmem>>) semaphore(%arg19 : memref<!tpu.dma_semaphore, #tpu.memory_space<semaphore_mem>>)
      %add3A_351 = arith.constant 1 : i32
      %add3A_352 = arith.addi %mul3A_166, %add3A_351 : i32
      %mul3A_353 = arith.constant 4 : i32
      %mul3A_354 = arith.muli %add3A_352, %mul3A_353 : i32
      %add3A_355 = arith.constant 0 : i32
      %add3A_356 = arith.addi %mul3A_354, %add3A_355 : i32
      %mul3A_357 = arith.constant 128 : i32
      %mul3A_358 = arith.muli %add3A_356, %mul3A_357 : i32
      %dma_wait3A_359 = arith.constant 1 : i32
      %dma_wait3A_360 = arith.constant 0 : i32
      %dma_wait3A_361 = arith.constant 0 : i32
      %dma_wait3A_362 = tpu.memref_slice %arg12[%dma_wait3A_359, %dma_wait3A_360, %dma_wait3A_361] : memref<2x512x32xf32, #tpu.memory_space<vmem>> -> memref<1x128x32xf32, #tpu.memory_space<vmem>>
      %dma_wait3A_363 = tpu.memref_squeeze %dma_wait3A_362 : memref<1x128x32xf32, #tpu.memory_space<vmem>> -> memref<128x32xf32, #tpu.memory_space<vmem>>
      %dma_wait3A_364 = tpu.memref_slice %arg10[%mul3A_358] : memref<20480xi32, #tpu.memory_space<vmem>> -> memref<128xi32, #tpu.memory_space<vmem>>
      %dma_wait3A_365 = arith.constant 0 : i32
      %dma_wait3A_366 = arith.constant 0 : i32
      %dma_wait3A_367 = tpu.memref_slice %arg17[%dma_wait3A_365, %dma_wait3A_366] : memref<10240x32xf32, #tpu.memory_space<vmem_shared>> -> memref<10240x32xf32, #tpu.memory_space<vmem_shared>>
      tpu.wait_indirect_dma semaphore(%arg19 : memref<!tpu.dma_semaphore, #tpu.memory_space<semaphore_mem>>) src(%dma_wait3A_367 : memref<10240x32xf32, #tpu.memory_space<vmem_shared>>) dst(%dma_wait3A_363 : memref<128x32xf32, #tpu.memory_space<vmem>>)
      %mul3A_368 = arith.constant 4 : i32
      %mul3A_369 = arith.muli %add3A_352, %mul3A_368 : i32
      %add3A_370 = arith.constant 1 : i32
      %add3A_371 = arith.addi %mul3A_369, %add3A_370 : i32
      %mul3A_372 = arith.constant 128 : i32
      %mul3A_373 = arith.muli %add3A_371, %mul3A_372 : i32
      %dma_wait3A_374 = arith.constant 1 : i32
      %dma_wait3A_375 = arith.constant 128 : i32
      %dma_wait3A_376 = arith.constant 0 : i32
      %dma_wait3A_377 = tpu.memref_slice %arg12[%dma_wait3A_374, %dma_wait3A_375, %dma_wait3A_376] : memref<2x512x32xf32, #tpu.memory_space<vmem>> -> memref<1x128x32xf32, #tpu.memory_space<vmem>>
      %dma_wait3A_378 = tpu.memref_squeeze %dma_wait3A_377 : memref<1x128x32xf32, #tpu.memory_space<vmem>> -> memref<128x32xf32, #tpu.memory_space<vmem>>
      %dma_wait3A_379 = tpu.memref_slice %arg10[%mul3A_373] : memref<20480xi32, #tpu.memory_space<vmem>> -> memref<128xi32, #tpu.memory_space<vmem>>
      %dma_wait3A_380 = arith.constant 0 : i32
      %dma_wait3A_381 = arith.constant 0 : i32
      %dma_wait3A_382 = tpu.memref_slice %arg17[%dma_wait3A_380, %dma_wait3A_381] : memref<10240x32xf32, #tpu.memory_space<vmem_shared>> -> memref<10240x32xf32, #tpu.memory_space<vmem_shared>>
      tpu.wait_indirect_dma semaphore(%arg19 : memref<!tpu.dma_semaphore, #tpu.memory_space<semaphore_mem>>) src(%dma_wait3A_382 : memref<10240x32xf32, #tpu.memory_space<vmem_shared>>) dst(%dma_wait3A_378 : memref<128x32xf32, #tpu.memory_space<vmem>>)
      %mul3A_383 = arith.constant 4 : i32
      %mul3A_384 = arith.muli %add3A_352, %mul3A_383 : i32
      %add3A_385 = arith.constant 2 : i32
      %add3A_386 = arith.addi %mul3A_384, %add3A_385 : i32
      %mul3A_387 = arith.constant 128 : i32
      %mul3A_388 = arith.muli %add3A_386, %mul3A_387 : i32
      %dma_wait3A_389 = arith.constant 1 : i32
      %dma_wait3A_390 = arith.constant 256 : i32
      %dma_wait3A_391 = arith.constant 0 : i32
      %dma_wait3A_392 = tpu.memref_slice %arg12[%dma_wait3A_389, %dma_wait3A_390, %dma_wait3A_391] : memref<2x512x32xf32, #tpu.memory_space<vmem>> -> memref<1x128x32xf32, #tpu.memory_space<vmem>>
      %dma_wait3A_393 = tpu.memref_squeeze %dma_wait3A_392 : memref<1x128x32xf32, #tpu.memory_space<vmem>> -> memref<128x32xf32, #tpu.memory_space<vmem>>
      %dma_wait3A_394 = tpu.memref_slice %arg10[%mul3A_388] : memref<20480xi32, #tpu.memory_space<vmem>> -> memref<128xi32, #tpu.memory_space<vmem>>
      %dma_wait3A_395 = arith.constant 0 : i32
      %dma_wait3A_396 = arith.constant 0 : i32
      %dma_wait3A_397 = tpu.memref_slice %arg17[%dma_wait3A_395, %dma_wait3A_396] : memref<10240x32xf32, #tpu.memory_space<vmem_shared>> -> memref<10240x32xf32, #tpu.memory_space<vmem_shared>>
      tpu.wait_indirect_dma semaphore(%arg19 : memref<!tpu.dma_semaphore, #tpu.memory_space<semaphore_mem>>) src(%dma_wait3A_397 : memref<10240x32xf32, #tpu.memory_space<vmem_shared>>) dst(%dma_wait3A_393 : memref<128x32xf32, #tpu.memory_space<vmem>>)
      %mul3A_398 = arith.constant 4 : i32
      %mul3A_399 = arith.muli %add3A_352, %mul3A_398 : i32
      %add3A_400 = arith.constant 3 : i32
      %add3A_401 = arith.addi %mul3A_399, %add3A_400 : i32
      %mul3A_402 = arith.constant 128 : i32
      %mul3A_403 = arith.muli %add3A_401, %mul3A_402 : i32
      %dma_wait3A_404 = arith.constant 1 : i32
      %dma_wait3A_405 = arith.constant 384 : i32
      %dma_wait3A_406 = arith.constant 0 : i32
      %dma_wait3A_407 = tpu.memref_slice %arg12[%dma_wait3A_404, %dma_wait3A_405, %dma_wait3A_406] : memref<2x512x32xf32, #tpu.memory_space<vmem>> -> memref<1x128x32xf32, #tpu.memory_space<vmem>>
      %dma_wait3A_408 = tpu.memref_squeeze %dma_wait3A_407 : memref<1x128x32xf32, #tpu.memory_space<vmem>> -> memref<128x32xf32, #tpu.memory_space<vmem>>
      %dma_wait3A_409 = tpu.memref_slice %arg10[%mul3A_403] : memref<20480xi32, #tpu.memory_space<vmem>> -> memref<128xi32, #tpu.memory_space<vmem>>
      %dma_wait3A_410 = arith.constant 0 : i32
      %dma_wait3A_411 = arith.constant 0 : i32
      %dma_wait3A_412 = tpu.memref_slice %arg17[%dma_wait3A_410, %dma_wait3A_411] : memref<10240x32xf32, #tpu.memory_space<vmem_shared>> -> memref<10240x32xf32, #tpu.memory_space<vmem_shared>>
      tpu.wait_indirect_dma semaphore(%arg19 : memref<!tpu.dma_semaphore, #tpu.memory_space<semaphore_mem>>) src(%dma_wait3A_412 : memref<10240x32xf32, #tpu.memory_space<vmem_shared>>) dst(%dma_wait3A_408 : memref<128x32xf32, #tpu.memory_space<vmem>>)
      %add3A_413 = arith.constant 1 : i32
      %add3A_414 = arith.addi %mul3A_166, %add3A_413 : i32
      %mul3A_415 = arith.constant 4 : i32
      %mul3A_416 = arith.muli %add3A_414, %mul3A_415 : i32
      %add3A_417 = arith.constant 0 : i32
      %add3A_418 = arith.addi %mul3A_416, %add3A_417 : i32
      %mul3A_419 = arith.constant 128 : i32
      %mul3A_420 = arith.muli %add3A_418, %mul3A_419 : i32
      %dma_start3A_421 = arith.constant 1 : i32
      %dma_start3A_422 = arith.constant 0 : i32
      %dma_start3A_423 = arith.constant 0 : i32
      %dma_start3A_424 = tpu.memref_slice %arg12[%dma_start3A_421, %dma_start3A_422, %dma_start3A_423] : memref<2x512x32xf32, #tpu.memory_space<vmem>> -> memref<1x128x32xf32, #tpu.memory_space<vmem>>
      %dma_start3A_425 = tpu.memref_squeeze %dma_start3A_424 : memref<1x128x32xf32, #tpu.memory_space<vmem>> -> memref<128x32xf32, #tpu.memory_space<vmem>>
      %dma_start3A_426 = tpu.memref_slice %arg11[%mul3A_420] : memref<20480xi32, #tpu.memory_space<vmem>> -> memref<128xi32, #tpu.memory_space<vmem>>
      %dma_start3A_427 = arith.constant 0 : i32
      %dma_start3A_428 = arith.constant 0 : i32
      %dma_start3A_429 = tpu.memref_slice %arg16[%dma_start3A_427, %dma_start3A_428] : memref<10240x32xf32, #tpu.memory_space<vmem_shared>> -> memref<10240x32xf32, #tpu.memory_space<vmem_shared>>
      tpu.enqueue_indirect_dma source(%dma_start3A_425 : memref<128x32xf32, #tpu.memory_space<vmem>>) target(%dma_start3A_429 : memref<10240x32xf32, #tpu.memory_space<vmem_shared>>) offsets(%dma_start3A_426 : memref<128xi32, #tpu.memory_space<vmem>>) semaphore(%arg21 : memref<!tpu.dma_semaphore, #tpu.memory_space<semaphore_mem>>) {add = true}
      %mul3A_430 = arith.constant 4 : i32
      %mul3A_431 = arith.muli %add3A_414, %mul3A_430 : i32
      %add3A_432 = arith.constant 1 : i32
      %add3A_433 = arith.addi %mul3A_431, %add3A_432 : i32
      %mul3A_434 = arith.constant 128 : i32
      %mul3A_435 = arith.muli %add3A_433, %mul3A_434 : i32
      %dma_start3A_436 = arith.constant 1 : i32
      %dma_start3A_437 = arith.constant 128 : i32
      %dma_start3A_438 = arith.constant 0 : i32
      %dma_start3A_439 = tpu.memref_slice %arg12[%dma_start3A_436, %dma_start3A_437, %dma_start3A_438] : memref<2x512x32xf32, #tpu.memory_space<vmem>> -> memref<1x128x32xf32, #tpu.memory_space<vmem>>
      %dma_start3A_440 = tpu.memref_squeeze %dma_start3A_439 : memref<1x128x32xf32, #tpu.memory_space<vmem>> -> memref<128x32xf32, #tpu.memory_space<vmem>>
      %dma_start3A_441 = tpu.memref_slice %arg11[%mul3A_435] : memref<20480xi32, #tpu.memory_space<vmem>> -> memref<128xi32, #tpu.memory_space<vmem>>
      %dma_start3A_442 = arith.constant 0 : i32
      %dma_start3A_443 = arith.constant 0 : i32
      %dma_start3A_444 = tpu.memref_slice %arg16[%dma_start3A_442, %dma_start3A_443] : memref<10240x32xf32, #tpu.memory_space<vmem_shared>> -> memref<10240x32xf32, #tpu.memory_space<vmem_shared>>
      tpu.enqueue_indirect_dma source(%dma_start3A_440 : memref<128x32xf32, #tpu.memory_space<vmem>>) target(%dma_start3A_444 : memref<10240x32xf32, #tpu.memory_space<vmem_shared>>) offsets(%dma_start3A_441 : memref<128xi32, #tpu.memory_space<vmem>>) semaphore(%arg21 : memref<!tpu.dma_semaphore, #tpu.memory_space<semaphore_mem>>) {add = true}
      %mul3A_445 = arith.constant 4 : i32
      %mul3A_446 = arith.muli %add3A_414, %mul3A_445 : i32
      %add3A_447 = arith.constant 2 : i32
      %add3A_448 = arith.addi %mul3A_446, %add3A_447 : i32
      %mul3A_449 = arith.constant 128 : i32
      %mul3A_450 = arith.muli %add3A_448, %mul3A_449 : i32
      %dma_start3A_451 = arith.constant 1 : i32
      %dma_start3A_452 = arith.constant 256 : i32
      %dma_start3A_453 = arith.constant 0 : i32
      %dma_start3A_454 = tpu.memref_slice %arg12[%dma_start3A_451, %dma_start3A_452, %dma_start3A_453] : memref<2x512x32xf32, #tpu.memory_space<vmem>> -> memref<1x128x32xf32, #tpu.memory_space<vmem>>
      %dma_start3A_455 = tpu.memref_squeeze %dma_start3A_454 : memref<1x128x32xf32, #tpu.memory_space<vmem>> -> memref<128x32xf32, #tpu.memory_space<vmem>>
      %dma_start3A_456 = tpu.memref_slice %arg11[%mul3A_450] : memref<20480xi32, #tpu.memory_space<vmem>> -> memref<128xi32, #tpu.memory_space<vmem>>
      %dma_start3A_457 = arith.constant 0 : i32
      %dma_start3A_458 = arith.constant 0 : i32
      %dma_start3A_459 = tpu.memref_slice %arg16[%dma_start3A_457, %dma_start3A_458] : memref<10240x32xf32, #tpu.memory_space<vmem_shared>> -> memref<10240x32xf32, #tpu.memory_space<vmem_shared>>
      tpu.enqueue_indirect_dma source(%dma_start3A_455 : memref<128x32xf32, #tpu.memory_space<vmem>>) target(%dma_start3A_459 : memref<10240x32xf32, #tpu.memory_space<vmem_shared>>) offsets(%dma_start3A_456 : memref<128xi32, #tpu.memory_space<vmem>>) semaphore(%arg21 : memref<!tpu.dma_semaphore, #tpu.memory_space<semaphore_mem>>) {add = true}
      %mul3A_460 = arith.constant 4 : i32
      %mul3A_461 = arith.muli %add3A_414, %mul3A_460 : i32
      %add3A_462 = arith.constant 3 : i32
      %add3A_463 = arith.addi %mul3A_461, %add3A_462 : i32
      %mul3A_464 = arith.constant 128 : i32
      %mul3A_465 = arith.muli %add3A_463, %mul3A_464 : i32
      %dma_start3A_466 = arith.constant 1 : i32
      %dma_start3A_467 = arith.constant 384 : i32
      %dma_start3A_468 = arith.constant 0 : i32
      %dma_start3A_469 = tpu.memref_slice %arg12[%dma_start3A_466, %dma_start3A_467, %dma_start3A_468] : memref<2x512x32xf32, #tpu.memory_space<vmem>> -> memref<1x128x32xf32, #tpu.memory_space<vmem>>
      %dma_start3A_470 = tpu.memref_squeeze %dma_start3A_469 : memref<1x128x32xf32, #tpu.memory_space<vmem>> -> memref<128x32xf32, #tpu.memory_space<vmem>>
      %dma_start3A_471 = tpu.memref_slice %arg11[%mul3A_465] : memref<20480xi32, #tpu.memory_space<vmem>> -> memref<128xi32, #tpu.memory_space<vmem>>
      %dma_start3A_472 = arith.constant 0 : i32
      %dma_start3A_473 = arith.constant 0 : i32
      %dma_start3A_474 = tpu.memref_slice %arg16[%dma_start3A_472, %dma_start3A_473] : memref<10240x32xf32, #tpu.memory_space<vmem_shared>> -> memref<10240x32xf32, #tpu.memory_space<vmem_shared>>
      tpu.enqueue_indirect_dma source(%dma_start3A_470 : memref<128x32xf32, #tpu.memory_space<vmem>>) target(%dma_start3A_474 : memref<10240x32xf32, #tpu.memory_space<vmem_shared>>) offsets(%dma_start3A_471 : memref<128xi32, #tpu.memory_space<vmem>>) semaphore(%arg21 : memref<!tpu.dma_semaphore, #tpu.memory_space<semaphore_mem>>) {add = true}
      %lt3A = arith.constant 19 : i32
      %lt3A_475 = arith.cmpi slt, %scan3A_164, %lt3A : i32
      %convert_element_type3A_476 = arith.extui %lt3A_475 : i1 to i32
      %cond3A_477 = arith.constant 0 : i32
      %cond3A_478 = arith.cmpi ne, %convert_element_type3A_476, %cond3A_477 : i32
      scf.if %cond3A_478 {
        %mul3A_479 = arith.constant 4 : i32
        %mul3A_480 = arith.muli %mul3A_166, %mul3A_479 : i32
        %add3A_481 = arith.constant 0 : i32
        %add3A_482 = arith.addi %mul3A_480, %add3A_481 : i32
        %mul3A_483 = arith.constant 128 : i32
        %mul3A_484 = arith.muli %add3A_482, %mul3A_483 : i32
        %dma_wait3A_485 = arith.constant 0 : i32
        %dma_wait3A_486 = arith.constant 0 : i32
        %dma_wait3A_487 = arith.constant 0 : i32
        %dma_wait3A_488 = tpu.memref_slice %arg12[%dma_wait3A_485, %dma_wait3A_486, %dma_wait3A_487] : memref<2x512x32xf32, #tpu.memory_space<vmem>> -> memref<1x128x32xf32, #tpu.memory_space<vmem>>
        %dma_wait3A_489 = tpu.memref_squeeze %dma_wait3A_488 : memref<1x128x32xf32, #tpu.memory_space<vmem>> -> memref<128x32xf32, #tpu.memory_space<vmem>>
        %dma_wait3A_490 = tpu.memref_slice %arg11[%mul3A_484] : memref<20480xi32, #tpu.memory_space<vmem>> -> memref<128xi32, #tpu.memory_space<vmem>>
        %dma_wait3A_491 = arith.constant 0 : i32
        %dma_wait3A_492 = arith.constant 0 : i32
        %dma_wait3A_493 = tpu.memref_slice %arg16[%dma_wait3A_491, %dma_wait3A_492] : memref<10240x32xf32, #tpu.memory_space<vmem_shared>> -> memref<10240x32xf32, #tpu.memory_space<vmem_shared>>
        tpu.wait_indirect_dma semaphore(%arg20 : memref<!tpu.dma_semaphore, #tpu.memory_space<semaphore_mem>>) src(%dma_wait3A_489 : memref<128x32xf32, #tpu.memory_space<vmem>>) dst(%dma_wait3A_493 : memref<10240x32xf32, #tpu.memory_space<vmem_shared>>)
        %mul3A_494 = arith.constant 4 : i32
        %mul3A_495 = arith.muli %mul3A_166, %mul3A_494 : i32
        %add3A_496 = arith.constant 1 : i32
        %add3A_497 = arith.addi %mul3A_495, %add3A_496 : i32
        %mul3A_498 = arith.constant 128 : i32
        %mul3A_499 = arith.muli %add3A_497, %mul3A_498 : i32
        %dma_wait3A_500 = arith.constant 0 : i32
        %dma_wait3A_501 = arith.constant 128 : i32
        %dma_wait3A_502 = arith.constant 0 : i32
        %dma_wait3A_503 = tpu.memref_slice %arg12[%dma_wait3A_500, %dma_wait3A_501, %dma_wait3A_502] : memref<2x512x32xf32, #tpu.memory_space<vmem>> -> memref<1x128x32xf32, #tpu.memory_space<vmem>>
        %dma_wait3A_504 = tpu.memref_squeeze %dma_wait3A_503 : memref<1x128x32xf32, #tpu.memory_space<vmem>> -> memref<128x32xf32, #tpu.memory_space<vmem>>
        %dma_wait3A_505 = tpu.memref_slice %arg11[%mul3A_499] : memref<20480xi32, #tpu.memory_space<vmem>> -> memref<128xi32, #tpu.memory_space<vmem>>
        %dma_wait3A_506 = arith.constant 0 : i32
        %dma_wait3A_507 = arith.constant 0 : i32
        %dma_wait3A_508 = tpu.memref_slice %arg16[%dma_wait3A_506, %dma_wait3A_507] : memref<10240x32xf32, #tpu.memory_space<vmem_shared>> -> memref<10240x32xf32, #tpu.memory_space<vmem_shared>>
        tpu.wait_indirect_dma semaphore(%arg20 : memref<!tpu.dma_semaphore, #tpu.memory_space<semaphore_mem>>) src(%dma_wait3A_504 : memref<128x32xf32, #tpu.memory_space<vmem>>) dst(%dma_wait3A_508 : memref<10240x32xf32, #tpu.memory_space<vmem_shared>>)
        %mul3A_509 = arith.constant 4 : i32
        %mul3A_510 = arith.muli %mul3A_166, %mul3A_509 : i32
        %add3A_511 = arith.constant 2 : i32
        %add3A_512 = arith.addi %mul3A_510, %add3A_511 : i32
        %mul3A_513 = arith.constant 128 : i32
        %mul3A_514 = arith.muli %add3A_512, %mul3A_513 : i32
        %dma_wait3A_515 = arith.constant 0 : i32
        %dma_wait3A_516 = arith.constant 256 : i32
        %dma_wait3A_517 = arith.constant 0 : i32
        %dma_wait3A_518 = tpu.memref_slice %arg12[%dma_wait3A_515, %dma_wait3A_516, %dma_wait3A_517] : memref<2x512x32xf32, #tpu.memory_space<vmem>> -> memref<1x128x32xf32, #tpu.memory_space<vmem>>
        %dma_wait3A_519 = tpu.memref_squeeze %dma_wait3A_518 : memref<1x128x32xf32, #tpu.memory_space<vmem>> -> memref<128x32xf32, #tpu.memory_space<vmem>>
        %dma_wait3A_520 = tpu.memref_slice %arg11[%mul3A_514] : memref<20480xi32, #tpu.memory_space<vmem>> -> memref<128xi32, #tpu.memory_space<vmem>>
        %dma_wait3A_521 = arith.constant 0 : i32
        %dma_wait3A_522 = arith.constant 0 : i32
        %dma_wait3A_523 = tpu.memref_slice %arg16[%dma_wait3A_521, %dma_wait3A_522] : memref<10240x32xf32, #tpu.memory_space<vmem_shared>> -> memref<10240x32xf32, #tpu.memory_space<vmem_shared>>
        tpu.wait_indirect_dma semaphore(%arg20 : memref<!tpu.dma_semaphore, #tpu.memory_space<semaphore_mem>>) src(%dma_wait3A_519 : memref<128x32xf32, #tpu.memory_space<vmem>>) dst(%dma_wait3A_523 : memref<10240x32xf32, #tpu.memory_space<vmem_shared>>)
        %mul3A_524 = arith.constant 4 : i32
        %mul3A_525 = arith.muli %mul3A_166, %mul3A_524 : i32
        %add3A_526 = arith.constant 3 : i32
        %add3A_527 = arith.addi %mul3A_525, %add3A_526 : i32
        %mul3A_528 = arith.constant 128 : i32
        %mul3A_529 = arith.muli %add3A_527, %mul3A_528 : i32
        %dma_wait3A_530 = arith.constant 0 : i32
        %dma_wait3A_531 = arith.constant 384 : i32
        %dma_wait3A_532 = arith.constant 0 : i32
        %dma_wait3A_533 = tpu.memref_slice %arg12[%dma_wait3A_530, %dma_wait3A_531, %dma_wait3A_532] : memref<2x512x32xf32, #tpu.memory_space<vmem>> -> memref<1x128x32xf32, #tpu.memory_space<vmem>>
        %dma_wait3A_534 = tpu.memref_squeeze %dma_wait3A_533 : memref<1x128x32xf32, #tpu.memory_space<vmem>> -> memref<128x32xf32, #tpu.memory_space<vmem>>
        %dma_wait3A_535 = tpu.memref_slice %arg11[%mul3A_529] : memref<20480xi32, #tpu.memory_space<vmem>> -> memref<128xi32, #tpu.memory_space<vmem>>
        %dma_wait3A_536 = arith.constant 0 : i32
        %dma_wait3A_537 = arith.constant 0 : i32
        %dma_wait3A_538 = tpu.memref_slice %arg16[%dma_wait3A_536, %dma_wait3A_537] : memref<10240x32xf32, #tpu.memory_space<vmem_shared>> -> memref<10240x32xf32, #tpu.memory_space<vmem_shared>>
        tpu.wait_indirect_dma semaphore(%arg20 : memref<!tpu.dma_semaphore, #tpu.memory_space<semaphore_mem>>) src(%dma_wait3A_534 : memref<128x32xf32, #tpu.memory_space<vmem>>) dst(%dma_wait3A_538 : memref<10240x32xf32, #tpu.memory_space<vmem_shared>>)
        %add3A_539 = arith.constant 2 : i32
        %add3A_540 = arith.addi %mul3A_166, %add3A_539 : i32
        %mul3A_541 = arith.constant 4 : i32
        %mul3A_542 = arith.muli %add3A_540, %mul3A_541 : i32
        %add3A_543 = arith.constant 0 : i32
        %add3A_544 = arith.addi %mul3A_542, %add3A_543 : i32
        %mul3A_545 = arith.constant 128 : i32
        %mul3A_546 = arith.muli %add3A_544, %mul3A_545 : i32
        %dma_start3A_547 = arith.constant 0 : i32
        %dma_start3A_548 = arith.constant 0 : i32
        %dma_start3A_549 = arith.constant 0 : i32
        %dma_start3A_550 = tpu.memref_slice %arg12[%dma_start3A_547, %dma_start3A_548, %dma_start3A_549] : memref<2x512x32xf32, #tpu.memory_space<vmem>> -> memref<1x128x32xf32, #tpu.memory_space<vmem>>
        %dma_start3A_551 = tpu.memref_squeeze %dma_start3A_550 : memref<1x128x32xf32, #tpu.memory_space<vmem>> -> memref<128x32xf32, #tpu.memory_space<vmem>>
        %dma_start3A_552 = tpu.memref_slice %arg10[%mul3A_546] : memref<20480xi32, #tpu.memory_space<vmem>> -> memref<128xi32, #tpu.memory_space<vmem>>
        %dma_start3A_553 = arith.constant 0 : i32
        %dma_start3A_554 = arith.constant 0 : i32
        %dma_start3A_555 = tpu.memref_slice %arg17[%dma_start3A_553, %dma_start3A_554] : memref<10240x32xf32, #tpu.memory_space<vmem_shared>> -> memref<10240x32xf32, #tpu.memory_space<vmem_shared>>
        tpu.enqueue_indirect_dma source(%dma_start3A_555 : memref<10240x32xf32, #tpu.memory_space<vmem_shared>>) target(%dma_start3A_551 : memref<128x32xf32, #tpu.memory_space<vmem>>) offsets(%dma_start3A_552 : memref<128xi32, #tpu.memory_space<vmem>>) semaphore(%arg18 : memref<!tpu.dma_semaphore, #tpu.memory_space<semaphore_mem>>)
        %mul3A_556 = arith.constant 4 : i32
        %mul3A_557 = arith.muli %add3A_540, %mul3A_556 : i32
        %add3A_558 = arith.constant 1 : i32
        %add3A_559 = arith.addi %mul3A_557, %add3A_558 : i32
        %mul3A_560 = arith.constant 128 : i32
        %mul3A_561 = arith.muli %add3A_559, %mul3A_560 : i32
        %dma_start3A_562 = arith.constant 0 : i32
        %dma_start3A_563 = arith.constant 128 : i32
        %dma_start3A_564 = arith.constant 0 : i32
        %dma_start3A_565 = tpu.memref_slice %arg12[%dma_start3A_562, %dma_start3A_563, %dma_start3A_564] : memref<2x512x32xf32, #tpu.memory_space<vmem>> -> memref<1x128x32xf32, #tpu.memory_space<vmem>>
        %dma_start3A_566 = tpu.memref_squeeze %dma_start3A_565 : memref<1x128x32xf32, #tpu.memory_space<vmem>> -> memref<128x32xf32, #tpu.memory_space<vmem>>
        %dma_start3A_567 = tpu.memref_slice %arg10[%mul3A_561] : memref<20480xi32, #tpu.memory_space<vmem>> -> memref<128xi32, #tpu.memory_space<vmem>>
        %dma_start3A_568 = arith.constant 0 : i32
        %dma_start3A_569 = arith.constant 0 : i32
        %dma_start3A_570 = tpu.memref_slice %arg17[%dma_start3A_568, %dma_start3A_569] : memref<10240x32xf32, #tpu.memory_space<vmem_shared>> -> memref<10240x32xf32, #tpu.memory_space<vmem_shared>>
        tpu.enqueue_indirect_dma source(%dma_start3A_570 : memref<10240x32xf32, #tpu.memory_space<vmem_shared>>) target(%dma_start3A_566 : memref<128x32xf32, #tpu.memory_space<vmem>>) offsets(%dma_start3A_567 : memref<128xi32, #tpu.memory_space<vmem>>) semaphore(%arg18 : memref<!tpu.dma_semaphore, #tpu.memory_space<semaphore_mem>>)
        %mul3A_571 = arith.constant 4 : i32
        %mul3A_572 = arith.muli %add3A_540, %mul3A_571 : i32
        %add3A_573 = arith.constant 2 : i32
        %add3A_574 = arith.addi %mul3A_572, %add3A_573 : i32
        %mul3A_575 = arith.constant 128 : i32
        %mul3A_576 = arith.muli %add3A_574, %mul3A_575 : i32
        %dma_start3A_577 = arith.constant 0 : i32
        %dma_start3A_578 = arith.constant 256 : i32
        %dma_start3A_579 = arith.constant 0 : i32
        %dma_start3A_580 = tpu.memref_slice %arg12[%dma_start3A_577, %dma_start3A_578, %dma_start3A_579] : memref<2x512x32xf32, #tpu.memory_space<vmem>> -> memref<1x128x32xf32, #tpu.memory_space<vmem>>
        %dma_start3A_581 = tpu.memref_squeeze %dma_start3A_580 : memref<1x128x32xf32, #tpu.memory_space<vmem>> -> memref<128x32xf32, #tpu.memory_space<vmem>>
        %dma_start3A_582 = tpu.memref_slice %arg10[%mul3A_576] : memref<20480xi32, #tpu.memory_space<vmem>> -> memref<128xi32, #tpu.memory_space<vmem>>
        %dma_start3A_583 = arith.constant 0 : i32
        %dma_start3A_584 = arith.constant 0 : i32
        %dma_start3A_585 = tpu.memref_slice %arg17[%dma_start3A_583, %dma_start3A_584] : memref<10240x32xf32, #tpu.memory_space<vmem_shared>> -> memref<10240x32xf32, #tpu.memory_space<vmem_shared>>
        tpu.enqueue_indirect_dma source(%dma_start3A_585 : memref<10240x32xf32, #tpu.memory_space<vmem_shared>>) target(%dma_start3A_581 : memref<128x32xf32, #tpu.memory_space<vmem>>) offsets(%dma_start3A_582 : memref<128xi32, #tpu.memory_space<vmem>>) semaphore(%arg18 : memref<!tpu.dma_semaphore, #tpu.memory_space<semaphore_mem>>)
        %mul3A_586 = arith.constant 4 : i32
        %mul3A_587 = arith.muli %add3A_540, %mul3A_586 : i32
        %add3A_588 = arith.constant 3 : i32
        %add3A_589 = arith.addi %mul3A_587, %add3A_588 : i32
        %mul3A_590 = arith.constant 128 : i32
        %mul3A_591 = arith.muli %add3A_589, %mul3A_590 : i32
        %dma_start3A_592 = arith.constant 0 : i32
        %dma_start3A_593 = arith.constant 384 : i32
        %dma_start3A_594 = arith.constant 0 : i32
        %dma_start3A_595 = tpu.memref_slice %arg12[%dma_start3A_592, %dma_start3A_593, %dma_start3A_594] : memref<2x512x32xf32, #tpu.memory_space<vmem>> -> memref<1x128x32xf32, #tpu.memory_space<vmem>>
        %dma_start3A_596 = tpu.memref_squeeze %dma_start3A_595 : memref<1x128x32xf32, #tpu.memory_space<vmem>> -> memref<128x32xf32, #tpu.memory_space<vmem>>
        %dma_start3A_597 = tpu.memref_slice %arg10[%mul3A_591] : memref<20480xi32, #tpu.memory_space<vmem>> -> memref<128xi32, #tpu.memory_space<vmem>>
        %dma_start3A_598 = arith.constant 0 : i32
        %dma_start3A_599 = arith.constant 0 : i32
        %dma_start3A_600 = tpu.memref_slice %arg17[%dma_start3A_598, %dma_start3A_599] : memref<10240x32xf32, #tpu.memory_space<vmem_shared>> -> memref<10240x32xf32, #tpu.memory_space<vmem_shared>>
        tpu.enqueue_indirect_dma source(%dma_start3A_600 : memref<10240x32xf32, #tpu.memory_space<vmem_shared>>) target(%dma_start3A_596 : memref<128x32xf32, #tpu.memory_space<vmem>>) offsets(%dma_start3A_597 : memref<128xi32, #tpu.memory_space<vmem>>) semaphore(%arg18 : memref<!tpu.dma_semaphore, #tpu.memory_space<semaphore_mem>>)
      } else {
      }
    }
    %scan3A_77 = arith.constant 20 : i32
    %dma_wait3A = arith.constant 0 : i32
    %dma_wait3A_78 = arith.constant 0 : i32
    %dma_wait3A_79 = arith.constant 0 : i32
    %dma_wait3A_80 = tpu.memref_slice %arg12[%dma_wait3A, %dma_wait3A_78, %dma_wait3A_79] : memref<2x512x32xf32, #tpu.memory_space<vmem>> -> memref<1x128x32xf32, #tpu.memory_space<vmem>>
    %dma_wait3A_81 = tpu.memref_squeeze %dma_wait3A_80 : memref<1x128x32xf32, #tpu.memory_space<vmem>> -> memref<128x32xf32, #tpu.memory_space<vmem>>
    %dma_wait3A_82 = arith.constant 19456 : i32
    %dma_wait3A_83 = tpu.memref_slice %arg11[%dma_wait3A_82] : memref<20480xi32, #tpu.memory_space<vmem>> -> memref<128xi32, #tpu.memory_space<vmem>>
    %dma_wait3A_84 = arith.constant 0 : i32
    %dma_wait3A_85 = arith.constant 0 : i32
    %dma_wait3A_86 = tpu.memref_slice %arg16[%dma_wait3A_84, %dma_wait3A_85] : memref<10240x32xf32, #tpu.memory_space<vmem_shared>> -> memref<10240x32xf32, #tpu.memory_space<vmem_shared>>
    tpu.wait_indirect_dma semaphore(%arg20 : memref<!tpu.dma_semaphore, #tpu.memory_space<semaphore_mem>>) src(%dma_wait3A_81 : memref<128x32xf32, #tpu.memory_space<vmem>>) dst(%dma_wait3A_86 : memref<10240x32xf32, #tpu.memory_space<vmem_shared>>)
    %dma_wait3A_87 = arith.constant 0 : i32
    %dma_wait3A_88 = arith.constant 128 : i32
    %dma_wait3A_89 = arith.constant 0 : i32
    %dma_wait3A_90 = tpu.memref_slice %arg12[%dma_wait3A_87, %dma_wait3A_88, %dma_wait3A_89] : memref<2x512x32xf32, #tpu.memory_space<vmem>> -> memref<1x128x32xf32, #tpu.memory_space<vmem>>
    %dma_wait3A_91 = tpu.memref_squeeze %dma_wait3A_90 : memref<1x128x32xf32, #tpu.memory_space<vmem>> -> memref<128x32xf32, #tpu.memory_space<vmem>>
    %dma_wait3A_92 = arith.constant 19584 : i32
    %dma_wait3A_93 = tpu.memref_slice %arg11[%dma_wait3A_92] : memref<20480xi32, #tpu.memory_space<vmem>> -> memref<128xi32, #tpu.memory_space<vmem>>
    %dma_wait3A_94 = arith.constant 0 : i32
    %dma_wait3A_95 = arith.constant 0 : i32
    %dma_wait3A_96 = tpu.memref_slice %arg16[%dma_wait3A_94, %dma_wait3A_95] : memref<10240x32xf32, #tpu.memory_space<vmem_shared>> -> memref<10240x32xf32, #tpu.memory_space<vmem_shared>>
    tpu.wait_indirect_dma semaphore(%arg20 : memref<!tpu.dma_semaphore, #tpu.memory_space<semaphore_mem>>) src(%dma_wait3A_91 : memref<128x32xf32, #tpu.memory_space<vmem>>) dst(%dma_wait3A_96 : memref<10240x32xf32, #tpu.memory_space<vmem_shared>>)
    %dma_wait3A_97 = arith.constant 0 : i32
    %dma_wait3A_98 = arith.constant 256 : i32
    %dma_wait3A_99 = arith.constant 0 : i32
    %dma_wait3A_100 = tpu.memref_slice %arg12[%dma_wait3A_97, %dma_wait3A_98, %dma_wait3A_99] : memref<2x512x32xf32, #tpu.memory_space<vmem>> -> memref<1x128x32xf32, #tpu.memory_space<vmem>>
    %dma_wait3A_101 = tpu.memref_squeeze %dma_wait3A_100 : memref<1x128x32xf32, #tpu.memory_space<vmem>> -> memref<128x32xf32, #tpu.memory_space<vmem>>
    %dma_wait3A_102 = arith.constant 19712 : i32
    %dma_wait3A_103 = tpu.memref_slice %arg11[%dma_wait3A_102] : memref<20480xi32, #tpu.memory_space<vmem>> -> memref<128xi32, #tpu.memory_space<vmem>>
    %dma_wait3A_104 = arith.constant 0 : i32
    %dma_wait3A_105 = arith.constant 0 : i32
    %dma_wait3A_106 = tpu.memref_slice %arg16[%dma_wait3A_104, %dma_wait3A_105] : memref<10240x32xf32, #tpu.memory_space<vmem_shared>> -> memref<10240x32xf32, #tpu.memory_space<vmem_shared>>
    tpu.wait_indirect_dma semaphore(%arg20 : memref<!tpu.dma_semaphore, #tpu.memory_space<semaphore_mem>>) src(%dma_wait3A_101 : memref<128x32xf32, #tpu.memory_space<vmem>>) dst(%dma_wait3A_106 : memref<10240x32xf32, #tpu.memory_space<vmem_shared>>)
    %dma_wait3A_107 = arith.constant 0 : i32
    %dma_wait3A_108 = arith.constant 384 : i32
    %dma_wait3A_109 = arith.constant 0 : i32
    %dma_wait3A_110 = tpu.memref_slice %arg12[%dma_wait3A_107, %dma_wait3A_108, %dma_wait3A_109] : memref<2x512x32xf32, #tpu.memory_space<vmem>> -> memref<1x128x32xf32, #tpu.memory_space<vmem>>
    %dma_wait3A_111 = tpu.memref_squeeze %dma_wait3A_110 : memref<1x128x32xf32, #tpu.memory_space<vmem>> -> memref<128x32xf32, #tpu.memory_space<vmem>>
    %dma_wait3A_112 = arith.constant 19840 : i32
    %dma_wait3A_113 = tpu.memref_slice %arg11[%dma_wait3A_112] : memref<20480xi32, #tpu.memory_space<vmem>> -> memref<128xi32, #tpu.memory_space<vmem>>
    %dma_wait3A_114 = arith.constant 0 : i32
    %dma_wait3A_115 = arith.constant 0 : i32
    %dma_wait3A_116 = tpu.memref_slice %arg16[%dma_wait3A_114, %dma_wait3A_115] : memref<10240x32xf32, #tpu.memory_space<vmem_shared>> -> memref<10240x32xf32, #tpu.memory_space<vmem_shared>>
    tpu.wait_indirect_dma semaphore(%arg20 : memref<!tpu.dma_semaphore, #tpu.memory_space<semaphore_mem>>) src(%dma_wait3A_111 : memref<128x32xf32, #tpu.memory_space<vmem>>) dst(%dma_wait3A_116 : memref<10240x32xf32, #tpu.memory_space<vmem_shared>>)
    %dma_wait3A_117 = arith.constant 1 : i32
    %dma_wait3A_118 = arith.constant 0 : i32
    %dma_wait3A_119 = arith.constant 0 : i32
    %dma_wait3A_120 = tpu.memref_slice %arg12[%dma_wait3A_117, %dma_wait3A_118, %dma_wait3A_119] : memref<2x512x32xf32, #tpu.memory_space<vmem>> -> memref<1x128x32xf32, #tpu.memory_space<vmem>>
    %dma_wait3A_121 = tpu.memref_squeeze %dma_wait3A_120 : memref<1x128x32xf32, #tpu.memory_space<vmem>> -> memref<128x32xf32, #tpu.memory_space<vmem>>
    %dma_wait3A_122 = arith.constant 19968 : i32
    %dma_wait3A_123 = tpu.memref_slice %arg11[%dma_wait3A_122] : memref<20480xi32, #tpu.memory_space<vmem>> -> memref<128xi32, #tpu.memory_space<vmem>>
    %dma_wait3A_124 = arith.constant 0 : i32
    %dma_wait3A_125 = arith.constant 0 : i32
    %dma_wait3A_126 = tpu.memref_slice %arg16[%dma_wait3A_124, %dma_wait3A_125] : memref<10240x32xf32, #tpu.memory_space<vmem_shared>> -> memref<10240x32xf32, #tpu.memory_space<vmem_shared>>
    tpu.wait_indirect_dma semaphore(%arg21 : memref<!tpu.dma_semaphore, #tpu.memory_space<semaphore_mem>>) src(%dma_wait3A_121 : memref<128x32xf32, #tpu.memory_space<vmem>>) dst(%dma_wait3A_126 : memref<10240x32xf32, #tpu.memory_space<vmem_shared>>)
    %dma_wait3A_127 = arith.constant 1 : i32
    %dma_wait3A_128 = arith.constant 128 : i32
    %dma_wait3A_129 = arith.constant 0 : i32
    %dma_wait3A_130 = tpu.memref_slice %arg12[%dma_wait3A_127, %dma_wait3A_128, %dma_wait3A_129] : memref<2x512x32xf32, #tpu.memory_space<vmem>> -> memref<1x128x32xf32, #tpu.memory_space<vmem>>
    %dma_wait3A_131 = tpu.memref_squeeze %dma_wait3A_130 : memref<1x128x32xf32, #tpu.memory_space<vmem>> -> memref<128x32xf32, #tpu.memory_space<vmem>>
    %dma_wait3A_132 = arith.constant 20096 : i32
    %dma_wait3A_133 = tpu.memref_slice %arg11[%dma_wait3A_132] : memref<20480xi32, #tpu.memory_space<vmem>> -> memref<128xi32, #tpu.memory_space<vmem>>
    %dma_wait3A_134 = arith.constant 0 : i32
    %dma_wait3A_135 = arith.constant 0 : i32
    %dma_wait3A_136 = tpu.memref_slice %arg16[%dma_wait3A_134, %dma_wait3A_135] : memref<10240x32xf32, #tpu.memory_space<vmem_shared>> -> memref<10240x32xf32, #tpu.memory_space<vmem_shared>>
    tpu.wait_indirect_dma semaphore(%arg21 : memref<!tpu.dma_semaphore, #tpu.memory_space<semaphore_mem>>) src(%dma_wait3A_131 : memref<128x32xf32, #tpu.memory_space<vmem>>) dst(%dma_wait3A_136 : memref<10240x32xf32, #tpu.memory_space<vmem_shared>>)
    %dma_wait3A_137 = arith.constant 1 : i32
    %dma_wait3A_138 = arith.constant 256 : i32
    %dma_wait3A_139 = arith.constant 0 : i32
    %dma_wait3A_140 = tpu.memref_slice %arg12[%dma_wait3A_137, %dma_wait3A_138, %dma_wait3A_139] : memref<2x512x32xf32, #tpu.memory_space<vmem>> -> memref<1x128x32xf32, #tpu.memory_space<vmem>>
    %dma_wait3A_141 = tpu.memref_squeeze %dma_wait3A_140 : memref<1x128x32xf32, #tpu.memory_space<vmem>> -> memref<128x32xf32, #tpu.memory_space<vmem>>
    %dma_wait3A_142 = arith.constant 20224 : i32
    %dma_wait3A_143 = tpu.memref_slice %arg11[%dma_wait3A_142] : memref<20480xi32, #tpu.memory_space<vmem>> -> memref<128xi32, #tpu.memory_space<vmem>>
    %dma_wait3A_144 = arith.constant 0 : i32
    %dma_wait3A_145 = arith.constant 0 : i32
    %dma_wait3A_146 = tpu.memref_slice %arg16[%dma_wait3A_144, %dma_wait3A_145] : memref<10240x32xf32, #tpu.memory_space<vmem_shared>> -> memref<10240x32xf32, #tpu.memory_space<vmem_shared>>
    tpu.wait_indirect_dma semaphore(%arg21 : memref<!tpu.dma_semaphore, #tpu.memory_space<semaphore_mem>>) src(%dma_wait3A_141 : memref<128x32xf32, #tpu.memory_space<vmem>>) dst(%dma_wait3A_146 : memref<10240x32xf32, #tpu.memory_space<vmem_shared>>)
    %dma_wait3A_147 = arith.constant 1 : i32
    %dma_wait3A_148 = arith.constant 384 : i32
    %dma_wait3A_149 = arith.constant 0 : i32
    %dma_wait3A_150 = tpu.memref_slice %arg12[%dma_wait3A_147, %dma_wait3A_148, %dma_wait3A_149] : memref<2x512x32xf32, #tpu.memory_space<vmem>> -> memref<1x128x32xf32, #tpu.memory_space<vmem>>
    %dma_wait3A_151 = tpu.memref_squeeze %dma_wait3A_150 : memref<1x128x32xf32, #tpu.memory_space<vmem>> -> memref<128x32xf32, #tpu.memory_space<vmem>>
    %dma_wait3A_152 = arith.constant 20352 : i32
    %dma_wait3A_153 = tpu.memref_slice %arg11[%dma_wait3A_152] : memref<20480xi32, #tpu.memory_space<vmem>> -> memref<128xi32, #tpu.memory_space<vmem>>
    %dma_wait3A_154 = arith.constant 0 : i32
    %dma_wait3A_155 = arith.constant 0 : i32
    %dma_wait3A_156 = tpu.memref_slice %arg16[%dma_wait3A_154, %dma_wait3A_155] : memref<10240x32xf32, #tpu.memory_space<vmem_shared>> -> memref<10240x32xf32, #tpu.memory_space<vmem_shared>>
    tpu.wait_indirect_dma semaphore(%arg21 : memref<!tpu.dma_semaphore, #tpu.memory_space<semaphore_mem>>) src(%dma_wait3A_151 : memref<128x32xf32, #tpu.memory_space<vmem>>) dst(%dma_wait3A_156 : memref<10240x32xf32, #tpu.memory_space<vmem_shared>>)
    %barrier3A_157 = arith.constant 0 : index
    tpu.barrier barrier_id(%barrier3A_157)
    %mul3A_158 = arith.constant 640 : i32
    %mul3A_159 = arith.muli %arg1, %mul3A_158 : i32
    %mul3A_160 = arith.constant 640 : i32
    %mul3A_161 = arith.muli %arg1, %mul3A_160 : i32
    %mul3A_162 = arith.constant 32 : i32
    %mul3A_163 = arith.muli %arg0, %mul3A_162 : i32
    "tpu.region"() ({
      %run_scoped3A_164 = tpu.sem_alloc : memref<!tpu.dma_semaphore, #tpu.memory_space<semaphore_mem>>
      %dma_start3A_165 = tpu.memref_slice %arg8[%mul3A_161, %mul3A_163] : memref<10240x64xf32, #tpu.memory_space<hbm>> -> memref<640x32xf32, #tpu.memory_space<hbm>>
      %dma_start3A_166 = arith.constant 0 : i32
      %dma_start3A_167 = tpu.memref_slice %arg16[%mul3A_159, %dma_start3A_166] : memref<10240x32xf32, #tpu.memory_space<vmem_shared>> -> memref<640x32xf32, #tpu.memory_space<vmem_shared>>
      tpu.enqueue_dma source(%dma_start3A_167 : memref<640x32xf32, #tpu.memory_space<vmem_shared>>) target(%dma_start3A_165 : memref<640x32xf32, #tpu.memory_space<hbm>>) target_semaphore(%run_scoped3A_164 : memref<!tpu.dma_semaphore, #tpu.memory_space<semaphore_mem>>)
      %dma_wait3A_168 = tpu.memref_slice %arg8[%mul3A_161, %mul3A_163] : memref<10240x64xf32, #tpu.memory_space<hbm>> -> memref<640x32xf32, #tpu.memory_space<hbm>>
      %dma_wait3A_169 = arith.constant 0 : i32
      %dma_wait3A_170 = tpu.memref_slice %arg16[%mul3A_159, %dma_wait3A_169] : memref<10240x32xf32, #tpu.memory_space<vmem_shared>> -> memref<640x32xf32, #tpu.memory_space<vmem_shared>>
      tpu.wait_dma2 semaphore(%run_scoped3A_164 : memref<!tpu.dma_semaphore, #tpu.memory_space<semaphore_mem>>) src(%dma_wait3A_170 : memref<640x32xf32, #tpu.memory_space<vmem_shared>>) dst(%dma_wait3A_168 : memref<640x32xf32, #tpu.memory_space<hbm>>)
      tpu.yield
    }) : () -> ()
    return
  }
}

#map = affine_map<(d0, d1) -> (0, 0)>
#map1 = affine_map<(d0, d1) -> (0)>
#map2 = affine_map<(d0, d1) -> (0, 0, 0)>
module attributes {stable_mosaic.version = 14 : i64} {
  func.func @k(%arg0: i32, %arg1: i32, %arg2: memref<10240x16xf32, #tpu.memory_space<hbm>>, %arg3: memref<2x320000xi32, #tpu.memory_space<hbm>>, %arg4: memref<480xi32, #tpu.memory_space<hbm>>, %arg5: memref<480xi32, #tpu.memory_space<hbm>>, %arg6: memref<10240x16xf32, #tpu.memory_space<hbm>>, %arg7: memref<2x10240x16xf32, #tpu.memory_space<hbm>>, %arg8: memref<10240xi32, #tpu.memory_space<vmem>>, %arg9: memref<10240xi32, #tpu.memory_space<vmem>>, %arg10: memref<2x1024x16xf32, #tpu.memory_space<vmem>>, %arg11: memref<10240x16xf32, #tpu.memory_space<vmem_shared>>, %arg12: memref<10240x16xf32, #tpu.memory_space<vmem_shared>>, %arg13: memref<!tpu.dma_semaphore, #tpu.memory_space<semaphore_mem>>, %arg14: memref<!tpu.dma_semaphore, #tpu.memory_space<semaphore_mem>>, %arg15: memref<!tpu.dma_semaphore, #tpu.memory_space<semaphore_mem>>, %arg16: memref<!tpu.dma_semaphore, #tpu.memory_space<semaphore_mem>>) attributes {dimension_semantics = [#tpu.dimension_semantics<core_parallel>, #tpu.dimension_semantics<subcore_parallel>], iteration_bounds = array<i64: 2, 16>, scalar_prefetch = 0 : i64, scratch_operands = 9 : i64, tpu.core_type = #tpu.core_type<sc_vector_subcore>, window_params = [{transform_indices = #map}, {transform_indices = #map}, {transform_indices = #map1}, {transform_indices = #map1}, {transform_indices = #map}, {transform_indices = #map2}]} {
    %mul3A = arith.constant 16 : i32
    %mul3A_0 = arith.muli %arg0, %mul3A : i32
    %add3A = arith.addi %mul3A_0, %arg1 : i32
    %mul3A_1 = arith.constant 10000 : i32
    %mul3A_2 = arith.muli %add3A, %mul3A_1 : i32
    %run_scoped3A = arith.constant 0 : i32
    "tpu.region"() ({
      %run_scoped3A_260 = tpu.sem_alloc : memref<!tpu.dma_semaphore, #tpu.memory_space<semaphore_mem>>
      %dma_start3A_261 = arith.constant 0 : i32
      %dma_start3A_262 = tpu.memref_slice %arg8[%dma_start3A_261] : memref<10240xi32, #tpu.memory_space<vmem>> -> memref<10000xi32, #tpu.memory_space<vmem>>
      %dma_start3A_263 = tpu.memref_slice %arg3[%run_scoped3A, %mul3A_2] : memref<2x320000xi32, #tpu.memory_space<hbm>> -> memref<1x10000xi32, #tpu.memory_space<hbm>>
      %dma_start3A_264 = tpu.memref_squeeze %dma_start3A_263 : memref<1x10000xi32, #tpu.memory_space<hbm>> -> memref<10000xi32, #tpu.memory_space<hbm>>
      %dma_start3A_265 = arith.constant 0 : i32
      %dma_start3A_266 = tpu.memref_slice %arg8[%dma_start3A_265] : memref<10240xi32, #tpu.memory_space<vmem>> -> memref<10000xi32, #tpu.memory_space<vmem>>
      %dma_start3A_267 = tpu.memref_slice %arg3[%run_scoped3A, %mul3A_2] : memref<2x320000xi32, #tpu.memory_space<hbm>> -> memref<1x10000xi32, #tpu.memory_space<hbm>>
      %dma_start3A_268 = tpu.memref_squeeze %dma_start3A_267 : memref<1x10000xi32, #tpu.memory_space<hbm>> -> memref<10000xi32, #tpu.memory_space<hbm>>
      tpu.enqueue_dma source(%dma_start3A_268 : memref<10000xi32, #tpu.memory_space<hbm>>) target(%dma_start3A_266 : memref<10000xi32, #tpu.memory_space<vmem>>) target_semaphore(%run_scoped3A_260 : memref<!tpu.dma_semaphore, #tpu.memory_space<semaphore_mem>>)
      %dma_wait3A_269 = arith.constant 0 : i32
      %dma_wait3A_270 = tpu.memref_slice %arg8[%dma_wait3A_269] : memref<10240xi32, #tpu.memory_space<vmem>> -> memref<10000xi32, #tpu.memory_space<vmem>>
      %dma_wait3A_271 = tpu.memref_slice %arg3[%run_scoped3A, %mul3A_2] : memref<2x320000xi32, #tpu.memory_space<hbm>> -> memref<1x10000xi32, #tpu.memory_space<hbm>>
      %dma_wait3A_272 = tpu.memref_squeeze %dma_wait3A_271 : memref<1x10000xi32, #tpu.memory_space<hbm>> -> memref<10000xi32, #tpu.memory_space<hbm>>
      %dma_wait3A_273 = arith.constant 0 : i32
      %dma_wait3A_274 = tpu.memref_slice %arg8[%dma_wait3A_273] : memref<10240xi32, #tpu.memory_space<vmem>> -> memref<10000xi32, #tpu.memory_space<vmem>>
      %dma_wait3A_275 = tpu.memref_slice %arg3[%run_scoped3A, %mul3A_2] : memref<2x320000xi32, #tpu.memory_space<hbm>> -> memref<1x10000xi32, #tpu.memory_space<hbm>>
      %dma_wait3A_276 = tpu.memref_squeeze %dma_wait3A_275 : memref<1x10000xi32, #tpu.memory_space<hbm>> -> memref<10000xi32, #tpu.memory_space<hbm>>
      tpu.wait_dma2 semaphore(%run_scoped3A_260 : memref<!tpu.dma_semaphore, #tpu.memory_space<semaphore_mem>>) src(%dma_wait3A_276 : memref<10000xi32, #tpu.memory_space<hbm>>) dst(%dma_wait3A_274 : memref<10000xi32, #tpu.memory_space<vmem>>)
      tpu.yield
    }) : () -> ()
    %run_scoped3A_3 = arith.constant 1 : i32
    "tpu.region"() ({
      %run_scoped3A_260 = tpu.sem_alloc : memref<!tpu.dma_semaphore, #tpu.memory_space<semaphore_mem>>
      %dma_start3A_261 = arith.constant 0 : i32
      %dma_start3A_262 = tpu.memref_slice %arg9[%dma_start3A_261] : memref<10240xi32, #tpu.memory_space<vmem>> -> memref<10000xi32, #tpu.memory_space<vmem>>
      %dma_start3A_263 = tpu.memref_slice %arg3[%run_scoped3A_3, %mul3A_2] : memref<2x320000xi32, #tpu.memory_space<hbm>> -> memref<1x10000xi32, #tpu.memory_space<hbm>>
      %dma_start3A_264 = tpu.memref_squeeze %dma_start3A_263 : memref<1x10000xi32, #tpu.memory_space<hbm>> -> memref<10000xi32, #tpu.memory_space<hbm>>
      %dma_start3A_265 = arith.constant 0 : i32
      %dma_start3A_266 = tpu.memref_slice %arg9[%dma_start3A_265] : memref<10240xi32, #tpu.memory_space<vmem>> -> memref<10000xi32, #tpu.memory_space<vmem>>
      %dma_start3A_267 = tpu.memref_slice %arg3[%run_scoped3A_3, %mul3A_2] : memref<2x320000xi32, #tpu.memory_space<hbm>> -> memref<1x10000xi32, #tpu.memory_space<hbm>>
      %dma_start3A_268 = tpu.memref_squeeze %dma_start3A_267 : memref<1x10000xi32, #tpu.memory_space<hbm>> -> memref<10000xi32, #tpu.memory_space<hbm>>
      tpu.enqueue_dma source(%dma_start3A_268 : memref<10000xi32, #tpu.memory_space<hbm>>) target(%dma_start3A_266 : memref<10000xi32, #tpu.memory_space<vmem>>) target_semaphore(%run_scoped3A_260 : memref<!tpu.dma_semaphore, #tpu.memory_space<semaphore_mem>>)
      %dma_wait3A_269 = arith.constant 0 : i32
      %dma_wait3A_270 = tpu.memref_slice %arg9[%dma_wait3A_269] : memref<10240xi32, #tpu.memory_space<vmem>> -> memref<10000xi32, #tpu.memory_space<vmem>>
      %dma_wait3A_271 = tpu.memref_slice %arg3[%run_scoped3A_3, %mul3A_2] : memref<2x320000xi32, #tpu.memory_space<hbm>> -> memref<1x10000xi32, #tpu.memory_space<hbm>>
      %dma_wait3A_272 = tpu.memref_squeeze %dma_wait3A_271 : memref<1x10000xi32, #tpu.memory_space<hbm>> -> memref<10000xi32, #tpu.memory_space<hbm>>
      %dma_wait3A_273 = arith.constant 0 : i32
      %dma_wait3A_274 = tpu.memref_slice %arg9[%dma_wait3A_273] : memref<10240xi32, #tpu.memory_space<vmem>> -> memref<10000xi32, #tpu.memory_space<vmem>>
      %dma_wait3A_275 = tpu.memref_slice %arg3[%run_scoped3A_3, %mul3A_2] : memref<2x320000xi32, #tpu.memory_space<hbm>> -> memref<1x10000xi32, #tpu.memory_space<hbm>>
      %dma_wait3A_276 = tpu.memref_squeeze %dma_wait3A_275 : memref<1x10000xi32, #tpu.memory_space<hbm>> -> memref<10000xi32, #tpu.memory_space<hbm>>
      tpu.wait_dma2 semaphore(%run_scoped3A_260 : memref<!tpu.dma_semaphore, #tpu.memory_space<semaphore_mem>>) src(%dma_wait3A_276 : memref<10000xi32, #tpu.memory_space<hbm>>) dst(%dma_wait3A_274 : memref<10000xi32, #tpu.memory_space<vmem>>)
      tpu.yield
    }) : () -> ()
    "tpu.region"() ({
      %run_scoped3A_260 = tpu.sem_alloc : memref<!tpu.dma_semaphore, #tpu.memory_space<semaphore_mem>>
      %dma_start3A_261 = arith.constant 10000 : i32
      %dma_start3A_262 = tpu.memref_slice %arg8[%dma_start3A_261] : memref<10240xi32, #tpu.memory_space<vmem>> -> memref<240xi32, #tpu.memory_space<vmem>>
      %dma_start3A_263 = arith.constant 0 : i32
      %dma_start3A_264 = tpu.memref_slice %arg4[%dma_start3A_263] : memref<480xi32, #tpu.memory_space<hbm>> -> memref<240xi32, #tpu.memory_space<hbm>>
      %dma_start3A_265 = arith.constant 10000 : i32
      %dma_start3A_266 = tpu.memref_slice %arg8[%dma_start3A_265] : memref<10240xi32, #tpu.memory_space<vmem>> -> memref<240xi32, #tpu.memory_space<vmem>>
      %dma_start3A_267 = arith.constant 0 : i32
      %dma_start3A_268 = tpu.memref_slice %arg4[%dma_start3A_267] : memref<480xi32, #tpu.memory_space<hbm>> -> memref<240xi32, #tpu.memory_space<hbm>>
      tpu.enqueue_dma source(%dma_start3A_268 : memref<240xi32, #tpu.memory_space<hbm>>) target(%dma_start3A_266 : memref<240xi32, #tpu.memory_space<vmem>>) target_semaphore(%run_scoped3A_260 : memref<!tpu.dma_semaphore, #tpu.memory_space<semaphore_mem>>)
      %dma_wait3A_269 = arith.constant 10000 : i32
      %dma_wait3A_270 = tpu.memref_slice %arg8[%dma_wait3A_269] : memref<10240xi32, #tpu.memory_space<vmem>> -> memref<240xi32, #tpu.memory_space<vmem>>
      %dma_wait3A_271 = arith.constant 0 : i32
      %dma_wait3A_272 = tpu.memref_slice %arg4[%dma_wait3A_271] : memref<480xi32, #tpu.memory_space<hbm>> -> memref<240xi32, #tpu.memory_space<hbm>>
      %dma_wait3A_273 = arith.constant 10000 : i32
      %dma_wait3A_274 = tpu.memref_slice %arg8[%dma_wait3A_273] : memref<10240xi32, #tpu.memory_space<vmem>> -> memref<240xi32, #tpu.memory_space<vmem>>
      %dma_wait3A_275 = arith.constant 0 : i32
      %dma_wait3A_276 = tpu.memref_slice %arg4[%dma_wait3A_275] : memref<480xi32, #tpu.memory_space<hbm>> -> memref<240xi32, #tpu.memory_space<hbm>>
      tpu.wait_dma2 semaphore(%run_scoped3A_260 : memref<!tpu.dma_semaphore, #tpu.memory_space<semaphore_mem>>) src(%dma_wait3A_276 : memref<240xi32, #tpu.memory_space<hbm>>) dst(%dma_wait3A_274 : memref<240xi32, #tpu.memory_space<vmem>>)
      tpu.yield
    }) : () -> ()
    "tpu.region"() ({
      %run_scoped3A_260 = tpu.sem_alloc : memref<!tpu.dma_semaphore, #tpu.memory_space<semaphore_mem>>
      %dma_start3A_261 = arith.constant 10000 : i32
      %dma_start3A_262 = tpu.memref_slice %arg9[%dma_start3A_261] : memref<10240xi32, #tpu.memory_space<vmem>> -> memref<240xi32, #tpu.memory_space<vmem>>
      %dma_start3A_263 = arith.constant 0 : i32
      %dma_start3A_264 = tpu.memref_slice %arg5[%dma_start3A_263] : memref<480xi32, #tpu.memory_space<hbm>> -> memref<240xi32, #tpu.memory_space<hbm>>
      %dma_start3A_265 = arith.constant 10000 : i32
      %dma_start3A_266 = tpu.memref_slice %arg9[%dma_start3A_265] : memref<10240xi32, #tpu.memory_space<vmem>> -> memref<240xi32, #tpu.memory_space<vmem>>
      %dma_start3A_267 = arith.constant 0 : i32
      %dma_start3A_268 = tpu.memref_slice %arg5[%dma_start3A_267] : memref<480xi32, #tpu.memory_space<hbm>> -> memref<240xi32, #tpu.memory_space<hbm>>
      tpu.enqueue_dma source(%dma_start3A_268 : memref<240xi32, #tpu.memory_space<hbm>>) target(%dma_start3A_266 : memref<240xi32, #tpu.memory_space<vmem>>) target_semaphore(%run_scoped3A_260 : memref<!tpu.dma_semaphore, #tpu.memory_space<semaphore_mem>>)
      %dma_wait3A_269 = arith.constant 10000 : i32
      %dma_wait3A_270 = tpu.memref_slice %arg9[%dma_wait3A_269] : memref<10240xi32, #tpu.memory_space<vmem>> -> memref<240xi32, #tpu.memory_space<vmem>>
      %dma_wait3A_271 = arith.constant 0 : i32
      %dma_wait3A_272 = tpu.memref_slice %arg5[%dma_wait3A_271] : memref<480xi32, #tpu.memory_space<hbm>> -> memref<240xi32, #tpu.memory_space<hbm>>
      %dma_wait3A_273 = arith.constant 10000 : i32
      %dma_wait3A_274 = tpu.memref_slice %arg9[%dma_wait3A_273] : memref<10240xi32, #tpu.memory_space<vmem>> -> memref<240xi32, #tpu.memory_space<vmem>>
      %dma_wait3A_275 = arith.constant 0 : i32
      %dma_wait3A_276 = tpu.memref_slice %arg5[%dma_wait3A_275] : memref<480xi32, #tpu.memory_space<hbm>> -> memref<240xi32, #tpu.memory_space<hbm>>
      tpu.wait_dma2 semaphore(%run_scoped3A_260 : memref<!tpu.dma_semaphore, #tpu.memory_space<semaphore_mem>>) src(%dma_wait3A_276 : memref<240xi32, #tpu.memory_space<hbm>>) dst(%dma_wait3A_274 : memref<240xi32, #tpu.memory_space<vmem>>)
      tpu.yield
    }) : () -> ()
    %mul3A_4 = arith.constant 640 : i32
    %mul3A_5 = arith.muli %arg1, %mul3A_4 : i32
    %mul3A_6 = arith.constant 640 : i32
    %mul3A_7 = arith.muli %arg1, %mul3A_6 : i32
    "tpu.region"() ({
      %run_scoped3A_260 = tpu.sem_alloc : memref<!tpu.dma_semaphore, #tpu.memory_space<semaphore_mem>>
      %dma_start3A_261 = arith.constant 0 : i32
      %dma_start3A_262 = tpu.memref_slice %arg12[%mul3A_7, %dma_start3A_261] : memref<10240x16xf32, #tpu.memory_space<vmem_shared>> -> memref<640x16xf32, #tpu.memory_space<vmem_shared>>
      %dma_start3A_263 = arith.constant 0 : i32
      %dma_start3A_264 = tpu.memref_slice %arg2[%mul3A_5, %dma_start3A_263] : memref<10240x16xf32, #tpu.memory_space<hbm>> -> memref<640x16xf32, #tpu.memory_space<hbm>>
      tpu.enqueue_dma source(%dma_start3A_264 : memref<640x16xf32, #tpu.memory_space<hbm>>) target(%dma_start3A_262 : memref<640x16xf32, #tpu.memory_space<vmem_shared>>) target_semaphore(%run_scoped3A_260 : memref<!tpu.dma_semaphore, #tpu.memory_space<semaphore_mem>>)
      %dma_wait3A_265 = arith.constant 0 : i32
      %dma_wait3A_266 = tpu.memref_slice %arg12[%mul3A_7, %dma_wait3A_265] : memref<10240x16xf32, #tpu.memory_space<vmem_shared>> -> memref<640x16xf32, #tpu.memory_space<vmem_shared>>
      %dma_wait3A_267 = arith.constant 0 : i32
      %dma_wait3A_268 = tpu.memref_slice %arg2[%mul3A_5, %dma_wait3A_267] : memref<10240x16xf32, #tpu.memory_space<hbm>> -> memref<640x16xf32, #tpu.memory_space<hbm>>
      tpu.wait_dma2 semaphore(%run_scoped3A_260 : memref<!tpu.dma_semaphore, #tpu.memory_space<semaphore_mem>>) src(%dma_wait3A_268 : memref<640x16xf32, #tpu.memory_space<hbm>>) dst(%dma_wait3A_266 : memref<640x16xf32, #tpu.memory_space<vmem_shared>>)
      tpu.yield
    }) : () -> ()
    %mul3A_8 = arith.constant 640 : i32
    %mul3A_9 = arith.muli %arg1, %mul3A_8 : i32
    %mul3A_10 = arith.constant 640 : i32
    %mul3A_11 = arith.muli %arg1, %mul3A_10 : i32
    "tpu.region"() ({
      %run_scoped3A_260 = tpu.sem_alloc : memref<!tpu.dma_semaphore, #tpu.memory_space<semaphore_mem>>
      %dma_start3A_261 = arith.constant 0 : i32
      %dma_start3A_262 = tpu.memref_slice %arg11[%mul3A_11, %dma_start3A_261] : memref<10240x16xf32, #tpu.memory_space<vmem_shared>> -> memref<640x16xf32, #tpu.memory_space<vmem_shared>>
      %dma_start3A_263 = arith.constant 0 : i32
      %dma_start3A_264 = tpu.memref_slice %arg6[%mul3A_9, %dma_start3A_263] : memref<10240x16xf32, #tpu.memory_space<hbm>> -> memref<640x16xf32, #tpu.memory_space<hbm>>
      tpu.enqueue_dma source(%dma_start3A_264 : memref<640x16xf32, #tpu.memory_space<hbm>>) target(%dma_start3A_262 : memref<640x16xf32, #tpu.memory_space<vmem_shared>>) target_semaphore(%run_scoped3A_260 : memref<!tpu.dma_semaphore, #tpu.memory_space<semaphore_mem>>)
      %dma_wait3A_265 = arith.constant 0 : i32
      %dma_wait3A_266 = tpu.memref_slice %arg11[%mul3A_11, %dma_wait3A_265] : memref<10240x16xf32, #tpu.memory_space<vmem_shared>> -> memref<640x16xf32, #tpu.memory_space<vmem_shared>>
      %dma_wait3A_267 = arith.constant 0 : i32
      %dma_wait3A_268 = tpu.memref_slice %arg6[%mul3A_9, %dma_wait3A_267] : memref<10240x16xf32, #tpu.memory_space<hbm>> -> memref<640x16xf32, #tpu.memory_space<hbm>>
      tpu.wait_dma2 semaphore(%run_scoped3A_260 : memref<!tpu.dma_semaphore, #tpu.memory_space<semaphore_mem>>) src(%dma_wait3A_268 : memref<640x16xf32, #tpu.memory_space<hbm>>) dst(%dma_wait3A_266 : memref<640x16xf32, #tpu.memory_space<vmem_shared>>)
      tpu.yield
    }) : () -> ()
    %barrier3A = arith.constant 0 : index
    tpu.barrier barrier_id(%barrier3A)
    %dma_start3A = arith.constant 0 : i32
    %dma_start3A_12 = arith.constant 0 : i32
    %dma_start3A_13 = arith.constant 0 : i32
    %dma_start3A_14 = tpu.memref_slice %arg10[%dma_start3A, %dma_start3A_12, %dma_start3A_13] : memref<2x1024x16xf32, #tpu.memory_space<vmem>> -> memref<1x128x16xf32, #tpu.memory_space<vmem>>
    %dma_start3A_15 = tpu.memref_squeeze %dma_start3A_14 : memref<1x128x16xf32, #tpu.memory_space<vmem>> -> memref<128x16xf32, #tpu.memory_space<vmem>>
    %dma_start3A_16 = arith.constant 0 : i32
    %dma_start3A_17 = tpu.memref_slice %arg8[%dma_start3A_16] : memref<10240xi32, #tpu.memory_space<vmem>> -> memref<128xi32, #tpu.memory_space<vmem>>
    %dma_start3A_18 = arith.constant 0 : i32
    %dma_start3A_19 = arith.constant 0 : i32
    %dma_start3A_20 = tpu.memref_slice %arg12[%dma_start3A_18, %dma_start3A_19] : memref<10240x16xf32, #tpu.memory_space<vmem_shared>> -> memref<10240x16xf32, #tpu.memory_space<vmem_shared>>
    tpu.enqueue_indirect_dma source(%dma_start3A_20 : memref<10240x16xf32, #tpu.memory_space<vmem_shared>>) target(%dma_start3A_15 : memref<128x16xf32, #tpu.memory_space<vmem>>) offsets(%dma_start3A_17 : memref<128xi32, #tpu.memory_space<vmem>>) semaphore(%arg13 : memref<!tpu.dma_semaphore, #tpu.memory_space<semaphore_mem>>)
    %dma_start3A_21 = arith.constant 0 : i32
    %dma_start3A_22 = arith.constant 128 : i32
    %dma_start3A_23 = arith.constant 0 : i32
    %dma_start3A_24 = tpu.memref_slice %arg10[%dma_start3A_21, %dma_start3A_22, %dma_start3A_23] : memref<2x1024x16xf32, #tpu.memory_space<vmem>> -> memref<1x128x16xf32, #tpu.memory_space<vmem>>
    %dma_start3A_25 = tpu.memref_squeeze %dma_start3A_24 : memref<1x128x16xf32, #tpu.memory_space<vmem>> -> memref<128x16xf32, #tpu.memory_space<vmem>>
    %dma_start3A_26 = arith.constant 128 : i32
    %dma_start3A_27 = tpu.memref_slice %arg8[%dma_start3A_26] : memref<10240xi32, #tpu.memory_space<vmem>> -> memref<128xi32, #tpu.memory_space<vmem>>
    %dma_start3A_28 = arith.constant 0 : i32
    %dma_start3A_29 = arith.constant 0 : i32
    %dma_start3A_30 = tpu.memref_slice %arg12[%dma_start3A_28, %dma_start3A_29] : memref<10240x16xf32, #tpu.memory_space<vmem_shared>> -> memref<10240x16xf32, #tpu.memory_space<vmem_shared>>
    tpu.enqueue_indirect_dma source(%dma_start3A_30 : memref<10240x16xf32, #tpu.memory_space<vmem_shared>>) target(%dma_start3A_25 : memref<128x16xf32, #tpu.memory_space<vmem>>) offsets(%dma_start3A_27 : memref<128xi32, #tpu.memory_space<vmem>>) semaphore(%arg13 : memref<!tpu.dma_semaphore, #tpu.memory_space<semaphore_mem>>)
    %dma_start3A_31 = arith.constant 0 : i32
    %dma_start3A_32 = arith.constant 256 : i32
    %dma_start3A_33 = arith.constant 0 : i32
    %dma_start3A_34 = tpu.memref_slice %arg10[%dma_start3A_31, %dma_start3A_32, %dma_start3A_33] : memref<2x1024x16xf32, #tpu.memory_space<vmem>> -> memref<1x128x16xf32, #tpu.memory_space<vmem>>
    %dma_start3A_35 = tpu.memref_squeeze %dma_start3A_34 : memref<1x128x16xf32, #tpu.memory_space<vmem>> -> memref<128x16xf32, #tpu.memory_space<vmem>>
    %dma_start3A_36 = arith.constant 256 : i32
    %dma_start3A_37 = tpu.memref_slice %arg8[%dma_start3A_36] : memref<10240xi32, #tpu.memory_space<vmem>> -> memref<128xi32, #tpu.memory_space<vmem>>
    %dma_start3A_38 = arith.constant 0 : i32
    %dma_start3A_39 = arith.constant 0 : i32
    %dma_start3A_40 = tpu.memref_slice %arg12[%dma_start3A_38, %dma_start3A_39] : memref<10240x16xf32, #tpu.memory_space<vmem_shared>> -> memref<10240x16xf32, #tpu.memory_space<vmem_shared>>
    tpu.enqueue_indirect_dma source(%dma_start3A_40 : memref<10240x16xf32, #tpu.memory_space<vmem_shared>>) target(%dma_start3A_35 : memref<128x16xf32, #tpu.memory_space<vmem>>) offsets(%dma_start3A_37 : memref<128xi32, #tpu.memory_space<vmem>>) semaphore(%arg13 : memref<!tpu.dma_semaphore, #tpu.memory_space<semaphore_mem>>)
    %dma_start3A_41 = arith.constant 0 : i32
    %dma_start3A_42 = arith.constant 384 : i32
    %dma_start3A_43 = arith.constant 0 : i32
    %dma_start3A_44 = tpu.memref_slice %arg10[%dma_start3A_41, %dma_start3A_42, %dma_start3A_43] : memref<2x1024x16xf32, #tpu.memory_space<vmem>> -> memref<1x128x16xf32, #tpu.memory_space<vmem>>
    %dma_start3A_45 = tpu.memref_squeeze %dma_start3A_44 : memref<1x128x16xf32, #tpu.memory_space<vmem>> -> memref<128x16xf32, #tpu.memory_space<vmem>>
    %dma_start3A_46 = arith.constant 384 : i32
    %dma_start3A_47 = tpu.memref_slice %arg8[%dma_start3A_46] : memref<10240xi32, #tpu.memory_space<vmem>> -> memref<128xi32, #tpu.memory_space<vmem>>
    %dma_start3A_48 = arith.constant 0 : i32
    %dma_start3A_49 = arith.constant 0 : i32
    %dma_start3A_50 = tpu.memref_slice %arg12[%dma_start3A_48, %dma_start3A_49] : memref<10240x16xf32, #tpu.memory_space<vmem_shared>> -> memref<10240x16xf32, #tpu.memory_space<vmem_shared>>
    tpu.enqueue_indirect_dma source(%dma_start3A_50 : memref<10240x16xf32, #tpu.memory_space<vmem_shared>>) target(%dma_start3A_45 : memref<128x16xf32, #tpu.memory_space<vmem>>) offsets(%dma_start3A_47 : memref<128xi32, #tpu.memory_space<vmem>>) semaphore(%arg13 : memref<!tpu.dma_semaphore, #tpu.memory_space<semaphore_mem>>)
    %dma_start3A_51 = arith.constant 0 : i32
    %dma_start3A_52 = arith.constant 512 : i32
    %dma_start3A_53 = arith.constant 0 : i32
    %dma_start3A_54 = tpu.memref_slice %arg10[%dma_start3A_51, %dma_start3A_52, %dma_start3A_53] : memref<2x1024x16xf32, #tpu.memory_space<vmem>> -> memref<1x128x16xf32, #tpu.memory_space<vmem>>
    %dma_start3A_55 = tpu.memref_squeeze %dma_start3A_54 : memref<1x128x16xf32, #tpu.memory_space<vmem>> -> memref<128x16xf32, #tpu.memory_space<vmem>>
    %dma_start3A_56 = arith.constant 512 : i32
    %dma_start3A_57 = tpu.memref_slice %arg8[%dma_start3A_56] : memref<10240xi32, #tpu.memory_space<vmem>> -> memref<128xi32, #tpu.memory_space<vmem>>
    %dma_start3A_58 = arith.constant 0 : i32
    %dma_start3A_59 = arith.constant 0 : i32
    %dma_start3A_60 = tpu.memref_slice %arg12[%dma_start3A_58, %dma_start3A_59] : memref<10240x16xf32, #tpu.memory_space<vmem_shared>> -> memref<10240x16xf32, #tpu.memory_space<vmem_shared>>
    tpu.enqueue_indirect_dma source(%dma_start3A_60 : memref<10240x16xf32, #tpu.memory_space<vmem_shared>>) target(%dma_start3A_55 : memref<128x16xf32, #tpu.memory_space<vmem>>) offsets(%dma_start3A_57 : memref<128xi32, #tpu.memory_space<vmem>>) semaphore(%arg13 : memref<!tpu.dma_semaphore, #tpu.memory_space<semaphore_mem>>)
    %dma_start3A_61 = arith.constant 0 : i32
    %dma_start3A_62 = arith.constant 640 : i32
    %dma_start3A_63 = arith.constant 0 : i32
    %dma_start3A_64 = tpu.memref_slice %arg10[%dma_start3A_61, %dma_start3A_62, %dma_start3A_63] : memref<2x1024x16xf32, #tpu.memory_space<vmem>> -> memref<1x128x16xf32, #tpu.memory_space<vmem>>
    %dma_start3A_65 = tpu.memref_squeeze %dma_start3A_64 : memref<1x128x16xf32, #tpu.memory_space<vmem>> -> memref<128x16xf32, #tpu.memory_space<vmem>>
    %dma_start3A_66 = arith.constant 640 : i32
    %dma_start3A_67 = tpu.memref_slice %arg8[%dma_start3A_66] : memref<10240xi32, #tpu.memory_space<vmem>> -> memref<128xi32, #tpu.memory_space<vmem>>
    %dma_start3A_68 = arith.constant 0 : i32
    %dma_start3A_69 = arith.constant 0 : i32
    %dma_start3A_70 = tpu.memref_slice %arg12[%dma_start3A_68, %dma_start3A_69] : memref<10240x16xf32, #tpu.memory_space<vmem_shared>> -> memref<10240x16xf32, #tpu.memory_space<vmem_shared>>
    tpu.enqueue_indirect_dma source(%dma_start3A_70 : memref<10240x16xf32, #tpu.memory_space<vmem_shared>>) target(%dma_start3A_65 : memref<128x16xf32, #tpu.memory_space<vmem>>) offsets(%dma_start3A_67 : memref<128xi32, #tpu.memory_space<vmem>>) semaphore(%arg13 : memref<!tpu.dma_semaphore, #tpu.memory_space<semaphore_mem>>)
    %dma_start3A_71 = arith.constant 0 : i32
    %dma_start3A_72 = arith.constant 768 : i32
    %dma_start3A_73 = arith.constant 0 : i32
    %dma_start3A_74 = tpu.memref_slice %arg10[%dma_start3A_71, %dma_start3A_72, %dma_start3A_73] : memref<2x1024x16xf32, #tpu.memory_space<vmem>> -> memref<1x128x16xf32, #tpu.memory_space<vmem>>
    %dma_start3A_75 = tpu.memref_squeeze %dma_start3A_74 : memref<1x128x16xf32, #tpu.memory_space<vmem>> -> memref<128x16xf32, #tpu.memory_space<vmem>>
    %dma_start3A_76 = arith.constant 768 : i32
    %dma_start3A_77 = tpu.memref_slice %arg8[%dma_start3A_76] : memref<10240xi32, #tpu.memory_space<vmem>> -> memref<128xi32, #tpu.memory_space<vmem>>
    %dma_start3A_78 = arith.constant 0 : i32
    %dma_start3A_79 = arith.constant 0 : i32
    %dma_start3A_80 = tpu.memref_slice %arg12[%dma_start3A_78, %dma_start3A_79] : memref<10240x16xf32, #tpu.memory_space<vmem_shared>> -> memref<10240x16xf32, #tpu.memory_space<vmem_shared>>
    tpu.enqueue_indirect_dma source(%dma_start3A_80 : memref<10240x16xf32, #tpu.memory_space<vmem_shared>>) target(%dma_start3A_75 : memref<128x16xf32, #tpu.memory_space<vmem>>) offsets(%dma_start3A_77 : memref<128xi32, #tpu.memory_space<vmem>>) semaphore(%arg13 : memref<!tpu.dma_semaphore, #tpu.memory_space<semaphore_mem>>)
    %dma_start3A_81 = arith.constant 0 : i32
    %dma_start3A_82 = arith.constant 896 : i32
    %dma_start3A_83 = arith.constant 0 : i32
    %dma_start3A_84 = tpu.memref_slice %arg10[%dma_start3A_81, %dma_start3A_82, %dma_start3A_83] : memref<2x1024x16xf32, #tpu.memory_space<vmem>> -> memref<1x128x16xf32, #tpu.memory_space<vmem>>
    %dma_start3A_85 = tpu.memref_squeeze %dma_start3A_84 : memref<1x128x16xf32, #tpu.memory_space<vmem>> -> memref<128x16xf32, #tpu.memory_space<vmem>>
    %dma_start3A_86 = arith.constant 896 : i32
    %dma_start3A_87 = tpu.memref_slice %arg8[%dma_start3A_86] : memref<10240xi32, #tpu.memory_space<vmem>> -> memref<128xi32, #tpu.memory_space<vmem>>
    %dma_start3A_88 = arith.constant 0 : i32
    %dma_start3A_89 = arith.constant 0 : i32
    %dma_start3A_90 = tpu.memref_slice %arg12[%dma_start3A_88, %dma_start3A_89] : memref<10240x16xf32, #tpu.memory_space<vmem_shared>> -> memref<10240x16xf32, #tpu.memory_space<vmem_shared>>
    tpu.enqueue_indirect_dma source(%dma_start3A_90 : memref<10240x16xf32, #tpu.memory_space<vmem_shared>>) target(%dma_start3A_85 : memref<128x16xf32, #tpu.memory_space<vmem>>) offsets(%dma_start3A_87 : memref<128xi32, #tpu.memory_space<vmem>>) semaphore(%arg13 : memref<!tpu.dma_semaphore, #tpu.memory_space<semaphore_mem>>)
    %scan3A = arith.constant 0 : i32
    %scan3A_91 = arith.constant 0 : i32
    %scan3A_92 = arith.constant 5 : i32
    %scan3A_93 = arith.addi %scan3A_91, %scan3A_92 : i32
    %scan3A_94 = arith.constant 1 : i32
    scf.for %scan3A_260 = %scan3A_91 to %scan3A_93 step %scan3A_94  : i32 {
      %mul3A_261 = arith.constant 2 : i32
      %mul3A_262 = arith.muli %mul3A_261, %scan3A_260 : i32
      %mul3A_263 = arith.constant 8 : i32
      %mul3A_264 = arith.muli %mul3A_262, %mul3A_263 : i32
      %add3A_265 = arith.constant 0 : i32
      %add3A_266 = arith.addi %mul3A_264, %add3A_265 : i32
      %mul3A_267 = arith.constant 128 : i32
      %mul3A_268 = arith.muli %add3A_266, %mul3A_267 : i32
      %dma_wait3A_269 = arith.constant 0 : i32
      %dma_wait3A_270 = arith.constant 0 : i32
      %dma_wait3A_271 = arith.constant 0 : i32
      %dma_wait3A_272 = tpu.memref_slice %arg10[%dma_wait3A_269, %dma_wait3A_270, %dma_wait3A_271] : memref<2x1024x16xf32, #tpu.memory_space<vmem>> -> memref<1x128x16xf32, #tpu.memory_space<vmem>>
      %dma_wait3A_273 = tpu.memref_squeeze %dma_wait3A_272 : memref<1x128x16xf32, #tpu.memory_space<vmem>> -> memref<128x16xf32, #tpu.memory_space<vmem>>
      %dma_wait3A_274 = tpu.memref_slice %arg8[%mul3A_268] : memref<10240xi32, #tpu.memory_space<vmem>> -> memref<128xi32, #tpu.memory_space<vmem>>
      %dma_wait3A_275 = arith.constant 0 : i32
      %dma_wait3A_276 = arith.constant 0 : i32
      %dma_wait3A_277 = tpu.memref_slice %arg12[%dma_wait3A_275, %dma_wait3A_276] : memref<10240x16xf32, #tpu.memory_space<vmem_shared>> -> memref<10240x16xf32, #tpu.memory_space<vmem_shared>>
      tpu.wait_indirect_dma semaphore(%arg13 : memref<!tpu.dma_semaphore, #tpu.memory_space<semaphore_mem>>) src(%dma_wait3A_277 : memref<10240x16xf32, #tpu.memory_space<vmem_shared>>) dst(%dma_wait3A_273 : memref<128x16xf32, #tpu.memory_space<vmem>>)
      %mul3A_278 = arith.constant 8 : i32
      %mul3A_279 = arith.muli %mul3A_262, %mul3A_278 : i32
      %add3A_280 = arith.constant 1 : i32
      %add3A_281 = arith.addi %mul3A_279, %add3A_280 : i32
      %mul3A_282 = arith.constant 128 : i32
      %mul3A_283 = arith.muli %add3A_281, %mul3A_282 : i32
      %dma_wait3A_284 = arith.constant 0 : i32
      %dma_wait3A_285 = arith.constant 128 : i32
      %dma_wait3A_286 = arith.constant 0 : i32
      %dma_wait3A_287 = tpu.memref_slice %arg10[%dma_wait3A_284, %dma_wait3A_285, %dma_wait3A_286] : memref<2x1024x16xf32, #tpu.memory_space<vmem>> -> memref<1x128x16xf32, #tpu.memory_space<vmem>>
      %dma_wait3A_288 = tpu.memref_squeeze %dma_wait3A_287 : memref<1x128x16xf32, #tpu.memory_space<vmem>> -> memref<128x16xf32, #tpu.memory_space<vmem>>
      %dma_wait3A_289 = tpu.memref_slice %arg8[%mul3A_283] : memref<10240xi32, #tpu.memory_space<vmem>> -> memref<128xi32, #tpu.memory_space<vmem>>
      %dma_wait3A_290 = arith.constant 0 : i32
      %dma_wait3A_291 = arith.constant 0 : i32
      %dma_wait3A_292 = tpu.memref_slice %arg12[%dma_wait3A_290, %dma_wait3A_291] : memref<10240x16xf32, #tpu.memory_space<vmem_shared>> -> memref<10240x16xf32, #tpu.memory_space<vmem_shared>>
      tpu.wait_indirect_dma semaphore(%arg13 : memref<!tpu.dma_semaphore, #tpu.memory_space<semaphore_mem>>) src(%dma_wait3A_292 : memref<10240x16xf32, #tpu.memory_space<vmem_shared>>) dst(%dma_wait3A_288 : memref<128x16xf32, #tpu.memory_space<vmem>>)
      %mul3A_293 = arith.constant 8 : i32
      %mul3A_294 = arith.muli %mul3A_262, %mul3A_293 : i32
      %add3A_295 = arith.constant 2 : i32
      %add3A_296 = arith.addi %mul3A_294, %add3A_295 : i32
      %mul3A_297 = arith.constant 128 : i32
      %mul3A_298 = arith.muli %add3A_296, %mul3A_297 : i32
      %dma_wait3A_299 = arith.constant 0 : i32
      %dma_wait3A_300 = arith.constant 256 : i32
      %dma_wait3A_301 = arith.constant 0 : i32
      %dma_wait3A_302 = tpu.memref_slice %arg10[%dma_wait3A_299, %dma_wait3A_300, %dma_wait3A_301] : memref<2x1024x16xf32, #tpu.memory_space<vmem>> -> memref<1x128x16xf32, #tpu.memory_space<vmem>>
      %dma_wait3A_303 = tpu.memref_squeeze %dma_wait3A_302 : memref<1x128x16xf32, #tpu.memory_space<vmem>> -> memref<128x16xf32, #tpu.memory_space<vmem>>
      %dma_wait3A_304 = tpu.memref_slice %arg8[%mul3A_298] : memref<10240xi32, #tpu.memory_space<vmem>> -> memref<128xi32, #tpu.memory_space<vmem>>
      %dma_wait3A_305 = arith.constant 0 : i32
      %dma_wait3A_306 = arith.constant 0 : i32
      %dma_wait3A_307 = tpu.memref_slice %arg12[%dma_wait3A_305, %dma_wait3A_306] : memref<10240x16xf32, #tpu.memory_space<vmem_shared>> -> memref<10240x16xf32, #tpu.memory_space<vmem_shared>>
      tpu.wait_indirect_dma semaphore(%arg13 : memref<!tpu.dma_semaphore, #tpu.memory_space<semaphore_mem>>) src(%dma_wait3A_307 : memref<10240x16xf32, #tpu.memory_space<vmem_shared>>) dst(%dma_wait3A_303 : memref<128x16xf32, #tpu.memory_space<vmem>>)
      %mul3A_308 = arith.constant 8 : i32
      %mul3A_309 = arith.muli %mul3A_262, %mul3A_308 : i32
      %add3A_310 = arith.constant 3 : i32
      %add3A_311 = arith.addi %mul3A_309, %add3A_310 : i32
      %mul3A_312 = arith.constant 128 : i32
      %mul3A_313 = arith.muli %add3A_311, %mul3A_312 : i32
      %dma_wait3A_314 = arith.constant 0 : i32
      %dma_wait3A_315 = arith.constant 384 : i32
      %dma_wait3A_316 = arith.constant 0 : i32
      %dma_wait3A_317 = tpu.memref_slice %arg10[%dma_wait3A_314, %dma_wait3A_315, %dma_wait3A_316] : memref<2x1024x16xf32, #tpu.memory_space<vmem>> -> memref<1x128x16xf32, #tpu.memory_space<vmem>>
      %dma_wait3A_318 = tpu.memref_squeeze %dma_wait3A_317 : memref<1x128x16xf32, #tpu.memory_space<vmem>> -> memref<128x16xf32, #tpu.memory_space<vmem>>
      %dma_wait3A_319 = tpu.memref_slice %arg8[%mul3A_313] : memref<10240xi32, #tpu.memory_space<vmem>> -> memref<128xi32, #tpu.memory_space<vmem>>
      %dma_wait3A_320 = arith.constant 0 : i32
      %dma_wait3A_321 = arith.constant 0 : i32
      %dma_wait3A_322 = tpu.memref_slice %arg12[%dma_wait3A_320, %dma_wait3A_321] : memref<10240x16xf32, #tpu.memory_space<vmem_shared>> -> memref<10240x16xf32, #tpu.memory_space<vmem_shared>>
      tpu.wait_indirect_dma semaphore(%arg13 : memref<!tpu.dma_semaphore, #tpu.memory_space<semaphore_mem>>) src(%dma_wait3A_322 : memref<10240x16xf32, #tpu.memory_space<vmem_shared>>) dst(%dma_wait3A_318 : memref<128x16xf32, #tpu.memory_space<vmem>>)
      %mul3A_323 = arith.constant 8 : i32
      %mul3A_324 = arith.muli %mul3A_262, %mul3A_323 : i32
      %add3A_325 = arith.constant 4 : i32
      %add3A_326 = arith.addi %mul3A_324, %add3A_325 : i32
      %mul3A_327 = arith.constant 128 : i32
      %mul3A_328 = arith.muli %add3A_326, %mul3A_327 : i32
      %dma_wait3A_329 = arith.constant 0 : i32
      %dma_wait3A_330 = arith.constant 512 : i32
      %dma_wait3A_331 = arith.constant 0 : i32
      %dma_wait3A_332 = tpu.memref_slice %arg10[%dma_wait3A_329, %dma_wait3A_330, %dma_wait3A_331] : memref<2x1024x16xf32, #tpu.memory_space<vmem>> -> memref<1x128x16xf32, #tpu.memory_space<vmem>>
      %dma_wait3A_333 = tpu.memref_squeeze %dma_wait3A_332 : memref<1x128x16xf32, #tpu.memory_space<vmem>> -> memref<128x16xf32, #tpu.memory_space<vmem>>
      %dma_wait3A_334 = tpu.memref_slice %arg8[%mul3A_328] : memref<10240xi32, #tpu.memory_space<vmem>> -> memref<128xi32, #tpu.memory_space<vmem>>
      %dma_wait3A_335 = arith.constant 0 : i32
      %dma_wait3A_336 = arith.constant 0 : i32
      %dma_wait3A_337 = tpu.memref_slice %arg12[%dma_wait3A_335, %dma_wait3A_336] : memref<10240x16xf32, #tpu.memory_space<vmem_shared>> -> memref<10240x16xf32, #tpu.memory_space<vmem_shared>>
      tpu.wait_indirect_dma semaphore(%arg13 : memref<!tpu.dma_semaphore, #tpu.memory_space<semaphore_mem>>) src(%dma_wait3A_337 : memref<10240x16xf32, #tpu.memory_space<vmem_shared>>) dst(%dma_wait3A_333 : memref<128x16xf32, #tpu.memory_space<vmem>>)
      %mul3A_338 = arith.constant 8 : i32
      %mul3A_339 = arith.muli %mul3A_262, %mul3A_338 : i32
      %add3A_340 = arith.constant 5 : i32
      %add3A_341 = arith.addi %mul3A_339, %add3A_340 : i32
      %mul3A_342 = arith.constant 128 : i32
      %mul3A_343 = arith.muli %add3A_341, %mul3A_342 : i32
      %dma_wait3A_344 = arith.constant 0 : i32
      %dma_wait3A_345 = arith.constant 640 : i32
      %dma_wait3A_346 = arith.constant 0 : i32
      %dma_wait3A_347 = tpu.memref_slice %arg10[%dma_wait3A_344, %dma_wait3A_345, %dma_wait3A_346] : memref<2x1024x16xf32, #tpu.memory_space<vmem>> -> memref<1x128x16xf32, #tpu.memory_space<vmem>>
      %dma_wait3A_348 = tpu.memref_squeeze %dma_wait3A_347 : memref<1x128x16xf32, #tpu.memory_space<vmem>> -> memref<128x16xf32, #tpu.memory_space<vmem>>
      %dma_wait3A_349 = tpu.memref_slice %arg8[%mul3A_343] : memref<10240xi32, #tpu.memory_space<vmem>> -> memref<128xi32, #tpu.memory_space<vmem>>
      %dma_wait3A_350 = arith.constant 0 : i32
      %dma_wait3A_351 = arith.constant 0 : i32
      %dma_wait3A_352 = tpu.memref_slice %arg12[%dma_wait3A_350, %dma_wait3A_351] : memref<10240x16xf32, #tpu.memory_space<vmem_shared>> -> memref<10240x16xf32, #tpu.memory_space<vmem_shared>>
      tpu.wait_indirect_dma semaphore(%arg13 : memref<!tpu.dma_semaphore, #tpu.memory_space<semaphore_mem>>) src(%dma_wait3A_352 : memref<10240x16xf32, #tpu.memory_space<vmem_shared>>) dst(%dma_wait3A_348 : memref<128x16xf32, #tpu.memory_space<vmem>>)
      %mul3A_353 = arith.constant 8 : i32
      %mul3A_354 = arith.muli %mul3A_262, %mul3A_353 : i32
      %add3A_355 = arith.constant 6 : i32
      %add3A_356 = arith.addi %mul3A_354, %add3A_355 : i32
      %mul3A_357 = arith.constant 128 : i32
      %mul3A_358 = arith.muli %add3A_356, %mul3A_357 : i32
      %dma_wait3A_359 = arith.constant 0 : i32
      %dma_wait3A_360 = arith.constant 768 : i32
      %dma_wait3A_361 = arith.constant 0 : i32
      %dma_wait3A_362 = tpu.memref_slice %arg10[%dma_wait3A_359, %dma_wait3A_360, %dma_wait3A_361] : memref<2x1024x16xf32, #tpu.memory_space<vmem>> -> memref<1x128x16xf32, #tpu.memory_space<vmem>>
      %dma_wait3A_363 = tpu.memref_squeeze %dma_wait3A_362 : memref<1x128x16xf32, #tpu.memory_space<vmem>> -> memref<128x16xf32, #tpu.memory_space<vmem>>
      %dma_wait3A_364 = tpu.memref_slice %arg8[%mul3A_358] : memref<10240xi32, #tpu.memory_space<vmem>> -> memref<128xi32, #tpu.memory_space<vmem>>
      %dma_wait3A_365 = arith.constant 0 : i32
      %dma_wait3A_366 = arith.constant 0 : i32
      %dma_wait3A_367 = tpu.memref_slice %arg12[%dma_wait3A_365, %dma_wait3A_366] : memref<10240x16xf32, #tpu.memory_space<vmem_shared>> -> memref<10240x16xf32, #tpu.memory_space<vmem_shared>>
      tpu.wait_indirect_dma semaphore(%arg13 : memref<!tpu.dma_semaphore, #tpu.memory_space<semaphore_mem>>) src(%dma_wait3A_367 : memref<10240x16xf32, #tpu.memory_space<vmem_shared>>) dst(%dma_wait3A_363 : memref<128x16xf32, #tpu.memory_space<vmem>>)
      %mul3A_368 = arith.constant 8 : i32
      %mul3A_369 = arith.muli %mul3A_262, %mul3A_368 : i32
      %add3A_370 = arith.constant 7 : i32
      %add3A_371 = arith.addi %mul3A_369, %add3A_370 : i32
      %mul3A_372 = arith.constant 128 : i32
      %mul3A_373 = arith.muli %add3A_371, %mul3A_372 : i32
      %dma_wait3A_374 = arith.constant 0 : i32
      %dma_wait3A_375 = arith.constant 896 : i32
      %dma_wait3A_376 = arith.constant 0 : i32
      %dma_wait3A_377 = tpu.memref_slice %arg10[%dma_wait3A_374, %dma_wait3A_375, %dma_wait3A_376] : memref<2x1024x16xf32, #tpu.memory_space<vmem>> -> memref<1x128x16xf32, #tpu.memory_space<vmem>>
      %dma_wait3A_378 = tpu.memref_squeeze %dma_wait3A_377 : memref<1x128x16xf32, #tpu.memory_space<vmem>> -> memref<128x16xf32, #tpu.memory_space<vmem>>
      %dma_wait3A_379 = tpu.memref_slice %arg8[%mul3A_373] : memref<10240xi32, #tpu.memory_space<vmem>> -> memref<128xi32, #tpu.memory_space<vmem>>
      %dma_wait3A_380 = arith.constant 0 : i32
      %dma_wait3A_381 = arith.constant 0 : i32
      %dma_wait3A_382 = tpu.memref_slice %arg12[%dma_wait3A_380, %dma_wait3A_381] : memref<10240x16xf32, #tpu.memory_space<vmem_shared>> -> memref<10240x16xf32, #tpu.memory_space<vmem_shared>>
      tpu.wait_indirect_dma semaphore(%arg13 : memref<!tpu.dma_semaphore, #tpu.memory_space<semaphore_mem>>) src(%dma_wait3A_382 : memref<10240x16xf32, #tpu.memory_space<vmem_shared>>) dst(%dma_wait3A_378 : memref<128x16xf32, #tpu.memory_space<vmem>>)
      %mul3A_383 = arith.constant 8 : i32
      %mul3A_384 = arith.muli %mul3A_262, %mul3A_383 : i32
      %add3A_385 = arith.constant 0 : i32
      %add3A_386 = arith.addi %mul3A_384, %add3A_385 : i32
      %mul3A_387 = arith.constant 128 : i32
      %mul3A_388 = arith.muli %add3A_386, %mul3A_387 : i32
      %dma_start3A_389 = arith.constant 0 : i32
      %dma_start3A_390 = arith.constant 0 : i32
      %dma_start3A_391 = arith.constant 0 : i32
      %dma_start3A_392 = tpu.memref_slice %arg10[%dma_start3A_389, %dma_start3A_390, %dma_start3A_391] : memref<2x1024x16xf32, #tpu.memory_space<vmem>> -> memref<1x128x16xf32, #tpu.memory_space<vmem>>
      %dma_start3A_393 = tpu.memref_squeeze %dma_start3A_392 : memref<1x128x16xf32, #tpu.memory_space<vmem>> -> memref<128x16xf32, #tpu.memory_space<vmem>>
      %dma_start3A_394 = tpu.memref_slice %arg9[%mul3A_388] : memref<10240xi32, #tpu.memory_space<vmem>> -> memref<128xi32, #tpu.memory_space<vmem>>
      %dma_start3A_395 = arith.constant 0 : i32
      %dma_start3A_396 = arith.constant 0 : i32
      %dma_start3A_397 = tpu.memref_slice %arg11[%dma_start3A_395, %dma_start3A_396] : memref<10240x16xf32, #tpu.memory_space<vmem_shared>> -> memref<10240x16xf32, #tpu.memory_space<vmem_shared>>
      tpu.enqueue_indirect_dma source(%dma_start3A_393 : memref<128x16xf32, #tpu.memory_space<vmem>>) target(%dma_start3A_397 : memref<10240x16xf32, #tpu.memory_space<vmem_shared>>) offsets(%dma_start3A_394 : memref<128xi32, #tpu.memory_space<vmem>>) semaphore(%arg15 : memref<!tpu.dma_semaphore, #tpu.memory_space<semaphore_mem>>) {add = true}
      %mul3A_398 = arith.constant 8 : i32
      %mul3A_399 = arith.muli %mul3A_262, %mul3A_398 : i32
      %add3A_400 = arith.constant 1 : i32
      %add3A_401 = arith.addi %mul3A_399, %add3A_400 : i32
      %mul3A_402 = arith.constant 128 : i32
      %mul3A_403 = arith.muli %add3A_401, %mul3A_402 : i32
      %dma_start3A_404 = arith.constant 0 : i32
      %dma_start3A_405 = arith.constant 128 : i32
      %dma_start3A_406 = arith.constant 0 : i32
      %dma_start3A_407 = tpu.memref_slice %arg10[%dma_start3A_404, %dma_start3A_405, %dma_start3A_406] : memref<2x1024x16xf32, #tpu.memory_space<vmem>> -> memref<1x128x16xf32, #tpu.memory_space<vmem>>
      %dma_start3A_408 = tpu.memref_squeeze %dma_start3A_407 : memref<1x128x16xf32, #tpu.memory_space<vmem>> -> memref<128x16xf32, #tpu.memory_space<vmem>>
      %dma_start3A_409 = tpu.memref_slice %arg9[%mul3A_403] : memref<10240xi32, #tpu.memory_space<vmem>> -> memref<128xi32, #tpu.memory_space<vmem>>
      %dma_start3A_410 = arith.constant 0 : i32
      %dma_start3A_411 = arith.constant 0 : i32
      %dma_start3A_412 = tpu.memref_slice %arg11[%dma_start3A_410, %dma_start3A_411] : memref<10240x16xf32, #tpu.memory_space<vmem_shared>> -> memref<10240x16xf32, #tpu.memory_space<vmem_shared>>
      tpu.enqueue_indirect_dma source(%dma_start3A_408 : memref<128x16xf32, #tpu.memory_space<vmem>>) target(%dma_start3A_412 : memref<10240x16xf32, #tpu.memory_space<vmem_shared>>) offsets(%dma_start3A_409 : memref<128xi32, #tpu.memory_space<vmem>>) semaphore(%arg15 : memref<!tpu.dma_semaphore, #tpu.memory_space<semaphore_mem>>) {add = true}
      %mul3A_413 = arith.constant 8 : i32
      %mul3A_414 = arith.muli %mul3A_262, %mul3A_413 : i32
      %add3A_415 = arith.constant 2 : i32
      %add3A_416 = arith.addi %mul3A_414, %add3A_415 : i32
      %mul3A_417 = arith.constant 128 : i32
      %mul3A_418 = arith.muli %add3A_416, %mul3A_417 : i32
      %dma_start3A_419 = arith.constant 0 : i32
      %dma_start3A_420 = arith.constant 256 : i32
      %dma_start3A_421 = arith.constant 0 : i32
      %dma_start3A_422 = tpu.memref_slice %arg10[%dma_start3A_419, %dma_start3A_420, %dma_start3A_421] : memref<2x1024x16xf32, #tpu.memory_space<vmem>> -> memref<1x128x16xf32, #tpu.memory_space<vmem>>
      %dma_start3A_423 = tpu.memref_squeeze %dma_start3A_422 : memref<1x128x16xf32, #tpu.memory_space<vmem>> -> memref<128x16xf32, #tpu.memory_space<vmem>>
      %dma_start3A_424 = tpu.memref_slice %arg9[%mul3A_418] : memref<10240xi32, #tpu.memory_space<vmem>> -> memref<128xi32, #tpu.memory_space<vmem>>
      %dma_start3A_425 = arith.constant 0 : i32
      %dma_start3A_426 = arith.constant 0 : i32
      %dma_start3A_427 = tpu.memref_slice %arg11[%dma_start3A_425, %dma_start3A_426] : memref<10240x16xf32, #tpu.memory_space<vmem_shared>> -> memref<10240x16xf32, #tpu.memory_space<vmem_shared>>
      tpu.enqueue_indirect_dma source(%dma_start3A_423 : memref<128x16xf32, #tpu.memory_space<vmem>>) target(%dma_start3A_427 : memref<10240x16xf32, #tpu.memory_space<vmem_shared>>) offsets(%dma_start3A_424 : memref<128xi32, #tpu.memory_space<vmem>>) semaphore(%arg15 : memref<!tpu.dma_semaphore, #tpu.memory_space<semaphore_mem>>) {add = true}
      %mul3A_428 = arith.constant 8 : i32
      %mul3A_429 = arith.muli %mul3A_262, %mul3A_428 : i32
      %add3A_430 = arith.constant 3 : i32
      %add3A_431 = arith.addi %mul3A_429, %add3A_430 : i32
      %mul3A_432 = arith.constant 128 : i32
      %mul3A_433 = arith.muli %add3A_431, %mul3A_432 : i32
      %dma_start3A_434 = arith.constant 0 : i32
      %dma_start3A_435 = arith.constant 384 : i32
      %dma_start3A_436 = arith.constant 0 : i32
      %dma_start3A_437 = tpu.memref_slice %arg10[%dma_start3A_434, %dma_start3A_435, %dma_start3A_436] : memref<2x1024x16xf32, #tpu.memory_space<vmem>> -> memref<1x128x16xf32, #tpu.memory_space<vmem>>
      %dma_start3A_438 = tpu.memref_squeeze %dma_start3A_437 : memref<1x128x16xf32, #tpu.memory_space<vmem>> -> memref<128x16xf32, #tpu.memory_space<vmem>>
      %dma_start3A_439 = tpu.memref_slice %arg9[%mul3A_433] : memref<10240xi32, #tpu.memory_space<vmem>> -> memref<128xi32, #tpu.memory_space<vmem>>
      %dma_start3A_440 = arith.constant 0 : i32
      %dma_start3A_441 = arith.constant 0 : i32
      %dma_start3A_442 = tpu.memref_slice %arg11[%dma_start3A_440, %dma_start3A_441] : memref<10240x16xf32, #tpu.memory_space<vmem_shared>> -> memref<10240x16xf32, #tpu.memory_space<vmem_shared>>
      tpu.enqueue_indirect_dma source(%dma_start3A_438 : memref<128x16xf32, #tpu.memory_space<vmem>>) target(%dma_start3A_442 : memref<10240x16xf32, #tpu.memory_space<vmem_shared>>) offsets(%dma_start3A_439 : memref<128xi32, #tpu.memory_space<vmem>>) semaphore(%arg15 : memref<!tpu.dma_semaphore, #tpu.memory_space<semaphore_mem>>) {add = true}
      %mul3A_443 = arith.constant 8 : i32
      %mul3A_444 = arith.muli %mul3A_262, %mul3A_443 : i32
      %add3A_445 = arith.constant 4 : i32
      %add3A_446 = arith.addi %mul3A_444, %add3A_445 : i32
      %mul3A_447 = arith.constant 128 : i32
      %mul3A_448 = arith.muli %add3A_446, %mul3A_447 : i32
      %dma_start3A_449 = arith.constant 0 : i32
      %dma_start3A_450 = arith.constant 512 : i32
      %dma_start3A_451 = arith.constant 0 : i32
      %dma_start3A_452 = tpu.memref_slice %arg10[%dma_start3A_449, %dma_start3A_450, %dma_start3A_451] : memref<2x1024x16xf32, #tpu.memory_space<vmem>> -> memref<1x128x16xf32, #tpu.memory_space<vmem>>
      %dma_start3A_453 = tpu.memref_squeeze %dma_start3A_452 : memref<1x128x16xf32, #tpu.memory_space<vmem>> -> memref<128x16xf32, #tpu.memory_space<vmem>>
      %dma_start3A_454 = tpu.memref_slice %arg9[%mul3A_448] : memref<10240xi32, #tpu.memory_space<vmem>> -> memref<128xi32, #tpu.memory_space<vmem>>
      %dma_start3A_455 = arith.constant 0 : i32
      %dma_start3A_456 = arith.constant 0 : i32
      %dma_start3A_457 = tpu.memref_slice %arg11[%dma_start3A_455, %dma_start3A_456] : memref<10240x16xf32, #tpu.memory_space<vmem_shared>> -> memref<10240x16xf32, #tpu.memory_space<vmem_shared>>
      tpu.enqueue_indirect_dma source(%dma_start3A_453 : memref<128x16xf32, #tpu.memory_space<vmem>>) target(%dma_start3A_457 : memref<10240x16xf32, #tpu.memory_space<vmem_shared>>) offsets(%dma_start3A_454 : memref<128xi32, #tpu.memory_space<vmem>>) semaphore(%arg15 : memref<!tpu.dma_semaphore, #tpu.memory_space<semaphore_mem>>) {add = true}
      %mul3A_458 = arith.constant 8 : i32
      %mul3A_459 = arith.muli %mul3A_262, %mul3A_458 : i32
      %add3A_460 = arith.constant 5 : i32
      %add3A_461 = arith.addi %mul3A_459, %add3A_460 : i32
      %mul3A_462 = arith.constant 128 : i32
      %mul3A_463 = arith.muli %add3A_461, %mul3A_462 : i32
      %dma_start3A_464 = arith.constant 0 : i32
      %dma_start3A_465 = arith.constant 640 : i32
      %dma_start3A_466 = arith.constant 0 : i32
      %dma_start3A_467 = tpu.memref_slice %arg10[%dma_start3A_464, %dma_start3A_465, %dma_start3A_466] : memref<2x1024x16xf32, #tpu.memory_space<vmem>> -> memref<1x128x16xf32, #tpu.memory_space<vmem>>
      %dma_start3A_468 = tpu.memref_squeeze %dma_start3A_467 : memref<1x128x16xf32, #tpu.memory_space<vmem>> -> memref<128x16xf32, #tpu.memory_space<vmem>>
      %dma_start3A_469 = tpu.memref_slice %arg9[%mul3A_463] : memref<10240xi32, #tpu.memory_space<vmem>> -> memref<128xi32, #tpu.memory_space<vmem>>
      %dma_start3A_470 = arith.constant 0 : i32
      %dma_start3A_471 = arith.constant 0 : i32
      %dma_start3A_472 = tpu.memref_slice %arg11[%dma_start3A_470, %dma_start3A_471] : memref<10240x16xf32, #tpu.memory_space<vmem_shared>> -> memref<10240x16xf32, #tpu.memory_space<vmem_shared>>
      tpu.enqueue_indirect_dma source(%dma_start3A_468 : memref<128x16xf32, #tpu.memory_space<vmem>>) target(%dma_start3A_472 : memref<10240x16xf32, #tpu.memory_space<vmem_shared>>) offsets(%dma_start3A_469 : memref<128xi32, #tpu.memory_space<vmem>>) semaphore(%arg15 : memref<!tpu.dma_semaphore, #tpu.memory_space<semaphore_mem>>) {add = true}
      %mul3A_473 = arith.constant 8 : i32
      %mul3A_474 = arith.muli %mul3A_262, %mul3A_473 : i32
      %add3A_475 = arith.constant 6 : i32
      %add3A_476 = arith.addi %mul3A_474, %add3A_475 : i32
      %mul3A_477 = arith.constant 128 : i32
      %mul3A_478 = arith.muli %add3A_476, %mul3A_477 : i32
      %dma_start3A_479 = arith.constant 0 : i32
      %dma_start3A_480 = arith.constant 768 : i32
      %dma_start3A_481 = arith.constant 0 : i32
      %dma_start3A_482 = tpu.memref_slice %arg10[%dma_start3A_479, %dma_start3A_480, %dma_start3A_481] : memref<2x1024x16xf32, #tpu.memory_space<vmem>> -> memref<1x128x16xf32, #tpu.memory_space<vmem>>
      %dma_start3A_483 = tpu.memref_squeeze %dma_start3A_482 : memref<1x128x16xf32, #tpu.memory_space<vmem>> -> memref<128x16xf32, #tpu.memory_space<vmem>>
      %dma_start3A_484 = tpu.memref_slice %arg9[%mul3A_478] : memref<10240xi32, #tpu.memory_space<vmem>> -> memref<128xi32, #tpu.memory_space<vmem>>
      %dma_start3A_485 = arith.constant 0 : i32
      %dma_start3A_486 = arith.constant 0 : i32
      %dma_start3A_487 = tpu.memref_slice %arg11[%dma_start3A_485, %dma_start3A_486] : memref<10240x16xf32, #tpu.memory_space<vmem_shared>> -> memref<10240x16xf32, #tpu.memory_space<vmem_shared>>
      tpu.enqueue_indirect_dma source(%dma_start3A_483 : memref<128x16xf32, #tpu.memory_space<vmem>>) target(%dma_start3A_487 : memref<10240x16xf32, #tpu.memory_space<vmem_shared>>) offsets(%dma_start3A_484 : memref<128xi32, #tpu.memory_space<vmem>>) semaphore(%arg15 : memref<!tpu.dma_semaphore, #tpu.memory_space<semaphore_mem>>) {add = true}
      %mul3A_488 = arith.constant 8 : i32
      %mul3A_489 = arith.muli %mul3A_262, %mul3A_488 : i32
      %add3A_490 = arith.constant 7 : i32
      %add3A_491 = arith.addi %mul3A_489, %add3A_490 : i32
      %mul3A_492 = arith.constant 128 : i32
      %mul3A_493 = arith.muli %add3A_491, %mul3A_492 : i32
      %dma_start3A_494 = arith.constant 0 : i32
      %dma_start3A_495 = arith.constant 896 : i32
      %dma_start3A_496 = arith.constant 0 : i32
      %dma_start3A_497 = tpu.memref_slice %arg10[%dma_start3A_494, %dma_start3A_495, %dma_start3A_496] : memref<2x1024x16xf32, #tpu.memory_space<vmem>> -> memref<1x128x16xf32, #tpu.memory_space<vmem>>
      %dma_start3A_498 = tpu.memref_squeeze %dma_start3A_497 : memref<1x128x16xf32, #tpu.memory_space<vmem>> -> memref<128x16xf32, #tpu.memory_space<vmem>>
      %dma_start3A_499 = tpu.memref_slice %arg9[%mul3A_493] : memref<10240xi32, #tpu.memory_space<vmem>> -> memref<128xi32, #tpu.memory_space<vmem>>
      %dma_start3A_500 = arith.constant 0 : i32
      %dma_start3A_501 = arith.constant 0 : i32
      %dma_start3A_502 = tpu.memref_slice %arg11[%dma_start3A_500, %dma_start3A_501] : memref<10240x16xf32, #tpu.memory_space<vmem_shared>> -> memref<10240x16xf32, #tpu.memory_space<vmem_shared>>
      tpu.enqueue_indirect_dma source(%dma_start3A_498 : memref<128x16xf32, #tpu.memory_space<vmem>>) target(%dma_start3A_502 : memref<10240x16xf32, #tpu.memory_space<vmem_shared>>) offsets(%dma_start3A_499 : memref<128xi32, #tpu.memory_space<vmem>>) semaphore(%arg15 : memref<!tpu.dma_semaphore, #tpu.memory_space<semaphore_mem>>) {add = true}
      %gt3A = arith.constant 0 : i32
      %gt3A_503 = arith.cmpi sgt, %scan3A_260, %gt3A : i32
      %convert_element_type3A = arith.extui %gt3A_503 : i1 to i32
      %cond3A = arith.constant 0 : i32
      %cond3A_504 = arith.cmpi ne, %convert_element_type3A, %cond3A : i32
      scf.if %cond3A_504 {
        %sub3A = arith.constant 1 : i32
        %sub3A_875 = arith.subi %mul3A_262, %sub3A : i32
        %mul3A_876 = arith.constant 8 : i32
        %mul3A_877 = arith.muli %sub3A_875, %mul3A_876 : i32
        %add3A_878 = arith.constant 0 : i32
        %add3A_879 = arith.addi %mul3A_877, %add3A_878 : i32
        %mul3A_880 = arith.constant 128 : i32
        %mul3A_881 = arith.muli %add3A_879, %mul3A_880 : i32
        %dma_wait3A_882 = arith.constant 1 : i32
        %dma_wait3A_883 = arith.constant 0 : i32
        %dma_wait3A_884 = arith.constant 0 : i32
        %dma_wait3A_885 = tpu.memref_slice %arg10[%dma_wait3A_882, %dma_wait3A_883, %dma_wait3A_884] : memref<2x1024x16xf32, #tpu.memory_space<vmem>> -> memref<1x128x16xf32, #tpu.memory_space<vmem>>
        %dma_wait3A_886 = tpu.memref_squeeze %dma_wait3A_885 : memref<1x128x16xf32, #tpu.memory_space<vmem>> -> memref<128x16xf32, #tpu.memory_space<vmem>>
        %dma_wait3A_887 = tpu.memref_slice %arg9[%mul3A_881] : memref<10240xi32, #tpu.memory_space<vmem>> -> memref<128xi32, #tpu.memory_space<vmem>>
        %dma_wait3A_888 = arith.constant 0 : i32
        %dma_wait3A_889 = arith.constant 0 : i32
        %dma_wait3A_890 = tpu.memref_slice %arg11[%dma_wait3A_888, %dma_wait3A_889] : memref<10240x16xf32, #tpu.memory_space<vmem_shared>> -> memref<10240x16xf32, #tpu.memory_space<vmem_shared>>
        tpu.wait_indirect_dma semaphore(%arg16 : memref<!tpu.dma_semaphore, #tpu.memory_space<semaphore_mem>>) src(%dma_wait3A_886 : memref<128x16xf32, #tpu.memory_space<vmem>>) dst(%dma_wait3A_890 : memref<10240x16xf32, #tpu.memory_space<vmem_shared>>)
        %mul3A_891 = arith.constant 8 : i32
        %mul3A_892 = arith.muli %sub3A_875, %mul3A_891 : i32
        %add3A_893 = arith.constant 1 : i32
        %add3A_894 = arith.addi %mul3A_892, %add3A_893 : i32
        %mul3A_895 = arith.constant 128 : i32
        %mul3A_896 = arith.muli %add3A_894, %mul3A_895 : i32
        %dma_wait3A_897 = arith.constant 1 : i32
        %dma_wait3A_898 = arith.constant 128 : i32
        %dma_wait3A_899 = arith.constant 0 : i32
        %dma_wait3A_900 = tpu.memref_slice %arg10[%dma_wait3A_897, %dma_wait3A_898, %dma_wait3A_899] : memref<2x1024x16xf32, #tpu.memory_space<vmem>> -> memref<1x128x16xf32, #tpu.memory_space<vmem>>
        %dma_wait3A_901 = tpu.memref_squeeze %dma_wait3A_900 : memref<1x128x16xf32, #tpu.memory_space<vmem>> -> memref<128x16xf32, #tpu.memory_space<vmem>>
        %dma_wait3A_902 = tpu.memref_slice %arg9[%mul3A_896] : memref<10240xi32, #tpu.memory_space<vmem>> -> memref<128xi32, #tpu.memory_space<vmem>>
        %dma_wait3A_903 = arith.constant 0 : i32
        %dma_wait3A_904 = arith.constant 0 : i32
        %dma_wait3A_905 = tpu.memref_slice %arg11[%dma_wait3A_903, %dma_wait3A_904] : memref<10240x16xf32, #tpu.memory_space<vmem_shared>> -> memref<10240x16xf32, #tpu.memory_space<vmem_shared>>
        tpu.wait_indirect_dma semaphore(%arg16 : memref<!tpu.dma_semaphore, #tpu.memory_space<semaphore_mem>>) src(%dma_wait3A_901 : memref<128x16xf32, #tpu.memory_space<vmem>>) dst(%dma_wait3A_905 : memref<10240x16xf32, #tpu.memory_space<vmem_shared>>)
        %mul3A_906 = arith.constant 8 : i32
        %mul3A_907 = arith.muli %sub3A_875, %mul3A_906 : i32
        %add3A_908 = arith.constant 2 : i32
        %add3A_909 = arith.addi %mul3A_907, %add3A_908 : i32
        %mul3A_910 = arith.constant 128 : i32
        %mul3A_911 = arith.muli %add3A_909, %mul3A_910 : i32
        %dma_wait3A_912 = arith.constant 1 : i32
        %dma_wait3A_913 = arith.constant 256 : i32
        %dma_wait3A_914 = arith.constant 0 : i32
        %dma_wait3A_915 = tpu.memref_slice %arg10[%dma_wait3A_912, %dma_wait3A_913, %dma_wait3A_914] : memref<2x1024x16xf32, #tpu.memory_space<vmem>> -> memref<1x128x16xf32, #tpu.memory_space<vmem>>
        %dma_wait3A_916 = tpu.memref_squeeze %dma_wait3A_915 : memref<1x128x16xf32, #tpu.memory_space<vmem>> -> memref<128x16xf32, #tpu.memory_space<vmem>>
        %dma_wait3A_917 = tpu.memref_slice %arg9[%mul3A_911] : memref<10240xi32, #tpu.memory_space<vmem>> -> memref<128xi32, #tpu.memory_space<vmem>>
        %dma_wait3A_918 = arith.constant 0 : i32
        %dma_wait3A_919 = arith.constant 0 : i32
        %dma_wait3A_920 = tpu.memref_slice %arg11[%dma_wait3A_918, %dma_wait3A_919] : memref<10240x16xf32, #tpu.memory_space<vmem_shared>> -> memref<10240x16xf32, #tpu.memory_space<vmem_shared>>
        tpu.wait_indirect_dma semaphore(%arg16 : memref<!tpu.dma_semaphore, #tpu.memory_space<semaphore_mem>>) src(%dma_wait3A_916 : memref<128x16xf32, #tpu.memory_space<vmem>>) dst(%dma_wait3A_920 : memref<10240x16xf32, #tpu.memory_space<vmem_shared>>)
        %mul3A_921 = arith.constant 8 : i32
        %mul3A_922 = arith.muli %sub3A_875, %mul3A_921 : i32
        %add3A_923 = arith.constant 3 : i32
        %add3A_924 = arith.addi %mul3A_922, %add3A_923 : i32
        %mul3A_925 = arith.constant 128 : i32
        %mul3A_926 = arith.muli %add3A_924, %mul3A_925 : i32
        %dma_wait3A_927 = arith.constant 1 : i32
        %dma_wait3A_928 = arith.constant 384 : i32
        %dma_wait3A_929 = arith.constant 0 : i32
        %dma_wait3A_930 = tpu.memref_slice %arg10[%dma_wait3A_927, %dma_wait3A_928, %dma_wait3A_929] : memref<2x1024x16xf32, #tpu.memory_space<vmem>> -> memref<1x128x16xf32, #tpu.memory_space<vmem>>
        %dma_wait3A_931 = tpu.memref_squeeze %dma_wait3A_930 : memref<1x128x16xf32, #tpu.memory_space<vmem>> -> memref<128x16xf32, #tpu.memory_space<vmem>>
        %dma_wait3A_932 = tpu.memref_slice %arg9[%mul3A_926] : memref<10240xi32, #tpu.memory_space<vmem>> -> memref<128xi32, #tpu.memory_space<vmem>>
        %dma_wait3A_933 = arith.constant 0 : i32
        %dma_wait3A_934 = arith.constant 0 : i32
        %dma_wait3A_935 = tpu.memref_slice %arg11[%dma_wait3A_933, %dma_wait3A_934] : memref<10240x16xf32, #tpu.memory_space<vmem_shared>> -> memref<10240x16xf32, #tpu.memory_space<vmem_shared>>
        tpu.wait_indirect_dma semaphore(%arg16 : memref<!tpu.dma_semaphore, #tpu.memory_space<semaphore_mem>>) src(%dma_wait3A_931 : memref<128x16xf32, #tpu.memory_space<vmem>>) dst(%dma_wait3A_935 : memref<10240x16xf32, #tpu.memory_space<vmem_shared>>)
        %mul3A_936 = arith.constant 8 : i32
        %mul3A_937 = arith.muli %sub3A_875, %mul3A_936 : i32
        %add3A_938 = arith.constant 4 : i32
        %add3A_939 = arith.addi %mul3A_937, %add3A_938 : i32
        %mul3A_940 = arith.constant 128 : i32
        %mul3A_941 = arith.muli %add3A_939, %mul3A_940 : i32
        %dma_wait3A_942 = arith.constant 1 : i32
        %dma_wait3A_943 = arith.constant 512 : i32
        %dma_wait3A_944 = arith.constant 0 : i32
        %dma_wait3A_945 = tpu.memref_slice %arg10[%dma_wait3A_942, %dma_wait3A_943, %dma_wait3A_944] : memref<2x1024x16xf32, #tpu.memory_space<vmem>> -> memref<1x128x16xf32, #tpu.memory_space<vmem>>
        %dma_wait3A_946 = tpu.memref_squeeze %dma_wait3A_945 : memref<1x128x16xf32, #tpu.memory_space<vmem>> -> memref<128x16xf32, #tpu.memory_space<vmem>>
        %dma_wait3A_947 = tpu.memref_slice %arg9[%mul3A_941] : memref<10240xi32, #tpu.memory_space<vmem>> -> memref<128xi32, #tpu.memory_space<vmem>>
        %dma_wait3A_948 = arith.constant 0 : i32
        %dma_wait3A_949 = arith.constant 0 : i32
        %dma_wait3A_950 = tpu.memref_slice %arg11[%dma_wait3A_948, %dma_wait3A_949] : memref<10240x16xf32, #tpu.memory_space<vmem_shared>> -> memref<10240x16xf32, #tpu.memory_space<vmem_shared>>
        tpu.wait_indirect_dma semaphore(%arg16 : memref<!tpu.dma_semaphore, #tpu.memory_space<semaphore_mem>>) src(%dma_wait3A_946 : memref<128x16xf32, #tpu.memory_space<vmem>>) dst(%dma_wait3A_950 : memref<10240x16xf32, #tpu.memory_space<vmem_shared>>)
        %mul3A_951 = arith.constant 8 : i32
        %mul3A_952 = arith.muli %sub3A_875, %mul3A_951 : i32
        %add3A_953 = arith.constant 5 : i32
        %add3A_954 = arith.addi %mul3A_952, %add3A_953 : i32
        %mul3A_955 = arith.constant 128 : i32
        %mul3A_956 = arith.muli %add3A_954, %mul3A_955 : i32
        %dma_wait3A_957 = arith.constant 1 : i32
        %dma_wait3A_958 = arith.constant 640 : i32
        %dma_wait3A_959 = arith.constant 0 : i32
        %dma_wait3A_960 = tpu.memref_slice %arg10[%dma_wait3A_957, %dma_wait3A_958, %dma_wait3A_959] : memref<2x1024x16xf32, #tpu.memory_space<vmem>> -> memref<1x128x16xf32, #tpu.memory_space<vmem>>
        %dma_wait3A_961 = tpu.memref_squeeze %dma_wait3A_960 : memref<1x128x16xf32, #tpu.memory_space<vmem>> -> memref<128x16xf32, #tpu.memory_space<vmem>>
        %dma_wait3A_962 = tpu.memref_slice %arg9[%mul3A_956] : memref<10240xi32, #tpu.memory_space<vmem>> -> memref<128xi32, #tpu.memory_space<vmem>>
        %dma_wait3A_963 = arith.constant 0 : i32
        %dma_wait3A_964 = arith.constant 0 : i32
        %dma_wait3A_965 = tpu.memref_slice %arg11[%dma_wait3A_963, %dma_wait3A_964] : memref<10240x16xf32, #tpu.memory_space<vmem_shared>> -> memref<10240x16xf32, #tpu.memory_space<vmem_shared>>
        tpu.wait_indirect_dma semaphore(%arg16 : memref<!tpu.dma_semaphore, #tpu.memory_space<semaphore_mem>>) src(%dma_wait3A_961 : memref<128x16xf32, #tpu.memory_space<vmem>>) dst(%dma_wait3A_965 : memref<10240x16xf32, #tpu.memory_space<vmem_shared>>)
        %mul3A_966 = arith.constant 8 : i32
        %mul3A_967 = arith.muli %sub3A_875, %mul3A_966 : i32
        %add3A_968 = arith.constant 6 : i32
        %add3A_969 = arith.addi %mul3A_967, %add3A_968 : i32
        %mul3A_970 = arith.constant 128 : i32
        %mul3A_971 = arith.muli %add3A_969, %mul3A_970 : i32
        %dma_wait3A_972 = arith.constant 1 : i32
        %dma_wait3A_973 = arith.constant 768 : i32
        %dma_wait3A_974 = arith.constant 0 : i32
        %dma_wait3A_975 = tpu.memref_slice %arg10[%dma_wait3A_972, %dma_wait3A_973, %dma_wait3A_974] : memref<2x1024x16xf32, #tpu.memory_space<vmem>> -> memref<1x128x16xf32, #tpu.memory_space<vmem>>
        %dma_wait3A_976 = tpu.memref_squeeze %dma_wait3A_975 : memref<1x128x16xf32, #tpu.memory_space<vmem>> -> memref<128x16xf32, #tpu.memory_space<vmem>>
        %dma_wait3A_977 = tpu.memref_slice %arg9[%mul3A_971] : memref<10240xi32, #tpu.memory_space<vmem>> -> memref<128xi32, #tpu.memory_space<vmem>>
        %dma_wait3A_978 = arith.constant 0 : i32
        %dma_wait3A_979 = arith.constant 0 : i32
        %dma_wait3A_980 = tpu.memref_slice %arg11[%dma_wait3A_978, %dma_wait3A_979] : memref<10240x16xf32, #tpu.memory_space<vmem_shared>> -> memref<10240x16xf32, #tpu.memory_space<vmem_shared>>
        tpu.wait_indirect_dma semaphore(%arg16 : memref<!tpu.dma_semaphore, #tpu.memory_space<semaphore_mem>>) src(%dma_wait3A_976 : memref<128x16xf32, #tpu.memory_space<vmem>>) dst(%dma_wait3A_980 : memref<10240x16xf32, #tpu.memory_space<vmem_shared>>)
        %mul3A_981 = arith.constant 8 : i32
        %mul3A_982 = arith.muli %sub3A_875, %mul3A_981 : i32
        %add3A_983 = arith.constant 7 : i32
        %add3A_984 = arith.addi %mul3A_982, %add3A_983 : i32
        %mul3A_985 = arith.constant 128 : i32
        %mul3A_986 = arith.muli %add3A_984, %mul3A_985 : i32
        %dma_wait3A_987 = arith.constant 1 : i32
        %dma_wait3A_988 = arith.constant 896 : i32
        %dma_wait3A_989 = arith.constant 0 : i32
        %dma_wait3A_990 = tpu.memref_slice %arg10[%dma_wait3A_987, %dma_wait3A_988, %dma_wait3A_989] : memref<2x1024x16xf32, #tpu.memory_space<vmem>> -> memref<1x128x16xf32, #tpu.memory_space<vmem>>
        %dma_wait3A_991 = tpu.memref_squeeze %dma_wait3A_990 : memref<1x128x16xf32, #tpu.memory_space<vmem>> -> memref<128x16xf32, #tpu.memory_space<vmem>>
        %dma_wait3A_992 = tpu.memref_slice %arg9[%mul3A_986] : memref<10240xi32, #tpu.memory_space<vmem>> -> memref<128xi32, #tpu.memory_space<vmem>>
        %dma_wait3A_993 = arith.constant 0 : i32
        %dma_wait3A_994 = arith.constant 0 : i32
        %dma_wait3A_995 = tpu.memref_slice %arg11[%dma_wait3A_993, %dma_wait3A_994] : memref<10240x16xf32, #tpu.memory_space<vmem_shared>> -> memref<10240x16xf32, #tpu.memory_space<vmem_shared>>
        tpu.wait_indirect_dma semaphore(%arg16 : memref<!tpu.dma_semaphore, #tpu.memory_space<semaphore_mem>>) src(%dma_wait3A_991 : memref<128x16xf32, #tpu.memory_space<vmem>>) dst(%dma_wait3A_995 : memref<10240x16xf32, #tpu.memory_space<vmem_shared>>)
      } else {
      }
      %add3A_505 = arith.constant 1 : i32
      %add3A_506 = arith.addi %mul3A_262, %add3A_505 : i32
      %mul3A_507 = arith.constant 8 : i32
      %mul3A_508 = arith.muli %add3A_506, %mul3A_507 : i32
      %add3A_509 = arith.constant 0 : i32
      %add3A_510 = arith.addi %mul3A_508, %add3A_509 : i32
      %mul3A_511 = arith.constant 128 : i32
      %mul3A_512 = arith.muli %add3A_510, %mul3A_511 : i32
      %dma_start3A_513 = arith.constant 1 : i32
      %dma_start3A_514 = arith.constant 0 : i32
      %dma_start3A_515 = arith.constant 0 : i32
      %dma_start3A_516 = tpu.memref_slice %arg10[%dma_start3A_513, %dma_start3A_514, %dma_start3A_515] : memref<2x1024x16xf32, #tpu.memory_space<vmem>> -> memref<1x128x16xf32, #tpu.memory_space<vmem>>
      %dma_start3A_517 = tpu.memref_squeeze %dma_start3A_516 : memref<1x128x16xf32, #tpu.memory_space<vmem>> -> memref<128x16xf32, #tpu.memory_space<vmem>>
      %dma_start3A_518 = tpu.memref_slice %arg8[%mul3A_512] : memref<10240xi32, #tpu.memory_space<vmem>> -> memref<128xi32, #tpu.memory_space<vmem>>
      %dma_start3A_519 = arith.constant 0 : i32
      %dma_start3A_520 = arith.constant 0 : i32
      %dma_start3A_521 = tpu.memref_slice %arg12[%dma_start3A_519, %dma_start3A_520] : memref<10240x16xf32, #tpu.memory_space<vmem_shared>> -> memref<10240x16xf32, #tpu.memory_space<vmem_shared>>
      tpu.enqueue_indirect_dma source(%dma_start3A_521 : memref<10240x16xf32, #tpu.memory_space<vmem_shared>>) target(%dma_start3A_517 : memref<128x16xf32, #tpu.memory_space<vmem>>) offsets(%dma_start3A_518 : memref<128xi32, #tpu.memory_space<vmem>>) semaphore(%arg14 : memref<!tpu.dma_semaphore, #tpu.memory_space<semaphore_mem>>)
      %mul3A_522 = arith.constant 8 : i32
      %mul3A_523 = arith.muli %add3A_506, %mul3A_522 : i32
      %add3A_524 = arith.constant 1 : i32
      %add3A_525 = arith.addi %mul3A_523, %add3A_524 : i32
      %mul3A_526 = arith.constant 128 : i32
      %mul3A_527 = arith.muli %add3A_525, %mul3A_526 : i32
      %dma_start3A_528 = arith.constant 1 : i32
      %dma_start3A_529 = arith.constant 128 : i32
      %dma_start3A_530 = arith.constant 0 : i32
      %dma_start3A_531 = tpu.memref_slice %arg10[%dma_start3A_528, %dma_start3A_529, %dma_start3A_530] : memref<2x1024x16xf32, #tpu.memory_space<vmem>> -> memref<1x128x16xf32, #tpu.memory_space<vmem>>
      %dma_start3A_532 = tpu.memref_squeeze %dma_start3A_531 : memref<1x128x16xf32, #tpu.memory_space<vmem>> -> memref<128x16xf32, #tpu.memory_space<vmem>>
      %dma_start3A_533 = tpu.memref_slice %arg8[%mul3A_527] : memref<10240xi32, #tpu.memory_space<vmem>> -> memref<128xi32, #tpu.memory_space<vmem>>
      %dma_start3A_534 = arith.constant 0 : i32
      %dma_start3A_535 = arith.constant 0 : i32
      %dma_start3A_536 = tpu.memref_slice %arg12[%dma_start3A_534, %dma_start3A_535] : memref<10240x16xf32, #tpu.memory_space<vmem_shared>> -> memref<10240x16xf32, #tpu.memory_space<vmem_shared>>
      tpu.enqueue_indirect_dma source(%dma_start3A_536 : memref<10240x16xf32, #tpu.memory_space<vmem_shared>>) target(%dma_start3A_532 : memref<128x16xf32, #tpu.memory_space<vmem>>) offsets(%dma_start3A_533 : memref<128xi32, #tpu.memory_space<vmem>>) semaphore(%arg14 : memref<!tpu.dma_semaphore, #tpu.memory_space<semaphore_mem>>)
      %mul3A_537 = arith.constant 8 : i32
      %mul3A_538 = arith.muli %add3A_506, %mul3A_537 : i32
      %add3A_539 = arith.constant 2 : i32
      %add3A_540 = arith.addi %mul3A_538, %add3A_539 : i32
      %mul3A_541 = arith.constant 128 : i32
      %mul3A_542 = arith.muli %add3A_540, %mul3A_541 : i32
      %dma_start3A_543 = arith.constant 1 : i32
      %dma_start3A_544 = arith.constant 256 : i32
      %dma_start3A_545 = arith.constant 0 : i32
      %dma_start3A_546 = tpu.memref_slice %arg10[%dma_start3A_543, %dma_start3A_544, %dma_start3A_545] : memref<2x1024x16xf32, #tpu.memory_space<vmem>> -> memref<1x128x16xf32, #tpu.memory_space<vmem>>
      %dma_start3A_547 = tpu.memref_squeeze %dma_start3A_546 : memref<1x128x16xf32, #tpu.memory_space<vmem>> -> memref<128x16xf32, #tpu.memory_space<vmem>>
      %dma_start3A_548 = tpu.memref_slice %arg8[%mul3A_542] : memref<10240xi32, #tpu.memory_space<vmem>> -> memref<128xi32, #tpu.memory_space<vmem>>
      %dma_start3A_549 = arith.constant 0 : i32
      %dma_start3A_550 = arith.constant 0 : i32
      %dma_start3A_551 = tpu.memref_slice %arg12[%dma_start3A_549, %dma_start3A_550] : memref<10240x16xf32, #tpu.memory_space<vmem_shared>> -> memref<10240x16xf32, #tpu.memory_space<vmem_shared>>
      tpu.enqueue_indirect_dma source(%dma_start3A_551 : memref<10240x16xf32, #tpu.memory_space<vmem_shared>>) target(%dma_start3A_547 : memref<128x16xf32, #tpu.memory_space<vmem>>) offsets(%dma_start3A_548 : memref<128xi32, #tpu.memory_space<vmem>>) semaphore(%arg14 : memref<!tpu.dma_semaphore, #tpu.memory_space<semaphore_mem>>)
      %mul3A_552 = arith.constant 8 : i32
      %mul3A_553 = arith.muli %add3A_506, %mul3A_552 : i32
      %add3A_554 = arith.constant 3 : i32
      %add3A_555 = arith.addi %mul3A_553, %add3A_554 : i32
      %mul3A_556 = arith.constant 128 : i32
      %mul3A_557 = arith.muli %add3A_555, %mul3A_556 : i32
      %dma_start3A_558 = arith.constant 1 : i32
      %dma_start3A_559 = arith.constant 384 : i32
      %dma_start3A_560 = arith.constant 0 : i32
      %dma_start3A_561 = tpu.memref_slice %arg10[%dma_start3A_558, %dma_start3A_559, %dma_start3A_560] : memref<2x1024x16xf32, #tpu.memory_space<vmem>> -> memref<1x128x16xf32, #tpu.memory_space<vmem>>
      %dma_start3A_562 = tpu.memref_squeeze %dma_start3A_561 : memref<1x128x16xf32, #tpu.memory_space<vmem>> -> memref<128x16xf32, #tpu.memory_space<vmem>>
      %dma_start3A_563 = tpu.memref_slice %arg8[%mul3A_557] : memref<10240xi32, #tpu.memory_space<vmem>> -> memref<128xi32, #tpu.memory_space<vmem>>
      %dma_start3A_564 = arith.constant 0 : i32
      %dma_start3A_565 = arith.constant 0 : i32
      %dma_start3A_566 = tpu.memref_slice %arg12[%dma_start3A_564, %dma_start3A_565] : memref<10240x16xf32, #tpu.memory_space<vmem_shared>> -> memref<10240x16xf32, #tpu.memory_space<vmem_shared>>
      tpu.enqueue_indirect_dma source(%dma_start3A_566 : memref<10240x16xf32, #tpu.memory_space<vmem_shared>>) target(%dma_start3A_562 : memref<128x16xf32, #tpu.memory_space<vmem>>) offsets(%dma_start3A_563 : memref<128xi32, #tpu.memory_space<vmem>>) semaphore(%arg14 : memref<!tpu.dma_semaphore, #tpu.memory_space<semaphore_mem>>)
      %mul3A_567 = arith.constant 8 : i32
      %mul3A_568 = arith.muli %add3A_506, %mul3A_567 : i32
      %add3A_569 = arith.constant 4 : i32
      %add3A_570 = arith.addi %mul3A_568, %add3A_569 : i32
      %mul3A_571 = arith.constant 128 : i32
      %mul3A_572 = arith.muli %add3A_570, %mul3A_571 : i32
      %dma_start3A_573 = arith.constant 1 : i32
      %dma_start3A_574 = arith.constant 512 : i32
      %dma_start3A_575 = arith.constant 0 : i32
      %dma_start3A_576 = tpu.memref_slice %arg10[%dma_start3A_573, %dma_start3A_574, %dma_start3A_575] : memref<2x1024x16xf32, #tpu.memory_space<vmem>> -> memref<1x128x16xf32, #tpu.memory_space<vmem>>
      %dma_start3A_577 = tpu.memref_squeeze %dma_start3A_576 : memref<1x128x16xf32, #tpu.memory_space<vmem>> -> memref<128x16xf32, #tpu.memory_space<vmem>>
      %dma_start3A_578 = tpu.memref_slice %arg8[%mul3A_572] : memref<10240xi32, #tpu.memory_space<vmem>> -> memref<128xi32, #tpu.memory_space<vmem>>
      %dma_start3A_579 = arith.constant 0 : i32
      %dma_start3A_580 = arith.constant 0 : i32
      %dma_start3A_581 = tpu.memref_slice %arg12[%dma_start3A_579, %dma_start3A_580] : memref<10240x16xf32, #tpu.memory_space<vmem_shared>> -> memref<10240x16xf32, #tpu.memory_space<vmem_shared>>
      tpu.enqueue_indirect_dma source(%dma_start3A_581 : memref<10240x16xf32, #tpu.memory_space<vmem_shared>>) target(%dma_start3A_577 : memref<128x16xf32, #tpu.memory_space<vmem>>) offsets(%dma_start3A_578 : memref<128xi32, #tpu.memory_space<vmem>>) semaphore(%arg14 : memref<!tpu.dma_semaphore, #tpu.memory_space<semaphore_mem>>)
      %mul3A_582 = arith.constant 8 : i32
      %mul3A_583 = arith.muli %add3A_506, %mul3A_582 : i32
      %add3A_584 = arith.constant 5 : i32
      %add3A_585 = arith.addi %mul3A_583, %add3A_584 : i32
      %mul3A_586 = arith.constant 128 : i32
      %mul3A_587 = arith.muli %add3A_585, %mul3A_586 : i32
      %dma_start3A_588 = arith.constant 1 : i32
      %dma_start3A_589 = arith.constant 640 : i32
      %dma_start3A_590 = arith.constant 0 : i32
      %dma_start3A_591 = tpu.memref_slice %arg10[%dma_start3A_588, %dma_start3A_589, %dma_start3A_590] : memref<2x1024x16xf32, #tpu.memory_space<vmem>> -> memref<1x128x16xf32, #tpu.memory_space<vmem>>
      %dma_start3A_592 = tpu.memref_squeeze %dma_start3A_591 : memref<1x128x16xf32, #tpu.memory_space<vmem>> -> memref<128x16xf32, #tpu.memory_space<vmem>>
      %dma_start3A_593 = tpu.memref_slice %arg8[%mul3A_587] : memref<10240xi32, #tpu.memory_space<vmem>> -> memref<128xi32, #tpu.memory_space<vmem>>
      %dma_start3A_594 = arith.constant 0 : i32
      %dma_start3A_595 = arith.constant 0 : i32
      %dma_start3A_596 = tpu.memref_slice %arg12[%dma_start3A_594, %dma_start3A_595] : memref<10240x16xf32, #tpu.memory_space<vmem_shared>> -> memref<10240x16xf32, #tpu.memory_space<vmem_shared>>
      tpu.enqueue_indirect_dma source(%dma_start3A_596 : memref<10240x16xf32, #tpu.memory_space<vmem_shared>>) target(%dma_start3A_592 : memref<128x16xf32, #tpu.memory_space<vmem>>) offsets(%dma_start3A_593 : memref<128xi32, #tpu.memory_space<vmem>>) semaphore(%arg14 : memref<!tpu.dma_semaphore, #tpu.memory_space<semaphore_mem>>)
      %mul3A_597 = arith.constant 8 : i32
      %mul3A_598 = arith.muli %add3A_506, %mul3A_597 : i32
      %add3A_599 = arith.constant 6 : i32
      %add3A_600 = arith.addi %mul3A_598, %add3A_599 : i32
      %mul3A_601 = arith.constant 128 : i32
      %mul3A_602 = arith.muli %add3A_600, %mul3A_601 : i32
      %dma_start3A_603 = arith.constant 1 : i32
      %dma_start3A_604 = arith.constant 768 : i32
      %dma_start3A_605 = arith.constant 0 : i32
      %dma_start3A_606 = tpu.memref_slice %arg10[%dma_start3A_603, %dma_start3A_604, %dma_start3A_605] : memref<2x1024x16xf32, #tpu.memory_space<vmem>> -> memref<1x128x16xf32, #tpu.memory_space<vmem>>
      %dma_start3A_607 = tpu.memref_squeeze %dma_start3A_606 : memref<1x128x16xf32, #tpu.memory_space<vmem>> -> memref<128x16xf32, #tpu.memory_space<vmem>>
      %dma_start3A_608 = tpu.memref_slice %arg8[%mul3A_602] : memref<10240xi32, #tpu.memory_space<vmem>> -> memref<128xi32, #tpu.memory_space<vmem>>
      %dma_start3A_609 = arith.constant 0 : i32
      %dma_start3A_610 = arith.constant 0 : i32
      %dma_start3A_611 = tpu.memref_slice %arg12[%dma_start3A_609, %dma_start3A_610] : memref<10240x16xf32, #tpu.memory_space<vmem_shared>> -> memref<10240x16xf32, #tpu.memory_space<vmem_shared>>
      tpu.enqueue_indirect_dma source(%dma_start3A_611 : memref<10240x16xf32, #tpu.memory_space<vmem_shared>>) target(%dma_start3A_607 : memref<128x16xf32, #tpu.memory_space<vmem>>) offsets(%dma_start3A_608 : memref<128xi32, #tpu.memory_space<vmem>>) semaphore(%arg14 : memref<!tpu.dma_semaphore, #tpu.memory_space<semaphore_mem>>)
      %mul3A_612 = arith.constant 8 : i32
      %mul3A_613 = arith.muli %add3A_506, %mul3A_612 : i32
      %add3A_614 = arith.constant 7 : i32
      %add3A_615 = arith.addi %mul3A_613, %add3A_614 : i32
      %mul3A_616 = arith.constant 128 : i32
      %mul3A_617 = arith.muli %add3A_615, %mul3A_616 : i32
      %dma_start3A_618 = arith.constant 1 : i32
      %dma_start3A_619 = arith.constant 896 : i32
      %dma_start3A_620 = arith.constant 0 : i32
      %dma_start3A_621 = tpu.memref_slice %arg10[%dma_start3A_618, %dma_start3A_619, %dma_start3A_620] : memref<2x1024x16xf32, #tpu.memory_space<vmem>> -> memref<1x128x16xf32, #tpu.memory_space<vmem>>
      %dma_start3A_622 = tpu.memref_squeeze %dma_start3A_621 : memref<1x128x16xf32, #tpu.memory_space<vmem>> -> memref<128x16xf32, #tpu.memory_space<vmem>>
      %dma_start3A_623 = tpu.memref_slice %arg8[%mul3A_617] : memref<10240xi32, #tpu.memory_space<vmem>> -> memref<128xi32, #tpu.memory_space<vmem>>
      %dma_start3A_624 = arith.constant 0 : i32
      %dma_start3A_625 = arith.constant 0 : i32
      %dma_start3A_626 = tpu.memref_slice %arg12[%dma_start3A_624, %dma_start3A_625] : memref<10240x16xf32, #tpu.memory_space<vmem_shared>> -> memref<10240x16xf32, #tpu.memory_space<vmem_shared>>
      tpu.enqueue_indirect_dma source(%dma_start3A_626 : memref<10240x16xf32, #tpu.memory_space<vmem_shared>>) target(%dma_start3A_622 : memref<128x16xf32, #tpu.memory_space<vmem>>) offsets(%dma_start3A_623 : memref<128xi32, #tpu.memory_space<vmem>>) semaphore(%arg14 : memref<!tpu.dma_semaphore, #tpu.memory_space<semaphore_mem>>)
      %add3A_627 = arith.constant 1 : i32
      %add3A_628 = arith.addi %mul3A_262, %add3A_627 : i32
      %mul3A_629 = arith.constant 8 : i32
      %mul3A_630 = arith.muli %add3A_628, %mul3A_629 : i32
      %add3A_631 = arith.constant 0 : i32
      %add3A_632 = arith.addi %mul3A_630, %add3A_631 : i32
      %mul3A_633 = arith.constant 128 : i32
      %mul3A_634 = arith.muli %add3A_632, %mul3A_633 : i32
      %dma_wait3A_635 = arith.constant 1 : i32
      %dma_wait3A_636 = arith.constant 0 : i32
      %dma_wait3A_637 = arith.constant 0 : i32
      %dma_wait3A_638 = tpu.memref_slice %arg10[%dma_wait3A_635, %dma_wait3A_636, %dma_wait3A_637] : memref<2x1024x16xf32, #tpu.memory_space<vmem>> -> memref<1x128x16xf32, #tpu.memory_space<vmem>>
      %dma_wait3A_639 = tpu.memref_squeeze %dma_wait3A_638 : memref<1x128x16xf32, #tpu.memory_space<vmem>> -> memref<128x16xf32, #tpu.memory_space<vmem>>
      %dma_wait3A_640 = tpu.memref_slice %arg8[%mul3A_634] : memref<10240xi32, #tpu.memory_space<vmem>> -> memref<128xi32, #tpu.memory_space<vmem>>
      %dma_wait3A_641 = arith.constant 0 : i32
      %dma_wait3A_642 = arith.constant 0 : i32
      %dma_wait3A_643 = tpu.memref_slice %arg12[%dma_wait3A_641, %dma_wait3A_642] : memref<10240x16xf32, #tpu.memory_space<vmem_shared>> -> memref<10240x16xf32, #tpu.memory_space<vmem_shared>>
      tpu.wait_indirect_dma semaphore(%arg14 : memref<!tpu.dma_semaphore, #tpu.memory_space<semaphore_mem>>) src(%dma_wait3A_643 : memref<10240x16xf32, #tpu.memory_space<vmem_shared>>) dst(%dma_wait3A_639 : memref<128x16xf32, #tpu.memory_space<vmem>>)
      %mul3A_644 = arith.constant 8 : i32
      %mul3A_645 = arith.muli %add3A_628, %mul3A_644 : i32
      %add3A_646 = arith.constant 1 : i32
      %add3A_647 = arith.addi %mul3A_645, %add3A_646 : i32
      %mul3A_648 = arith.constant 128 : i32
      %mul3A_649 = arith.muli %add3A_647, %mul3A_648 : i32
      %dma_wait3A_650 = arith.constant 1 : i32
      %dma_wait3A_651 = arith.constant 128 : i32
      %dma_wait3A_652 = arith.constant 0 : i32
      %dma_wait3A_653 = tpu.memref_slice %arg10[%dma_wait3A_650, %dma_wait3A_651, %dma_wait3A_652] : memref<2x1024x16xf32, #tpu.memory_space<vmem>> -> memref<1x128x16xf32, #tpu.memory_space<vmem>>
      %dma_wait3A_654 = tpu.memref_squeeze %dma_wait3A_653 : memref<1x128x16xf32, #tpu.memory_space<vmem>> -> memref<128x16xf32, #tpu.memory_space<vmem>>
      %dma_wait3A_655 = tpu.memref_slice %arg8[%mul3A_649] : memref<10240xi32, #tpu.memory_space<vmem>> -> memref<128xi32, #tpu.memory_space<vmem>>
      %dma_wait3A_656 = arith.constant 0 : i32
      %dma_wait3A_657 = arith.constant 0 : i32
      %dma_wait3A_658 = tpu.memref_slice %arg12[%dma_wait3A_656, %dma_wait3A_657] : memref<10240x16xf32, #tpu.memory_space<vmem_shared>> -> memref<10240x16xf32, #tpu.memory_space<vmem_shared>>
      tpu.wait_indirect_dma semaphore(%arg14 : memref<!tpu.dma_semaphore, #tpu.memory_space<semaphore_mem>>) src(%dma_wait3A_658 : memref<10240x16xf32, #tpu.memory_space<vmem_shared>>) dst(%dma_wait3A_654 : memref<128x16xf32, #tpu.memory_space<vmem>>)
      %mul3A_659 = arith.constant 8 : i32
      %mul3A_660 = arith.muli %add3A_628, %mul3A_659 : i32
      %add3A_661 = arith.constant 2 : i32
      %add3A_662 = arith.addi %mul3A_660, %add3A_661 : i32
      %mul3A_663 = arith.constant 128 : i32
      %mul3A_664 = arith.muli %add3A_662, %mul3A_663 : i32
      %dma_wait3A_665 = arith.constant 1 : i32
      %dma_wait3A_666 = arith.constant 256 : i32
      %dma_wait3A_667 = arith.constant 0 : i32
      %dma_wait3A_668 = tpu.memref_slice %arg10[%dma_wait3A_665, %dma_wait3A_666, %dma_wait3A_667] : memref<2x1024x16xf32, #tpu.memory_space<vmem>> -> memref<1x128x16xf32, #tpu.memory_space<vmem>>
      %dma_wait3A_669 = tpu.memref_squeeze %dma_wait3A_668 : memref<1x128x16xf32, #tpu.memory_space<vmem>> -> memref<128x16xf32, #tpu.memory_space<vmem>>
      %dma_wait3A_670 = tpu.memref_slice %arg8[%mul3A_664] : memref<10240xi32, #tpu.memory_space<vmem>> -> memref<128xi32, #tpu.memory_space<vmem>>
      %dma_wait3A_671 = arith.constant 0 : i32
      %dma_wait3A_672 = arith.constant 0 : i32
      %dma_wait3A_673 = tpu.memref_slice %arg12[%dma_wait3A_671, %dma_wait3A_672] : memref<10240x16xf32, #tpu.memory_space<vmem_shared>> -> memref<10240x16xf32, #tpu.memory_space<vmem_shared>>
      tpu.wait_indirect_dma semaphore(%arg14 : memref<!tpu.dma_semaphore, #tpu.memory_space<semaphore_mem>>) src(%dma_wait3A_673 : memref<10240x16xf32, #tpu.memory_space<vmem_shared>>) dst(%dma_wait3A_669 : memref<128x16xf32, #tpu.memory_space<vmem>>)
      %mul3A_674 = arith.constant 8 : i32
      %mul3A_675 = arith.muli %add3A_628, %mul3A_674 : i32
      %add3A_676 = arith.constant 3 : i32
      %add3A_677 = arith.addi %mul3A_675, %add3A_676 : i32
      %mul3A_678 = arith.constant 128 : i32
      %mul3A_679 = arith.muli %add3A_677, %mul3A_678 : i32
      %dma_wait3A_680 = arith.constant 1 : i32
      %dma_wait3A_681 = arith.constant 384 : i32
      %dma_wait3A_682 = arith.constant 0 : i32
      %dma_wait3A_683 = tpu.memref_slice %arg10[%dma_wait3A_680, %dma_wait3A_681, %dma_wait3A_682] : memref<2x1024x16xf32, #tpu.memory_space<vmem>> -> memref<1x128x16xf32, #tpu.memory_space<vmem>>
      %dma_wait3A_684 = tpu.memref_squeeze %dma_wait3A_683 : memref<1x128x16xf32, #tpu.memory_space<vmem>> -> memref<128x16xf32, #tpu.memory_space<vmem>>
      %dma_wait3A_685 = tpu.memref_slice %arg8[%mul3A_679] : memref<10240xi32, #tpu.memory_space<vmem>> -> memref<128xi32, #tpu.memory_space<vmem>>
      %dma_wait3A_686 = arith.constant 0 : i32
      %dma_wait3A_687 = arith.constant 0 : i32
      %dma_wait3A_688 = tpu.memref_slice %arg12[%dma_wait3A_686, %dma_wait3A_687] : memref<10240x16xf32, #tpu.memory_space<vmem_shared>> -> memref<10240x16xf32, #tpu.memory_space<vmem_shared>>
      tpu.wait_indirect_dma semaphore(%arg14 : memref<!tpu.dma_semaphore, #tpu.memory_space<semaphore_mem>>) src(%dma_wait3A_688 : memref<10240x16xf32, #tpu.memory_space<vmem_shared>>) dst(%dma_wait3A_684 : memref<128x16xf32, #tpu.memory_space<vmem>>)
      %mul3A_689 = arith.constant 8 : i32
      %mul3A_690 = arith.muli %add3A_628, %mul3A_689 : i32
      %add3A_691 = arith.constant 4 : i32
      %add3A_692 = arith.addi %mul3A_690, %add3A_691 : i32
      %mul3A_693 = arith.constant 128 : i32
      %mul3A_694 = arith.muli %add3A_692, %mul3A_693 : i32
      %dma_wait3A_695 = arith.constant 1 : i32
      %dma_wait3A_696 = arith.constant 512 : i32
      %dma_wait3A_697 = arith.constant 0 : i32
      %dma_wait3A_698 = tpu.memref_slice %arg10[%dma_wait3A_695, %dma_wait3A_696, %dma_wait3A_697] : memref<2x1024x16xf32, #tpu.memory_space<vmem>> -> memref<1x128x16xf32, #tpu.memory_space<vmem>>
      %dma_wait3A_699 = tpu.memref_squeeze %dma_wait3A_698 : memref<1x128x16xf32, #tpu.memory_space<vmem>> -> memref<128x16xf32, #tpu.memory_space<vmem>>
      %dma_wait3A_700 = tpu.memref_slice %arg8[%mul3A_694] : memref<10240xi32, #tpu.memory_space<vmem>> -> memref<128xi32, #tpu.memory_space<vmem>>
      %dma_wait3A_701 = arith.constant 0 : i32
      %dma_wait3A_702 = arith.constant 0 : i32
      %dma_wait3A_703 = tpu.memref_slice %arg12[%dma_wait3A_701, %dma_wait3A_702] : memref<10240x16xf32, #tpu.memory_space<vmem_shared>> -> memref<10240x16xf32, #tpu.memory_space<vmem_shared>>
      tpu.wait_indirect_dma semaphore(%arg14 : memref<!tpu.dma_semaphore, #tpu.memory_space<semaphore_mem>>) src(%dma_wait3A_703 : memref<10240x16xf32, #tpu.memory_space<vmem_shared>>) dst(%dma_wait3A_699 : memref<128x16xf32, #tpu.memory_space<vmem>>)
      %mul3A_704 = arith.constant 8 : i32
      %mul3A_705 = arith.muli %add3A_628, %mul3A_704 : i32
      %add3A_706 = arith.constant 5 : i32
      %add3A_707 = arith.addi %mul3A_705, %add3A_706 : i32
      %mul3A_708 = arith.constant 128 : i32
      %mul3A_709 = arith.muli %add3A_707, %mul3A_708 : i32
      %dma_wait3A_710 = arith.constant 1 : i32
      %dma_wait3A_711 = arith.constant 640 : i32
      %dma_wait3A_712 = arith.constant 0 : i32
      %dma_wait3A_713 = tpu.memref_slice %arg10[%dma_wait3A_710, %dma_wait3A_711, %dma_wait3A_712] : memref<2x1024x16xf32, #tpu.memory_space<vmem>> -> memref<1x128x16xf32, #tpu.memory_space<vmem>>
      %dma_wait3A_714 = tpu.memref_squeeze %dma_wait3A_713 : memref<1x128x16xf32, #tpu.memory_space<vmem>> -> memref<128x16xf32, #tpu.memory_space<vmem>>
      %dma_wait3A_715 = tpu.memref_slice %arg8[%mul3A_709] : memref<10240xi32, #tpu.memory_space<vmem>> -> memref<128xi32, #tpu.memory_space<vmem>>
      %dma_wait3A_716 = arith.constant 0 : i32
      %dma_wait3A_717 = arith.constant 0 : i32
      %dma_wait3A_718 = tpu.memref_slice %arg12[%dma_wait3A_716, %dma_wait3A_717] : memref<10240x16xf32, #tpu.memory_space<vmem_shared>> -> memref<10240x16xf32, #tpu.memory_space<vmem_shared>>
      tpu.wait_indirect_dma semaphore(%arg14 : memref<!tpu.dma_semaphore, #tpu.memory_space<semaphore_mem>>) src(%dma_wait3A_718 : memref<10240x16xf32, #tpu.memory_space<vmem_shared>>) dst(%dma_wait3A_714 : memref<128x16xf32, #tpu.memory_space<vmem>>)
      %mul3A_719 = arith.constant 8 : i32
      %mul3A_720 = arith.muli %add3A_628, %mul3A_719 : i32
      %add3A_721 = arith.constant 6 : i32
      %add3A_722 = arith.addi %mul3A_720, %add3A_721 : i32
      %mul3A_723 = arith.constant 128 : i32
      %mul3A_724 = arith.muli %add3A_722, %mul3A_723 : i32
      %dma_wait3A_725 = arith.constant 1 : i32
      %dma_wait3A_726 = arith.constant 768 : i32
      %dma_wait3A_727 = arith.constant 0 : i32
      %dma_wait3A_728 = tpu.memref_slice %arg10[%dma_wait3A_725, %dma_wait3A_726, %dma_wait3A_727] : memref<2x1024x16xf32, #tpu.memory_space<vmem>> -> memref<1x128x16xf32, #tpu.memory_space<vmem>>
      %dma_wait3A_729 = tpu.memref_squeeze %dma_wait3A_728 : memref<1x128x16xf32, #tpu.memory_space<vmem>> -> memref<128x16xf32, #tpu.memory_space<vmem>>
      %dma_wait3A_730 = tpu.memref_slice %arg8[%mul3A_724] : memref<10240xi32, #tpu.memory_space<vmem>> -> memref<128xi32, #tpu.memory_space<vmem>>
      %dma_wait3A_731 = arith.constant 0 : i32
      %dma_wait3A_732 = arith.constant 0 : i32
      %dma_wait3A_733 = tpu.memref_slice %arg12[%dma_wait3A_731, %dma_wait3A_732] : memref<10240x16xf32, #tpu.memory_space<vmem_shared>> -> memref<10240x16xf32, #tpu.memory_space<vmem_shared>>
      tpu.wait_indirect_dma semaphore(%arg14 : memref<!tpu.dma_semaphore, #tpu.memory_space<semaphore_mem>>) src(%dma_wait3A_733 : memref<10240x16xf32, #tpu.memory_space<vmem_shared>>) dst(%dma_wait3A_729 : memref<128x16xf32, #tpu.memory_space<vmem>>)
      %mul3A_734 = arith.constant 8 : i32
      %mul3A_735 = arith.muli %add3A_628, %mul3A_734 : i32
      %add3A_736 = arith.constant 7 : i32
      %add3A_737 = arith.addi %mul3A_735, %add3A_736 : i32
      %mul3A_738 = arith.constant 128 : i32
      %mul3A_739 = arith.muli %add3A_737, %mul3A_738 : i32
      %dma_wait3A_740 = arith.constant 1 : i32
      %dma_wait3A_741 = arith.constant 896 : i32
      %dma_wait3A_742 = arith.constant 0 : i32
      %dma_wait3A_743 = tpu.memref_slice %arg10[%dma_wait3A_740, %dma_wait3A_741, %dma_wait3A_742] : memref<2x1024x16xf32, #tpu.memory_space<vmem>> -> memref<1x128x16xf32, #tpu.memory_space<vmem>>
      %dma_wait3A_744 = tpu.memref_squeeze %dma_wait3A_743 : memref<1x128x16xf32, #tpu.memory_space<vmem>> -> memref<128x16xf32, #tpu.memory_space<vmem>>
      %dma_wait3A_745 = tpu.memref_slice %arg8[%mul3A_739] : memref<10240xi32, #tpu.memory_space<vmem>> -> memref<128xi32, #tpu.memory_space<vmem>>
      %dma_wait3A_746 = arith.constant 0 : i32
      %dma_wait3A_747 = arith.constant 0 : i32
      %dma_wait3A_748 = tpu.memref_slice %arg12[%dma_wait3A_746, %dma_wait3A_747] : memref<10240x16xf32, #tpu.memory_space<vmem_shared>> -> memref<10240x16xf32, #tpu.memory_space<vmem_shared>>
      tpu.wait_indirect_dma semaphore(%arg14 : memref<!tpu.dma_semaphore, #tpu.memory_space<semaphore_mem>>) src(%dma_wait3A_748 : memref<10240x16xf32, #tpu.memory_space<vmem_shared>>) dst(%dma_wait3A_744 : memref<128x16xf32, #tpu.memory_space<vmem>>)
      %add3A_749 = arith.constant 1 : i32
      %add3A_750 = arith.addi %mul3A_262, %add3A_749 : i32
      %mul3A_751 = arith.constant 8 : i32
      %mul3A_752 = arith.muli %add3A_750, %mul3A_751 : i32
      %add3A_753 = arith.constant 0 : i32
      %add3A_754 = arith.addi %mul3A_752, %add3A_753 : i32
      %mul3A_755 = arith.constant 128 : i32
      %mul3A_756 = arith.muli %add3A_754, %mul3A_755 : i32
      %dma_start3A_757 = arith.constant 1 : i32
      %dma_start3A_758 = arith.constant 0 : i32
      %dma_start3A_759 = arith.constant 0 : i32
      %dma_start3A_760 = tpu.memref_slice %arg10[%dma_start3A_757, %dma_start3A_758, %dma_start3A_759] : memref<2x1024x16xf32, #tpu.memory_space<vmem>> -> memref<1x128x16xf32, #tpu.memory_space<vmem>>
      %dma_start3A_761 = tpu.memref_squeeze %dma_start3A_760 : memref<1x128x16xf32, #tpu.memory_space<vmem>> -> memref<128x16xf32, #tpu.memory_space<vmem>>
      %dma_start3A_762 = tpu.memref_slice %arg9[%mul3A_756] : memref<10240xi32, #tpu.memory_space<vmem>> -> memref<128xi32, #tpu.memory_space<vmem>>
      %dma_start3A_763 = arith.constant 0 : i32
      %dma_start3A_764 = arith.constant 0 : i32
      %dma_start3A_765 = tpu.memref_slice %arg11[%dma_start3A_763, %dma_start3A_764] : memref<10240x16xf32, #tpu.memory_space<vmem_shared>> -> memref<10240x16xf32, #tpu.memory_space<vmem_shared>>
      tpu.enqueue_indirect_dma source(%dma_start3A_761 : memref<128x16xf32, #tpu.memory_space<vmem>>) target(%dma_start3A_765 : memref<10240x16xf32, #tpu.memory_space<vmem_shared>>) offsets(%dma_start3A_762 : memref<128xi32, #tpu.memory_space<vmem>>) semaphore(%arg16 : memref<!tpu.dma_semaphore, #tpu.memory_space<semaphore_mem>>) {add = true}
      %mul3A_766 = arith.constant 8 : i32
      %mul3A_767 = arith.muli %add3A_750, %mul3A_766 : i32
      %add3A_768 = arith.constant 1 : i32
      %add3A_769 = arith.addi %mul3A_767, %add3A_768 : i32
      %mul3A_770 = arith.constant 128 : i32
      %mul3A_771 = arith.muli %add3A_769, %mul3A_770 : i32
      %dma_start3A_772 = arith.constant 1 : i32
      %dma_start3A_773 = arith.constant 128 : i32
      %dma_start3A_774 = arith.constant 0 : i32
      %dma_start3A_775 = tpu.memref_slice %arg10[%dma_start3A_772, %dma_start3A_773, %dma_start3A_774] : memref<2x1024x16xf32, #tpu.memory_space<vmem>> -> memref<1x128x16xf32, #tpu.memory_space<vmem>>
      %dma_start3A_776 = tpu.memref_squeeze %dma_start3A_775 : memref<1x128x16xf32, #tpu.memory_space<vmem>> -> memref<128x16xf32, #tpu.memory_space<vmem>>
      %dma_start3A_777 = tpu.memref_slice %arg9[%mul3A_771] : memref<10240xi32, #tpu.memory_space<vmem>> -> memref<128xi32, #tpu.memory_space<vmem>>
      %dma_start3A_778 = arith.constant 0 : i32
      %dma_start3A_779 = arith.constant 0 : i32
      %dma_start3A_780 = tpu.memref_slice %arg11[%dma_start3A_778, %dma_start3A_779] : memref<10240x16xf32, #tpu.memory_space<vmem_shared>> -> memref<10240x16xf32, #tpu.memory_space<vmem_shared>>
      tpu.enqueue_indirect_dma source(%dma_start3A_776 : memref<128x16xf32, #tpu.memory_space<vmem>>) target(%dma_start3A_780 : memref<10240x16xf32, #tpu.memory_space<vmem_shared>>) offsets(%dma_start3A_777 : memref<128xi32, #tpu.memory_space<vmem>>) semaphore(%arg16 : memref<!tpu.dma_semaphore, #tpu.memory_space<semaphore_mem>>) {add = true}
      %mul3A_781 = arith.constant 8 : i32
      %mul3A_782 = arith.muli %add3A_750, %mul3A_781 : i32
      %add3A_783 = arith.constant 2 : i32
      %add3A_784 = arith.addi %mul3A_782, %add3A_783 : i32
      %mul3A_785 = arith.constant 128 : i32
      %mul3A_786 = arith.muli %add3A_784, %mul3A_785 : i32
      %dma_start3A_787 = arith.constant 1 : i32
      %dma_start3A_788 = arith.constant 256 : i32
      %dma_start3A_789 = arith.constant 0 : i32
      %dma_start3A_790 = tpu.memref_slice %arg10[%dma_start3A_787, %dma_start3A_788, %dma_start3A_789] : memref<2x1024x16xf32, #tpu.memory_space<vmem>> -> memref<1x128x16xf32, #tpu.memory_space<vmem>>
      %dma_start3A_791 = tpu.memref_squeeze %dma_start3A_790 : memref<1x128x16xf32, #tpu.memory_space<vmem>> -> memref<128x16xf32, #tpu.memory_space<vmem>>
      %dma_start3A_792 = tpu.memref_slice %arg9[%mul3A_786] : memref<10240xi32, #tpu.memory_space<vmem>> -> memref<128xi32, #tpu.memory_space<vmem>>
      %dma_start3A_793 = arith.constant 0 : i32
      %dma_start3A_794 = arith.constant 0 : i32
      %dma_start3A_795 = tpu.memref_slice %arg11[%dma_start3A_793, %dma_start3A_794] : memref<10240x16xf32, #tpu.memory_space<vmem_shared>> -> memref<10240x16xf32, #tpu.memory_space<vmem_shared>>
      tpu.enqueue_indirect_dma source(%dma_start3A_791 : memref<128x16xf32, #tpu.memory_space<vmem>>) target(%dma_start3A_795 : memref<10240x16xf32, #tpu.memory_space<vmem_shared>>) offsets(%dma_start3A_792 : memref<128xi32, #tpu.memory_space<vmem>>) semaphore(%arg16 : memref<!tpu.dma_semaphore, #tpu.memory_space<semaphore_mem>>) {add = true}
      %mul3A_796 = arith.constant 8 : i32
      %mul3A_797 = arith.muli %add3A_750, %mul3A_796 : i32
      %add3A_798 = arith.constant 3 : i32
      %add3A_799 = arith.addi %mul3A_797, %add3A_798 : i32
      %mul3A_800 = arith.constant 128 : i32
      %mul3A_801 = arith.muli %add3A_799, %mul3A_800 : i32
      %dma_start3A_802 = arith.constant 1 : i32
      %dma_start3A_803 = arith.constant 384 : i32
      %dma_start3A_804 = arith.constant 0 : i32
      %dma_start3A_805 = tpu.memref_slice %arg10[%dma_start3A_802, %dma_start3A_803, %dma_start3A_804] : memref<2x1024x16xf32, #tpu.memory_space<vmem>> -> memref<1x128x16xf32, #tpu.memory_space<vmem>>
      %dma_start3A_806 = tpu.memref_squeeze %dma_start3A_805 : memref<1x128x16xf32, #tpu.memory_space<vmem>> -> memref<128x16xf32, #tpu.memory_space<vmem>>
      %dma_start3A_807 = tpu.memref_slice %arg9[%mul3A_801] : memref<10240xi32, #tpu.memory_space<vmem>> -> memref<128xi32, #tpu.memory_space<vmem>>
      %dma_start3A_808 = arith.constant 0 : i32
      %dma_start3A_809 = arith.constant 0 : i32
      %dma_start3A_810 = tpu.memref_slice %arg11[%dma_start3A_808, %dma_start3A_809] : memref<10240x16xf32, #tpu.memory_space<vmem_shared>> -> memref<10240x16xf32, #tpu.memory_space<vmem_shared>>
      tpu.enqueue_indirect_dma source(%dma_start3A_806 : memref<128x16xf32, #tpu.memory_space<vmem>>) target(%dma_start3A_810 : memref<10240x16xf32, #tpu.memory_space<vmem_shared>>) offsets(%dma_start3A_807 : memref<128xi32, #tpu.memory_space<vmem>>) semaphore(%arg16 : memref<!tpu.dma_semaphore, #tpu.memory_space<semaphore_mem>>) {add = true}
      %mul3A_811 = arith.constant 8 : i32
      %mul3A_812 = arith.muli %add3A_750, %mul3A_811 : i32
      %add3A_813 = arith.constant 4 : i32
      %add3A_814 = arith.addi %mul3A_812, %add3A_813 : i32
      %mul3A_815 = arith.constant 128 : i32
      %mul3A_816 = arith.muli %add3A_814, %mul3A_815 : i32
      %dma_start3A_817 = arith.constant 1 : i32
      %dma_start3A_818 = arith.constant 512 : i32
      %dma_start3A_819 = arith.constant 0 : i32
      %dma_start3A_820 = tpu.memref_slice %arg10[%dma_start3A_817, %dma_start3A_818, %dma_start3A_819] : memref<2x1024x16xf32, #tpu.memory_space<vmem>> -> memref<1x128x16xf32, #tpu.memory_space<vmem>>
      %dma_start3A_821 = tpu.memref_squeeze %dma_start3A_820 : memref<1x128x16xf32, #tpu.memory_space<vmem>> -> memref<128x16xf32, #tpu.memory_space<vmem>>
      %dma_start3A_822 = tpu.memref_slice %arg9[%mul3A_816] : memref<10240xi32, #tpu.memory_space<vmem>> -> memref<128xi32, #tpu.memory_space<vmem>>
      %dma_start3A_823 = arith.constant 0 : i32
      %dma_start3A_824 = arith.constant 0 : i32
      %dma_start3A_825 = tpu.memref_slice %arg11[%dma_start3A_823, %dma_start3A_824] : memref<10240x16xf32, #tpu.memory_space<vmem_shared>> -> memref<10240x16xf32, #tpu.memory_space<vmem_shared>>
      tpu.enqueue_indirect_dma source(%dma_start3A_821 : memref<128x16xf32, #tpu.memory_space<vmem>>) target(%dma_start3A_825 : memref<10240x16xf32, #tpu.memory_space<vmem_shared>>) offsets(%dma_start3A_822 : memref<128xi32, #tpu.memory_space<vmem>>) semaphore(%arg16 : memref<!tpu.dma_semaphore, #tpu.memory_space<semaphore_mem>>) {add = true}
      %mul3A_826 = arith.constant 8 : i32
      %mul3A_827 = arith.muli %add3A_750, %mul3A_826 : i32
      %add3A_828 = arith.constant 5 : i32
      %add3A_829 = arith.addi %mul3A_827, %add3A_828 : i32
      %mul3A_830 = arith.constant 128 : i32
      %mul3A_831 = arith.muli %add3A_829, %mul3A_830 : i32
      %dma_start3A_832 = arith.constant 1 : i32
      %dma_start3A_833 = arith.constant 640 : i32
      %dma_start3A_834 = arith.constant 0 : i32
      %dma_start3A_835 = tpu.memref_slice %arg10[%dma_start3A_832, %dma_start3A_833, %dma_start3A_834] : memref<2x1024x16xf32, #tpu.memory_space<vmem>> -> memref<1x128x16xf32, #tpu.memory_space<vmem>>
      %dma_start3A_836 = tpu.memref_squeeze %dma_start3A_835 : memref<1x128x16xf32, #tpu.memory_space<vmem>> -> memref<128x16xf32, #tpu.memory_space<vmem>>
      %dma_start3A_837 = tpu.memref_slice %arg9[%mul3A_831] : memref<10240xi32, #tpu.memory_space<vmem>> -> memref<128xi32, #tpu.memory_space<vmem>>
      %dma_start3A_838 = arith.constant 0 : i32
      %dma_start3A_839 = arith.constant 0 : i32
      %dma_start3A_840 = tpu.memref_slice %arg11[%dma_start3A_838, %dma_start3A_839] : memref<10240x16xf32, #tpu.memory_space<vmem_shared>> -> memref<10240x16xf32, #tpu.memory_space<vmem_shared>>
      tpu.enqueue_indirect_dma source(%dma_start3A_836 : memref<128x16xf32, #tpu.memory_space<vmem>>) target(%dma_start3A_840 : memref<10240x16xf32, #tpu.memory_space<vmem_shared>>) offsets(%dma_start3A_837 : memref<128xi32, #tpu.memory_space<vmem>>) semaphore(%arg16 : memref<!tpu.dma_semaphore, #tpu.memory_space<semaphore_mem>>) {add = true}
      %mul3A_841 = arith.constant 8 : i32
      %mul3A_842 = arith.muli %add3A_750, %mul3A_841 : i32
      %add3A_843 = arith.constant 6 : i32
      %add3A_844 = arith.addi %mul3A_842, %add3A_843 : i32
      %mul3A_845 = arith.constant 128 : i32
      %mul3A_846 = arith.muli %add3A_844, %mul3A_845 : i32
      %dma_start3A_847 = arith.constant 1 : i32
      %dma_start3A_848 = arith.constant 768 : i32
      %dma_start3A_849 = arith.constant 0 : i32
      %dma_start3A_850 = tpu.memref_slice %arg10[%dma_start3A_847, %dma_start3A_848, %dma_start3A_849] : memref<2x1024x16xf32, #tpu.memory_space<vmem>> -> memref<1x128x16xf32, #tpu.memory_space<vmem>>
      %dma_start3A_851 = tpu.memref_squeeze %dma_start3A_850 : memref<1x128x16xf32, #tpu.memory_space<vmem>> -> memref<128x16xf32, #tpu.memory_space<vmem>>
      %dma_start3A_852 = tpu.memref_slice %arg9[%mul3A_846] : memref<10240xi32, #tpu.memory_space<vmem>> -> memref<128xi32, #tpu.memory_space<vmem>>
      %dma_start3A_853 = arith.constant 0 : i32
      %dma_start3A_854 = arith.constant 0 : i32
      %dma_start3A_855 = tpu.memref_slice %arg11[%dma_start3A_853, %dma_start3A_854] : memref<10240x16xf32, #tpu.memory_space<vmem_shared>> -> memref<10240x16xf32, #tpu.memory_space<vmem_shared>>
      tpu.enqueue_indirect_dma source(%dma_start3A_851 : memref<128x16xf32, #tpu.memory_space<vmem>>) target(%dma_start3A_855 : memref<10240x16xf32, #tpu.memory_space<vmem_shared>>) offsets(%dma_start3A_852 : memref<128xi32, #tpu.memory_space<vmem>>) semaphore(%arg16 : memref<!tpu.dma_semaphore, #tpu.memory_space<semaphore_mem>>) {add = true}
      %mul3A_856 = arith.constant 8 : i32
      %mul3A_857 = arith.muli %add3A_750, %mul3A_856 : i32
      %add3A_858 = arith.constant 7 : i32
      %add3A_859 = arith.addi %mul3A_857, %add3A_858 : i32
      %mul3A_860 = arith.constant 128 : i32
      %mul3A_861 = arith.muli %add3A_859, %mul3A_860 : i32
      %dma_start3A_862 = arith.constant 1 : i32
      %dma_start3A_863 = arith.constant 896 : i32
      %dma_start3A_864 = arith.constant 0 : i32
      %dma_start3A_865 = tpu.memref_slice %arg10[%dma_start3A_862, %dma_start3A_863, %dma_start3A_864] : memref<2x1024x16xf32, #tpu.memory_space<vmem>> -> memref<1x128x16xf32, #tpu.memory_space<vmem>>
      %dma_start3A_866 = tpu.memref_squeeze %dma_start3A_865 : memref<1x128x16xf32, #tpu.memory_space<vmem>> -> memref<128x16xf32, #tpu.memory_space<vmem>>
      %dma_start3A_867 = tpu.memref_slice %arg9[%mul3A_861] : memref<10240xi32, #tpu.memory_space<vmem>> -> memref<128xi32, #tpu.memory_space<vmem>>
      %dma_start3A_868 = arith.constant 0 : i32
      %dma_start3A_869 = arith.constant 0 : i32
      %dma_start3A_870 = tpu.memref_slice %arg11[%dma_start3A_868, %dma_start3A_869] : memref<10240x16xf32, #tpu.memory_space<vmem_shared>> -> memref<10240x16xf32, #tpu.memory_space<vmem_shared>>
      tpu.enqueue_indirect_dma source(%dma_start3A_866 : memref<128x16xf32, #tpu.memory_space<vmem>>) target(%dma_start3A_870 : memref<10240x16xf32, #tpu.memory_space<vmem_shared>>) offsets(%dma_start3A_867 : memref<128xi32, #tpu.memory_space<vmem>>) semaphore(%arg16 : memref<!tpu.dma_semaphore, #tpu.memory_space<semaphore_mem>>) {add = true}
      %lt3A = arith.constant 4 : i32
      %lt3A_871 = arith.cmpi slt, %scan3A_260, %lt3A : i32
      %convert_element_type3A_872 = arith.extui %lt3A_871 : i1 to i32
      %cond3A_873 = arith.constant 0 : i32
      %cond3A_874 = arith.cmpi ne, %convert_element_type3A_872, %cond3A_873 : i32
      scf.if %cond3A_874 {
        %mul3A_875 = arith.constant 8 : i32
        %mul3A_876 = arith.muli %mul3A_262, %mul3A_875 : i32
        %add3A_877 = arith.constant 0 : i32
        %add3A_878 = arith.addi %mul3A_876, %add3A_877 : i32
        %mul3A_879 = arith.constant 128 : i32
        %mul3A_880 = arith.muli %add3A_878, %mul3A_879 : i32
        %dma_wait3A_881 = arith.constant 0 : i32
        %dma_wait3A_882 = arith.constant 0 : i32
        %dma_wait3A_883 = arith.constant 0 : i32
        %dma_wait3A_884 = tpu.memref_slice %arg10[%dma_wait3A_881, %dma_wait3A_882, %dma_wait3A_883] : memref<2x1024x16xf32, #tpu.memory_space<vmem>> -> memref<1x128x16xf32, #tpu.memory_space<vmem>>
        %dma_wait3A_885 = tpu.memref_squeeze %dma_wait3A_884 : memref<1x128x16xf32, #tpu.memory_space<vmem>> -> memref<128x16xf32, #tpu.memory_space<vmem>>
        %dma_wait3A_886 = tpu.memref_slice %arg9[%mul3A_880] : memref<10240xi32, #tpu.memory_space<vmem>> -> memref<128xi32, #tpu.memory_space<vmem>>
        %dma_wait3A_887 = arith.constant 0 : i32
        %dma_wait3A_888 = arith.constant 0 : i32
        %dma_wait3A_889 = tpu.memref_slice %arg11[%dma_wait3A_887, %dma_wait3A_888] : memref<10240x16xf32, #tpu.memory_space<vmem_shared>> -> memref<10240x16xf32, #tpu.memory_space<vmem_shared>>
        tpu.wait_indirect_dma semaphore(%arg15 : memref<!tpu.dma_semaphore, #tpu.memory_space<semaphore_mem>>) src(%dma_wait3A_885 : memref<128x16xf32, #tpu.memory_space<vmem>>) dst(%dma_wait3A_889 : memref<10240x16xf32, #tpu.memory_space<vmem_shared>>)
        %mul3A_890 = arith.constant 8 : i32
        %mul3A_891 = arith.muli %mul3A_262, %mul3A_890 : i32
        %add3A_892 = arith.constant 1 : i32
        %add3A_893 = arith.addi %mul3A_891, %add3A_892 : i32
        %mul3A_894 = arith.constant 128 : i32
        %mul3A_895 = arith.muli %add3A_893, %mul3A_894 : i32
        %dma_wait3A_896 = arith.constant 0 : i32
        %dma_wait3A_897 = arith.constant 128 : i32
        %dma_wait3A_898 = arith.constant 0 : i32
        %dma_wait3A_899 = tpu.memref_slice %arg10[%dma_wait3A_896, %dma_wait3A_897, %dma_wait3A_898] : memref<2x1024x16xf32, #tpu.memory_space<vmem>> -> memref<1x128x16xf32, #tpu.memory_space<vmem>>
        %dma_wait3A_900 = tpu.memref_squeeze %dma_wait3A_899 : memref<1x128x16xf32, #tpu.memory_space<vmem>> -> memref<128x16xf32, #tpu.memory_space<vmem>>
        %dma_wait3A_901 = tpu.memref_slice %arg9[%mul3A_895] : memref<10240xi32, #tpu.memory_space<vmem>> -> memref<128xi32, #tpu.memory_space<vmem>>
        %dma_wait3A_902 = arith.constant 0 : i32
        %dma_wait3A_903 = arith.constant 0 : i32
        %dma_wait3A_904 = tpu.memref_slice %arg11[%dma_wait3A_902, %dma_wait3A_903] : memref<10240x16xf32, #tpu.memory_space<vmem_shared>> -> memref<10240x16xf32, #tpu.memory_space<vmem_shared>>
        tpu.wait_indirect_dma semaphore(%arg15 : memref<!tpu.dma_semaphore, #tpu.memory_space<semaphore_mem>>) src(%dma_wait3A_900 : memref<128x16xf32, #tpu.memory_space<vmem>>) dst(%dma_wait3A_904 : memref<10240x16xf32, #tpu.memory_space<vmem_shared>>)
        %mul3A_905 = arith.constant 8 : i32
        %mul3A_906 = arith.muli %mul3A_262, %mul3A_905 : i32
        %add3A_907 = arith.constant 2 : i32
        %add3A_908 = arith.addi %mul3A_906, %add3A_907 : i32
        %mul3A_909 = arith.constant 128 : i32
        %mul3A_910 = arith.muli %add3A_908, %mul3A_909 : i32
        %dma_wait3A_911 = arith.constant 0 : i32
        %dma_wait3A_912 = arith.constant 256 : i32
        %dma_wait3A_913 = arith.constant 0 : i32
        %dma_wait3A_914 = tpu.memref_slice %arg10[%dma_wait3A_911, %dma_wait3A_912, %dma_wait3A_913] : memref<2x1024x16xf32, #tpu.memory_space<vmem>> -> memref<1x128x16xf32, #tpu.memory_space<vmem>>
        %dma_wait3A_915 = tpu.memref_squeeze %dma_wait3A_914 : memref<1x128x16xf32, #tpu.memory_space<vmem>> -> memref<128x16xf32, #tpu.memory_space<vmem>>
        %dma_wait3A_916 = tpu.memref_slice %arg9[%mul3A_910] : memref<10240xi32, #tpu.memory_space<vmem>> -> memref<128xi32, #tpu.memory_space<vmem>>
        %dma_wait3A_917 = arith.constant 0 : i32
        %dma_wait3A_918 = arith.constant 0 : i32
        %dma_wait3A_919 = tpu.memref_slice %arg11[%dma_wait3A_917, %dma_wait3A_918] : memref<10240x16xf32, #tpu.memory_space<vmem_shared>> -> memref<10240x16xf32, #tpu.memory_space<vmem_shared>>
        tpu.wait_indirect_dma semaphore(%arg15 : memref<!tpu.dma_semaphore, #tpu.memory_space<semaphore_mem>>) src(%dma_wait3A_915 : memref<128x16xf32, #tpu.memory_space<vmem>>) dst(%dma_wait3A_919 : memref<10240x16xf32, #tpu.memory_space<vmem_shared>>)
        %mul3A_920 = arith.constant 8 : i32
        %mul3A_921 = arith.muli %mul3A_262, %mul3A_920 : i32
        %add3A_922 = arith.constant 3 : i32
        %add3A_923 = arith.addi %mul3A_921, %add3A_922 : i32
        %mul3A_924 = arith.constant 128 : i32
        %mul3A_925 = arith.muli %add3A_923, %mul3A_924 : i32
        %dma_wait3A_926 = arith.constant 0 : i32
        %dma_wait3A_927 = arith.constant 384 : i32
        %dma_wait3A_928 = arith.constant 0 : i32
        %dma_wait3A_929 = tpu.memref_slice %arg10[%dma_wait3A_926, %dma_wait3A_927, %dma_wait3A_928] : memref<2x1024x16xf32, #tpu.memory_space<vmem>> -> memref<1x128x16xf32, #tpu.memory_space<vmem>>
        %dma_wait3A_930 = tpu.memref_squeeze %dma_wait3A_929 : memref<1x128x16xf32, #tpu.memory_space<vmem>> -> memref<128x16xf32, #tpu.memory_space<vmem>>
        %dma_wait3A_931 = tpu.memref_slice %arg9[%mul3A_925] : memref<10240xi32, #tpu.memory_space<vmem>> -> memref<128xi32, #tpu.memory_space<vmem>>
        %dma_wait3A_932 = arith.constant 0 : i32
        %dma_wait3A_933 = arith.constant 0 : i32
        %dma_wait3A_934 = tpu.memref_slice %arg11[%dma_wait3A_932, %dma_wait3A_933] : memref<10240x16xf32, #tpu.memory_space<vmem_shared>> -> memref<10240x16xf32, #tpu.memory_space<vmem_shared>>
        tpu.wait_indirect_dma semaphore(%arg15 : memref<!tpu.dma_semaphore, #tpu.memory_space<semaphore_mem>>) src(%dma_wait3A_930 : memref<128x16xf32, #tpu.memory_space<vmem>>) dst(%dma_wait3A_934 : memref<10240x16xf32, #tpu.memory_space<vmem_shared>>)
        %mul3A_935 = arith.constant 8 : i32
        %mul3A_936 = arith.muli %mul3A_262, %mul3A_935 : i32
        %add3A_937 = arith.constant 4 : i32
        %add3A_938 = arith.addi %mul3A_936, %add3A_937 : i32
        %mul3A_939 = arith.constant 128 : i32
        %mul3A_940 = arith.muli %add3A_938, %mul3A_939 : i32
        %dma_wait3A_941 = arith.constant 0 : i32
        %dma_wait3A_942 = arith.constant 512 : i32
        %dma_wait3A_943 = arith.constant 0 : i32
        %dma_wait3A_944 = tpu.memref_slice %arg10[%dma_wait3A_941, %dma_wait3A_942, %dma_wait3A_943] : memref<2x1024x16xf32, #tpu.memory_space<vmem>> -> memref<1x128x16xf32, #tpu.memory_space<vmem>>
        %dma_wait3A_945 = tpu.memref_squeeze %dma_wait3A_944 : memref<1x128x16xf32, #tpu.memory_space<vmem>> -> memref<128x16xf32, #tpu.memory_space<vmem>>
        %dma_wait3A_946 = tpu.memref_slice %arg9[%mul3A_940] : memref<10240xi32, #tpu.memory_space<vmem>> -> memref<128xi32, #tpu.memory_space<vmem>>
        %dma_wait3A_947 = arith.constant 0 : i32
        %dma_wait3A_948 = arith.constant 0 : i32
        %dma_wait3A_949 = tpu.memref_slice %arg11[%dma_wait3A_947, %dma_wait3A_948] : memref<10240x16xf32, #tpu.memory_space<vmem_shared>> -> memref<10240x16xf32, #tpu.memory_space<vmem_shared>>
        tpu.wait_indirect_dma semaphore(%arg15 : memref<!tpu.dma_semaphore, #tpu.memory_space<semaphore_mem>>) src(%dma_wait3A_945 : memref<128x16xf32, #tpu.memory_space<vmem>>) dst(%dma_wait3A_949 : memref<10240x16xf32, #tpu.memory_space<vmem_shared>>)
        %mul3A_950 = arith.constant 8 : i32
        %mul3A_951 = arith.muli %mul3A_262, %mul3A_950 : i32
        %add3A_952 = arith.constant 5 : i32
        %add3A_953 = arith.addi %mul3A_951, %add3A_952 : i32
        %mul3A_954 = arith.constant 128 : i32
        %mul3A_955 = arith.muli %add3A_953, %mul3A_954 : i32
        %dma_wait3A_956 = arith.constant 0 : i32
        %dma_wait3A_957 = arith.constant 640 : i32
        %dma_wait3A_958 = arith.constant 0 : i32
        %dma_wait3A_959 = tpu.memref_slice %arg10[%dma_wait3A_956, %dma_wait3A_957, %dma_wait3A_958] : memref<2x1024x16xf32, #tpu.memory_space<vmem>> -> memref<1x128x16xf32, #tpu.memory_space<vmem>>
        %dma_wait3A_960 = tpu.memref_squeeze %dma_wait3A_959 : memref<1x128x16xf32, #tpu.memory_space<vmem>> -> memref<128x16xf32, #tpu.memory_space<vmem>>
        %dma_wait3A_961 = tpu.memref_slice %arg9[%mul3A_955] : memref<10240xi32, #tpu.memory_space<vmem>> -> memref<128xi32, #tpu.memory_space<vmem>>
        %dma_wait3A_962 = arith.constant 0 : i32
        %dma_wait3A_963 = arith.constant 0 : i32
        %dma_wait3A_964 = tpu.memref_slice %arg11[%dma_wait3A_962, %dma_wait3A_963] : memref<10240x16xf32, #tpu.memory_space<vmem_shared>> -> memref<10240x16xf32, #tpu.memory_space<vmem_shared>>
        tpu.wait_indirect_dma semaphore(%arg15 : memref<!tpu.dma_semaphore, #tpu.memory_space<semaphore_mem>>) src(%dma_wait3A_960 : memref<128x16xf32, #tpu.memory_space<vmem>>) dst(%dma_wait3A_964 : memref<10240x16xf32, #tpu.memory_space<vmem_shared>>)
        %mul3A_965 = arith.constant 8 : i32
        %mul3A_966 = arith.muli %mul3A_262, %mul3A_965 : i32
        %add3A_967 = arith.constant 6 : i32
        %add3A_968 = arith.addi %mul3A_966, %add3A_967 : i32
        %mul3A_969 = arith.constant 128 : i32
        %mul3A_970 = arith.muli %add3A_968, %mul3A_969 : i32
        %dma_wait3A_971 = arith.constant 0 : i32
        %dma_wait3A_972 = arith.constant 768 : i32
        %dma_wait3A_973 = arith.constant 0 : i32
        %dma_wait3A_974 = tpu.memref_slice %arg10[%dma_wait3A_971, %dma_wait3A_972, %dma_wait3A_973] : memref<2x1024x16xf32, #tpu.memory_space<vmem>> -> memref<1x128x16xf32, #tpu.memory_space<vmem>>
        %dma_wait3A_975 = tpu.memref_squeeze %dma_wait3A_974 : memref<1x128x16xf32, #tpu.memory_space<vmem>> -> memref<128x16xf32, #tpu.memory_space<vmem>>
        %dma_wait3A_976 = tpu.memref_slice %arg9[%mul3A_970] : memref<10240xi32, #tpu.memory_space<vmem>> -> memref<128xi32, #tpu.memory_space<vmem>>
        %dma_wait3A_977 = arith.constant 0 : i32
        %dma_wait3A_978 = arith.constant 0 : i32
        %dma_wait3A_979 = tpu.memref_slice %arg11[%dma_wait3A_977, %dma_wait3A_978] : memref<10240x16xf32, #tpu.memory_space<vmem_shared>> -> memref<10240x16xf32, #tpu.memory_space<vmem_shared>>
        tpu.wait_indirect_dma semaphore(%arg15 : memref<!tpu.dma_semaphore, #tpu.memory_space<semaphore_mem>>) src(%dma_wait3A_975 : memref<128x16xf32, #tpu.memory_space<vmem>>) dst(%dma_wait3A_979 : memref<10240x16xf32, #tpu.memory_space<vmem_shared>>)
        %mul3A_980 = arith.constant 8 : i32
        %mul3A_981 = arith.muli %mul3A_262, %mul3A_980 : i32
        %add3A_982 = arith.constant 7 : i32
        %add3A_983 = arith.addi %mul3A_981, %add3A_982 : i32
        %mul3A_984 = arith.constant 128 : i32
        %mul3A_985 = arith.muli %add3A_983, %mul3A_984 : i32
        %dma_wait3A_986 = arith.constant 0 : i32
        %dma_wait3A_987 = arith.constant 896 : i32
        %dma_wait3A_988 = arith.constant 0 : i32
        %dma_wait3A_989 = tpu.memref_slice %arg10[%dma_wait3A_986, %dma_wait3A_987, %dma_wait3A_988] : memref<2x1024x16xf32, #tpu.memory_space<vmem>> -> memref<1x128x16xf32, #tpu.memory_space<vmem>>
        %dma_wait3A_990 = tpu.memref_squeeze %dma_wait3A_989 : memref<1x128x16xf32, #tpu.memory_space<vmem>> -> memref<128x16xf32, #tpu.memory_space<vmem>>
        %dma_wait3A_991 = tpu.memref_slice %arg9[%mul3A_985] : memref<10240xi32, #tpu.memory_space<vmem>> -> memref<128xi32, #tpu.memory_space<vmem>>
        %dma_wait3A_992 = arith.constant 0 : i32
        %dma_wait3A_993 = arith.constant 0 : i32
        %dma_wait3A_994 = tpu.memref_slice %arg11[%dma_wait3A_992, %dma_wait3A_993] : memref<10240x16xf32, #tpu.memory_space<vmem_shared>> -> memref<10240x16xf32, #tpu.memory_space<vmem_shared>>
        tpu.wait_indirect_dma semaphore(%arg15 : memref<!tpu.dma_semaphore, #tpu.memory_space<semaphore_mem>>) src(%dma_wait3A_990 : memref<128x16xf32, #tpu.memory_space<vmem>>) dst(%dma_wait3A_994 : memref<10240x16xf32, #tpu.memory_space<vmem_shared>>)
        %add3A_995 = arith.constant 2 : i32
        %add3A_996 = arith.addi %mul3A_262, %add3A_995 : i32
        %mul3A_997 = arith.constant 8 : i32
        %mul3A_998 = arith.muli %add3A_996, %mul3A_997 : i32
        %add3A_999 = arith.constant 0 : i32
        %add3A_1000 = arith.addi %mul3A_998, %add3A_999 : i32
        %mul3A_1001 = arith.constant 128 : i32
        %mul3A_1002 = arith.muli %add3A_1000, %mul3A_1001 : i32
        %dma_start3A_1003 = arith.constant 0 : i32
        %dma_start3A_1004 = arith.constant 0 : i32
        %dma_start3A_1005 = arith.constant 0 : i32
        %dma_start3A_1006 = tpu.memref_slice %arg10[%dma_start3A_1003, %dma_start3A_1004, %dma_start3A_1005] : memref<2x1024x16xf32, #tpu.memory_space<vmem>> -> memref<1x128x16xf32, #tpu.memory_space<vmem>>
        %dma_start3A_1007 = tpu.memref_squeeze %dma_start3A_1006 : memref<1x128x16xf32, #tpu.memory_space<vmem>> -> memref<128x16xf32, #tpu.memory_space<vmem>>
        %dma_start3A_1008 = tpu.memref_slice %arg8[%mul3A_1002] : memref<10240xi32, #tpu.memory_space<vmem>> -> memref<128xi32, #tpu.memory_space<vmem>>
        %dma_start3A_1009 = arith.constant 0 : i32
        %dma_start3A_1010 = arith.constant 0 : i32
        %dma_start3A_1011 = tpu.memref_slice %arg12[%dma_start3A_1009, %dma_start3A_1010] : memref<10240x16xf32, #tpu.memory_space<vmem_shared>> -> memref<10240x16xf32, #tpu.memory_space<vmem_shared>>
        tpu.enqueue_indirect_dma source(%dma_start3A_1011 : memref<10240x16xf32, #tpu.memory_space<vmem_shared>>) target(%dma_start3A_1007 : memref<128x16xf32, #tpu.memory_space<vmem>>) offsets(%dma_start3A_1008 : memref<128xi32, #tpu.memory_space<vmem>>) semaphore(%arg13 : memref<!tpu.dma_semaphore, #tpu.memory_space<semaphore_mem>>)
        %mul3A_1012 = arith.constant 8 : i32
        %mul3A_1013 = arith.muli %add3A_996, %mul3A_1012 : i32
        %add3A_1014 = arith.constant 1 : i32
        %add3A_1015 = arith.addi %mul3A_1013, %add3A_1014 : i32
        %mul3A_1016 = arith.constant 128 : i32
        %mul3A_1017 = arith.muli %add3A_1015, %mul3A_1016 : i32
        %dma_start3A_1018 = arith.constant 0 : i32
        %dma_start3A_1019 = arith.constant 128 : i32
        %dma_start3A_1020 = arith.constant 0 : i32
        %dma_start3A_1021 = tpu.memref_slice %arg10[%dma_start3A_1018, %dma_start3A_1019, %dma_start3A_1020] : memref<2x1024x16xf32, #tpu.memory_space<vmem>> -> memref<1x128x16xf32, #tpu.memory_space<vmem>>
        %dma_start3A_1022 = tpu.memref_squeeze %dma_start3A_1021 : memref<1x128x16xf32, #tpu.memory_space<vmem>> -> memref<128x16xf32, #tpu.memory_space<vmem>>
        %dma_start3A_1023 = tpu.memref_slice %arg8[%mul3A_1017] : memref<10240xi32, #tpu.memory_space<vmem>> -> memref<128xi32, #tpu.memory_space<vmem>>
        %dma_start3A_1024 = arith.constant 0 : i32
        %dma_start3A_1025 = arith.constant 0 : i32
        %dma_start3A_1026 = tpu.memref_slice %arg12[%dma_start3A_1024, %dma_start3A_1025] : memref<10240x16xf32, #tpu.memory_space<vmem_shared>> -> memref<10240x16xf32, #tpu.memory_space<vmem_shared>>
        tpu.enqueue_indirect_dma source(%dma_start3A_1026 : memref<10240x16xf32, #tpu.memory_space<vmem_shared>>) target(%dma_start3A_1022 : memref<128x16xf32, #tpu.memory_space<vmem>>) offsets(%dma_start3A_1023 : memref<128xi32, #tpu.memory_space<vmem>>) semaphore(%arg13 : memref<!tpu.dma_semaphore, #tpu.memory_space<semaphore_mem>>)
        %mul3A_1027 = arith.constant 8 : i32
        %mul3A_1028 = arith.muli %add3A_996, %mul3A_1027 : i32
        %add3A_1029 = arith.constant 2 : i32
        %add3A_1030 = arith.addi %mul3A_1028, %add3A_1029 : i32
        %mul3A_1031 = arith.constant 128 : i32
        %mul3A_1032 = arith.muli %add3A_1030, %mul3A_1031 : i32
        %dma_start3A_1033 = arith.constant 0 : i32
        %dma_start3A_1034 = arith.constant 256 : i32
        %dma_start3A_1035 = arith.constant 0 : i32
        %dma_start3A_1036 = tpu.memref_slice %arg10[%dma_start3A_1033, %dma_start3A_1034, %dma_start3A_1035] : memref<2x1024x16xf32, #tpu.memory_space<vmem>> -> memref<1x128x16xf32, #tpu.memory_space<vmem>>
        %dma_start3A_1037 = tpu.memref_squeeze %dma_start3A_1036 : memref<1x128x16xf32, #tpu.memory_space<vmem>> -> memref<128x16xf32, #tpu.memory_space<vmem>>
        %dma_start3A_1038 = tpu.memref_slice %arg8[%mul3A_1032] : memref<10240xi32, #tpu.memory_space<vmem>> -> memref<128xi32, #tpu.memory_space<vmem>>
        %dma_start3A_1039 = arith.constant 0 : i32
        %dma_start3A_1040 = arith.constant 0 : i32
        %dma_start3A_1041 = tpu.memref_slice %arg12[%dma_start3A_1039, %dma_start3A_1040] : memref<10240x16xf32, #tpu.memory_space<vmem_shared>> -> memref<10240x16xf32, #tpu.memory_space<vmem_shared>>
        tpu.enqueue_indirect_dma source(%dma_start3A_1041 : memref<10240x16xf32, #tpu.memory_space<vmem_shared>>) target(%dma_start3A_1037 : memref<128x16xf32, #tpu.memory_space<vmem>>) offsets(%dma_start3A_1038 : memref<128xi32, #tpu.memory_space<vmem>>) semaphore(%arg13 : memref<!tpu.dma_semaphore, #tpu.memory_space<semaphore_mem>>)
        %mul3A_1042 = arith.constant 8 : i32
        %mul3A_1043 = arith.muli %add3A_996, %mul3A_1042 : i32
        %add3A_1044 = arith.constant 3 : i32
        %add3A_1045 = arith.addi %mul3A_1043, %add3A_1044 : i32
        %mul3A_1046 = arith.constant 128 : i32
        %mul3A_1047 = arith.muli %add3A_1045, %mul3A_1046 : i32
        %dma_start3A_1048 = arith.constant 0 : i32
        %dma_start3A_1049 = arith.constant 384 : i32
        %dma_start3A_1050 = arith.constant 0 : i32
        %dma_start3A_1051 = tpu.memref_slice %arg10[%dma_start3A_1048, %dma_start3A_1049, %dma_start3A_1050] : memref<2x1024x16xf32, #tpu.memory_space<vmem>> -> memref<1x128x16xf32, #tpu.memory_space<vmem>>
        %dma_start3A_1052 = tpu.memref_squeeze %dma_start3A_1051 : memref<1x128x16xf32, #tpu.memory_space<vmem>> -> memref<128x16xf32, #tpu.memory_space<vmem>>
        %dma_start3A_1053 = tpu.memref_slice %arg8[%mul3A_1047] : memref<10240xi32, #tpu.memory_space<vmem>> -> memref<128xi32, #tpu.memory_space<vmem>>
        %dma_start3A_1054 = arith.constant 0 : i32
        %dma_start3A_1055 = arith.constant 0 : i32
        %dma_start3A_1056 = tpu.memref_slice %arg12[%dma_start3A_1054, %dma_start3A_1055] : memref<10240x16xf32, #tpu.memory_space<vmem_shared>> -> memref<10240x16xf32, #tpu.memory_space<vmem_shared>>
        tpu.enqueue_indirect_dma source(%dma_start3A_1056 : memref<10240x16xf32, #tpu.memory_space<vmem_shared>>) target(%dma_start3A_1052 : memref<128x16xf32, #tpu.memory_space<vmem>>) offsets(%dma_start3A_1053 : memref<128xi32, #tpu.memory_space<vmem>>) semaphore(%arg13 : memref<!tpu.dma_semaphore, #tpu.memory_space<semaphore_mem>>)
        %mul3A_1057 = arith.constant 8 : i32
        %mul3A_1058 = arith.muli %add3A_996, %mul3A_1057 : i32
        %add3A_1059 = arith.constant 4 : i32
        %add3A_1060 = arith.addi %mul3A_1058, %add3A_1059 : i32
        %mul3A_1061 = arith.constant 128 : i32
        %mul3A_1062 = arith.muli %add3A_1060, %mul3A_1061 : i32
        %dma_start3A_1063 = arith.constant 0 : i32
        %dma_start3A_1064 = arith.constant 512 : i32
        %dma_start3A_1065 = arith.constant 0 : i32
        %dma_start3A_1066 = tpu.memref_slice %arg10[%dma_start3A_1063, %dma_start3A_1064, %dma_start3A_1065] : memref<2x1024x16xf32, #tpu.memory_space<vmem>> -> memref<1x128x16xf32, #tpu.memory_space<vmem>>
        %dma_start3A_1067 = tpu.memref_squeeze %dma_start3A_1066 : memref<1x128x16xf32, #tpu.memory_space<vmem>> -> memref<128x16xf32, #tpu.memory_space<vmem>>
        %dma_start3A_1068 = tpu.memref_slice %arg8[%mul3A_1062] : memref<10240xi32, #tpu.memory_space<vmem>> -> memref<128xi32, #tpu.memory_space<vmem>>
        %dma_start3A_1069 = arith.constant 0 : i32
        %dma_start3A_1070 = arith.constant 0 : i32
        %dma_start3A_1071 = tpu.memref_slice %arg12[%dma_start3A_1069, %dma_start3A_1070] : memref<10240x16xf32, #tpu.memory_space<vmem_shared>> -> memref<10240x16xf32, #tpu.memory_space<vmem_shared>>
        tpu.enqueue_indirect_dma source(%dma_start3A_1071 : memref<10240x16xf32, #tpu.memory_space<vmem_shared>>) target(%dma_start3A_1067 : memref<128x16xf32, #tpu.memory_space<vmem>>) offsets(%dma_start3A_1068 : memref<128xi32, #tpu.memory_space<vmem>>) semaphore(%arg13 : memref<!tpu.dma_semaphore, #tpu.memory_space<semaphore_mem>>)
        %mul3A_1072 = arith.constant 8 : i32
        %mul3A_1073 = arith.muli %add3A_996, %mul3A_1072 : i32
        %add3A_1074 = arith.constant 5 : i32
        %add3A_1075 = arith.addi %mul3A_1073, %add3A_1074 : i32
        %mul3A_1076 = arith.constant 128 : i32
        %mul3A_1077 = arith.muli %add3A_1075, %mul3A_1076 : i32
        %dma_start3A_1078 = arith.constant 0 : i32
        %dma_start3A_1079 = arith.constant 640 : i32
        %dma_start3A_1080 = arith.constant 0 : i32
        %dma_start3A_1081 = tpu.memref_slice %arg10[%dma_start3A_1078, %dma_start3A_1079, %dma_start3A_1080] : memref<2x1024x16xf32, #tpu.memory_space<vmem>> -> memref<1x128x16xf32, #tpu.memory_space<vmem>>
        %dma_start3A_1082 = tpu.memref_squeeze %dma_start3A_1081 : memref<1x128x16xf32, #tpu.memory_space<vmem>> -> memref<128x16xf32, #tpu.memory_space<vmem>>
        %dma_start3A_1083 = tpu.memref_slice %arg8[%mul3A_1077] : memref<10240xi32, #tpu.memory_space<vmem>> -> memref<128xi32, #tpu.memory_space<vmem>>
        %dma_start3A_1084 = arith.constant 0 : i32
        %dma_start3A_1085 = arith.constant 0 : i32
        %dma_start3A_1086 = tpu.memref_slice %arg12[%dma_start3A_1084, %dma_start3A_1085] : memref<10240x16xf32, #tpu.memory_space<vmem_shared>> -> memref<10240x16xf32, #tpu.memory_space<vmem_shared>>
        tpu.enqueue_indirect_dma source(%dma_start3A_1086 : memref<10240x16xf32, #tpu.memory_space<vmem_shared>>) target(%dma_start3A_1082 : memref<128x16xf32, #tpu.memory_space<vmem>>) offsets(%dma_start3A_1083 : memref<128xi32, #tpu.memory_space<vmem>>) semaphore(%arg13 : memref<!tpu.dma_semaphore, #tpu.memory_space<semaphore_mem>>)
        %mul3A_1087 = arith.constant 8 : i32
        %mul3A_1088 = arith.muli %add3A_996, %mul3A_1087 : i32
        %add3A_1089 = arith.constant 6 : i32
        %add3A_1090 = arith.addi %mul3A_1088, %add3A_1089 : i32
        %mul3A_1091 = arith.constant 128 : i32
        %mul3A_1092 = arith.muli %add3A_1090, %mul3A_1091 : i32
        %dma_start3A_1093 = arith.constant 0 : i32
        %dma_start3A_1094 = arith.constant 768 : i32
        %dma_start3A_1095 = arith.constant 0 : i32
        %dma_start3A_1096 = tpu.memref_slice %arg10[%dma_start3A_1093, %dma_start3A_1094, %dma_start3A_1095] : memref<2x1024x16xf32, #tpu.memory_space<vmem>> -> memref<1x128x16xf32, #tpu.memory_space<vmem>>
        %dma_start3A_1097 = tpu.memref_squeeze %dma_start3A_1096 : memref<1x128x16xf32, #tpu.memory_space<vmem>> -> memref<128x16xf32, #tpu.memory_space<vmem>>
        %dma_start3A_1098 = tpu.memref_slice %arg8[%mul3A_1092] : memref<10240xi32, #tpu.memory_space<vmem>> -> memref<128xi32, #tpu.memory_space<vmem>>
        %dma_start3A_1099 = arith.constant 0 : i32
        %dma_start3A_1100 = arith.constant 0 : i32
        %dma_start3A_1101 = tpu.memref_slice %arg12[%dma_start3A_1099, %dma_start3A_1100] : memref<10240x16xf32, #tpu.memory_space<vmem_shared>> -> memref<10240x16xf32, #tpu.memory_space<vmem_shared>>
        tpu.enqueue_indirect_dma source(%dma_start3A_1101 : memref<10240x16xf32, #tpu.memory_space<vmem_shared>>) target(%dma_start3A_1097 : memref<128x16xf32, #tpu.memory_space<vmem>>) offsets(%dma_start3A_1098 : memref<128xi32, #tpu.memory_space<vmem>>) semaphore(%arg13 : memref<!tpu.dma_semaphore, #tpu.memory_space<semaphore_mem>>)
        %mul3A_1102 = arith.constant 8 : i32
        %mul3A_1103 = arith.muli %add3A_996, %mul3A_1102 : i32
        %add3A_1104 = arith.constant 7 : i32
        %add3A_1105 = arith.addi %mul3A_1103, %add3A_1104 : i32
        %mul3A_1106 = arith.constant 128 : i32
        %mul3A_1107 = arith.muli %add3A_1105, %mul3A_1106 : i32
        %dma_start3A_1108 = arith.constant 0 : i32
        %dma_start3A_1109 = arith.constant 896 : i32
        %dma_start3A_1110 = arith.constant 0 : i32
        %dma_start3A_1111 = tpu.memref_slice %arg10[%dma_start3A_1108, %dma_start3A_1109, %dma_start3A_1110] : memref<2x1024x16xf32, #tpu.memory_space<vmem>> -> memref<1x128x16xf32, #tpu.memory_space<vmem>>
        %dma_start3A_1112 = tpu.memref_squeeze %dma_start3A_1111 : memref<1x128x16xf32, #tpu.memory_space<vmem>> -> memref<128x16xf32, #tpu.memory_space<vmem>>
        %dma_start3A_1113 = tpu.memref_slice %arg8[%mul3A_1107] : memref<10240xi32, #tpu.memory_space<vmem>> -> memref<128xi32, #tpu.memory_space<vmem>>
        %dma_start3A_1114 = arith.constant 0 : i32
        %dma_start3A_1115 = arith.constant 0 : i32
        %dma_start3A_1116 = tpu.memref_slice %arg12[%dma_start3A_1114, %dma_start3A_1115] : memref<10240x16xf32, #tpu.memory_space<vmem_shared>> -> memref<10240x16xf32, #tpu.memory_space<vmem_shared>>
        tpu.enqueue_indirect_dma source(%dma_start3A_1116 : memref<10240x16xf32, #tpu.memory_space<vmem_shared>>) target(%dma_start3A_1112 : memref<128x16xf32, #tpu.memory_space<vmem>>) offsets(%dma_start3A_1113 : memref<128xi32, #tpu.memory_space<vmem>>) semaphore(%arg13 : memref<!tpu.dma_semaphore, #tpu.memory_space<semaphore_mem>>)
      } else {
      }
    }
    %scan3A_95 = arith.constant 5 : i32
    %dma_wait3A = arith.constant 0 : i32
    %dma_wait3A_96 = arith.constant 0 : i32
    %dma_wait3A_97 = arith.constant 0 : i32
    %dma_wait3A_98 = tpu.memref_slice %arg10[%dma_wait3A, %dma_wait3A_96, %dma_wait3A_97] : memref<2x1024x16xf32, #tpu.memory_space<vmem>> -> memref<1x128x16xf32, #tpu.memory_space<vmem>>
    %dma_wait3A_99 = tpu.memref_squeeze %dma_wait3A_98 : memref<1x128x16xf32, #tpu.memory_space<vmem>> -> memref<128x16xf32, #tpu.memory_space<vmem>>
    %dma_wait3A_100 = arith.constant 8192 : i32
    %dma_wait3A_101 = tpu.memref_slice %arg9[%dma_wait3A_100] : memref<10240xi32, #tpu.memory_space<vmem>> -> memref<128xi32, #tpu.memory_space<vmem>>
    %dma_wait3A_102 = arith.constant 0 : i32
    %dma_wait3A_103 = arith.constant 0 : i32
    %dma_wait3A_104 = tpu.memref_slice %arg11[%dma_wait3A_102, %dma_wait3A_103] : memref<10240x16xf32, #tpu.memory_space<vmem_shared>> -> memref<10240x16xf32, #tpu.memory_space<vmem_shared>>
    tpu.wait_indirect_dma semaphore(%arg15 : memref<!tpu.dma_semaphore, #tpu.memory_space<semaphore_mem>>) src(%dma_wait3A_99 : memref<128x16xf32, #tpu.memory_space<vmem>>) dst(%dma_wait3A_104 : memref<10240x16xf32, #tpu.memory_space<vmem_shared>>)
    %dma_wait3A_105 = arith.constant 0 : i32
    %dma_wait3A_106 = arith.constant 128 : i32
    %dma_wait3A_107 = arith.constant 0 : i32
    %dma_wait3A_108 = tpu.memref_slice %arg10[%dma_wait3A_105, %dma_wait3A_106, %dma_wait3A_107] : memref<2x1024x16xf32, #tpu.memory_space<vmem>> -> memref<1x128x16xf32, #tpu.memory_space<vmem>>
    %dma_wait3A_109 = tpu.memref_squeeze %dma_wait3A_108 : memref<1x128x16xf32, #tpu.memory_space<vmem>> -> memref<128x16xf32, #tpu.memory_space<vmem>>
    %dma_wait3A_110 = arith.constant 8320 : i32
    %dma_wait3A_111 = tpu.memref_slice %arg9[%dma_wait3A_110] : memref<10240xi32, #tpu.memory_space<vmem>> -> memref<128xi32, #tpu.memory_space<vmem>>
    %dma_wait3A_112 = arith.constant 0 : i32
    %dma_wait3A_113 = arith.constant 0 : i32
    %dma_wait3A_114 = tpu.memref_slice %arg11[%dma_wait3A_112, %dma_wait3A_113] : memref<10240x16xf32, #tpu.memory_space<vmem_shared>> -> memref<10240x16xf32, #tpu.memory_space<vmem_shared>>
    tpu.wait_indirect_dma semaphore(%arg15 : memref<!tpu.dma_semaphore, #tpu.memory_space<semaphore_mem>>) src(%dma_wait3A_109 : memref<128x16xf32, #tpu.memory_space<vmem>>) dst(%dma_wait3A_114 : memref<10240x16xf32, #tpu.memory_space<vmem_shared>>)
    %dma_wait3A_115 = arith.constant 0 : i32
    %dma_wait3A_116 = arith.constant 256 : i32
    %dma_wait3A_117 = arith.constant 0 : i32
    %dma_wait3A_118 = tpu.memref_slice %arg10[%dma_wait3A_115, %dma_wait3A_116, %dma_wait3A_117] : memref<2x1024x16xf32, #tpu.memory_space<vmem>> -> memref<1x128x16xf32, #tpu.memory_space<vmem>>
    %dma_wait3A_119 = tpu.memref_squeeze %dma_wait3A_118 : memref<1x128x16xf32, #tpu.memory_space<vmem>> -> memref<128x16xf32, #tpu.memory_space<vmem>>
    %dma_wait3A_120 = arith.constant 8448 : i32
    %dma_wait3A_121 = tpu.memref_slice %arg9[%dma_wait3A_120] : memref<10240xi32, #tpu.memory_space<vmem>> -> memref<128xi32, #tpu.memory_space<vmem>>
    %dma_wait3A_122 = arith.constant 0 : i32
    %dma_wait3A_123 = arith.constant 0 : i32
    %dma_wait3A_124 = tpu.memref_slice %arg11[%dma_wait3A_122, %dma_wait3A_123] : memref<10240x16xf32, #tpu.memory_space<vmem_shared>> -> memref<10240x16xf32, #tpu.memory_space<vmem_shared>>
    tpu.wait_indirect_dma semaphore(%arg15 : memref<!tpu.dma_semaphore, #tpu.memory_space<semaphore_mem>>) src(%dma_wait3A_119 : memref<128x16xf32, #tpu.memory_space<vmem>>) dst(%dma_wait3A_124 : memref<10240x16xf32, #tpu.memory_space<vmem_shared>>)
    %dma_wait3A_125 = arith.constant 0 : i32
    %dma_wait3A_126 = arith.constant 384 : i32
    %dma_wait3A_127 = arith.constant 0 : i32
    %dma_wait3A_128 = tpu.memref_slice %arg10[%dma_wait3A_125, %dma_wait3A_126, %dma_wait3A_127] : memref<2x1024x16xf32, #tpu.memory_space<vmem>> -> memref<1x128x16xf32, #tpu.memory_space<vmem>>
    %dma_wait3A_129 = tpu.memref_squeeze %dma_wait3A_128 : memref<1x128x16xf32, #tpu.memory_space<vmem>> -> memref<128x16xf32, #tpu.memory_space<vmem>>
    %dma_wait3A_130 = arith.constant 8576 : i32
    %dma_wait3A_131 = tpu.memref_slice %arg9[%dma_wait3A_130] : memref<10240xi32, #tpu.memory_space<vmem>> -> memref<128xi32, #tpu.memory_space<vmem>>
    %dma_wait3A_132 = arith.constant 0 : i32
    %dma_wait3A_133 = arith.constant 0 : i32
    %dma_wait3A_134 = tpu.memref_slice %arg11[%dma_wait3A_132, %dma_wait3A_133] : memref<10240x16xf32, #tpu.memory_space<vmem_shared>> -> memref<10240x16xf32, #tpu.memory_space<vmem_shared>>
    tpu.wait_indirect_dma semaphore(%arg15 : memref<!tpu.dma_semaphore, #tpu.memory_space<semaphore_mem>>) src(%dma_wait3A_129 : memref<128x16xf32, #tpu.memory_space<vmem>>) dst(%dma_wait3A_134 : memref<10240x16xf32, #tpu.memory_space<vmem_shared>>)
    %dma_wait3A_135 = arith.constant 0 : i32
    %dma_wait3A_136 = arith.constant 512 : i32
    %dma_wait3A_137 = arith.constant 0 : i32
    %dma_wait3A_138 = tpu.memref_slice %arg10[%dma_wait3A_135, %dma_wait3A_136, %dma_wait3A_137] : memref<2x1024x16xf32, #tpu.memory_space<vmem>> -> memref<1x128x16xf32, #tpu.memory_space<vmem>>
    %dma_wait3A_139 = tpu.memref_squeeze %dma_wait3A_138 : memref<1x128x16xf32, #tpu.memory_space<vmem>> -> memref<128x16xf32, #tpu.memory_space<vmem>>
    %dma_wait3A_140 = arith.constant 8704 : i32
    %dma_wait3A_141 = tpu.memref_slice %arg9[%dma_wait3A_140] : memref<10240xi32, #tpu.memory_space<vmem>> -> memref<128xi32, #tpu.memory_space<vmem>>
    %dma_wait3A_142 = arith.constant 0 : i32
    %dma_wait3A_143 = arith.constant 0 : i32
    %dma_wait3A_144 = tpu.memref_slice %arg11[%dma_wait3A_142, %dma_wait3A_143] : memref<10240x16xf32, #tpu.memory_space<vmem_shared>> -> memref<10240x16xf32, #tpu.memory_space<vmem_shared>>
    tpu.wait_indirect_dma semaphore(%arg15 : memref<!tpu.dma_semaphore, #tpu.memory_space<semaphore_mem>>) src(%dma_wait3A_139 : memref<128x16xf32, #tpu.memory_space<vmem>>) dst(%dma_wait3A_144 : memref<10240x16xf32, #tpu.memory_space<vmem_shared>>)
    %dma_wait3A_145 = arith.constant 0 : i32
    %dma_wait3A_146 = arith.constant 640 : i32
    %dma_wait3A_147 = arith.constant 0 : i32
    %dma_wait3A_148 = tpu.memref_slice %arg10[%dma_wait3A_145, %dma_wait3A_146, %dma_wait3A_147] : memref<2x1024x16xf32, #tpu.memory_space<vmem>> -> memref<1x128x16xf32, #tpu.memory_space<vmem>>
    %dma_wait3A_149 = tpu.memref_squeeze %dma_wait3A_148 : memref<1x128x16xf32, #tpu.memory_space<vmem>> -> memref<128x16xf32, #tpu.memory_space<vmem>>
    %dma_wait3A_150 = arith.constant 8832 : i32
    %dma_wait3A_151 = tpu.memref_slice %arg9[%dma_wait3A_150] : memref<10240xi32, #tpu.memory_space<vmem>> -> memref<128xi32, #tpu.memory_space<vmem>>
    %dma_wait3A_152 = arith.constant 0 : i32
    %dma_wait3A_153 = arith.constant 0 : i32
    %dma_wait3A_154 = tpu.memref_slice %arg11[%dma_wait3A_152, %dma_wait3A_153] : memref<10240x16xf32, #tpu.memory_space<vmem_shared>> -> memref<10240x16xf32, #tpu.memory_space<vmem_shared>>
    tpu.wait_indirect_dma semaphore(%arg15 : memref<!tpu.dma_semaphore, #tpu.memory_space<semaphore_mem>>) src(%dma_wait3A_149 : memref<128x16xf32, #tpu.memory_space<vmem>>) dst(%dma_wait3A_154 : memref<10240x16xf32, #tpu.memory_space<vmem_shared>>)
    %dma_wait3A_155 = arith.constant 0 : i32
    %dma_wait3A_156 = arith.constant 768 : i32
    %dma_wait3A_157 = arith.constant 0 : i32
    %dma_wait3A_158 = tpu.memref_slice %arg10[%dma_wait3A_155, %dma_wait3A_156, %dma_wait3A_157] : memref<2x1024x16xf32, #tpu.memory_space<vmem>> -> memref<1x128x16xf32, #tpu.memory_space<vmem>>
    %dma_wait3A_159 = tpu.memref_squeeze %dma_wait3A_158 : memref<1x128x16xf32, #tpu.memory_space<vmem>> -> memref<128x16xf32, #tpu.memory_space<vmem>>
    %dma_wait3A_160 = arith.constant 8960 : i32
    %dma_wait3A_161 = tpu.memref_slice %arg9[%dma_wait3A_160] : memref<10240xi32, #tpu.memory_space<vmem>> -> memref<128xi32, #tpu.memory_space<vmem>>
    %dma_wait3A_162 = arith.constant 0 : i32
    %dma_wait3A_163 = arith.constant 0 : i32
    %dma_wait3A_164 = tpu.memref_slice %arg11[%dma_wait3A_162, %dma_wait3A_163] : memref<10240x16xf32, #tpu.memory_space<vmem_shared>> -> memref<10240x16xf32, #tpu.memory_space<vmem_shared>>
    tpu.wait_indirect_dma semaphore(%arg15 : memref<!tpu.dma_semaphore, #tpu.memory_space<semaphore_mem>>) src(%dma_wait3A_159 : memref<128x16xf32, #tpu.memory_space<vmem>>) dst(%dma_wait3A_164 : memref<10240x16xf32, #tpu.memory_space<vmem_shared>>)
    %dma_wait3A_165 = arith.constant 0 : i32
    %dma_wait3A_166 = arith.constant 896 : i32
    %dma_wait3A_167 = arith.constant 0 : i32
    %dma_wait3A_168 = tpu.memref_slice %arg10[%dma_wait3A_165, %dma_wait3A_166, %dma_wait3A_167] : memref<2x1024x16xf32, #tpu.memory_space<vmem>> -> memref<1x128x16xf32, #tpu.memory_space<vmem>>
    %dma_wait3A_169 = tpu.memref_squeeze %dma_wait3A_168 : memref<1x128x16xf32, #tpu.memory_space<vmem>> -> memref<128x16xf32, #tpu.memory_space<vmem>>
    %dma_wait3A_170 = arith.constant 9088 : i32
    %dma_wait3A_171 = tpu.memref_slice %arg9[%dma_wait3A_170] : memref<10240xi32, #tpu.memory_space<vmem>> -> memref<128xi32, #tpu.memory_space<vmem>>
    %dma_wait3A_172 = arith.constant 0 : i32
    %dma_wait3A_173 = arith.constant 0 : i32
    %dma_wait3A_174 = tpu.memref_slice %arg11[%dma_wait3A_172, %dma_wait3A_173] : memref<10240x16xf32, #tpu.memory_space<vmem_shared>> -> memref<10240x16xf32, #tpu.memory_space<vmem_shared>>
    tpu.wait_indirect_dma semaphore(%arg15 : memref<!tpu.dma_semaphore, #tpu.memory_space<semaphore_mem>>) src(%dma_wait3A_169 : memref<128x16xf32, #tpu.memory_space<vmem>>) dst(%dma_wait3A_174 : memref<10240x16xf32, #tpu.memory_space<vmem_shared>>)
    %dma_wait3A_175 = arith.constant 1 : i32
    %dma_wait3A_176 = arith.constant 0 : i32
    %dma_wait3A_177 = arith.constant 0 : i32
    %dma_wait3A_178 = tpu.memref_slice %arg10[%dma_wait3A_175, %dma_wait3A_176, %dma_wait3A_177] : memref<2x1024x16xf32, #tpu.memory_space<vmem>> -> memref<1x128x16xf32, #tpu.memory_space<vmem>>
    %dma_wait3A_179 = tpu.memref_squeeze %dma_wait3A_178 : memref<1x128x16xf32, #tpu.memory_space<vmem>> -> memref<128x16xf32, #tpu.memory_space<vmem>>
    %dma_wait3A_180 = arith.constant 9216 : i32
    %dma_wait3A_181 = tpu.memref_slice %arg9[%dma_wait3A_180] : memref<10240xi32, #tpu.memory_space<vmem>> -> memref<128xi32, #tpu.memory_space<vmem>>
    %dma_wait3A_182 = arith.constant 0 : i32
    %dma_wait3A_183 = arith.constant 0 : i32
    %dma_wait3A_184 = tpu.memref_slice %arg11[%dma_wait3A_182, %dma_wait3A_183] : memref<10240x16xf32, #tpu.memory_space<vmem_shared>> -> memref<10240x16xf32, #tpu.memory_space<vmem_shared>>
    tpu.wait_indirect_dma semaphore(%arg16 : memref<!tpu.dma_semaphore, #tpu.memory_space<semaphore_mem>>) src(%dma_wait3A_179 : memref<128x16xf32, #tpu.memory_space<vmem>>) dst(%dma_wait3A_184 : memref<10240x16xf32, #tpu.memory_space<vmem_shared>>)
    %dma_wait3A_185 = arith.constant 1 : i32
    %dma_wait3A_186 = arith.constant 128 : i32
    %dma_wait3A_187 = arith.constant 0 : i32
    %dma_wait3A_188 = tpu.memref_slice %arg10[%dma_wait3A_185, %dma_wait3A_186, %dma_wait3A_187] : memref<2x1024x16xf32, #tpu.memory_space<vmem>> -> memref<1x128x16xf32, #tpu.memory_space<vmem>>
    %dma_wait3A_189 = tpu.memref_squeeze %dma_wait3A_188 : memref<1x128x16xf32, #tpu.memory_space<vmem>> -> memref<128x16xf32, #tpu.memory_space<vmem>>
    %dma_wait3A_190 = arith.constant 9344 : i32
    %dma_wait3A_191 = tpu.memref_slice %arg9[%dma_wait3A_190] : memref<10240xi32, #tpu.memory_space<vmem>> -> memref<128xi32, #tpu.memory_space<vmem>>
    %dma_wait3A_192 = arith.constant 0 : i32
    %dma_wait3A_193 = arith.constant 0 : i32
    %dma_wait3A_194 = tpu.memref_slice %arg11[%dma_wait3A_192, %dma_wait3A_193] : memref<10240x16xf32, #tpu.memory_space<vmem_shared>> -> memref<10240x16xf32, #tpu.memory_space<vmem_shared>>
    tpu.wait_indirect_dma semaphore(%arg16 : memref<!tpu.dma_semaphore, #tpu.memory_space<semaphore_mem>>) src(%dma_wait3A_189 : memref<128x16xf32, #tpu.memory_space<vmem>>) dst(%dma_wait3A_194 : memref<10240x16xf32, #tpu.memory_space<vmem_shared>>)
    %dma_wait3A_195 = arith.constant 1 : i32
    %dma_wait3A_196 = arith.constant 256 : i32
    %dma_wait3A_197 = arith.constant 0 : i32
    %dma_wait3A_198 = tpu.memref_slice %arg10[%dma_wait3A_195, %dma_wait3A_196, %dma_wait3A_197] : memref<2x1024x16xf32, #tpu.memory_space<vmem>> -> memref<1x128x16xf32, #tpu.memory_space<vmem>>
    %dma_wait3A_199 = tpu.memref_squeeze %dma_wait3A_198 : memref<1x128x16xf32, #tpu.memory_space<vmem>> -> memref<128x16xf32, #tpu.memory_space<vmem>>
    %dma_wait3A_200 = arith.constant 9472 : i32
    %dma_wait3A_201 = tpu.memref_slice %arg9[%dma_wait3A_200] : memref<10240xi32, #tpu.memory_space<vmem>> -> memref<128xi32, #tpu.memory_space<vmem>>
    %dma_wait3A_202 = arith.constant 0 : i32
    %dma_wait3A_203 = arith.constant 0 : i32
    %dma_wait3A_204 = tpu.memref_slice %arg11[%dma_wait3A_202, %dma_wait3A_203] : memref<10240x16xf32, #tpu.memory_space<vmem_shared>> -> memref<10240x16xf32, #tpu.memory_space<vmem_shared>>
    tpu.wait_indirect_dma semaphore(%arg16 : memref<!tpu.dma_semaphore, #tpu.memory_space<semaphore_mem>>) src(%dma_wait3A_199 : memref<128x16xf32, #tpu.memory_space<vmem>>) dst(%dma_wait3A_204 : memref<10240x16xf32, #tpu.memory_space<vmem_shared>>)
    %dma_wait3A_205 = arith.constant 1 : i32
    %dma_wait3A_206 = arith.constant 384 : i32
    %dma_wait3A_207 = arith.constant 0 : i32
    %dma_wait3A_208 = tpu.memref_slice %arg10[%dma_wait3A_205, %dma_wait3A_206, %dma_wait3A_207] : memref<2x1024x16xf32, #tpu.memory_space<vmem>> -> memref<1x128x16xf32, #tpu.memory_space<vmem>>
    %dma_wait3A_209 = tpu.memref_squeeze %dma_wait3A_208 : memref<1x128x16xf32, #tpu.memory_space<vmem>> -> memref<128x16xf32, #tpu.memory_space<vmem>>
    %dma_wait3A_210 = arith.constant 9600 : i32
    %dma_wait3A_211 = tpu.memref_slice %arg9[%dma_wait3A_210] : memref<10240xi32, #tpu.memory_space<vmem>> -> memref<128xi32, #tpu.memory_space<vmem>>
    %dma_wait3A_212 = arith.constant 0 : i32
    %dma_wait3A_213 = arith.constant 0 : i32
    %dma_wait3A_214 = tpu.memref_slice %arg11[%dma_wait3A_212, %dma_wait3A_213] : memref<10240x16xf32, #tpu.memory_space<vmem_shared>> -> memref<10240x16xf32, #tpu.memory_space<vmem_shared>>
    tpu.wait_indirect_dma semaphore(%arg16 : memref<!tpu.dma_semaphore, #tpu.memory_space<semaphore_mem>>) src(%dma_wait3A_209 : memref<128x16xf32, #tpu.memory_space<vmem>>) dst(%dma_wait3A_214 : memref<10240x16xf32, #tpu.memory_space<vmem_shared>>)
    %dma_wait3A_215 = arith.constant 1 : i32
    %dma_wait3A_216 = arith.constant 512 : i32
    %dma_wait3A_217 = arith.constant 0 : i32
    %dma_wait3A_218 = tpu.memref_slice %arg10[%dma_wait3A_215, %dma_wait3A_216, %dma_wait3A_217] : memref<2x1024x16xf32, #tpu.memory_space<vmem>> -> memref<1x128x16xf32, #tpu.memory_space<vmem>>
    %dma_wait3A_219 = tpu.memref_squeeze %dma_wait3A_218 : memref<1x128x16xf32, #tpu.memory_space<vmem>> -> memref<128x16xf32, #tpu.memory_space<vmem>>
    %dma_wait3A_220 = arith.constant 9728 : i32
    %dma_wait3A_221 = tpu.memref_slice %arg9[%dma_wait3A_220] : memref<10240xi32, #tpu.memory_space<vmem>> -> memref<128xi32, #tpu.memory_space<vmem>>
    %dma_wait3A_222 = arith.constant 0 : i32
    %dma_wait3A_223 = arith.constant 0 : i32
    %dma_wait3A_224 = tpu.memref_slice %arg11[%dma_wait3A_222, %dma_wait3A_223] : memref<10240x16xf32, #tpu.memory_space<vmem_shared>> -> memref<10240x16xf32, #tpu.memory_space<vmem_shared>>
    tpu.wait_indirect_dma semaphore(%arg16 : memref<!tpu.dma_semaphore, #tpu.memory_space<semaphore_mem>>) src(%dma_wait3A_219 : memref<128x16xf32, #tpu.memory_space<vmem>>) dst(%dma_wait3A_224 : memref<10240x16xf32, #tpu.memory_space<vmem_shared>>)
    %dma_wait3A_225 = arith.constant 1 : i32
    %dma_wait3A_226 = arith.constant 640 : i32
    %dma_wait3A_227 = arith.constant 0 : i32
    %dma_wait3A_228 = tpu.memref_slice %arg10[%dma_wait3A_225, %dma_wait3A_226, %dma_wait3A_227] : memref<2x1024x16xf32, #tpu.memory_space<vmem>> -> memref<1x128x16xf32, #tpu.memory_space<vmem>>
    %dma_wait3A_229 = tpu.memref_squeeze %dma_wait3A_228 : memref<1x128x16xf32, #tpu.memory_space<vmem>> -> memref<128x16xf32, #tpu.memory_space<vmem>>
    %dma_wait3A_230 = arith.constant 9856 : i32
    %dma_wait3A_231 = tpu.memref_slice %arg9[%dma_wait3A_230] : memref<10240xi32, #tpu.memory_space<vmem>> -> memref<128xi32, #tpu.memory_space<vmem>>
    %dma_wait3A_232 = arith.constant 0 : i32
    %dma_wait3A_233 = arith.constant 0 : i32
    %dma_wait3A_234 = tpu.memref_slice %arg11[%dma_wait3A_232, %dma_wait3A_233] : memref<10240x16xf32, #tpu.memory_space<vmem_shared>> -> memref<10240x16xf32, #tpu.memory_space<vmem_shared>>
    tpu.wait_indirect_dma semaphore(%arg16 : memref<!tpu.dma_semaphore, #tpu.memory_space<semaphore_mem>>) src(%dma_wait3A_229 : memref<128x16xf32, #tpu.memory_space<vmem>>) dst(%dma_wait3A_234 : memref<10240x16xf32, #tpu.memory_space<vmem_shared>>)
    %dma_wait3A_235 = arith.constant 1 : i32
    %dma_wait3A_236 = arith.constant 768 : i32
    %dma_wait3A_237 = arith.constant 0 : i32
    %dma_wait3A_238 = tpu.memref_slice %arg10[%dma_wait3A_235, %dma_wait3A_236, %dma_wait3A_237] : memref<2x1024x16xf32, #tpu.memory_space<vmem>> -> memref<1x128x16xf32, #tpu.memory_space<vmem>>
    %dma_wait3A_239 = tpu.memref_squeeze %dma_wait3A_238 : memref<1x128x16xf32, #tpu.memory_space<vmem>> -> memref<128x16xf32, #tpu.memory_space<vmem>>
    %dma_wait3A_240 = arith.constant 9984 : i32
    %dma_wait3A_241 = tpu.memref_slice %arg9[%dma_wait3A_240] : memref<10240xi32, #tpu.memory_space<vmem>> -> memref<128xi32, #tpu.memory_space<vmem>>
    %dma_wait3A_242 = arith.constant 0 : i32
    %dma_wait3A_243 = arith.constant 0 : i32
    %dma_wait3A_244 = tpu.memref_slice %arg11[%dma_wait3A_242, %dma_wait3A_243] : memref<10240x16xf32, #tpu.memory_space<vmem_shared>> -> memref<10240x16xf32, #tpu.memory_space<vmem_shared>>
    tpu.wait_indirect_dma semaphore(%arg16 : memref<!tpu.dma_semaphore, #tpu.memory_space<semaphore_mem>>) src(%dma_wait3A_239 : memref<128x16xf32, #tpu.memory_space<vmem>>) dst(%dma_wait3A_244 : memref<10240x16xf32, #tpu.memory_space<vmem_shared>>)
    %dma_wait3A_245 = arith.constant 1 : i32
    %dma_wait3A_246 = arith.constant 896 : i32
    %dma_wait3A_247 = arith.constant 0 : i32
    %dma_wait3A_248 = tpu.memref_slice %arg10[%dma_wait3A_245, %dma_wait3A_246, %dma_wait3A_247] : memref<2x1024x16xf32, #tpu.memory_space<vmem>> -> memref<1x128x16xf32, #tpu.memory_space<vmem>>
    %dma_wait3A_249 = tpu.memref_squeeze %dma_wait3A_248 : memref<1x128x16xf32, #tpu.memory_space<vmem>> -> memref<128x16xf32, #tpu.memory_space<vmem>>
    %dma_wait3A_250 = arith.constant 10112 : i32
    %dma_wait3A_251 = tpu.memref_slice %arg9[%dma_wait3A_250] : memref<10240xi32, #tpu.memory_space<vmem>> -> memref<128xi32, #tpu.memory_space<vmem>>
    %dma_wait3A_252 = arith.constant 0 : i32
    %dma_wait3A_253 = arith.constant 0 : i32
    %dma_wait3A_254 = tpu.memref_slice %arg11[%dma_wait3A_252, %dma_wait3A_253] : memref<10240x16xf32, #tpu.memory_space<vmem_shared>> -> memref<10240x16xf32, #tpu.memory_space<vmem_shared>>
    tpu.wait_indirect_dma semaphore(%arg16 : memref<!tpu.dma_semaphore, #tpu.memory_space<semaphore_mem>>) src(%dma_wait3A_249 : memref<128x16xf32, #tpu.memory_space<vmem>>) dst(%dma_wait3A_254 : memref<10240x16xf32, #tpu.memory_space<vmem_shared>>)
    %barrier3A_255 = arith.constant 0 : index
    tpu.barrier barrier_id(%barrier3A_255)
    %mul3A_256 = arith.constant 640 : i32
    %mul3A_257 = arith.muli %arg1, %mul3A_256 : i32
    %mul3A_258 = arith.constant 640 : i32
    %mul3A_259 = arith.muli %arg1, %mul3A_258 : i32
    "tpu.region"() ({
      %run_scoped3A_260 = tpu.sem_alloc : memref<!tpu.dma_semaphore, #tpu.memory_space<semaphore_mem>>
      %dma_start3A_261 = arith.constant 0 : i32
      %dma_start3A_262 = tpu.memref_slice %arg7[%arg0, %mul3A_259, %dma_start3A_261] : memref<2x10240x16xf32, #tpu.memory_space<hbm>> -> memref<1x640x16xf32, #tpu.memory_space<hbm>>
      %dma_start3A_263 = tpu.memref_squeeze %dma_start3A_262 : memref<1x640x16xf32, #tpu.memory_space<hbm>> -> memref<640x16xf32, #tpu.memory_space<hbm>>
      %dma_start3A_264 = arith.constant 0 : i32
      %dma_start3A_265 = tpu.memref_slice %arg11[%mul3A_257, %dma_start3A_264] : memref<10240x16xf32, #tpu.memory_space<vmem_shared>> -> memref<640x16xf32, #tpu.memory_space<vmem_shared>>
      tpu.enqueue_dma source(%dma_start3A_265 : memref<640x16xf32, #tpu.memory_space<vmem_shared>>) target(%dma_start3A_263 : memref<640x16xf32, #tpu.memory_space<hbm>>) target_semaphore(%run_scoped3A_260 : memref<!tpu.dma_semaphore, #tpu.memory_space<semaphore_mem>>)
      %dma_wait3A_266 = arith.constant 0 : i32
      %dma_wait3A_267 = tpu.memref_slice %arg7[%arg0, %mul3A_259, %dma_wait3A_266] : memref<2x10240x16xf32, #tpu.memory_space<hbm>> -> memref<1x640x16xf32, #tpu.memory_space<hbm>>
      %dma_wait3A_268 = tpu.memref_squeeze %dma_wait3A_267 : memref<1x640x16xf32, #tpu.memory_space<hbm>> -> memref<640x16xf32, #tpu.memory_space<hbm>>
      %dma_wait3A_269 = arith.constant 0 : i32
      %dma_wait3A_270 = tpu.memref_slice %arg11[%mul3A_257, %dma_wait3A_269] : memref<10240x16xf32, #tpu.memory_space<vmem_shared>> -> memref<640x16xf32, #tpu.memory_space<vmem_shared>>
      tpu.wait_dma2 semaphore(%run_scoped3A_260 : memref<!tpu.dma_semaphore, #tpu.memory_space<semaphore_mem>>) src(%dma_wait3A_270 : memref<640x16xf32, #tpu.memory_space<vmem_shared>>) dst(%dma_wait3A_268 : memref<640x16xf32, #tpu.memory_space<hbm>>)
      tpu.yield
    }) : () -> ()
    return
  }
}

module attributes {stable_mosaic.version = 14 : i64} {
  func.func @_tc1a_body(%arg0: memref<10240x128xf32, #tpu.memory_space<vmem>>, %arg1: memref<128x64xf32, #tpu.memory_space<vmem>>, %arg2: memref<10240x64xf32, #tpu.memory_space<vmem>>) attributes {dimension_semantics = [], scalar_prefetch = 0 : i64, scratch_operands = 0 : i64, tpu.core_type = #tpu.core_type<tc>} {
    %get3A = arith.constant 0 : index
    %get3A_0 = arith.constant 0 : index
    %get3A_1 = vector.load %arg0[%get3A, %get3A_0] : memref<10240x128xf32, #tpu.memory_space<vmem>>, vector<10240x128xf32>
    %get3A_2 = arith.constant 0 : index
    %get3A_3 = arith.constant 0 : index
    %get3A_4 = vector.load %arg1[%get3A_2, %get3A_3] : memref<128x64xf32, #tpu.memory_space<vmem>>, vector<128x64xf32>
    %dot_general3A = arith.constant dense<0.000000e+00> : vector<10240x64xf32>
    %dot_general3A_5 = tpu.matmul %get3A_1, %get3A_4, %dot_general3A {dimension_numbers = #tpu.dot_dimension_numbers<[1], [0], [0], [1], [0, 0, 1, 1], [], []>, transpose_lhs_hint = false} : vector<10240x128xf32>, vector<128x64xf32>, vector<10240x64xf32> -> vector<10240x64xf32>
    %swap3A = arith.constant 0 : index
    %swap3A_6 = arith.constant 0 : index
    %swap3A_7 = vector.load %arg2[%swap3A, %swap3A_6] : memref<10240x64xf32, #tpu.memory_space<vmem>>, vector<10240x64xf32>
    tpu.vector_store %arg2[%swap3A, %swap3A_6], %dot_general3A_5 {strides = array<i32>} : memref<10240x64xf32, #tpu.memory_space<vmem>>, vector<10240x64xf32>,
    return
  }
}

module attributes {stable_mosaic.version = 14 : i64} {
  func.func @_tc2_body(%arg0: memref<10240x64xf32, #tpu.memory_space<vmem>>, %arg1: memref<10240x64xf32, #tpu.memory_space<vmem>>, %arg2: memref<10240x1xf32, #tpu.memory_space<vmem>>, %arg3: memref<64x16xf32, #tpu.memory_space<vmem>>, %arg4: memref<1x64xf32, #tpu.memory_space<vmem>>, %arg5: memref<10240x16xf32, #tpu.memory_space<vmem>>) attributes {dimension_semantics = [], scalar_prefetch = 0 : i64, scratch_operands = 0 : i64, tpu.core_type = #tpu.core_type<tc>} {
    %get3A = arith.constant 0 : index
    %get3A_0 = arith.constant 0 : index
    %get3A_1 = vector.load %arg2[%get3A, %get3A_0] : memref<10240x1xf32, #tpu.memory_space<vmem>>, vector<10240x1xf32>
    %get3A_2 = arith.constant 0 : index
    %get3A_3 = arith.constant 0 : index
    %get3A_4 = vector.load %arg1[%get3A_2, %get3A_3] : memref<10240x64xf32, #tpu.memory_space<vmem>>, vector<10240x64xf32>
    %mul3A = vector.broadcast %get3A_1 : vector<10240x1xf32> to vector<10240x64xf32>
    %mul3A_5 = arith.mulf %get3A_4, %mul3A : vector<10240x64xf32>
    %get3A_6 = arith.constant 0 : index
    %get3A_7 = arith.constant 0 : index
    %get3A_8 = vector.load %arg0[%get3A_6, %get3A_7] : memref<10240x64xf32, #tpu.memory_space<vmem>>, vector<10240x64xf32>
    %add3A = arith.addf %get3A_8, %mul3A_5 : vector<10240x64xf32>
    %mul3A_9 = vector.broadcast %get3A_1 : vector<10240x1xf32> to vector<10240x64xf32>
    %mul3A_10 = arith.mulf %add3A, %mul3A_9 : vector<10240x64xf32>
    %get3A_11 = arith.constant 0 : index
    %get3A_12 = arith.constant 0 : index
    %get3A_13 = vector.load %arg4[%get3A_11, %get3A_12] : memref<1x64xf32, #tpu.memory_space<vmem>>, vector<1x64xf32>
    %add3A_14 = vector.broadcast %get3A_13 : vector<1x64xf32> to vector<10240x64xf32>
    %add3A_15 = arith.addf %mul3A_10, %add3A_14 : vector<10240x64xf32>
    %max3A = arith.constant 0.000000e+00 : f32
    %max3A_16 = vector.broadcast %max3A : f32 to vector<10240x64xf32>
    %max3A_17 = arith.maximumf %add3A_15, %max3A_16 : vector<10240x64xf32>
    %get3A_18 = arith.constant 0 : index
    %get3A_19 = arith.constant 0 : index
    %get3A_20 = vector.load %arg3[%get3A_18, %get3A_19] : memref<64x16xf32, #tpu.memory_space<vmem>>, vector<64x16xf32>
    %dot_general3A = arith.constant dense<0.000000e+00> : vector<10240x16xf32>
    %dot_general3A_21 = tpu.matmul %max3A_17, %get3A_20, %dot_general3A {dimension_numbers = #tpu.dot_dimension_numbers<[1], [0], [0], [1], [0, 0, 1, 1], [], []>, transpose_lhs_hint = false} : vector<10240x64xf32>, vector<64x16xf32>, vector<10240x16xf32> -> vector<10240x16xf32>
    %mul3A_22 = vector.broadcast %get3A_1 : vector<10240x1xf32> to vector<10240x16xf32>
    %mul3A_23 = arith.mulf %dot_general3A_21, %mul3A_22 : vector<10240x16xf32>
    %swap3A = arith.constant 0 : index
    %swap3A_24 = arith.constant 0 : index
    %swap3A_25 = vector.load %arg5[%swap3A, %swap3A_24] : memref<10240x16xf32, #tpu.memory_space<vmem>>, vector<10240x16xf32>
    tpu.vector_store %arg5[%swap3A, %swap3A_24], %mul3A_23 {strides = array<i32>} : memref<10240x16xf32, #tpu.memory_space<vmem>>, vector<10240x16xf32>,
    return
  }
}

module attributes {stable_mosaic.version = 14 : i64} {
  func.func @_tc3_body(%arg0: i32, %arg1: memref<2x10000x16xf32, #tpu.memory_space<vmem>>, %arg2: memref<10000x16xf32, #tpu.memory_space<vmem>>, %arg3: memref<10000x1xf32, #tpu.memory_space<vmem>>, %arg4: memref<1x16xf32, #tpu.memory_space<vmem>>, %arg5: memref<10000x16xf32, #tpu.memory_space<vmem>>) attributes {dimension_semantics = [#tpu.dimension_semantics<arbitrary>], iteration_bounds = array<i64: 1>, scalar_prefetch = 0 : i64, scratch_operands = 0 : i64, tpu.core_type = #tpu.core_type<tc>, window_params = [{transform_indices = @transform_0, window_bounds = array<i64: 2, 10000, 16>}, {transform_indices = @transform_1, window_bounds = array<i64: 10000, 16>}, {transform_indices = @transform_2, window_bounds = array<i64: 10000, 1>}, {pipeline_mode = #tpu.pipeline_mode<synchronous>, transform_indices = @transform_3, window_bounds = array<i64: 1, 16>}, {pipeline_mode = #tpu.pipeline_mode<synchronous>, transform_indices = @transform_4, window_bounds = array<i64: 10000, 16>}]} {
    %get3A = arith.constant 0 : index
    %get3A_0 = arith.constant 0 : index
    %get3A_1 = arith.constant 0 : index
    %get3A_2 = vector.load %arg1[%get3A, %get3A_0, %get3A_1] : memref<2x10000x16xf32, #tpu.memory_space<vmem>>, vector<2x10000x16xf32>
    %get3A_3 = arith.constant 0 : index
    %get3A_4 = arith.constant 0 : index
    %get3A_5 = vector.load %arg3[%get3A_3, %get3A_4] : memref<10000x1xf32, #tpu.memory_space<vmem>>, vector<10000x1xf32>
    %slice3A = vector.extract_strided_slice %get3A_2 {offsets = [0, 0, 0], sizes = [1, 10000, 16], strides = [1, 1, 1]} : vector<2x10000x16xf32> to vector<1x10000x16xf32>
    %squeeze3A = vector.shape_cast %slice3A : vector<1x10000x16xf32> to vector<10000x16xf32>
    %slice3A_6 = vector.extract_strided_slice %get3A_2 {offsets = [1, 0, 0], sizes = [1, 10000, 16], strides = [1, 1, 1]} : vector<2x10000x16xf32> to vector<1x10000x16xf32>
    %squeeze3A_7 = vector.shape_cast %slice3A_6 : vector<1x10000x16xf32> to vector<10000x16xf32>
    %add3A = arith.addf %squeeze3A, %squeeze3A_7 : vector<10000x16xf32>
    %get3A_8 = arith.constant 0 : index
    %get3A_9 = arith.constant 0 : index
    %get3A_10 = vector.load %arg2[%get3A_8, %get3A_9] : memref<10000x16xf32, #tpu.memory_space<vmem>>, vector<10000x16xf32>
    %add3A_11 = arith.addf %add3A, %get3A_10 : vector<10000x16xf32>
    %mul3A = vector.broadcast %get3A_5 : vector<10000x1xf32> to vector<10000x16xf32>
    %mul3A_12 = arith.mulf %add3A_11, %mul3A : vector<10000x16xf32>
    %get3A_13 = arith.constant 0 : index
    %get3A_14 = arith.constant 0 : index
    %get3A_15 = vector.load %arg4[%get3A_13, %get3A_14] : memref<1x16xf32, #tpu.memory_space<vmem>>, vector<1x16xf32>
    %add3A_16 = vector.broadcast %get3A_15 : vector<1x16xf32> to vector<10000x16xf32>
    %add3A_17 = arith.addf %mul3A_12, %add3A_16 : vector<10000x16xf32>
    %reduce_max3A = arith.constant dense<0xFF800000> : vector<10000xf32>
    %reduce_max3A_18 = vector.multi_reduction <maximumf>, %add3A_17, %reduce_max3A [1] : vector<10000x16xf32> to vector<10000xf32>
    %broadcast_in_dim3A = vector.shape_cast %reduce_max3A_18 : vector<10000xf32> to vector<10000x1xf32>
    %sub3A = vector.broadcast %broadcast_in_dim3A : vector<10000x1xf32> to vector<10000x16xf32>
    %sub3A_19 = arith.subf %add3A_17, %sub3A : vector<10000x16xf32>
    %exp3A = math.exp %sub3A_19 : vector<10000x16xf32>
    %sub3A_20 = vector.broadcast %broadcast_in_dim3A : vector<10000x1xf32> to vector<10000x16xf32>
    %sub3A_21 = arith.subf %add3A_17, %sub3A_20 : vector<10000x16xf32>
    %reduce_sum3A = arith.constant dense<0.000000e+00> : vector<10000xf32>
    %reduce_sum3A_22 = vector.multi_reduction <add>, %exp3A, %reduce_sum3A [1] : vector<10000x16xf32> to vector<10000xf32>
    %broadcast_in_dim3A_23 = vector.shape_cast %reduce_sum3A_22 : vector<10000xf32> to vector<10000x1xf32>
    %log3A = math.log %broadcast_in_dim3A_23 : vector<10000x1xf32>
    %sub3A_24 = vector.broadcast %log3A : vector<10000x1xf32> to vector<10000x16xf32>
    %sub3A_25 = arith.subf %sub3A_21, %sub3A_24 : vector<10000x16xf32>
    %swap3A = arith.constant 0 : index
    %swap3A_26 = arith.constant 0 : index
    %swap3A_27 = vector.load %arg5[%swap3A, %swap3A_26] : memref<10000x16xf32, #tpu.memory_space<vmem>>, vector<10000x16xf32>
    tpu.vector_store %arg5[%swap3A, %swap3A_26], %sub3A_25 {strides = array<i32>} : memref<10000x16xf32, #tpu.memory_space<vmem>>, vector<10000x16xf32>,
    return
  }
  func.func @transform_0(%arg0: i32) -> (i32, i32, i32) {
    %c0_i32 = arith.constant 0 : i32
    %c0_i32_0 = arith.constant 0 : i32
    %c0_i32_1 = arith.constant 0 : i32
    %c0_i32_2 = arith.constant 0 : i32
    return %c0_i32, %c0_i32_0, %c0_i32_1 : i32, i32, i32
  }
  func.func @transform_1(%arg0: i32) -> (i32, i32) {
    %c0_i32 = arith.constant 0 : i32
    %c0_i32_0 = arith.constant 0 : i32
    %c0_i32_1 = arith.constant 0 : i32
    return %c0_i32, %c0_i32_0 : i32, i32
  }
  func.func @transform_2(%arg0: i32) -> (i32, i32) {
    %c0_i32 = arith.constant 0 : i32
    %c0_i32_0 = arith.constant 0 : i32
    %c0_i32_1 = arith.constant 0 : i32
    return %c0_i32, %c0_i32_0 : i32, i32
  }
  func.func @transform_3(%arg0: i32) -> (i32, i32) {
    %c0_i32 = arith.constant 0 : i32
    %c0_i32_0 = arith.constant 0 : i32
    %c0_i32_1 = arith.constant 0 : i32
    return %c0_i32, %c0_i32_0 : i32, i32
  }
  func.func @transform_4(%arg0: i32) -> (i32, i32) {
    %c0_i32 = arith.constant 0 : i32
    %c0_i32_0 = arith.constant 0 : i32
    %c0_i32_1 = arith.constant 0 : i32
    return %c0_i32, %c0_i32_0 : i32, i32
  }
}

</mosaic_0001>

<sc_bundles>
// kernel: kernel.11.cloned.1.call-start
scs
__scs_entry_jumppad:
0x0: {  	(pc) =	sbr.rel $0x88, $3  }
0x1: {  	(tag) =	ssettag $0x0;
	lr =	simm.s32 $0x1  }
0x2: {  	[smem:$0x3F9B] =	sst lr;
	_ =	strace $0xD0000000  }
0x3: {  	_ = 	snop  }
0x4: {  	_ = 	snop  }
0x5: {  	_ = 	snop  }
0x6: {  	_ = 	snop  }
0x7: {  	_ = 	snop  }
__scs_overlays_trampoline_lowered:
0x8: {  	[smem:$0x3FAA] =	sst s0  }
0x9: {  	[smem:$0x3FAB] =	sst s1  }
0xa: {  	[smem:$0x3FAC] =	sst s2  }
0xb: {  	[smem:$0x3FAD] =	sst s3  }
0xc: {  	[smem:$0x3FAE] =	sst s4  }
0xd: {  	[smem:$0x3FAF] =	sst s5  }
0xe: {  	[smem:$0x3FB0] =	sst s6  }
0xf: {  	[smem:$0x3FB1] =	sst s7  }
0x10: {  	[smem:$0x3FB2] =	sst s8  }
0x11: {  	[smem:$0x3FB3] =	sst s9;
	s0 =	simm.s32 @!p0 $0x0  }
0x12: {  	s1 =	sld [smem:$0x3F99];
	s0 =	simm.s32 @p0 $0x1  }
0x13: {  	[smem:$0x3FB4] =	sst s0;
	s0 =	simm.s32 @!p1 $0x0  }
0x14: {  	s2 =	sld [smem:$0x3F98];
	s0 =	simm.s32 @p1 $0x1  }
0x15: {  	[smem:$0x3FB5] =	sst s0;
	s0 =	simm.s32 @!p2 $0x0  }
0x16: {  	s3 =	sld [smem:$0x3FDB];
	s0 =	simm.s32 @p2 $0x1  }
0x17: {  	s4 =	simm.s32 $0x1BF5;
	[smem:$0x3FB7] =	sst s0  }
0x18: {  	s0 =	sld [smem:$0x3F9A];
	_ =	swait.ge [sflag:s4], $0x0  }
0x19: {  	s7 =	sld [smem:$0x3F9B]  }
0x1a: {  	s8 =	sadd.s32 $0xFFFFE003, lr  }
0x1b: {  	s9 =	sadd.s32 $0xFFFFFEF7, lr;
	s5 =	simm.s32 $0xFFFFFFFF;
	p2 =	slt.u32 s8, $0xFFFFF086  }
0x1c: {  	p1 =	slt.u32 s9, $0xF7A;
	s5 =	simm.s32 @!p2 $0x0  }
0x1d: {  	s5 =	simm.s32 @p1 $0x1;
	p0 =	seq.s32 s7, s2  }
0x1e: {  	s7 =	smul.u32 @!p0 $0xF7A, s2;
	p2 =	seq.s32 @!p0 s5, $0x0  }
0x1f: {  	s9 =	smul.u32 $0xF7A, s1;
	s8 =	simm.s32 @!p0 $0x1BF5;
	p2 =	por !p2, p0  }
0x20: {  	[sflag:s8] =	ssyncset.s32 @!p0 $0xFFFFF086;
	s6 =	sadd.s32 @!p0 s3, s7;
	s7 =	simm.s32 @!p0 $0x108  }
0x21: {  	s3 =	sadd.s32 s3, s9;
	s6 =	sadd.s32 @!p0 $0x88, s6;
	s7 =	simm.s32 @p2 $0x1082  }
0x22: {  	[simem:s7], [sflag:s8] =	dma.local @!p0 [hbm:s6], $0xF7A  }
0x23: {  	s9 =	sor.u32 $0xD0000000, s2;
	s6 =	simm.s32 $0x108;
	_ =	swait.ge @!p0 [sflag:s8], $0x0  }
0x24: {  	s3 =	sadd.s32 $0x88, s3;
	s6 =	simm.s32 @!p1 $0x1082;
	[sflag:s4] =	ssyncset.s32 $0xFFFFF086  }
0x25: {  	[simem:s6], [sflag:s4] =	dma.local [hbm:s3], $0xF7A  }
0x26: {  	[smem:$0x3F9B] =	sst s1;
	(tag) =	ssettag s2;
	_ =	strace s9  }
0x27: {  	s1 =	sld [smem:$0x3FAB]  }
0x28: {  	s2 =	sld [smem:$0x3FAC]  }
0x29: {  	s4 =	sld [smem:$0x3FAE]  }
0x2a: {  	p0 =	seq.s32 s5, $0x0;
	s5 =	sld [smem:$0x3FAF]  }
0x2b: {  	s6 =	sld [smem:$0x3FB0]  }
0x2c: {  	s7 =	sld [smem:$0x3FB1]  }
0x2d: {  	s3 =	simm.s32 $0x108;
	s8 =	sld [smem:$0x3FB2]  }
0x2e: {  	s3 =	simm.s32 @!p0 $0x1082;
	s9 =	sld [smem:$0x3FB3]  }
0x2f: {  	lr =	sadd.s32 s0, s3;
	s0 =	sld [smem:$0x3FAA]  }
0x30: {  	s3 =	sld [smem:$0x3FAD]  }
0x31: {  	[smem:$0x3FB6] =	sst s10  }
0x32: {  	s10 =	sld [smem:$0x3FB4];
	_ =	sdelay $0x3  }
0x33: {  	p0 =	seq.s32 s10, $0x1;
	s10 =	sld [smem:$0x3FB6];
	_ =	sdelay $0x3  }
0x34: {  	[smem:$0x3FB6] =	sst s10  }
0x35: {  	s10 =	sld [smem:$0x3FB5];
	_ =	sdelay $0x3  }
0x36: {  	p1 =	seq.s32 s10, $0x1;
	s10 =	sld [smem:$0x3FB6];
	_ =	sdelay $0x3  }
0x37: {  	[smem:$0x3FB6] =	sst s10  }
0x38: {  	s10 =	sld [smem:$0x3FB7]  }
0x39: {  	_ = 	snop;
	(pc) =	sbr.ind lr, $3  }
0x3a: {  	_ = 	snop  }
0x3b: {  	_ = 	snop  }
0x3c: {  	p2 =	seq.s32 s10, $0x1;
	s10 =	sld [smem:$0x3FB6]  }
0x3d: {  	_ =	shalt  }
0x3e: {  	_ =	shalt  }
0x3f: {  	_ =	shalt  }
0x40: {  	_ =	shalt  }
0x41: {  	_ =	shalt  }
0x42: {  	_ =	shalt  }
0x43: {  	_ =	shalt  }
0x44: {  	_ =	shalt  }
0x45: {  	_ =	shalt  }
0x46: {  	_ =	shalt  }
0x47: {  	_ =	shalt  }
0x48: {  	_ =	shalt  }
0x49: {  	_ =	shalt  }
0x4a: {  	_ =	shalt  }
0x4b: {  	_ =	shalt  }
0x4c: {  	_ =	shalt  }
0x4d: {  	_ =	shalt  }
0x4e: {  	_ =	shalt  }
0x4f: {  	_ =	shalt  }
0x50: {  	_ =	shalt  }
0x51: {  	_ =	shalt  }
0x52: {  	_ =	shalt  }
0x53: {  	_ =	shalt  }
0x54: {  	_ =	shalt  }
0x55: {  	_ =	shalt  }
0x56: {  	_ =	shalt  }
0x57: {  	_ =	shalt  }
0x58: {  	_ =	shalt  }
0x59: {  	_ =	shalt  }
0x5a: {  	_ =	shalt  }
0x5b: {  	_ =	shalt  }
0x5c: {  	_ =	shalt  }
0x5d: {  	_ =	shalt  }
0x5e: {  	_ =	shalt  }
0x5f: {  	_ =	shalt  }
0x60: {  	_ =	shalt  }
0x61: {  	_ =	shalt  }
0x62: {  	_ =	shalt  }
0x63: {  	_ =	shalt  }
0x64: {  	_ =	shalt  }
0x65: {  	_ =	shalt  }
0x66: {  	_ =	shalt  }
0x67: {  	_ =	shalt  }
0x68: {  	_ =	shalt  }
0x69: {  	_ =	shalt  }
0x6a: {  	_ =	shalt  }
0x6b: {  	_ =	shalt  }
0x6c: {  	_ =	shalt  }
0x6d: {  	_ =	shalt  }
0x6e: {  	_ =	shalt  }
0x6f: {  	_ =	shalt  }
0x70: {  	_ =	shalt  }
0x71: {  	_ =	shalt  }
0x72: {  	_ =	shalt  }
0x73: {  	_ =	shalt  }
0x74: {  	_ =	shalt  }
0x75: {  	_ =	shalt  }
0x76: {  	_ =	shalt  }
0x77: {  	_ =	shalt  }
0x78: {  	_ =	shalt  }
0x79: {  	_ =	shalt  }
0x7a: {  	_ =	shalt  }
0x7b: {  	_ =	shalt  }
0x7c: {  	_ =	shalt  }
0x7d: {  	_ =	shalt  }
0x7e: {  	_ =	shalt  }
0x7f: {  	_ =	shalt  }
0x80: {  	_ =	shalt  }
0x81: {  	_ =	shalt  }
0x82: {  	_ =	shalt  }
0x83: {  	_ =	shalt  }
0x84: {  	_ =	shalt  }
0x85: {  	_ =	shalt  }
0x86: {  	_ =	shalt  }
0x87: {  	_ =	shalt  }
.Lfunc_end0:
.L_simem_size_0:
called_computation.1_lowered:
.L_overlay_start_0:
0x88: {  	s2 =	sld [smem:$0x3FD9]  }
0x89: {  	s3 =	sld [smem:$0x3FFE];
	_ =	sdelay $0x1  }
0x8a: {  	s1 =	srdreg.scid  }
0x8b: {  	s0 =	sand.u32 $0x1, s1  }
0x8c: {  	s17 =	sshll.u32 s0, $0xA;
	s2 =	sadd.s32 s3, s2  }
0x8d: {  	s2 =	sadd.s32 s2, s17  }
0x8e: {  	[smem:$0x3FC2] =	sst s2  }
0x8f: {  	_ = 	snop  }
0x90: {  	s2 =	sld [smem:$0x3FD0];
	(tm) =	ssettm $0x1  }
0x91: {  	s18 =	sld [smem:$0x3FFB];
	_ =	sdelay $0x3  }
0x92: {  	_ =	strace s18  }
0x93: {  	s3 =	sld [smem:$0x3FFC];
	_ =	sdelay $0x3  }
0x94: {  	_ =	strace s3  }
0x95: {  	s3 =	sld [smem:$0x3FFD];
	_ =	sdelay $0x3  }
0x96: {  	_ =	strace s3  }
0x97: {  	_ =	strace $0x8FFFFFFF  }
0x98: {  	s19 =	sld [smem:$0x3FDB];
	_ =	sdelay $0x1  }
0x99: {  	s4 =	simm.s32 $_scs_section_size  }
0x9a: {  	s5 =	simm.s32 $_size__tile_overlayer_lowered;
	s6 =	simm.s32 $_tile_overlayer_lowered  }
0x9b: {  	s22 =	simm.s32 $0x1BFF;
	s21 =	sshll.u32 s6, $0x1;
	s3 =	sadd.s32 s4, s19  }
0x9c: {  	s7 =	simm.s32 $0x0;
	s20 =	sshll.u32 s5, $0x1;
	s5 =	sadd.s32 s21, s3  }
0x9d: {  	[timem:s7], [sflag:s22] =	dma.local [hbm:s5], s20  }
0x9e: {  	_ =	swait.ge [sflag:s22], s20  }
0x9f: {  	s4 =	ssub.s32 $0x0, s20;
	[sflag:s22] =	ssyncset.done $0x0  }
0xa0: {  	[sflag:s22] =	ssyncadd.s32 s4;
	_ =	sdelay $0x1  }
0xa1: {  	s23 =	simm.s32 $0x1B8B  }
0xa2: {  	_ =	swait.ge [sflag:s23], $0x1  }
0xa3: {  	[sflag:s23] =	ssyncset.done $0x0  }
0xa4: {  	s25 =	simm.s32 $0x1B8E;
	s24 =	sld [smem:$0x3FFE];
	[sflag:s23] =	ssyncadd.s32 $0xFFFFFFFF  }
0xa5: {  	s26 =	simm.s32 $execute0_lowered;
	[smem:$0x3FD2] =	sst s25  }
0xa6: {  	s5 =	sshll.u32 s26, $0x1;
	_ =	strace $0x80000049;
	[dreg:$0x1] =	wrdreg $0xFFFFFFFF  }
0xa7: {  	s28 =	simm.s32 $_size_execute0_lowered;
	s3 =	sadd.s32 s3, s5;
	[dreg:$0x0] =	wrdreg $0x0  }
0xa8: {  	s5 =	sshll.u32 s28, $0x1;
	[dreg:$0x2] =	wrdreg s3  }
0xa9: {  	[dreg:$0x3] =	wrdreg s5  }
0xaa: {  	[dreg:$0x4] =	wrdreg $0xC0  }
0xab: {  	_ =	task [dreg:s7], $0x5FFFF  }
0xac: {  	[dreg:$0x1] =	wrdreg $0xFFFFFFFF  }
0xad: {  	[dreg:$0x0] =	wrdreg $0x60  }
0xae: {  	[dreg:$0x2] =	wrdreg s24  }
0xaf: {  	[dreg:$0x3] =	wrdreg s2  }
0xb0: {  	[dreg:$0x4] =	wrdreg $0x19A800  }
0xb1: {  	[dreg:$0x5] =	wrdreg $0x14A800  }
0xb2: {  	[dreg:$0x6] =	wrdreg $0x9  }
0xb3: {  	_ =	task.clear_ibuf [dreg:s7], $0x7FFFF;
	_ =	strace $0x90000049  }
0xb4: {  	s29 =	simm.s32 $0x9;
	_ =	strace $0x8000004B  }
0xb5: {  	_ =	swait.ge [sflag:s29], $0x1  }
0xb6: {  	[sflag:s29] =	ssyncadd.s32 $0xFFFFFFFF  }
0xb7: {  	_ =	strace $0x9000004B  }
0xb8: {  	_ =	sfence  }
0xb9: {  	s30 =	sld [smem:$0x0];
	_ =	sdelay $0x2  }
0xba: {  	s31 =	sshll.u32 s1, $0xD;
	s1 =	sshrl.u32 s1, $0x2  }
0xbb: {  	s3 =	sand.u32 $0x4000, s31;
	s1 =	sadd.s32 s1, s30  }
0xbc: {  	s0 =	sor.u32 s3, s0;
	s1 =	sshll.u32 s1, $0x11  }
0xbd: {  	s0 =	sor.u32 s1, s0  }
0xbe: {  	s0 =	sadd.s32 $0x8F2B, s0  }
0xbf: {  	[sflag:s0] =	ssyncadd.remote.s32 $0x1  }
0xc0: {  	_ =	sfence.sel $0xFFFF  }
0xc1: {  	[dreg:$0x0] =	wrdreg $0xFFFFFFFF;
	(pc) =	sbr.abs _section_cstart, $3  }
0xc2: {  	[dreg:$0x1] =	wrdreg $0xFFFFFFFF  }
0xc3: {  	_ =	task.clear_ibuf [dreg:s7], $0x2FFFF;
	_ =	strace $0x9FFFFFFF  }
0xc4: {  	(tm) =	ssettm $0x7FFFFFFF  }
0xc5: {  	_ =	shalt  }
tec
execute0_lowered:
.L_overlay_start_1:
0x0: {  	(tag) =	ssettag $0x1  }
0x1: {  	s0 =	rddreg [dreg:$0x0]  }
0x2: {  	s2 =	rddreg [dreg:$0x1]  }
0x3: {  	s1 =	rddreg [dreg:$0x2]  }
0x4: {  	s3 =	rddreg [dreg:$0x3]  }
0x5: {  	s4 =	simm.s32 $0x0;
	s12 =	stileid.u32;
	s8 =	srdreg.scid  }
0x6: {  	s18 =	simm.s32 $0x5;
	s28 =	simm.s32 $0x14800;
	s5 =	smul.u32 $0x4E20, s12  }
0x7: {  	s29 =	simm.s32 $0x80;
	s30 =	simm.s32 $0xB000;
	s7 =	smul.u32 $0x5000, s12  }
0x8: {  	s31 =	simm.s32 $0x10000;
	[smem:$0x7FF] =	sst s4;
	s9 =	smul.u32 $0xA000, s12  }
0x9: {  	s6 =	sadd.s32 $0x16000, s0;
	s8 =	sand.u32 $0x1, s8;
	s21 =	smul.u32 $0x1400, s12  }
0xa: {  	s10 =	sadd.s32 $0x15E00, s0;
	s11 =	sadd.s32 $0x2200, s0;
	s23 =	smul.u32 $0x280, s12  }
0xb: {  	s12 =	smul.u32 $0x50, s12;
	_ =	strace $0x8000004A;
	[dreg:$0x5] =	wrdreg s10  }
0xc: {  	s19 =	sshll.u32 s8, $0x5;
	[dreg:$0x6] =	wrdreg s11;
	s8 =	ssub.s32 $0x2, s8  }
0xd: {  	s5 =	sshrl.u32 s5, $0x3;
	s20 =	sshrl.u32 s7, $0x3;
	s9 =	sor.u32 s19, s9  }
0xe: {  	s22 =	sshrl.u32 s8, $0x1;
	s10 =	sshrl.u32 s21, $0x3;
	s24 =	sadd.s32 s6, s23  }
0xf: {  	s2 =	sadd.s32 s2, s12;
	s14 =	sadd.s32 s7, s3;
	s23 =	simm.s32 $0x13400  }
0x10: {  	s21 =	simm.s32 $0x1;
	s19 =	simm.s32 $0x11000;
	s5 =	sadd.s32 s5, s0  }
0x11: {  	s9 =	sshrl.u32 s9, $0x3;
	s11 =	sadd.s32 s20, s0;
	[dreg:$0x9] =	wrdreg s24  }
0x12: {  	s8 =	ssub.s32 s8, s22;
	s10 =	sadd.s32 s6, s10;
	[dreg:$0xc] =	wrdreg s2  }
0x13: {  	s22 =	simm.s32 $0x12000;
	s20 =	simm.s32 $0xD000;
	s24 =	simm.s32 $0xE000  }
0x14: {  	s2 =	simm.s32 $0x2;
	s6 =	simm.s32 $0x4;
	s13 =	sadd.s32 $0x2400, s5  }
0x15: {  	s0 =	sadd.s32 s9, s0;
	s5 =	sadd.s32 $0xC040, s5;
	[dreg:$0x7] =	wrdreg s13  }
.Ltmp0:
0x16: {  	s25 =	sadd.s32 $0x2800, s10;
	[dreg:$0x8] =	wrdreg s5;
	(pc) =	sbr.rel .LBB2_1-.Ltmp0, $4  }
0x17: {  	s15 =	sadd.s32 $0x2F000, s11;
	s17 =	smax.u32 s8, $0x1;
	[dreg:$0xa] =	wrdreg s25  }
0x18: {  	v0 =	vlaneseq.u32;
	s26 =	sadd.s32 $0x1B000, s0;
	s13 =	sadd.s32 s7, s1;
	s16 =	sadd.s32 $0x39000, s0  }
0x19: {  	v0 =	vmul.u32 $0x8, v0;
	s0 =	simm.s32 $0xC000;
	s25 =	simm.s32 $0xF000;
	s5 =	simm.s32 $0x3  }
0x1a: {  	s7 =	simm.s32 $0x0;
	[dreg:$0xb] =	wrdreg s26;
	s26 =	simm.s32 $0xA000  }
.LBB2_8:
0x1b: {  	_ =	swait.ge [sflag:s6], $0x1000  }
0x1c: {  	[sflag:s6] =	ssyncset.done $0x0  }
0x1d: {  	[sflag:s6] =	ssyncadd.s32 $0xFFFFF000  }
0x1e: {  	_ =	swait.ge [sflag:s6], $0x1000  }
0x1f: {  	[sflag:s6] =	ssyncset.done $0x0  }
0x20: {  	[sflag:s6] =	ssyncadd.s32 $0xFFFFF000  }
0x21: {  	_ =	swait.ge [sflag:s6], $0x1000  }
0x22: {  	[sflag:s6] =	ssyncset.done $0x0  }
0x23: {  	[sflag:s6] =	ssyncadd.s32 $0xFFFFF000  }
0x24: {  	_ =	swait.ge [sflag:s6], $0x1000  }
0x25: {  	s7 =	sadd.s32 $0x1, s7;
	[sflag:s6] =	ssyncset.done $0x0  }
0x26: {  	p0 =	sne.s32 s7, s17;
	[sflag:s6] =	ssyncadd.s32 $0xFFFFF000  }
.Ltmp1:
0x27: {  	s10 =	simm.s32 $0x8;
	[bflag:$0x0] =	sbarrier.arrive $0xFFFF;
	(pc) =	sbr.rel @!p0 .LBB2_9-.Ltmp1, $4  }
0x28: {  	[hbm:s16@s10], [sflag:s8] =	dma.strided [spmem:s9@s6], $0xA00, s21, $0x4   }
0x29: {  	_ =	swait.ge [sflag:s18], $0xA00  }
0x2a: {  	[sflag:s18] =	ssyncset.done $0x0  }
0x2b: {  	[sflag:s18] =	ssyncadd.s32 $0xFFFFF600  }
.LBB2_1:
0x2c: {  	s8 =	rddreg [dreg:$0x7]  }
0x2d: {  	[tilespmem:s4], [sflag:$0x5] =	stream.linear.gather [hbm4b:s8+s4], $0x4E20, $0x38;
	[tilespmem:$0x1EA80] =	vst v63  }
0x2e: {  	_ =	swait.ge [sflag:s18], $0x4E20  }
0x2f: {  	[sflag:s18] =	ssyncset.done $0x0  }
0x30: {  	s9 =	simm.s32 $0x5000;
	s12 =	rddreg [dreg:$0x8];
	[sflag:s18] =	ssyncadd.s32 $0xFFFFB1E0  }
0x31: {  	[tilespmem:s9], [sflag:$0x5] =	stream.linear.gather [hbm4b:s12+s4], $0x4E20, $0x38;
	[tilespmem:$0x1EA80] =	vst v63  }
0x32: {  	_ =	swait.ge [sflag:s18], $0x4E20  }
0x33: {  	[sflag:s18] =	ssyncset.done $0x0  }
0x34: {  	s10 =	simm.s32 $0x4E20;
	s9 =	rddreg [dreg:$0x5];
	[sflag:s18] =	ssyncadd.s32 $0xFFFFB1E0  }
0x35: {  	[tilespmem:s10], [sflag:$0x5] =	stream.linear.gather [hbm4b:s9+s4], $0x1E0, $0x38;
	[tilespmem:$0x1EA80] =	vst v63  }
0x36: {  	_ =	swait.ge [sflag:s18], $0x1E0  }
0x37: {  	[sflag:s18] =	ssyncset.done $0x0  }
0x38: {  	s12 =	simm.s32 $0x9E20;
	s11 =	rddreg [dreg:$0x6];
	[sflag:s18] =	ssyncadd.s32 $0xFFFFFE20  }
0x39: {  	[tilespmem:s12], [sflag:$0x5] =	stream.linear.gather [hbm4b:s11+s4], $0x1E0, $0x38;
	[tilespmem:$0x1EA80] =	vst v63  }
0x3a: {  	_ =	swait.ge [sflag:s18], $0x1E0  }
0x3b: {  	[sflag:s18] =	ssyncset.done $0x0  }
0x3c: {  	s9 =	rddreg [dreg:$0x9];
	[sflag:s18] =	ssyncadd.s32 $0xFFFFFE20  }
0x3d: {  	[tilespmem:s22], [sflag:$0x5] =	stream.linear.gather [hbm4b:s9+s4], $0x1400, $0x38;
	[tilespmem:$0x1EA80] =	vst v63  }
0x3e: {  	_ =	swait.ge [sflag:s18], $0x1400  }
0x3f: {  	[sflag:s18] =	ssyncset.done $0x0  }
0x40: {  	s10 =	rddreg [dreg:$0xa];
	[sflag:s18] =	ssyncadd.s32 $0xFFFFEC00  }
0x41: {  	[tilespmem:s23], [sflag:$0x5] =	stream.linear.gather [hbm4b:s10+s4], $0x1400, $0x38;
	[tilespmem:$0x1EA80] =	vst v63  }
0x42: {  	v1 =	vmov s4;
	_ =	swait.ge [sflag:s18], $0x1400  }
0x43: {  	v1 =	vshll.u32 v1, $0x3;
	s12 =	simm.s32 $0x20;
	[sflag:s18] =	ssyncset.done $0x0  }
0x44: {  	v1 =	vor.u32 v0, v1;
	s10 =	simm.s32 $0x40;
	s11 =	rddreg [dreg:$0xb];
	[sflag:s18] =	ssyncadd.s32 $0xFFFFEC00  }
0x45: {  	[tilespmem:s26], [sflag:$0x5] =	stream.strided.gather [hbm4b:s11+s12], $0x5000, s10, s12, $0x38;
	[tilespmem:$0x1EA80] =	vst v63  }
0x46: {  	_ =	swait.ge [sflag:s18], $0x5000  }
0x47: {  	[sflag:s18] =	ssyncset.done $0x0  }
0x48: {  	[sflag:s18] =	ssyncadd.s32 $0xFFFFB000  }
0x49: {  	v2 =	vld.idx.msk [tilespmem:v1+s23+$0x0], $0xffff  }
0x4a: {  	v1 =	vld.idx.msk [tilespmem:v1+s22+$0x0], $0xffff;
	_ =	sdelay $0x4  }
0x4b: {  	v1 =	vadd.f32 v2, v1;
	_ =	sdelay $0x1  }
0x4c: {  	v1 =	vadd.f32 $1.000000000e+00, v1;
	_ =	sdelay $0x1  }
0x4d: {  	v2 =	vshrl.u32 v1, $0x1;
	v1 =	vmul.f32 $5.000000000e-01, v1  }
0x4e: {  	v2 =	vsub.s32 $0x5F3759DF, v2  }
0x4f: {  	v3 =	vmul.f32 v2, v1;
	_ =	sdelay $0x1  }
0x50: {  	v3 =	vmul.f32 v2, v3;
	_ =	sdelay $0x1  }
0x51: {  	v3 =	vsub.f32 $1.500000000e+00, v3;
	_ =	sdelay $0x1  }
0x52: {  	v2 =	vmul.f32 v2, v3;
	_ =	sdelay $0x1  }
0x53: {  	v3 =	vmul.f32 v2, v1;
	_ =	sdelay $0x1  }
0x54: {  	v3 =	vmul.f32 v3, v2;
	_ =	sdelay $0x1  }
0x55: {  	v3 =	vsub.f32 $1.500000000e+00, v3;
	_ =	sdelay $0x1  }
0x56: {  	v2 =	vmul.f32 v3, v2;
	_ =	sdelay $0x1  }
0x57: {  	v1 =	vmul.f32 v2, v1  }
0x58: {  	s11 =	simm.s32 $0x10  }
0x59: {  	v3 =	vmov s11;
	v1 =	vmul.f32 v1, v2  }
0x5a: {  	v3 =	vshll.u32 v3, $0x3  }
0x5b: {  	v3 =	vor.u32 v0, v3;
	v1 =	vsub.f32 $1.500000000e+00, v1;
	_ =	sdelay $0x1  }
0x5c: {  	v1 =	vmul.f32 v1, v2;
	_ =	sdelay $0x1  }
0x5d: {  	[tilespmem:s28+$0x0] =	vst v1  }
0x5e: {  	v1 =	vld.idx.msk [tilespmem:v3+s23+$0x0], $0xffff  }
0x5f: {  	v2 =	vld.idx.msk [tilespmem:v3+s22+$0x0], $0xffff;
	_ =	sdelay $0x4  }
0x60: {  	v1 =	vadd.f32 v1, v2;
	_ =	sdelay $0x1  }
0x61: {  	v1 =	vadd.f32 $1.000000000e+00, v1;
	_ =	sdelay $0x1  }
0x62: {  	v2 =	vshrl.u32 v1, $0x1;
	v3 =	vmul.f32 $5.000000000e-01, v1  }
0x63: {  	v1 =	vsub.s32 $0x5F3759DF, v2  }
0x64: {  	v2 =	vmul.f32 v1, v3;
	_ =	sdelay $0x1  }
0x65: {  	v2 =	vmul.f32 v1, v2;
	_ =	sdelay $0x1  }
0x66: {  	v2 =	vsub.f32 $1.500000000e+00, v2;
	_ =	sdelay $0x1  }
0x67: {  	v1 =	vmul.f32 v1, v2;
	_ =	sdelay $0x1  }
0x68: {  	v2 =	vmul.f32 v1, v3;
	_ =	sdelay $0x1  }
0x69: {  	v2 =	vmul.f32 v2, v1;
	_ =	sdelay $0x1  }
0x6a: {  	v2 =	vsub.f32 $1.500000000e+00, v2;
	_ =	sdelay $0x1  }
0x6b: {  	v1 =	vmul.f32 v2, v1;
	_ =	sdelay $0x1  }
0x6c: {  	v2 =	vmul.f32 v1, v3  }
0x6d: {  	s12 =	simm.s32 $0x20  }
0x6e: {  	v3 =	vmov s12;
	v2 =	vmul.f32 v2, v1  }
0x6f: {  	s8 =	simm.s32 $0x14800;
	s9 =	simm.s32 $0x30;
	v3 =	vshll.u32 v3, $0x3  }
.LBB2_2:
0x70: {  	p0 =	sne.s32 s9, $0x270;
	v3 =	vor.u32 v0, v3;
	v2 =	vsub.f32 $1.500000000e+00, v2;
	_ =	sdelay $0x1  }
0x71: {  	v1 =	vmul.f32 v2, v1  }
0x72: {  	s8 =	sadd.s32 $0x10, s8  }
0x73: {  	[tilespmem:s8+$0x0] =	vst v1  }
0x74: {  	v1 =	vld.idx.msk [tilespmem:v3+s23+$0x0], $0xffff  }
0x75: {  	v2 =	vld.idx.msk [tilespmem:v3+s22+$0x0], $0xffff;
	_ =	sdelay $0x5  }
0x76: {  	v1 =	vadd.f32 v1, v2;
	_ =	sdelay $0x1  }
0x77: {  	v1 =	vadd.f32 $1.000000000e+00, v1;
	_ =	sdelay $0x1  }
0x78: {  	v2 =	vshrl.u32 v1, $0x1;
	v3 =	vmul.f32 $5.000000000e-01, v1  }
0x79: {  	v1 =	vsub.s32 $0x5F3759DF, v2  }
0x7a: {  	v2 =	vmul.f32 v1, v3;
	_ =	sdelay $0x1  }
0x7b: {  	v2 =	vmul.f32 v1, v2;
	_ =	sdelay $0x1  }
0x7c: {  	v2 =	vsub.f32 $1.500000000e+00, v2;
	_ =	sdelay $0x1  }
0x7d: {  	v1 =	vmul.f32 v1, v2;
	_ =	sdelay $0x1  }
0x7e: {  	v2 =	vmul.f32 v1, v3;
	_ =	sdelay $0x1  }
0x7f: {  	v2 =	vmul.f32 v2, v1;
	_ =	sdelay $0x1  }
0x80: {  	v2 =	vsub.f32 $1.500000000e+00, v2;
	_ =	sdelay $0x1  }
0x81: {  	v1 =	vmul.f32 v2, v1  }
.Ltmp2:
0x82: {  	(pc) =	sbr.rel @p0 .LBB2_2-.Ltmp2, $3  }
0x83: {  	v2 =	vmul.f32 v1, v3;
	_ =	sdelay $0x1  }
0x84: {  	v3 =	vmov s9;
	v2 =	vmul.f32 v2, v1  }
0x85: {  	s9 =	sadd.s32 $0x10, s9;
	v3 =	vshll.u32 v3, $0x3  }
0x86: {  	v3 =	vor.u32 v0, v3;
	v2 =	vsub.f32 $1.500000000e+00, v2;
	_ =	sdelay $0x1  }
0x87: {  	v1 =	vmul.f32 v2, v1  }
0x88: {  	s8 =	sadd.s32 $0x10, s8  }
0x89: {  	[tilespmem:s8+$0x0] =	vst v1  }
0x8a: {  	v1 =	vld.idx.msk [tilespmem:v3+s23+$0x0], $0xffff  }
0x8b: {  	v2 =	vld.idx.msk [tilespmem:v3+s22+$0x0], $0xffff;
	_ =	sdelay $0x4  }
0x8c: {  	v1 =	vadd.f32 v1, v2;
	_ =	sdelay $0x1  }
0x8d: {  	v1 =	vadd.f32 $1.000000000e+00, v1;
	_ =	sdelay $0x1  }
0x8e: {  	v2 =	vshrl.u32 v1, $0x1;
	v1 =	vmul.f32 $5.000000000e-01, v1  }
0x8f: {  	v2 =	vsub.s32 $0x5F3759DF, v2  }
0x90: {  	v3 =	vmul.f32 v2, v1;
	_ =	sdelay $0x1  }
0x91: {  	v3 =	vmul.f32 v2, v3;
	_ =	sdelay $0x1  }
0x92: {  	v3 =	vsub.f32 $1.500000000e+00, v3;
	_ =	sdelay $0x1  }
0x93: {  	v2 =	vmul.f32 v2, v3;
	_ =	sdelay $0x1  }
0x94: {  	v3 =	vmul.f32 v2, v1;
	_ =	sdelay $0x1  }
0x95: {  	v3 =	vmul.f32 v3, v2;
	_ =	sdelay $0x1  }
0x96: {  	v3 =	vsub.f32 $1.500000000e+00, v3;
	_ =	sdelay $0x1  }
0x97: {  	v2 =	vmul.f32 v3, v2;
	_ =	sdelay $0x1  }
0x98: {  	v1 =	vmul.f32 v2, v1;
	_ =	sdelay $0x1  }
0x99: {  	v1 =	vmul.f32 v1, v2;
	_ =	sdelay $0x1  }
0x9a: {  	v1 =	vsub.f32 $1.500000000e+00, v1;
	_ =	sdelay $0x1  }
0x9b: {  	v1 =	vmul.f32 v1, v2  }
0x9c: {  	s8 =	sadd.s32 $0x10, s8  }
0x9d: {  	s11 =	simm.s32 $0x0;
	s9 =	rddreg [dreg:$0xc];
	[tilespmem:s8+$0x0] =	vst v1  }
0x9e: {  	[hbm4b:s9+s11] =	stream.linear.scatter [tilespmem:s28], [sflag:$0x5], $0x280, $0x38;
	[tilespmem:$0x1EA80] =	vst v63  }
0x9f: {  	_ =	swait.ge [sflag:s18], $0x280  }
0xa0: {  	[sflag:s18] =	ssyncset.done $0x0  }
0xa1: {  	s8 =	simm.s32 $0xA100;
	[sflag:s18] =	ssyncadd.s32 $0xFFFFFD80  }
0xa2: {  	v6 =	vld [tilespmem:s8+$0xFFFFFFA0]  }
0xa3: {  	v4 =	vld [tilespmem:s8+$0xFFFFFFF0]  }
0xa4: {  	v1 =	vld [tilespmem:s8+$0xFFFFFF60]  }
0xa5: {  	v7 =	vld [tilespmem:s8+$0xFFFFFFD0]  }
0xa6: {  	v8 =	vld [tilespmem:s8+$0x80]  }
0xa7: {  	v11 =	vld [tilespmem:s8+$0xFFFFFF10]  }
0xa8: {  	v15 =	vld [tilespmem:s8+$0xE0]  }
0xa9: {  	v10 =	vld [tilespmem:s8+$0xFFFFFF40]  }
0xaa: {  	s12 =	simm.s32 $0x0;
	v2 =	vld [tilespmem:s8+$0xFFFFFF90]  }
0xab: {  	v3 =	vld [tilespmem:s12+$0x14800]  }
0xac: {  	v9 =	vld [tilespmem:s8+$0xFFFFFFC0]  }
0xad: {  	v12 =	vld [tilespmem:s8+$0xFFFFFF00]  }
0xae: {  	v13 =	vld [tilespmem:s8+$0xD0]  }
0xaf: {  	v22 =	vld [tilespmem:s8+$0xC0]  }
0xb0: {  	v20 =	vld [tilespmem:s8+$0x90];
	v18 =	vbroadcast v3, $0x0;
	v5 =	vbroadcast v3, $0xF  }
0xb1: {  	v21 =	vld [tilespmem:s8+$0xFFFFFF50];
	v19 =	vbroadcast v3, $0x2;
	v17 =	vbroadcast v3, $0xE  }
0xb2: {  	v16 =	vld [tilespmem:s8+$0xB0];
	v14 =	vbroadcast v3, $0xC;
	v24 =	vmul.f32 v18, v12  }
0xb3: {  	s10 =	simm.s32 $0xA100;
	s9 =	simm.s32 $0x40;
	v12 =	vbroadcast v3, $0xD;
	v23 =	vmul.f32 v10, v19;
	v10 =	vld [tilespmem:s8+$0x60]  }
.LBB2_4:
0xb4: {  	p0 =	sne.s32 s9, $0x9C0  }
0xb5: {  	[tilespmem:s8+$0xFFFFFF00] =	vst v24;
	v24 =	vld [tilespmem:s8+$0xFFFFFFB0];
	v22 =	vmul.f32 v22, v17;
	v15 =	vmul.f32 v15, v5;
	s10 =	sadd.s32 $0x200, s10;
	s11 =	smov.u32 s9;
	s9 =	sadd.s32 $0x40, s9  }
0xb6: {  	[tilespmem:s8+$0xFFFFFF40] =	vst v23;
	v23 =	vbroadcast v3, $0xA;
	v20 =	vmul.f32 v20, v14;
	v25 =	vld [tilespmem:s8+$0xA0]  }
0xb7: {  	v11 =	vmul.f32 v11, v18;
	v18 =	vmul.f32 v21, v19;
	v19 =	vld [tilespmem:s8+$0x70];
	[tilespmem:s8+$0xE0] =	vst v15  }
0xb8: {  	v15 =	vbroadcast v3, $0x5;
	v21 =	vld [tilespmem:s8+$0xFFFFFFE0];
	v16 =	vmul.f32 v16, v12;
	[tilespmem:s8+$0xC0] =	vst v22  }
0xb9: {  	v13 =	vmul.f32 v13, v17;
	[tilespmem:s8+$0xFFFFFF10] =	vst v11;
	v11 =	vbroadcast v3, $0x6;
	v22 =	vld [tilespmem:s8+$0x40]  }
0xba: {  	v26 =	vbroadcast v3, $0xB;
	v6 =	vmul.f32 v6, v15;
	v17 =	vld [tilespmem:s8+$0xFFFFFF20];
	[tilespmem:s8+$0x90] =	vst v20  }
0xbb: {  	v20 =	vbroadcast v3, $0x9;
	[tilespmem:s8+$0xFFFFFF50] =	vst v18;
	v18 =	vld [tilespmem:s8+$0x20];
	v12 =	vmul.f32 v25, v12  }
0xbc: {  	v15 =	vmul.f32 v24, v15;
	v24 =	vld [tilespmem:s8+$0x50];
	v19 =	vmul.f32 v19, v26;
	[tilespmem:s8+$0xD0] =	vst v13  }
0xbd: {  	v8 =	vmul.f32 v8, v14;
	v13 =	vbroadcast v3, $0x7;
	v25 =	vld [tilespmem:s8+$0x30];
	[tilespmem:s8+$0xA0] =	vst v12  }
0xbe: {  	v9 =	vmul.f32 v9, v11;
	v12 =	vbroadcast v3, $0x3;
	v14 =	vld [tilespmem:s8+$0x0];
	[tilespmem:s8+$0x70] =	vst v19  }
0xbf: {  	v10 =	vmul.f32 v10, v26;
	v7 =	vmul.f32 v7, v11;
	v11 =	vld [tilespmem:s8+$0x10];
	[tilespmem:s8+$0x80] =	vst v8  }
0xc0: {  	v19 =	vbroadcast v3, $0x8;
	v22 =	vmul.f32 v22, v23;
	v8 =	vld [tilespmem:s8+$0xFFFFFF30];
	[tilespmem:s8+$0xB0] =	vst v16  }
0xc1: {  	v16 =	vbroadcast v3, $0x1;
	v26 =	vld [tilespmem:s8+$0xFFFFFF70];
	[tilespmem:s8+$0xFFFFFFD0] =	vst v7;
	v23 =	vmul.f32 v24, v23  }
0xc2: {  	v4 =	vmul.f32 v4, v13;
	v7 =	vmul.f32 v21, v13;
	[tilespmem:s8+$0xFFFFFFC0] =	vst v9;
	v9 =	vld [tilespmem:s8+$0xF0]  }
0xc3: {  	v21 =	vmul.f32 v25, v20;
	v13 =	vld [tilespmem:s8+$0xFFFFFF80];
	[tilespmem:s8+$0xFFFFFFA0] =	vst v6;
	v14 =	vmul.f32 v14, v19  }
0xc4: {  	v6 =	vld [tilespmem:s10+$0xFFFFFFA0];
	[tilespmem:s8+$0xFFFFFFF0] =	vst v4;
	v19 =	vmul.f32 v11, v19;
	v11 =	vmul.f32 v18, v20  }
0xc5: {  	v4 =	vmul.f32 v17, v16;
	v16 =	vmul.f32 v8, v16;
	[tilespmem:s8+$0x60] =	vst v10  }
0xc6: {  	v1 =	vmul.f32 v1, v12;
	v8 =	vmul.f32 v26, v12;
	[tilespmem:s8+$0xFFFFFFB0] =	vst v15  }
0xc7: {  	v3 =	vbroadcast v3, $0x4;
	[tilespmem:s8+$0xFFFFFF20] =	vst v4;
	v4 =	vmul.f32 v9, v5  }
0xc8: {  	[tilespmem:s8+$0xFFFFFF60] =	vst v1  }
0xc9: {  	v5 =	vmul.f32 v13, v3;
	v1 =	vmul.f32 v2, v3;
	[tilespmem:s8+$0x40] =	vst v22  }
0xca: {  	[tilespmem:s8+$0xFFFFFFE0] =	vst v7  }
0xcb: {  	[tilespmem:s8+$0xF0] =	vst v4  }
0xcc: {  	[tilespmem:s8+$0xFFFFFF90] =	vst v1  }
0xcd: {  	v4 =	vld [tilespmem:s10+$0xFFFFFFF0];
	[tilespmem:s8+$0xFFFFFF70] =	vst v8  }
0xce: {  	v1 =	vld [tilespmem:s10+$0xFFFFFF60];
	[tilespmem:s8+$0x20] =	vst v11  }
0xcf: {  	v7 =	vld [tilespmem:s10+$0xFFFFFFD0];
	[tilespmem:s8+$0x30] =	vst v21  }
0xd0: {  	v8 =	vld [tilespmem:s10+$0x80];
	[tilespmem:s8+$0xFFFFFF80] =	vst v5  }
0xd1: {  	v11 =	vld [tilespmem:s10+$0xFFFFFF10];
	[tilespmem:s8+$0x50] =	vst v23  }
0xd2: {  	v15 =	vld [tilespmem:s10+$0xE0];
	[tilespmem:s8+$0x0] =	vst v14  }
0xd3: {  	v10 =	vld [tilespmem:s10+$0xFFFFFF40];
	[tilespmem:s8+$0xFFFFFF30] =	vst v16  }
0xd4: {  	s11 =	sshra.s32 s11, $0x2;
	v2 =	vld [tilespmem:s10+$0xFFFFFF90];
	[tilespmem:s8+$0x10] =	vst v19;
	s8 =	smov.u32 s10  }
0xd5: {  	v3 =	vld [tilespmem:s11+$0x14800]  }
0xd6: {  	v9 =	vld [tilespmem:s10+$0xFFFFFFC0]  }
0xd7: {  	v12 =	vld [tilespmem:s10+$0xFFFFFF00]  }
0xd8: {  	v13 =	vld [tilespmem:s10+$0xD0]  }
.Ltmp3:
0xd9: {  	v22 =	vld [tilespmem:s10+$0xC0];
	(pc) =	sbr.rel @p0 .LBB2_4-.Ltmp3, $4  }
0xda: {  	v18 =	vbroadcast v3, $0x0;
	v20 =	vld [tilespmem:s10+$0x90];
	v5 =	vbroadcast v3, $0xF  }
0xdb: {  	v19 =	vbroadcast v3, $0x2;
	v17 =	vbroadcast v3, $0xE;
	v21 =	vld [tilespmem:s10+$0xFFFFFF50]  }
0xdc: {  	v24 =	vmul.f32 v18, v12;
	v12 =	vbroadcast v3, $0xD;
	v16 =	vld [tilespmem:s10+$0xB0]  }
0xdd: {  	v14 =	vbroadcast v3, $0xC;
	v23 =	vmul.f32 v10, v19;
	v10 =	vld [tilespmem:s10+$0x60]  }
0xde: {  	[tilespmem:s8+$0xFFFFFF00] =	vst v24;
	v15 =	vmul.f32 v15, v5  }
0xdf: {  	v22 =	vmul.f32 v22, v17;
	[tilespmem:s8+$0xFFFFFF40] =	vst v23  }
0xe0: {  	v11 =	vmul.f32 v11, v18;
	[tilespmem:s8+$0xE0] =	vst v15  }
0xe1: {  	v35 =	vmul.f32 v13, v17;
	[tilespmem:s8+$0xC0] =	vst v22  }
0xe2: {  	v33 =	vmul.f32 v20, v14;
	[tilespmem:s8+$0xFFFFFF10] =	vst v11  }
0xe3: {  	v41 =	vbroadcast v3, $0x6;
	v8 =	vmul.f32 v8, v14;
	[tilespmem:s8+$0xD0] =	vst v35  }
0xe4: {  	v19 =	vmul.f32 v21, v19;
	[tilespmem:s8+$0x90] =	vst v33  }
0xe5: {  	v45 =	vbroadcast v3, $0x5;
	v7 =	vmul.f32 v7, v41;
	[tilespmem:s8+$0x80] =	vst v8  }
0xe6: {  	v47 =	vbroadcast v3, $0x7;
	v9 =	vmul.f32 v9, v41;
	[tilespmem:s8+$0xFFFFFF50] =	vst v19  }
0xe7: {  	v54 =	vbroadcast v3, $0x3;
	v6 =	vmul.f32 v6, v45;
	[tilespmem:s8+$0xFFFFFFD0] =	vst v7  }
0xe8: {  	v31 =	vld [tilespmem:s8+$0xA0];
	v59 =	vbroadcast v3, $0x4;
	v4 =	vmul.f32 v4, v47;
	[tilespmem:s8+$0xFFFFFFC0] =	vst v9  }
0xe9: {  	v32 =	vld [tilespmem:s8+$0x70];
	v1 =	vmul.f32 v1, v54;
	[tilespmem:s8+$0xFFFFFFA0] =	vst v6  }
0xea: {  	v34 =	vld [tilespmem:s8+$0xFFFFFFB0];
	v37 =	vbroadcast v3, $0xB;
	v2 =	vmul.f32 v2, v59;
	[tilespmem:s8+$0xFFFFFFF0] =	vst v4  }
0xeb: {  	v36 =	vld [tilespmem:s8+$0xFFFFFF20];
	v43 =	vmul.f32 v16, v12;
	[tilespmem:s8+$0xFFFFFF60] =	vst v1  }
0xec: {  	v40 =	vld [tilespmem:s8+$0x40];
	v10 =	vmul.f32 v10, v37;
	[tilespmem:s8+$0xFFFFFF90] =	vst v2  }
0xed: {  	v38 =	vld [tilespmem:s8+$0xFFFFFFE0];
	v39 =	vmul.f32 v31, v12;
	[tilespmem:s8+$0xB0] =	vst v43  }
0xee: {  	v52 =	vbroadcast v3, $0x1;
	v55 =	vld [tilespmem:s8+$0xF0];
	v18 =	vmul.f32 v32, v37;
	[tilespmem:s8+$0x60] =	vst v10  }
0xef: {  	v49 =	vld [tilespmem:s8+$0xFFFFFF70];
	v56 =	vbroadcast v3, $0xA;
	v53 =	vmul.f32 v34, v45;
	[tilespmem:s8+$0xA0] =	vst v39  }
0xf0: {  	v46 =	vld [tilespmem:s8+$0x30];
	v13 =	vmul.f32 v36, v52;
	[tilespmem:s8+$0x70] =	vst v18  }
0xf1: {  	v50 =	vld [tilespmem:s8+$0xFFFFFF80];
	v58 =	vmul.f32 v40, v56;
	[tilespmem:s8+$0xFFFFFFB0] =	vst v53  }
0xf2: {  	v44 =	vld [tilespmem:s8+$0x20];
	v8 =	vmul.f32 v38, v47;
	[tilespmem:s8+$0xFFFFFF20] =	vst v13  }
0xf3: {  	v57 =	vld [tilespmem:s8+$0xFFFFFF30];
	v60 =	vbroadcast v3, $0x9;
	v1 =	vmul.f32 v55, v5;
	[tilespmem:s8+$0x40] =	vst v58  }
0xf4: {  	v42 =	vld [tilespmem:s8+$0x50];
	v61 =	vmul.f32 v49, v54;
	[tilespmem:s8+$0xFFFFFFE0] =	vst v8  }
0xf5: {  	v48 =	vld [tilespmem:s8+$0x0];
	v2 =	vmul.f32 v46, v60;
	[tilespmem:s8+$0xF0] =	vst v1  }
0xf6: {  	v51 =	vld [tilespmem:s8+$0x10];
	v62 =	vmul.f32 v50, v59;
	[tilespmem:s8+$0xFFFFFF70] =	vst v61  }
0xf7: {  	v1 =	vmul.f32 v44, v60;
	[tilespmem:s8+$0x30] =	vst v2  }
0xf8: {  	v3 =	vbroadcast v3, $0x8;
	v63 =	vmul.f32 v57, v52;
	[tilespmem:s8+$0xFFFFFF80] =	vst v62  }
0xf9: {  	[tilespmem:s8+$0x20] =	vst v1;
	v1 =	vmul.f32 v42, v56  }
0xfa: {  	v2 =	vmul.f32 v48, v3;
	[tilespmem:s8+$0xFFFFFF30] =	vst v63  }
0xfb: {  	[tilespmem:s8+$0x50] =	vst v1;
	v1 =	vmul.f32 v51, v3  }
0xfc: {  	[tilespmem:s8+$0x0] =	vst v2  }
0xfd: {  	[tilespmem:s8+$0x10] =	vst v1  }
0xfe: {  	[spmem:s13] =	stream.linear.scatter [tilespmem:s26], [sflag:$0x5], $0x5000, $0x38;
	[tilespmem:$0x1EA80] =	vst v63  }
0xff: {  	s11 =	stileid.u32;
	_ =	swait.ge [sflag:s18], $0x5000  }
0x100: {  	s8 =	sshll.u32 s11, $0x6;
	[sflag:s18] =	ssyncset.done $0x0  }
0x101: {  	s9 =	sshrl.u32 s14, $0x3;
	s8 =	sor.u32 $0x1C05, s8;
	[sflag:s18] =	ssyncadd.s32 $0xFFFFB000  }
0x102: {  	[spmem:s9], [sflag:s8] =	dma.local [hbm:s15], $0xA00  }
0x103: {  	_ =	swait.ge [sflag:s18], $0xA00  }
0x104: {  	[sflag:s18] =	ssyncset.done $0x0  }
0x105: {  	[sflag:s18] =	ssyncadd.s32 $0xFFFFF600  }
0x106: {  	s10 =	simm.s32 $0x0;
	[bflag:$0x0] =	sbarrier.arrive $0xFFFF  }
0x107: {  	[tilespmem:s26], [sflag:$0x1] =	stream.indirect.gather [spmem:s1], $0x20, s10, s29, $0xb8;
	[tilespmem:$0x1EA80] =	vst v63  }
0x108: {  	_ = 	snop  }
0x109: {  	[tilespmem:s30], [sflag:$0x1] =	stream.indirect.gather [spmem:s1], $0x20, s29, s29, $0xb8;
	[tilespmem:$0x1EA80] =	vst v63  }
0x10a: {  	s11 =	simm.s32 $0x100  }
0x10b: {  	[tilespmem:s0], [sflag:$0x1] =	stream.indirect.gather [spmem:s1], $0x20, s11, s29, $0xb8;
	[tilespmem:$0x1EA80] =	vst v63  }
0x10c: {  	s12 =	simm.s32 $0x180  }
0x10d: {  	[tilespmem:s20], [sflag:$0x1] =	stream.indirect.gather [spmem:s1], $0x20, s12, s29, $0xb8;
	[tilespmem:$0x1EA80] =	vst v63  }
.LBB2_6:
0x10e: {  	_ =	swait.ge [sflag:s21], $0x1000  }
0x10f: {  	[sflag:s21] =	ssyncset.done $0x0  }
0x110: {  	[sflag:s21] =	ssyncadd.s32 $0xFFFFF000  }
0x111: {  	_ =	swait.ge [sflag:s21], $0x1000  }
0x112: {  	[sflag:s21] =	ssyncset.done $0x0  }
0x113: {  	[sflag:s21] =	ssyncadd.s32 $0xFFFFF000  }
0x114: {  	_ =	swait.ge [sflag:s21], $0x1000  }
0x115: {  	[sflag:s21] =	ssyncset.done $0x0  }
0x116: {  	[sflag:s21] =	ssyncadd.s32 $0xFFFFF000  }
0x117: {  	_ =	swait.ge [sflag:s21], $0x1000  }
0x118: {  	s11 =	sshra.s32 s10, $0x2;
	[sflag:s21] =	ssyncset.done $0x0  }
0x119: {  	s12 =	sadd.s32 $0x5000, s11;
	[sflag:s21] =	ssyncadd.s32 $0xFFFFF000  }
0x11a: {  	[spmem:s3] =	stream.indirect.scatter.add.f32 [tilespmem:s26], [sflag:$0x3], $0x20, s12, s29, $0xb8;
	[tilespmem:$0x1EA80] =	vst v63  }
0x11b: {  	s12 =	sadd.s32 $0x5080, s11  }
0x11c: {  	[spmem:s3] =	stream.indirect.scatter.add.f32 [tilespmem:s30], [sflag:$0x3], $0x20, s12, s29, $0xb8;
	[tilespmem:$0x1EA80] =	vst v63  }
0x11d: {  	s12 =	sadd.s32 $0x5100, s11  }
0x11e: {  	[spmem:s3] =	stream.indirect.scatter.add.f32 [tilespmem:s0], [sflag:$0x3], $0x20, s12, s29, $0xb8;
	[tilespmem:$0x1EA80] =	vst v63  }
0x11f: {  	p0 =	seq.s32 s10, $0x0;
	s12 =	sadd.s32 $0x5180, s11  }
0x120: {  	[spmem:s3] =	stream.indirect.scatter.add.f32 [tilespmem:s20], [sflag:$0x3], $0x20, s12, s29, $0xb8;
	[tilespmem:$0x1EA80] =	vst v63  }
0x121: {  	s12 =	simm.s32 @!p0 $0x4  }
0x122: {  	_ =	swait.ge @!p0 [sflag:s12], $0x1000  }
0x123: {  	[sflag:s12] =	ssyncset.done @!p0 $0x0  }
0x124: {  	[sflag:s12] =	ssyncadd.s32 @!p0 $0xFFFFF000  }
0x125: {  	_ =	swait.ge @!p0 [sflag:s12], $0x1000  }
0x126: {  	[sflag:s12] =	ssyncset.done @!p0 $0x0  }
0x127: {  	[sflag:s12] =	ssyncadd.s32 @!p0 $0xFFFFF000  }
0x128: {  	_ =	swait.ge @!p0 [sflag:s12], $0x1000  }
0x129: {  	[sflag:s12] =	ssyncset.done @!p0 $0x0  }
0x12a: {  	[sflag:s12] =	ssyncadd.s32 @!p0 $0xFFFFF000  }
0x12b: {  	_ =	swait.ge @!p0 [sflag:s12], $0x1000  }
0x12c: {  	[sflag:s12] =	ssyncset.done @!p0 $0x0  }
0x12d: {  	[sflag:s12] =	ssyncadd.s32 @!p0 $0xFFFFF000;
	s12 =	sadd.s32 $0x200, s11  }
0x12e: {  	[tilespmem:s24], [sflag:$0x2] =	stream.indirect.gather [spmem:s1], $0x20, s12, s29, $0xb8;
	[tilespmem:$0x1EA80] =	vst v63  }
0x12f: {  	s12 =	sadd.s32 $0x280, s11  }
0x130: {  	[tilespmem:s25], [sflag:$0x2] =	stream.indirect.gather [spmem:s1], $0x20, s12, s29, $0xb8;
	[tilespmem:$0x1EA80] =	vst v63  }
0x131: {  	s12 =	sadd.s32 $0x300, s11  }
0x132: {  	[tilespmem:s31], [sflag:$0x2] =	stream.indirect.gather [spmem:s1], $0x20, s12, s29, $0xb8;
	[tilespmem:$0x1EA80] =	vst v63  }
0x133: {  	s12 =	sadd.s32 $0x380, s11  }
0x134: {  	[tilespmem:s19], [sflag:$0x2] =	stream.indirect.gather [spmem:s1], $0x20, s12, s29, $0xb8;
	[tilespmem:$0x1EA80] =	vst v63  }
0x135: {  	_ =	swait.ge [sflag:s2], $0x1000  }
0x136: {  	[sflag:s2] =	ssyncset.done $0x0  }
0x137: {  	[sflag:s2] =	ssyncadd.s32 $0xFFFFF000  }
0x138: {  	_ =	swait.ge [sflag:s2], $0x1000  }
0x139: {  	[sflag:s2] =	ssyncset.done $0x0  }
0x13a: {  	[sflag:s2] =	ssyncadd.s32 $0xFFFFF000  }
0x13b: {  	_ =	swait.ge [sflag:s2], $0x1000  }
0x13c: {  	[sflag:s2] =	ssyncset.done $0x0  }
0x13d: {  	[sflag:s2] =	ssyncadd.s32 $0xFFFFF000  }
0x13e: {  	_ =	swait.ge [sflag:s2], $0x1000  }
0x13f: {  	[sflag:s2] =	ssyncset.done $0x0  }
0x140: {  	s12 =	sadd.s32 $0x5200, s11;
	[sflag:s2] =	ssyncadd.s32 $0xFFFFF000  }
0x141: {  	[spmem:s3] =	stream.indirect.scatter.add.f32 [tilespmem:s24], [sflag:$0x4], $0x20, s12, s29, $0xb8;
	[tilespmem:$0x1EA80] =	vst v63  }
0x142: {  	s12 =	sadd.s32 $0x5280, s11  }
0x143: {  	[spmem:s3] =	stream.indirect.scatter.add.f32 [tilespmem:s25], [sflag:$0x4], $0x20, s12, s29, $0xb8;
	[tilespmem:$0x1EA80] =	vst v63  }
0x144: {  	s12 =	sadd.s32 $0x5300, s11  }
0x145: {  	[spmem:s3] =	stream.indirect.scatter.add.f32 [tilespmem:s31], [sflag:$0x4], $0x20, s12, s29, $0xb8;
	[tilespmem:$0x1EA80] =	vst v63  }
0x146: {  	s12 =	sadd.s32 $0x5380, s11  }
0x147: {  	[spmem:s3] =	stream.indirect.scatter.add.f32 [tilespmem:s19], [sflag:$0x4], $0x20, s12, s29, $0xb8;
	[tilespmem:$0x1EA80] =	vst v63  }
0x148: {  	_ =	swait.ge [sflag:s5], $0x1000  }
0x149: {  	[sflag:s5] =	ssyncset.done $0x0  }
0x14a: {  	[sflag:s5] =	ssyncadd.s32 $0xFFFFF000  }
0x14b: {  	_ =	swait.ge [sflag:s5], $0x1000  }
0x14c: {  	[sflag:s5] =	ssyncset.done $0x0  }
0x14d: {  	[sflag:s5] =	ssyncadd.s32 $0xFFFFF000  }
0x14e: {  	p0 =	seq.s32 s10, $0x13000;
	_ =	swait.ge [sflag:s5], $0x1000  }
.Ltmp4:
0x14f: {  	[sflag:s5] =	ssyncset.done $0x0;
	(pc) =	sbr.rel @p0 .LBB2_8-.Ltmp4, $4  }
0x150: {  	[sflag:s5] =	ssyncadd.s32 $0xFFFFF000  }
0x151: {  	_ =	swait.ge [sflag:s5], $0x1000  }
0x152: {  	[sflag:s5] =	ssyncset.done $0x0  }
0x153: {  	[sflag:s5] =	ssyncadd.s32 $0xFFFFF000  }
0x154: {  	s12 =	sadd.s32 $0x400, s11  }
0x155: {  	[tilespmem:s26], [sflag:$0x1] =	stream.indirect.gather [spmem:s1], $0x20, s12, s29, $0xb8;
	[tilespmem:$0x1EA80] =	vst v63  }
0x156: {  	s12 =	sadd.s32 $0x480, s11  }
0x157: {  	[tilespmem:s30], [sflag:$0x1] =	stream.indirect.gather [spmem:s1], $0x20, s12, s29, $0xb8;
	[tilespmem:$0x1EA80] =	vst v63  }
.Ltmp5:
0x158: {  	_ = 	snop;
	(pc) =	sbr.rel .LBB2_6-.Ltmp5, $4  }
0x159: {  	s12 =	sadd.s32 $0x500, s11  }
0x15a: {  	[tilespmem:s0], [sflag:$0x1] =	stream.indirect.gather [spmem:s1], $0x20, s12, s29, $0xb8;
	[tilespmem:$0x1EA80] =	vst v63  }
0x15b: {  	s10 =	sadd.s32 $0x1000, s10;
	s12 =	sadd.s32 $0x580, s11  }
0x15c: {  	[tilespmem:s20], [sflag:$0x1] =	stream.indirect.gather [spmem:s1], $0x20, s12, s29, $0xb8;
	[tilespmem:$0x1EA80] =	vst v63  }
.LBB2_9:
0x15d: {  	_ =	sfence.sel $0x180000  }
0x15e: {  	[bflag:$0x0] =	sbarrier.arrive $0xFFFF  }
0x15f: {  	_ =	strace $0x9000004A  }
0x160: {  	s0 =	stileid.u32;
	[bflag:$0x2] =	sbarrier.arrive $0xFFFF  }
0x161: {  	p0 =	sne.s32 s0, $0x0;
	s0 =	rddreg [dreg:$0x4]  }
0x162: {  	s0 =	sadd.s32 @!p0 $0x100000, s0  }
0x163: {  	[sflag:s0] =	ssyncadd.tile.s32 @!p0 $0x1;
	_ =	shalt  }
.Lfunc_end2:
_tile_overlayer_lowered:
.L_overlay_start_2:
0x164: {  	(tag) =	ssettag $0x2  }
0x165: {  	s0 =	rddreg [dreg:$0x0];
	s2 =	stileid.u32  }
0x166: {  	s1 =	rddreg [dreg:$0x1];
	p0 =	sne.s32 s2, $0x0  }
0x167: {  	s3 =	rddreg [dreg:$0x2];
	[bflag:$0x3] =	sbarrier.arrive $0xFFFF;
	s2 =	simm.s32 @!p0 $0x1C05  }
0x168: {  	[timem:s3], [sflag:s2] =	dma.local @!p0 [hbm:s0], s1  }
0x169: {  	s0 =	simm.s32 @!p0 $0x5  }
0x16a: {  	_ =	swait.ge @!p0 [sflag:s0], s1  }
0x16b: {  	s1 =	ssub.s32 @!p0 $0x0, s1;
	[sflag:s0] =	ssyncset.done @!p0 $0x0  }
0x16c: {  	[sflag:s0] =	ssyncadd.s32 @!p0 s1  }
0x16d: {  	[bflag:$0x3] =	sbarrier.arrive $0xFFFF  }
0x16e: {  	_ =	shalt  }

// kernel: kernel.14.cloned.1.call-start
scs
__scs_entry_jumppad:
0x0: {  	(pc) =	sbr.rel $0x88, $3  }
0x1: {  	(tag) =	ssettag $0x0;
	lr =	simm.s32 $0x1  }
0x2: {  	[smem:$0x3F9B] =	sst lr;
	_ =	strace $0xD0000000  }
0x3: {  	_ = 	snop  }
0x4: {  	_ = 	snop  }
0x5: {  	_ = 	snop  }
0x6: {  	_ = 	snop  }
0x7: {  	_ = 	snop  }
__scs_overlays_trampoline_lowered:
0x8: {  	[smem:$0x3FAA] =	sst s0  }
0x9: {  	[smem:$0x3FAB] =	sst s1  }
0xa: {  	[smem:$0x3FAC] =	sst s2  }
0xb: {  	[smem:$0x3FAD] =	sst s3  }
0xc: {  	[smem:$0x3FAE] =	sst s4  }
0xd: {  	[smem:$0x3FAF] =	sst s5  }
0xe: {  	[smem:$0x3FB0] =	sst s6  }
0xf: {  	[smem:$0x3FB1] =	sst s7  }
0x10: {  	[smem:$0x3FB2] =	sst s8  }
0x11: {  	[smem:$0x3FB3] =	sst s9;
	s0 =	simm.s32 @!p0 $0x0  }
0x12: {  	s1 =	sld [smem:$0x3F99];
	s0 =	simm.s32 @p0 $0x1  }
0x13: {  	[smem:$0x3FB4] =	sst s0;
	s0 =	simm.s32 @!p1 $0x0  }
0x14: {  	s2 =	sld [smem:$0x3F98];
	s0 =	simm.s32 @p1 $0x1  }
0x15: {  	[smem:$0x3FB5] =	sst s0;
	s0 =	simm.s32 @!p2 $0x0  }
0x16: {  	s3 =	sld [smem:$0x3FDB];
	s0 =	simm.s32 @p2 $0x1  }
0x17: {  	s4 =	simm.s32 $0x1BF5;
	[smem:$0x3FB7] =	sst s0  }
0x18: {  	s0 =	sld [smem:$0x3F9A];
	_ =	swait.ge [sflag:s4], $0x0  }
0x19: {  	s7 =	sld [smem:$0x3F9B]  }
0x1a: {  	s8 =	sadd.s32 $0xFFFFE003, lr  }
0x1b: {  	s9 =	sadd.s32 $0xFFFFFEF7, lr;
	s5 =	simm.s32 $0xFFFFFFFF;
	p2 =	slt.u32 s8, $0xFFFFF086  }
0x1c: {  	p1 =	slt.u32 s9, $0xF7A;
	s5 =	simm.s32 @!p2 $0x0  }
0x1d: {  	s5 =	simm.s32 @p1 $0x1;
	p0 =	seq.s32 s7, s2  }
0x1e: {  	s7 =	smul.u32 @!p0 $0xF7A, s2;
	p2 =	seq.s32 @!p0 s5, $0x0  }
0x1f: {  	s9 =	smul.u32 $0xF7A, s1;
	s8 =	simm.s32 @!p0 $0x1BF5;
	p2 =	por !p2, p0  }
0x20: {  	[sflag:s8] =	ssyncset.s32 @!p0 $0xFFFFF086;
	s6 =	sadd.s32 @!p0 s3, s7;
	s7 =	simm.s32 @!p0 $0x108  }
0x21: {  	s3 =	sadd.s32 s3, s9;
	s6 =	sadd.s32 @!p0 $0x88, s6;
	s7 =	simm.s32 @p2 $0x1082  }
0x22: {  	[simem:s7], [sflag:s8] =	dma.local @!p0 [hbm:s6], $0xF7A  }
0x23: {  	s9 =	sor.u32 $0xD0000000, s2;
	s6 =	simm.s32 $0x108;
	_ =	swait.ge @!p0 [sflag:s8], $0x0  }
0x24: {  	s3 =	sadd.s32 $0x88, s3;
	s6 =	simm.s32 @!p1 $0x1082;
	[sflag:s4] =	ssyncset.s32 $0xFFFFF086  }
0x25: {  	[simem:s6], [sflag:s4] =	dma.local [hbm:s3], $0xF7A  }
0x26: {  	[smem:$0x3F9B] =	sst s1;
	(tag) =	ssettag s2;
	_ =	strace s9  }
0x27: {  	s1 =	sld [smem:$0x3FAB]  }
0x28: {  	s2 =	sld [smem:$0x3FAC]  }
0x29: {  	s4 =	sld [smem:$0x3FAE]  }
0x2a: {  	p0 =	seq.s32 s5, $0x0;
	s5 =	sld [smem:$0x3FAF]  }
0x2b: {  	s6 =	sld [smem:$0x3FB0]  }
0x2c: {  	s7 =	sld [smem:$0x3FB1]  }
0x2d: {  	s3 =	simm.s32 $0x108;
	s8 =	sld [smem:$0x3FB2]  }
0x2e: {  	s3 =	simm.s32 @!p0 $0x1082;
	s9 =	sld [smem:$0x3FB3]  }
0x2f: {  	lr =	sadd.s32 s0, s3;
	s0 =	sld [smem:$0x3FAA]  }
0x30: {  	s3 =	sld [smem:$0x3FAD]  }
0x31: {  	[smem:$0x3FB6] =	sst s10  }
0x32: {  	s10 =	sld [smem:$0x3FB4];
	_ =	sdelay $0x3  }
0x33: {  	p0 =	seq.s32 s10, $0x1;
	s10 =	sld [smem:$0x3FB6];
	_ =	sdelay $0x3  }
0x34: {  	[smem:$0x3FB6] =	sst s10  }
0x35: {  	s10 =	sld [smem:$0x3FB5];
	_ =	sdelay $0x3  }
0x36: {  	p1 =	seq.s32 s10, $0x1;
	s10 =	sld [smem:$0x3FB6];
	_ =	sdelay $0x3  }
0x37: {  	[smem:$0x3FB6] =	sst s10  }
0x38: {  	s10 =	sld [smem:$0x3FB7]  }
0x39: {  	_ = 	snop;
	(pc) =	sbr.ind lr, $3  }
0x3a: {  	_ = 	snop  }
0x3b: {  	_ = 	snop  }
0x3c: {  	p2 =	seq.s32 s10, $0x1;
	s10 =	sld [smem:$0x3FB6]  }
0x3d: {  	_ =	shalt  }
0x3e: {  	_ =	shalt  }
0x3f: {  	_ =	shalt  }
0x40: {  	_ =	shalt  }
0x41: {  	_ =	shalt  }
0x42: {  	_ =	shalt  }
0x43: {  	_ =	shalt  }
0x44: {  	_ =	shalt  }
0x45: {  	_ =	shalt  }
0x46: {  	_ =	shalt  }
0x47: {  	_ =	shalt  }
0x48: {  	_ =	shalt  }
0x49: {  	_ =	shalt  }
0x4a: {  	_ =	shalt  }
0x4b: {  	_ =	shalt  }
0x4c: {  	_ =	shalt  }
0x4d: {  	_ =	shalt  }
0x4e: {  	_ =	shalt  }
0x4f: {  	_ =	shalt  }
0x50: {  	_ =	shalt  }
0x51: {  	_ =	shalt  }
0x52: {  	_ =	shalt  }
0x53: {  	_ =	shalt  }
0x54: {  	_ =	shalt  }
0x55: {  	_ =	shalt  }
0x56: {  	_ =	shalt  }
0x57: {  	_ =	shalt  }
0x58: {  	_ =	shalt  }
0x59: {  	_ =	shalt  }
0x5a: {  	_ =	shalt  }
0x5b: {  	_ =	shalt  }
0x5c: {  	_ =	shalt  }
0x5d: {  	_ =	shalt  }
0x5e: {  	_ =	shalt  }
0x5f: {  	_ =	shalt  }
0x60: {  	_ =	shalt  }
0x61: {  	_ =	shalt  }
0x62: {  	_ =	shalt  }
0x63: {  	_ =	shalt  }
0x64: {  	_ =	shalt  }
0x65: {  	_ =	shalt  }
0x66: {  	_ =	shalt  }
0x67: {  	_ =	shalt  }
0x68: {  	_ =	shalt  }
0x69: {  	_ =	shalt  }
0x6a: {  	_ =	shalt  }
0x6b: {  	_ =	shalt  }
0x6c: {  	_ =	shalt  }
0x6d: {  	_ =	shalt  }
0x6e: {  	_ =	shalt  }
0x6f: {  	_ =	shalt  }
0x70: {  	_ =	shalt  }
0x71: {  	_ =	shalt  }
0x72: {  	_ =	shalt  }
0x73: {  	_ =	shalt  }
0x74: {  	_ =	shalt  }
0x75: {  	_ =	shalt  }
0x76: {  	_ =	shalt  }
0x77: {  	_ =	shalt  }
0x78: {  	_ =	shalt  }
0x79: {  	_ =	shalt  }
0x7a: {  	_ =	shalt  }
0x7b: {  	_ =	shalt  }
0x7c: {  	_ =	shalt  }
0x7d: {  	_ =	shalt  }
0x7e: {  	_ =	shalt  }
0x7f: {  	_ =	shalt  }
0x80: {  	_ =	shalt  }
0x81: {  	_ =	shalt  }
0x82: {  	_ =	shalt  }
0x83: {  	_ =	shalt  }
0x84: {  	_ =	shalt  }
0x85: {  	_ =	shalt  }
0x86: {  	_ =	shalt  }
0x87: {  	_ =	shalt  }
.Lfunc_end0:
.L_simem_size_0:
called_computation.2_lowered:
.L_overlay_start_0:
0x88: {  	s2 =	sld [smem:$0x3FD9]  }
0x89: {  	s3 =	sld [smem:$0x3FFE];
	_ =	sdelay $0x1  }
0x8a: {  	s1 =	srdreg.scid  }
0x8b: {  	s0 =	sand.u32 $0x1, s1  }
0x8c: {  	s16 =	sshll.u32 s0, $0xA;
	s2 =	sadd.s32 s3, s2  }
0x8d: {  	s2 =	sadd.s32 s2, s16  }
0x8e: {  	[smem:$0x3FC2] =	sst s2  }
0x8f: {  	_ = 	snop  }
0x90: {  	(tm) =	ssettm $0x1  }
0x91: {  	s17 =	sld [smem:$0x3FFB];
	_ =	sdelay $0x3  }
0x92: {  	_ =	strace s17  }
0x93: {  	s2 =	sld [smem:$0x3FFC];
	_ =	sdelay $0x3  }
0x94: {  	_ =	strace s2  }
0x95: {  	s2 =	sld [smem:$0x3FFD];
	_ =	sdelay $0x3  }
0x96: {  	_ =	strace s2  }
0x97: {  	_ =	strace $0x8FFFFFFF  }
0x98: {  	s18 =	sld [smem:$0x3FDB];
	_ =	sdelay $0x1  }
0x99: {  	s19 =	simm.s32 $_scs_section_size  }
0x9a: {  	s4 =	simm.s32 $_size__tile_overlayer_lowered;
	s5 =	simm.s32 $_tile_overlayer_lowered  }
0x9b: {  	s22 =	simm.s32 $0x1BFF;
	s21 =	sshll.u32 s5, $0x1;
	s2 =	sadd.s32 s19, s18  }
0x9c: {  	s6 =	simm.s32 $0x0;
	s20 =	sshll.u32 s4, $0x1;
	s4 =	sadd.s32 s21, s2  }
0x9d: {  	[timem:s6], [sflag:s22] =	dma.local [hbm:s4], s20  }
0x9e: {  	_ =	swait.ge [sflag:s22], s20  }
0x9f: {  	s3 =	ssub.s32 $0x0, s20;
	[sflag:s22] =	ssyncset.done $0x0  }
0xa0: {  	[sflag:s22] =	ssyncadd.s32 s3;
	_ =	sdelay $0x1  }
0xa1: {  	s23 =	simm.s32 $0x1B8B  }
0xa2: {  	_ =	swait.ge [sflag:s23], $0x1  }
0xa3: {  	[sflag:s23] =	ssyncset.done $0x0  }
0xa4: {  	s25 =	simm.s32 $0x1B8E;
	s24 =	sld [smem:$0x3FFE];
	[sflag:s23] =	ssyncadd.s32 $0xFFFFFFFF  }
0xa5: {  	s26 =	simm.s32 $execute0_lowered;
	[smem:$0x3FD2] =	sst s25  }
0xa6: {  	s4 =	sshll.u32 s26, $0x1;
	_ =	strace $0x8000004C;
	[dreg:$0x1] =	wrdreg $0xFFFFFFFF  }
0xa7: {  	s28 =	simm.s32 $_size_execute0_lowered;
	s2 =	sadd.s32 s2, s4;
	[dreg:$0x0] =	wrdreg $0x0  }
0xa8: {  	s4 =	sshll.u32 s28, $0x1;
	[dreg:$0x2] =	wrdreg s2  }
0xa9: {  	[dreg:$0x3] =	wrdreg s4  }
0xaa: {  	[dreg:$0x4] =	wrdreg $0xC0  }
0xab: {  	_ =	task [dreg:s6], $0x5FFFF  }
0xac: {  	[dreg:$0x1] =	wrdreg $0xFFFFFFFF  }
0xad: {  	[dreg:$0x0] =	wrdreg $0x60  }
0xae: {  	[dreg:$0x2] =	wrdreg s24  }
0xaf: {  	[dreg:$0x3] =	wrdreg $0xF8000  }
0xb0: {  	[dreg:$0x4] =	wrdreg $0xD0000  }
0xb1: {  	[dreg:$0x5] =	wrdreg $0x9  }
0xb2: {  	_ =	task.clear_ibuf [dreg:s6], $0x6FFFF;
	_ =	strace $0x9000004C  }
0xb3: {  	s29 =	simm.s32 $0x9;
	_ =	strace $0x8000004E  }
0xb4: {  	_ =	swait.ge [sflag:s29], $0x1  }
0xb5: {  	[sflag:s29] =	ssyncadd.s32 $0xFFFFFFFF  }
0xb6: {  	_ =	strace $0x9000004E  }
0xb7: {  	_ =	sfence  }
0xb8: {  	s30 =	sld [smem:$0x0];
	_ =	sdelay $0x2  }
0xb9: {  	s31 =	sshll.u32 s1, $0xD;
	s1 =	sshrl.u32 s1, $0x2  }
0xba: {  	s3 =	sand.u32 $0x4000, s31;
	s1 =	sadd.s32 s1, s30  }
0xbb: {  	s0 =	sor.u32 s3, s0;
	s1 =	sshll.u32 s1, $0x11  }
0xbc: {  	s0 =	sor.u32 s1, s0  }
0xbd: {  	s0 =	sadd.s32 $0x8F2B, s0  }
0xbe: {  	[sflag:s0] =	ssyncadd.remote.s32 $0x1  }
0xbf: {  	_ =	sfence.sel $0xFFFF  }
0xc0: {  	[dreg:$0x0] =	wrdreg $0xFFFFFFFF;
	(pc) =	sbr.abs _section_cstart, $3  }
0xc1: {  	[dreg:$0x1] =	wrdreg $0xFFFFFFFF  }
0xc2: {  	_ =	task.clear_ibuf [dreg:s6], $0x2FFFF;
	_ =	strace $0x9FFFFFFF  }
0xc3: {  	(tm) =	ssettm $0x7FFFFFFF  }
tec
execute0_lowered:
.L_overlay_start_1:
0x0: {  	(tag) =	ssettag $0x1  }
0x1: {  	s0 =	srdreg.scid;
	s1 =	rddreg [dreg:$0x0]  }
0x2: {  	s9 =	stileid.u32;
	s2 =	rddreg [dreg:$0x1];
	s13 =	simm.s32 $0x5  }
0x3: {  	s29 =	simm.s32 $0x7000;
	s31 =	simm.s32 $0x7800;
	s15 =	simm.s32 $0x8800  }
0x4: {  	s16 =	simm.s32 $0x1;
	s28 =	simm.s32 $0xA000;
	s30 =	simm.s32 $0xA800  }
0x5: {  	s14 =	simm.s32 $0xB800;
	s10 =	simm.s32 $0x0;
	s0 =	sand.u32 $0x1, s0  }
0x6: {  	s6 =	smul.u32 $0x2800, s9;
	s8 =	sadd.s32 $0x15E00, s1;
	s18 =	sadd.s32 $0x2200, s1  }
0x7: {  	s25 =	sshll.u32 s9, $0x6;
	s3 =	sshll.u32 s0, $0x4;
	s7 =	smul.u32 $0x28000, s0  }
0x8: {  	s0 =	ssub.s32 $0x2, s0;
	s17 =	sor.u32 $0x1C05, s25;
	s25 =	simm.s32 $0x9800  }
0x9: {  	s4 =	sor.u32 s9, s3;
	s3 =	rddreg [dreg:$0x2];
	s19 =	sshrl.u32 s6, $0x3  }
0xa: {  	s20 =	sshrl.u32 s0, $0x1;
	s22 =	sadd.s32 s6, s2;
	s9 =	simm.s32 $0x4  }
0xb: {  	s5 =	smul.u32 $0x2710, s4;
	s4 =	simm.s32 $0x0;
	s7 =	sadd.s32 s6, s7  }
0xc: {  	s0 =	ssub.s32 s0, s20;
	s6 =	sadd.s32 s6, s3;
	[smem:$0x7FF] =	sst s4  }
0xd: {  	s26 =	sshrl.u32 s22, $0x3;
	_ =	strace $0x8000004D;
	[dreg:$0x4] =	wrdreg s8  }
0xe: {  	s20 =	simm.s32 $0x80;
	s0 =	smax.u32 s0, $0x1;
	[dreg:$0x5] =	wrdreg s18  }
0xf: {  	s22 =	simm.s32 $0x5800;
	s7 =	sshrl.u32 s7, $0x3;
	[dreg:$0xb] =	wrdreg s0  }
0x10: {  	s5 =	sshrl.u32 s5, $0x3;
	s8 =	sadd.s32 s19, s1;
	[dreg:$0xc] =	wrdreg s26  }
0x11: {  	s19 =	sshrl.u32 s6, $0x3;
	s26 =	simm.s32 $0x6800;
	s0 =	simm.s32 $0x8000  }
0x12: {  	s6 =	simm.s32 $0xC800;
	s5 =	sadd.s32 s5, s1;
	s23 =	sadd.s32 $0x16000, s8  }
0x13: {  	s1 =	sadd.s32 s7, s1;
	s24 =	sadd.s32 $0x1B000, s8;
	[dreg:$0x8] =	wrdreg s23  }
.Ltmp0:
0x14: {  	s21 =	sadd.s32 $0x2400, s5;
	[dreg:$0x9] =	wrdreg s24;
	(pc) =	sbr.rel .LBB2_1-.Ltmp0, $4  }
0x15: {  	s7 =	simm.s32 $0x2;
	s5 =	sadd.s32 $0xC040, s5;
	[dreg:$0x6] =	wrdreg s21  }
0x16: {  	s8 =	simm.s32 $0x3;
	s1 =	sadd.s32 $0x20000, s1;
	[dreg:$0x7] =	wrdreg s5  }
0x17: {  	s24 =	simm.s32 $0x6000;
	s23 =	simm.s32 $0x9000;
	[dreg:$0xa] =	wrdreg s1  }
0x18: {  	s21 =	simm.s32 $0x5000;
	s1 =	simm.s32 $0xB000;
	s5 =	simm.s32 $0xC000  }
.LBB2_4:
0x19: {  	_ =	swait.ge [sflag:s9], $0x800  }
0x1a: {  	[sflag:s9] =	ssyncset.done $0x0  }
0x1b: {  	[sflag:s9] =	ssyncadd.s32 $0xFFFFF800  }
0x1c: {  	_ =	swait.ge [sflag:s9], $0x800  }
0x1d: {  	[sflag:s9] =	ssyncset.done $0x0  }
0x1e: {  	[sflag:s9] =	ssyncadd.s32 $0xFFFFF800  }
0x1f: {  	_ =	swait.ge [sflag:s9], $0x800  }
0x20: {  	[sflag:s9] =	ssyncset.done $0x0  }
0x21: {  	[sflag:s9] =	ssyncadd.s32 $0xFFFFF800  }
0x22: {  	_ =	swait.ge [sflag:s9], $0x800  }
0x23: {  	[sflag:s9] =	ssyncset.done $0x0  }
0x24: {  	[sflag:s9] =	ssyncadd.s32 $0xFFFFF800  }
0x25: {  	_ =	swait.ge [sflag:s9], $0x800  }
0x26: {  	[sflag:s9] =	ssyncset.done $0x0  }
0x27: {  	[sflag:s9] =	ssyncadd.s32 $0xFFFFF800  }
0x28: {  	_ =	swait.ge [sflag:s9], $0x800  }
0x29: {  	[sflag:s9] =	ssyncset.done $0x0  }
0x2a: {  	[sflag:s9] =	ssyncadd.s32 $0xFFFFF800  }
0x2b: {  	_ =	swait.ge [sflag:s9], $0x800  }
0x2c: {  	[sflag:s9] =	ssyncset.done $0x0  }
0x2d: {  	[sflag:s9] =	ssyncadd.s32 $0xFFFFF800  }
0x2e: {  	_ =	swait.ge [sflag:s9], $0x800  }
0x2f: {  	[sflag:s9] =	ssyncset.done $0x0  }
0x30: {  	[sflag:s9] =	ssyncadd.s32 $0xFFFFF800  }
0x31: {  	[bflag:$0x0] =	sbarrier.arrive $0xFFFF  }
0x32: {  	s11 =	rddreg [dreg:$0xa]  }
0x33: {  	[hbm:s11], [sflag:s17] =	dma.local [spmem:s19], $0x500  }
0x34: {  	_ =	swait.ge [sflag:s13], $0x500  }
0x35: {  	s10 =	sadd.s32 $0x1, s10;
	s18 =	rddreg [dreg:$0xb]  }
0x36: {  	p0 =	sne.s32 s10, s18  }
.Ltmp1:
0x37: {  	_ = 	snop;
	(pc) =	sbr.rel @!p0 .LBB2_5-.Ltmp1, $3  }
0x38: {  	_ =	sdelay $0x1  }
0x39: {  	[sflag:s13] =	ssyncset.done $0x0  }
0x3a: {  	[sflag:s13] =	ssyncadd.s32 $0xFFFFFB00  }
.LBB2_1:
0x3b: {  	s11 =	rddreg [dreg:$0x6]  }
0x3c: {  	[tilespmem:s4], [sflag:$0x5] =	stream.linear.gather [hbm4b:s11+s4], $0x2710, $0x38;
	[tilespmem:$0x12000] =	vst v63  }
0x3d: {  	_ =	swait.ge [sflag:s13], $0x2710  }
0x3e: {  	[sflag:s13] =	ssyncset.done $0x0  }
0x3f: {  	s12 =	simm.s32 $0x2800;
	s18 =	rddreg [dreg:$0x7];
	[sflag:s13] =	ssyncadd.s32 $0xFFFFD8F0  }
0x40: {  	[tilespmem:s12], [sflag:$0x5] =	stream.linear.gather [hbm4b:s18+s4], $0x2710, $0x38;
	[tilespmem:$0x12000] =	vst v63  }
0x41: {  	_ =	swait.ge [sflag:s13], $0x2710  }
0x42: {  	[sflag:s13] =	ssyncset.done $0x0  }
0x43: {  	s18 =	simm.s32 $0x2710;
	s12 =	rddreg [dreg:$0x4];
	[sflag:s13] =	ssyncadd.s32 $0xFFFFD8F0  }
0x44: {  	[tilespmem:s18], [sflag:$0x5] =	stream.linear.gather [hbm4b:s12+s4], $0xF0, $0x38;
	[tilespmem:$0x12000] =	vst v63  }
0x45: {  	_ =	swait.ge [sflag:s13], $0xF0  }
0x46: {  	[sflag:s13] =	ssyncset.done $0x0  }
0x47: {  	s18 =	simm.s32 $0x4F10;
	s12 =	rddreg [dreg:$0x5];
	[sflag:s13] =	ssyncadd.s32 $0xFFFFFF10  }
0x48: {  	[tilespmem:s18], [sflag:$0x5] =	stream.linear.gather [hbm4b:s12+s4], $0xF0, $0x38;
	[tilespmem:$0x12000] =	vst v63  }
0x49: {  	_ =	swait.ge [sflag:s13], $0xF0  }
0x4a: {  	[sflag:s13] =	ssyncset.done $0x0;
	s12 =	rddreg [dreg:$0x8]  }
0x4b: {  	s18 =	rddreg [dreg:$0xc];
	[sflag:s13] =	ssyncadd.s32 $0xFFFFFF10  }
0x4c: {  	[spmem:s18], [sflag:s17] =	dma.local [hbm:s12], $0x500  }
0x4d: {  	_ =	swait.ge [sflag:s13], $0x500  }
0x4e: {  	[sflag:s13] =	ssyncset.done $0x0  }
0x4f: {  	s18 =	rddreg [dreg:$0x9];
	[sflag:s13] =	ssyncadd.s32 $0xFFFFFB00  }
0x50: {  	[spmem:s19], [sflag:s17] =	dma.local [hbm:s18], $0x500  }
0x51: {  	_ =	swait.ge [sflag:s13], $0x500  }
0x52: {  	[sflag:s13] =	ssyncset.done $0x0  }
0x53: {  	[sflag:s13] =	ssyncadd.s32 $0xFFFFFB00  }
0x54: {  	[bflag:$0x0] =	sbarrier.arrive $0xFFFF  }
0x55: {  	[tilespmem:s21], [sflag:$0x1] =	stream.indirect.gather [spmem:s2], $0x10, s4, s20, $0xb8;
	[tilespmem:$0x12000] =	vst v63  }
0x56: {  	_ = 	snop  }
0x57: {  	[tilespmem:s22], [sflag:$0x1] =	stream.indirect.gather [spmem:s2], $0x10, s20, s20, $0xb8;
	[tilespmem:$0x12000] =	vst v63  }
0x58: {  	s12 =	simm.s32 $0x100  }
0x59: {  	[tilespmem:s24], [sflag:$0x1] =	stream.indirect.gather [spmem:s2], $0x10, s12, s20, $0xb8;
	[tilespmem:$0x12000] =	vst v63  }
0x5a: {  	s18 =	simm.s32 $0x180  }
0x5b: {  	[tilespmem:s26], [sflag:$0x1] =	stream.indirect.gather [spmem:s2], $0x10, s18, s20, $0xb8;
	[tilespmem:$0x12000] =	vst v63  }
0x5c: {  	s12 =	simm.s32 $0x200  }
0x5d: {  	[tilespmem:s29], [sflag:$0x1] =	stream.indirect.gather [spmem:s2], $0x10, s12, s20, $0xb8;
	[tilespmem:$0x12000] =	vst v63  }
0x5e: {  	s18 =	simm.s32 $0x280  }
0x5f: {  	[tilespmem:s31], [sflag:$0x1] =	stream.indirect.gather [spmem:s2], $0x10, s18, s20, $0xb8;
	[tilespmem:$0x12000] =	vst v63  }
0x60: {  	s12 =	simm.s32 $0x300  }
0x61: {  	[tilespmem:s0], [sflag:$0x1] =	stream.indirect.gather [spmem:s2], $0x10, s12, s20, $0xb8;
	[tilespmem:$0x12000] =	vst v63  }
0x62: {  	s11 =	simm.s32 $0x0;
	s18 =	simm.s32 $0x380  }
0x63: {  	[tilespmem:s15], [sflag:$0x1] =	stream.indirect.gather [spmem:s2], $0x10, s18, s20, $0xb8;
	[tilespmem:$0x12000] =	vst v63  }
.LBB2_2:
0x64: {  	_ =	swait.ge [sflag:s16], $0x800  }
0x65: {  	[sflag:s16] =	ssyncset.done $0x0  }
0x66: {  	[sflag:s16] =	ssyncadd.s32 $0xFFFFF800  }
0x67: {  	_ =	swait.ge [sflag:s16], $0x800  }
0x68: {  	[sflag:s16] =	ssyncset.done $0x0  }
0x69: {  	[sflag:s16] =	ssyncadd.s32 $0xFFFFF800  }
0x6a: {  	_ =	swait.ge [sflag:s16], $0x800  }
0x6b: {  	[sflag:s16] =	ssyncset.done $0x0  }
0x6c: {  	[sflag:s16] =	ssyncadd.s32 $0xFFFFF800  }
0x6d: {  	_ =	swait.ge [sflag:s16], $0x800  }
0x6e: {  	[sflag:s16] =	ssyncset.done $0x0  }
0x6f: {  	[sflag:s16] =	ssyncadd.s32 $0xFFFFF800  }
0x70: {  	_ =	swait.ge [sflag:s16], $0x800  }
0x71: {  	[sflag:s16] =	ssyncset.done $0x0  }
0x72: {  	[sflag:s16] =	ssyncadd.s32 $0xFFFFF800  }
0x73: {  	_ =	swait.ge [sflag:s16], $0x800  }
0x74: {  	[sflag:s16] =	ssyncset.done $0x0  }
0x75: {  	[sflag:s16] =	ssyncadd.s32 $0xFFFFF800  }
0x76: {  	_ =	swait.ge [sflag:s16], $0x800  }
0x77: {  	[sflag:s16] =	ssyncset.done $0x0  }
0x78: {  	[sflag:s16] =	ssyncadd.s32 $0xFFFFF800  }
0x79: {  	_ =	swait.ge [sflag:s16], $0x800  }
0x7a: {  	s12 =	sshra.s32 s11, $0x2;
	[sflag:s16] =	ssyncset.done $0x0  }
0x7b: {  	s18 =	sadd.s32 $0x2800, s12;
	[sflag:s16] =	ssyncadd.s32 $0xFFFFF800  }
0x7c: {  	[spmem:s3] =	stream.indirect.scatter.add.f32 [tilespmem:s21], [sflag:$0x3], $0x10, s18, s20, $0xb8;
	[tilespmem:$0x12000] =	vst v63  }
0x7d: {  	s18 =	sadd.s32 $0x2880, s12  }
0x7e: {  	[spmem:s3] =	stream.indirect.scatter.add.f32 [tilespmem:s22], [sflag:$0x3], $0x10, s18, s20, $0xb8;
	[tilespmem:$0x12000] =	vst v63  }
0x7f: {  	s18 =	sadd.s32 $0x2900, s12  }
0x80: {  	[spmem:s3] =	stream.indirect.scatter.add.f32 [tilespmem:s24], [sflag:$0x3], $0x10, s18, s20, $0xb8;
	[tilespmem:$0x12000] =	vst v63  }
0x81: {  	s18 =	sadd.s32 $0x2980, s12  }
0x82: {  	[spmem:s3] =	stream.indirect.scatter.add.f32 [tilespmem:s26], [sflag:$0x3], $0x10, s18, s20, $0xb8;
	[tilespmem:$0x12000] =	vst v63  }
0x83: {  	s18 =	sadd.s32 $0x2A00, s12  }
0x84: {  	[spmem:s3] =	stream.indirect.scatter.add.f32 [tilespmem:s29], [sflag:$0x3], $0x10, s18, s20, $0xb8;
	[tilespmem:$0x12000] =	vst v63  }
0x85: {  	s18 =	sadd.s32 $0x2A80, s12  }
0x86: {  	[spmem:s3] =	stream.indirect.scatter.add.f32 [tilespmem:s31], [sflag:$0x3], $0x10, s18, s20, $0xb8;
	[tilespmem:$0x12000] =	vst v63  }
0x87: {  	s18 =	sadd.s32 $0x2B00, s12  }
0x88: {  	[spmem:s3] =	stream.indirect.scatter.add.f32 [tilespmem:s0], [sflag:$0x3], $0x10, s18, s20, $0xb8;
	[tilespmem:$0x12000] =	vst v63  }
0x89: {  	p0 =	seq.s32 s11, $0x0;
	s18 =	sadd.s32 $0x2B80, s12  }
0x8a: {  	[spmem:s3] =	stream.indirect.scatter.add.f32 [tilespmem:s15], [sflag:$0x3], $0x10, s18, s20, $0xb8;
	[tilespmem:$0x12000] =	vst v63  }
0x8b: {  	s18 =	simm.s32 @!p0 $0x4  }
0x8c: {  	_ =	swait.ge @!p0 [sflag:s18], $0x800  }
0x8d: {  	[sflag:s18] =	ssyncset.done @!p0 $0x0  }
0x8e: {  	[sflag:s18] =	ssyncadd.s32 @!p0 $0xFFFFF800  }
0x8f: {  	_ =	swait.ge @!p0 [sflag:s18], $0x800  }
0x90: {  	[sflag:s18] =	ssyncset.done @!p0 $0x0  }
0x91: {  	[sflag:s18] =	ssyncadd.s32 @!p0 $0xFFFFF800  }
0x92: {  	_ =	swait.ge @!p0 [sflag:s18], $0x800  }
0x93: {  	[sflag:s18] =	ssyncset.done @!p0 $0x0  }
0x94: {  	[sflag:s18] =	ssyncadd.s32 @!p0 $0xFFFFF800  }
0x95: {  	_ =	swait.ge @!p0 [sflag:s18], $0x800  }
0x96: {  	[sflag:s18] =	ssyncset.done @!p0 $0x0  }
0x97: {  	[sflag:s18] =	ssyncadd.s32 @!p0 $0xFFFFF800  }
0x98: {  	_ =	swait.ge @!p0 [sflag:s18], $0x800  }
0x99: {  	[sflag:s18] =	ssyncset.done @!p0 $0x0  }
0x9a: {  	[sflag:s18] =	ssyncadd.s32 @!p0 $0xFFFFF800  }
0x9b: {  	_ =	swait.ge @!p0 [sflag:s18], $0x800  }
0x9c: {  	[sflag:s18] =	ssyncset.done @!p0 $0x0  }
0x9d: {  	[sflag:s18] =	ssyncadd.s32 @!p0 $0xFFFFF800  }
0x9e: {  	_ =	swait.ge @!p0 [sflag:s18], $0x800  }
0x9f: {  	[sflag:s18] =	ssyncset.done @!p0 $0x0  }
0xa0: {  	[sflag:s18] =	ssyncadd.s32 @!p0 $0xFFFFF800  }
0xa1: {  	_ =	swait.ge @!p0 [sflag:s18], $0x800  }
0xa2: {  	[sflag:s18] =	ssyncset.done @!p0 $0x0  }
0xa3: {  	[sflag:s18] =	ssyncadd.s32 @!p0 $0xFFFFF800;
	s18 =	sadd.s32 $0x400, s12  }
0xa4: {  	[tilespmem:s23], [sflag:$0x2] =	stream.indirect.gather [spmem:s2], $0x10, s18, s20, $0xb8;
	[tilespmem:$0x12000] =	vst v63  }
0xa5: {  	s18 =	sadd.s32 $0x480, s12  }
0xa6: {  	[tilespmem:s25], [sflag:$0x2] =	stream.indirect.gather [spmem:s2], $0x10, s18, s20, $0xb8;
	[tilespmem:$0x12000] =	vst v63  }
0xa7: {  	s18 =	sadd.s32 $0x500, s12  }
0xa8: {  	[tilespmem:s28], [sflag:$0x2] =	stream.indirect.gather [spmem:s2], $0x10, s18, s20, $0xb8;
	[tilespmem:$0x12000] =	vst v63  }
0xa9: {  	s18 =	sadd.s32 $0x580, s12  }
0xaa: {  	[tilespmem:s30], [sflag:$0x2] =	stream.indirect.gather [spmem:s2], $0x10, s18, s20, $0xb8;
	[tilespmem:$0x12000] =	vst v63  }
0xab: {  	s18 =	sadd.s32 $0x600, s12  }
0xac: {  	[tilespmem:s1], [sflag:$0x2] =	stream.indirect.gather [spmem:s2], $0x10, s18, s20, $0xb8;
	[tilespmem:$0x12000] =	vst v63  }
0xad: {  	s18 =	sadd.s32 $0x680, s12  }
0xae: {  	[tilespmem:s14], [sflag:$0x2] =	stream.indirect.gather [spmem:s2], $0x10, s18, s20, $0xb8;
	[tilespmem:$0x12000] =	vst v63  }
0xaf: {  	s18 =	sadd.s32 $0x700, s12  }
0xb0: {  	[tilespmem:s5], [sflag:$0x2] =	stream.indirect.gather [spmem:s2], $0x10, s18, s20, $0xb8;
	[tilespmem:$0x12000] =	vst v63  }
0xb1: {  	s18 =	sadd.s32 $0x780, s12  }
0xb2: {  	[tilespmem:s6], [sflag:$0x2] =	stream.indirect.gather [spmem:s2], $0x10, s18, s20, $0xb8;
	[tilespmem:$0x12000] =	vst v63  }
0xb3: {  	_ =	swait.ge [sflag:s7], $0x800  }
0xb4: {  	[sflag:s7] =	ssyncset.done $0x0  }
0xb5: {  	[sflag:s7] =	ssyncadd.s32 $0xFFFFF800  }
0xb6: {  	_ =	swait.ge [sflag:s7], $0x800  }
0xb7: {  	[sflag:s7] =	ssyncset.done $0x0  }
0xb8: {  	[sflag:s7] =	ssyncadd.s32 $0xFFFFF800  }
0xb9: {  	_ =	swait.ge [sflag:s7], $0x800  }
0xba: {  	[sflag:s7] =	ssyncset.done $0x0  }
0xbb: {  	[sflag:s7] =	ssyncadd.s32 $0xFFFFF800  }
0xbc: {  	_ =	swait.ge [sflag:s7], $0x800  }
0xbd: {  	[sflag:s7] =	ssyncset.done $0x0  }
0xbe: {  	[sflag:s7] =	ssyncadd.s32 $0xFFFFF800  }
0xbf: {  	_ =	swait.ge [sflag:s7], $0x800  }
0xc0: {  	[sflag:s7] =	ssyncset.done $0x0  }
0xc1: {  	[sflag:s7] =	ssyncadd.s32 $0xFFFFF800  }
0xc2: {  	_ =	swait.ge [sflag:s7], $0x800  }
0xc3: {  	[sflag:s7] =	ssyncset.done $0x0  }
0xc4: {  	[sflag:s7] =	ssyncadd.s32 $0xFFFFF800  }
0xc5: {  	_ =	swait.ge [sflag:s7], $0x800  }
0xc6: {  	[sflag:s7] =	ssyncset.done $0x0  }
0xc7: {  	[sflag:s7] =	ssyncadd.s32 $0xFFFFF800  }
0xc8: {  	_ =	swait.ge [sflag:s7], $0x800  }
0xc9: {  	[sflag:s7] =	ssyncset.done $0x0  }
0xca: {  	s18 =	sadd.s32 $0x2C00, s12;
	[sflag:s7] =	ssyncadd.s32 $0xFFFFF800  }
0xcb: {  	[spmem:s3] =	stream.indirect.scatter.add.f32 [tilespmem:s23], [sflag:$0x4], $0x10, s18, s20, $0xb8;
	[tilespmem:$0x12000] =	vst v63  }
0xcc: {  	s18 =	sadd.s32 $0x2C80, s12  }
0xcd: {  	[spmem:s3] =	stream.indirect.scatter.add.f32 [tilespmem:s25], [sflag:$0x4], $0x10, s18, s20, $0xb8;
	[tilespmem:$0x12000] =	vst v63  }
0xce: {  	s18 =	sadd.s32 $0x2D00, s12  }
0xcf: {  	[spmem:s3] =	stream.indirect.scatter.add.f32 [tilespmem:s28], [sflag:$0x4], $0x10, s18, s20, $0xb8;
	[tilespmem:$0x12000] =	vst v63  }
0xd0: {  	s18 =	sadd.s32 $0x2D80, s12  }
0xd1: {  	[spmem:s3] =	stream.indirect.scatter.add.f32 [tilespmem:s30], [sflag:$0x4], $0x10, s18, s20, $0xb8;
	[tilespmem:$0x12000] =	vst v63  }
0xd2: {  	s18 =	sadd.s32 $0x2E00, s12  }
0xd3: {  	[spmem:s3] =	stream.indirect.scatter.add.f32 [tilespmem:s1], [sflag:$0x4], $0x10, s18, s20, $0xb8;
	[tilespmem:$0x12000] =	vst v63  }
0xd4: {  	s18 =	sadd.s32 $0x2E80, s12  }
0xd5: {  	[spmem:s3] =	stream.indirect.scatter.add.f32 [tilespmem:s14], [sflag:$0x4], $0x10, s18, s20, $0xb8;
	[tilespmem:$0x12000] =	vst v63  }
0xd6: {  	s18 =	sadd.s32 $0x2F00, s12  }
0xd7: {  	[spmem:s3] =	stream.indirect.scatter.add.f32 [tilespmem:s5], [sflag:$0x4], $0x10, s18, s20, $0xb8;
	[tilespmem:$0x12000] =	vst v63  }
0xd8: {  	s18 =	sadd.s32 $0x2F80, s12  }
0xd9: {  	[spmem:s3] =	stream.indirect.scatter.add.f32 [tilespmem:s6], [sflag:$0x4], $0x10, s18, s20, $0xb8;
	[tilespmem:$0x12000] =	vst v63  }
0xda: {  	_ =	swait.ge [sflag:s8], $0x800  }
0xdb: {  	[sflag:s8] =	ssyncset.done $0x0  }
0xdc: {  	[sflag:s8] =	ssyncadd.s32 $0xFFFFF800  }
0xdd: {  	_ =	swait.ge [sflag:s8], $0x800  }
0xde: {  	[sflag:s8] =	ssyncset.done $0x0  }
0xdf: {  	[sflag:s8] =	ssyncadd.s32 $0xFFFFF800  }
0xe0: {  	_ =	swait.ge [sflag:s8], $0x800  }
0xe1: {  	[sflag:s8] =	ssyncset.done $0x0  }
0xe2: {  	[sflag:s8] =	ssyncadd.s32 $0xFFFFF800  }
0xe3: {  	_ =	swait.ge [sflag:s8], $0x800  }
0xe4: {  	[sflag:s8] =	ssyncset.done $0x0  }
0xe5: {  	[sflag:s8] =	ssyncadd.s32 $0xFFFFF800  }
0xe6: {  	_ =	swait.ge [sflag:s8], $0x800  }
0xe7: {  	[sflag:s8] =	ssyncset.done $0x0  }
0xe8: {  	[sflag:s8] =	ssyncadd.s32 $0xFFFFF800  }
0xe9: {  	_ =	swait.ge [sflag:s8], $0x800  }
0xea: {  	[sflag:s8] =	ssyncset.done $0x0  }
0xeb: {  	[sflag:s8] =	ssyncadd.s32 $0xFFFFF800  }
0xec: {  	p0 =	seq.s32 s11, $0x8000;
	_ =	swait.ge [sflag:s8], $0x800  }
.Ltmp2:
0xed: {  	[sflag:s8] =	ssyncset.done $0x0;
	(pc) =	sbr.rel @p0 .LBB2_4-.Ltmp2, $4  }
0xee: {  	[sflag:s8] =	ssyncadd.s32 $0xFFFFF800  }
0xef: {  	_ =	swait.ge [sflag:s8], $0x800  }
0xf0: {  	[sflag:s8] =	ssyncset.done $0x0  }
0xf1: {  	[sflag:s8] =	ssyncadd.s32 $0xFFFFF800  }
0xf2: {  	s18 =	sadd.s32 $0x800, s12  }
0xf3: {  	[tilespmem:s21], [sflag:$0x1] =	stream.indirect.gather [spmem:s2], $0x10, s18, s20, $0xb8;
	[tilespmem:$0x12000] =	vst v63  }
0xf4: {  	s18 =	sadd.s32 $0x880, s12  }
0xf5: {  	[tilespmem:s22], [sflag:$0x1] =	stream.indirect.gather [spmem:s2], $0x10, s18, s20, $0xb8;
	[tilespmem:$0x12000] =	vst v63  }
0xf6: {  	s18 =	sadd.s32 $0x900, s12  }
0xf7: {  	[tilespmem:s24], [sflag:$0x1] =	stream.indirect.gather [spmem:s2], $0x10, s18, s20, $0xb8;
	[tilespmem:$0x12000] =	vst v63  }
0xf8: {  	s18 =	sadd.s32 $0x980, s12  }
0xf9: {  	[tilespmem:s26], [sflag:$0x1] =	stream.indirect.gather [spmem:s2], $0x10, s18, s20, $0xb8;
	[tilespmem:$0x12000] =	vst v63  }
0xfa: {  	s18 =	sadd.s32 $0xA00, s12  }
0xfb: {  	[tilespmem:s29], [sflag:$0x1] =	stream.indirect.gather [spmem:s2], $0x10, s18, s20, $0xb8;
	[tilespmem:$0x12000] =	vst v63  }
0xfc: {  	s18 =	sadd.s32 $0xA80, s12  }
0xfd: {  	[tilespmem:s31], [sflag:$0x1] =	stream.indirect.gather [spmem:s2], $0x10, s18, s20, $0xb8;
	[tilespmem:$0x12000] =	vst v63  }
.Ltmp3:
0xfe: {  	_ = 	snop;
	(pc) =	sbr.rel .LBB2_2-.Ltmp3, $4  }
0xff: {  	s18 =	sadd.s32 $0xB00, s12  }
0x100: {  	[tilespmem:s0], [sflag:$0x1] =	stream.indirect.gather [spmem:s2], $0x10, s18, s20, $0xb8;
	[tilespmem:$0x12000] =	vst v63  }
0x101: {  	s11 =	sadd.s32 $0x2000, s11;
	s18 =	sadd.s32 $0xB80, s12  }
0x102: {  	[tilespmem:s15], [sflag:$0x1] =	stream.indirect.gather [spmem:s2], $0x10, s18, s20, $0xb8;
	[tilespmem:$0x12000] =	vst v63  }
.LBB2_5:
0x103: {  	_ =	sfence.sel $0x180000  }
0x104: {  	[bflag:$0x0] =	sbarrier.arrive $0xFFFF  }
0x105: {  	_ =	strace $0x9000004D  }
0x106: {  	s0 =	stileid.u32;
	[bflag:$0x2] =	sbarrier.arrive $0xFFFF  }
0x107: {  	p0 =	sne.s32 s0, $0x0;
	s0 =	rddreg [dreg:$0x3]  }
0x108: {  	s0 =	sadd.s32 @!p0 $0x100000, s0  }
0x109: {  	[sflag:s0] =	ssyncadd.tile.s32 @!p0 $0x1;
	_ =	shalt  }
.Lfunc_end2:
_tile_overlayer_lowered:
.L_overlay_start_2:
0x10a: {  	(tag) =	ssettag $0x2  }
0x10b: {  	s0 =	rddreg [dreg:$0x0];
	s2 =	stileid.u32  }
0x10c: {  	s1 =	rddreg [dreg:$0x1];
	p0 =	sne.s32 s2, $0x0  }
0x10d: {  	s3 =	rddreg [dreg:$0x2];
	[bflag:$0x3] =	sbarrier.arrive $0xFFFF;
	s2 =	simm.s32 @!p0 $0x1C05  }
0x10e: {  	[timem:s3], [sflag:s2] =	dma.local @!p0 [hbm:s0], s1  }
0x10f: {  	s0 =	simm.s32 @!p0 $0x5  }
0x110: {  	_ =	swait.ge @!p0 [sflag:s0], s1  }
0x111: {  	s1 =	ssub.s32 @!p0 $0x0, s1;
	[sflag:s0] =	ssyncset.done @!p0 $0x0  }
0x112: {  	[sflag:s0] =	ssyncadd.s32 @!p0 s1  }
0x113: {  	[bflag:$0x3] =	sbarrier.arrive $0xFFFF  }
0x114: {  	_ =	shalt  }

// kernel: kernel.8.cloned.1.call-start
scs
__scs_entry_jumppad:
0x0: {  	(pc) =	sbr.rel $0x88, $3  }
0x1: {  	(tag) =	ssettag $0x0;
	lr =	simm.s32 $0x1  }
0x2: {  	[smem:$0x3F9B] =	sst lr;
	_ =	strace $0xD0000000  }
0x3: {  	_ = 	snop  }
0x4: {  	_ = 	snop  }
0x5: {  	_ = 	snop  }
0x6: {  	_ = 	snop  }
0x7: {  	_ = 	snop  }
__scs_overlays_trampoline_lowered:
0x8: {  	[smem:$0x3FAA] =	sst s0  }
0x9: {  	[smem:$0x3FAB] =	sst s1  }
0xa: {  	[smem:$0x3FAC] =	sst s2  }
0xb: {  	[smem:$0x3FAD] =	sst s3  }
0xc: {  	[smem:$0x3FAE] =	sst s4  }
0xd: {  	[smem:$0x3FAF] =	sst s5  }
0xe: {  	[smem:$0x3FB0] =	sst s6  }
0xf: {  	[smem:$0x3FB1] =	sst s7  }
0x10: {  	[smem:$0x3FB2] =	sst s8  }
0x11: {  	[smem:$0x3FB3] =	sst s9;
	s0 =	simm.s32 @!p0 $0x0  }
0x12: {  	s1 =	sld [smem:$0x3F99];
	s0 =	simm.s32 @p0 $0x1  }
0x13: {  	[smem:$0x3FB4] =	sst s0;
	s0 =	simm.s32 @!p1 $0x0  }
0x14: {  	s2 =	sld [smem:$0x3F98];
	s0 =	simm.s32 @p1 $0x1  }
0x15: {  	[smem:$0x3FB5] =	sst s0;
	s0 =	simm.s32 @!p2 $0x0  }
0x16: {  	s3 =	sld [smem:$0x3FDB];
	s0 =	simm.s32 @p2 $0x1  }
0x17: {  	s4 =	simm.s32 $0x1BF5;
	[smem:$0x3FB7] =	sst s0  }
0x18: {  	s0 =	sld [smem:$0x3F9A];
	_ =	swait.ge [sflag:s4], $0x0  }
0x19: {  	s7 =	sld [smem:$0x3F9B]  }
0x1a: {  	s8 =	sadd.s32 $0xFFFFE003, lr  }
0x1b: {  	s9 =	sadd.s32 $0xFFFFFEF7, lr;
	s5 =	simm.s32 $0xFFFFFFFF;
	p2 =	slt.u32 s8, $0xFFFFF086  }
0x1c: {  	p1 =	slt.u32 s9, $0xF7A;
	s5 =	simm.s32 @!p2 $0x0  }
0x1d: {  	s5 =	simm.s32 @p1 $0x1;
	p0 =	seq.s32 s7, s2  }
0x1e: {  	s7 =	smul.u32 @!p0 $0xF7A, s2;
	p2 =	seq.s32 @!p0 s5, $0x0  }
0x1f: {  	s9 =	smul.u32 $0xF7A, s1;
	s8 =	simm.s32 @!p0 $0x1BF5;
	p2 =	por !p2, p0  }
0x20: {  	[sflag:s8] =	ssyncset.s32 @!p0 $0xFFFFF086;
	s6 =	sadd.s32 @!p0 s3, s7;
	s7 =	simm.s32 @!p0 $0x108  }
0x21: {  	s3 =	sadd.s32 s3, s9;
	s6 =	sadd.s32 @!p0 $0x88, s6;
	s7 =	simm.s32 @p2 $0x1082  }
0x22: {  	[simem:s7], [sflag:s8] =	dma.local @!p0 [hbm:s6], $0xF7A  }
0x23: {  	s9 =	sor.u32 $0xD0000000, s2;
	s6 =	simm.s32 $0x108;
	_ =	swait.ge @!p0 [sflag:s8], $0x0  }
0x24: {  	s3 =	sadd.s32 $0x88, s3;
	s6 =	simm.s32 @!p1 $0x1082;
	[sflag:s4] =	ssyncset.s32 $0xFFFFF086  }
0x25: {  	[simem:s6], [sflag:s4] =	dma.local [hbm:s3], $0xF7A  }
0x26: {  	[smem:$0x3F9B] =	sst s1;
	(tag) =	ssettag s2;
	_ =	strace s9  }
0x27: {  	s1 =	sld [smem:$0x3FAB]  }
0x28: {  	s2 =	sld [smem:$0x3FAC]  }
0x29: {  	s4 =	sld [smem:$0x3FAE]  }
0x2a: {  	p0 =	seq.s32 s5, $0x0;
	s5 =	sld [smem:$0x3FAF]  }
0x2b: {  	s6 =	sld [smem:$0x3FB0]  }
0x2c: {  	s7 =	sld [smem:$0x3FB1]  }
0x2d: {  	s3 =	simm.s32 $0x108;
	s8 =	sld [smem:$0x3FB2]  }
0x2e: {  	s3 =	simm.s32 @!p0 $0x1082;
	s9 =	sld [smem:$0x3FB3]  }
0x2f: {  	lr =	sadd.s32 s0, s3;
	s0 =	sld [smem:$0x3FAA]  }
0x30: {  	s3 =	sld [smem:$0x3FAD]  }
0x31: {  	[smem:$0x3FB6] =	sst s10  }
0x32: {  	s10 =	sld [smem:$0x3FB4];
	_ =	sdelay $0x3  }
0x33: {  	p0 =	seq.s32 s10, $0x1;
	s10 =	sld [smem:$0x3FB6];
	_ =	sdelay $0x3  }
0x34: {  	[smem:$0x3FB6] =	sst s10  }
0x35: {  	s10 =	sld [smem:$0x3FB5];
	_ =	sdelay $0x3  }
0x36: {  	p1 =	seq.s32 s10, $0x1;
	s10 =	sld [smem:$0x3FB6];
	_ =	sdelay $0x3  }
0x37: {  	[smem:$0x3FB6] =	sst s10  }
0x38: {  	s10 =	sld [smem:$0x3FB7]  }
0x39: {  	_ = 	snop;
	(pc) =	sbr.ind lr, $3  }
0x3a: {  	_ = 	snop  }
0x3b: {  	_ = 	snop  }
0x3c: {  	p2 =	seq.s32 s10, $0x1;
	s10 =	sld [smem:$0x3FB6]  }
0x3d: {  	_ =	shalt  }
0x3e: {  	_ =	shalt  }
0x3f: {  	_ =	shalt  }
0x40: {  	_ =	shalt  }
0x41: {  	_ =	shalt  }
0x42: {  	_ =	shalt  }
0x43: {  	_ =	shalt  }
0x44: {  	_ =	shalt  }
0x45: {  	_ =	shalt  }
0x46: {  	_ =	shalt  }
0x47: {  	_ =	shalt  }
0x48: {  	_ =	shalt  }
0x49: {  	_ =	shalt  }
0x4a: {  	_ =	shalt  }
0x4b: {  	_ =	shalt  }
0x4c: {  	_ =	shalt  }
0x4d: {  	_ =	shalt  }
0x4e: {  	_ =	shalt  }
0x4f: {  	_ =	shalt  }
0x50: {  	_ =	shalt  }
0x51: {  	_ =	shalt  }
0x52: {  	_ =	shalt  }
0x53: {  	_ =	shalt  }
0x54: {  	_ =	shalt  }
0x55: {  	_ =	shalt  }
0x56: {  	_ =	shalt  }
0x57: {  	_ =	shalt  }
0x58: {  	_ =	shalt  }
0x59: {  	_ =	shalt  }
0x5a: {  	_ =	shalt  }
0x5b: {  	_ =	shalt  }
0x5c: {  	_ =	shalt  }
0x5d: {  	_ =	shalt  }
0x5e: {  	_ =	shalt  }
0x5f: {  	_ =	shalt  }
0x60: {  	_ =	shalt  }
0x61: {  	_ =	shalt  }
0x62: {  	_ =	shalt  }
0x63: {  	_ =	shalt  }
0x64: {  	_ =	shalt  }
0x65: {  	_ =	shalt  }
0x66: {  	_ =	shalt  }
0x67: {  	_ =	shalt  }
0x68: {  	_ =	shalt  }
0x69: {  	_ =	shalt  }
0x6a: {  	_ =	shalt  }
0x6b: {  	_ =	shalt  }
0x6c: {  	_ =	shalt  }
0x6d: {  	_ =	shalt  }
0x6e: {  	_ =	shalt  }
0x6f: {  	_ =	shalt  }
0x70: {  	_ =	shalt  }
0x71: {  	_ =	shalt  }
0x72: {  	_ =	shalt  }
0x73: {  	_ =	shalt  }
0x74: {  	_ =	shalt  }
0x75: {  	_ =	shalt  }
0x76: {  	_ =	shalt  }
0x77: {  	_ =	shalt  }
0x78: {  	_ =	shalt  }
0x79: {  	_ =	shalt  }
0x7a: {  	_ =	shalt  }
0x7b: {  	_ =	shalt  }
0x7c: {  	_ =	shalt  }
0x7d: {  	_ =	shalt  }
0x7e: {  	_ =	shalt  }
0x7f: {  	_ =	shalt  }
0x80: {  	_ =	shalt  }
0x81: {  	_ =	shalt  }
0x82: {  	_ =	shalt  }
0x83: {  	_ =	shalt  }
0x84: {  	_ =	shalt  }
0x85: {  	_ =	shalt  }
0x86: {  	_ =	shalt  }
0x87: {  	_ =	shalt  }
.Lfunc_end0:
.L_simem_size_0:
called_computation_lowered:
.L_overlay_start_0:
0x88: {  	s2 =	sld [smem:$0x3FD9]  }
0x89: {  	s3 =	sld [smem:$0x3FFE];
	_ =	sdelay $0x1  }
0x8a: {  	s1 =	srdreg.scid  }
0x8b: {  	s0 =	sand.u32 $0x1, s1  }
0x8c: {  	s17 =	sshll.u32 s0, $0xA;
	s2 =	sadd.s32 s3, s2  }
0x8d: {  	s2 =	sadd.s32 s2, s17  }
0x8e: {  	[smem:$0x3FC2] =	sst s2  }
0x8f: {  	_ = 	snop  }
0x90: {  	s2 =	sld [smem:$0x3FD0];
	(tm) =	ssettm $0x1  }
0x91: {  	s18 =	sld [smem:$0x3FFB];
	_ =	sdelay $0x3  }
0x92: {  	_ =	strace s18  }
0x93: {  	s3 =	sld [smem:$0x3FFC];
	_ =	sdelay $0x3  }
0x94: {  	_ =	strace s3  }
0x95: {  	s3 =	sld [smem:$0x3FFD];
	_ =	sdelay $0x3  }
0x96: {  	_ =	strace s3  }
0x97: {  	_ =	strace $0x8FFFFFFF  }
0x98: {  	s19 =	sld [smem:$0x3FDB];
	_ =	sdelay $0x1  }
0x99: {  	s4 =	simm.s32 $_scs_section_size  }
0x9a: {  	s5 =	simm.s32 $_size__tile_overlayer_lowered;
	s6 =	simm.s32 $_tile_overlayer_lowered  }
0x9b: {  	s22 =	simm.s32 $0x1BFF;
	s21 =	sshll.u32 s6, $0x1;
	s3 =	sadd.s32 s4, s19  }
0x9c: {  	s7 =	simm.s32 $0x0;
	s20 =	sshll.u32 s5, $0x1;
	s5 =	sadd.s32 s21, s3  }
0x9d: {  	[timem:s7], [sflag:s22] =	dma.local [hbm:s5], s20  }
0x9e: {  	_ =	swait.ge [sflag:s22], s20  }
0x9f: {  	s4 =	ssub.s32 $0x0, s20;
	[sflag:s22] =	ssyncset.done $0x0  }
0xa0: {  	[sflag:s22] =	ssyncadd.s32 s4;
	_ =	sdelay $0x1  }
0xa1: {  	s23 =	simm.s32 $0x1B8B  }
0xa2: {  	_ =	swait.ge [sflag:s23], $0x1  }
0xa3: {  	[sflag:s23] =	ssyncset.done $0x0  }
0xa4: {  	s25 =	simm.s32 $0x1B8E;
	s24 =	sld [smem:$0x3FFE];
	[sflag:s23] =	ssyncadd.s32 $0xFFFFFFFF  }
0xa5: {  	s26 =	simm.s32 $execute0_lowered;
	[smem:$0x3FD2] =	sst s25  }
0xa6: {  	s5 =	sshll.u32 s26, $0x1;
	_ =	strace $0x80000046;
	[dreg:$0x1] =	wrdreg $0xFFFFFFFF  }
0xa7: {  	s28 =	simm.s32 $_size_execute0_lowered;
	s3 =	sadd.s32 s3, s5;
	[dreg:$0x0] =	wrdreg $0x0  }
0xa8: {  	s5 =	sshll.u32 s28, $0x1;
	[dreg:$0x2] =	wrdreg s3  }
0xa9: {  	[dreg:$0x3] =	wrdreg s5  }
0xaa: {  	[dreg:$0x4] =	wrdreg $0xC0  }
0xab: {  	_ =	task [dreg:s7], $0x5FFFF  }
0xac: {  	[dreg:$0x1] =	wrdreg $0xFFFFFFFF  }
0xad: {  	[dreg:$0x0] =	wrdreg $0x60  }
0xae: {  	[dreg:$0x2] =	wrdreg s24  }
0xaf: {  	[dreg:$0x3] =	wrdreg s2  }
0xb0: {  	[dreg:$0x4] =	wrdreg $0x2C000  }
0xb1: {  	[dreg:$0x5] =	wrdreg $0x9  }
0xb2: {  	_ =	task.clear_ibuf [dreg:s7], $0x6FFFF;
	_ =	strace $0x90000046  }
0xb3: {  	s29 =	simm.s32 $0x9;
	_ =	strace $0x80000048  }
0xb4: {  	_ =	swait.ge [sflag:s29], $0x1  }
0xb5: {  	[sflag:s29] =	ssyncadd.s32 $0xFFFFFFFF  }
0xb6: {  	_ =	strace $0x90000048  }
0xb7: {  	_ =	sfence  }
0xb8: {  	s30 =	sld [smem:$0x0];
	_ =	sdelay $0x2  }
0xb9: {  	s31 =	sshll.u32 s1, $0xD;
	s1 =	sshrl.u32 s1, $0x2  }
0xba: {  	s3 =	sand.u32 $0x4000, s31;
	s1 =	sadd.s32 s1, s30  }
0xbb: {  	s0 =	sor.u32 s3, s0;
	s1 =	sshll.u32 s1, $0x11  }
0xbc: {  	s0 =	sor.u32 s1, s0  }
0xbd: {  	s0 =	sadd.s32 $0x8F2B, s0  }
0xbe: {  	[sflag:s0] =	ssyncadd.remote.s32 $0x1  }
0xbf: {  	_ =	sfence.sel $0xFFFF  }
0xc0: {  	[dreg:$0x0] =	wrdreg $0xFFFFFFFF;
	(pc) =	sbr.abs _section_cstart, $3  }
0xc1: {  	[dreg:$0x1] =	wrdreg $0xFFFFFFFF  }
0xc2: {  	_ =	task.clear_ibuf [dreg:s7], $0x2FFFF;
	_ =	strace $0x9FFFFFFF  }
0xc3: {  	(tm) =	ssettm $0x7FFFFFFF  }
tec
execute0_lowered:
.L_overlay_start_1:
0x0: {  	(tag) =	ssettag $0x1  }
0x1: {  	s6 =	rddreg [dreg:$0x0]  }
0x2: {  	s7 =	rddreg [dreg:$0x1]  }
0x3: {  	s1 =	rddreg [dreg:$0x2];
	s2 =	srdreg.scid  }
0x4: {  	s0 =	rddreg [dreg:$0x3];
	s3 =	simm.s32 $0x0;
	s15 =	simm.s32 $0x80  }
0x5: {  	s16 =	simm.s32 $0x1;
	s8 =	sand.u32 $0x1, s2;
	s2 =	stileid.u32  }
0x6: {  	s17 =	simm.s32 $0x0;
	[smem:$0x7FF] =	sst s3;
	s10 =	smul.u32 $0x280, s2  }
0x7: {  	s5 =	sadd.s32 $0x15E00, s6;
	s4 =	sshll.u32 s8, $0x4;
	s12 =	smul.u32 $0x1400, s2  }
0x8: {  	_ =	strace $0x80000047;
	s11 =	ssub.s32 $0x2, s8;
	s8 =	smul.u32 $0x2800, s8  }
0x9: {  	s31 =	sshll.u32 s2, $0x6;
	s4 =	sor.u32 s2, s4;
	s13 =	sshrl.u32 s11, $0x1  }
0xa: {  	s9 =	smul.u32 $0x2710, s4;
	s4 =	sadd.s32 $0x2200, s6;
	s10 =	sadd.s32 s10, s6  }
0xb: {  	s11 =	ssub.s32 s11, s13;
	s14 =	sadd.s32 s12, s1;
	s30 =	sshrl.u32 s12, $0x3  }
0xc: {  	s12 =	simm.s32 $0x2800;
	s13 =	sor.u32 $0x1C02, s31;
	s8 =	sadd.s32 s8, s10  }
0xd: {  	s7 =	sadd.s32 s7, s30;
	s10 =	simm.s32 $0x2;
	s9 =	sshrl.u32 s9, $0x3  }
0xe: {  	s14 =	sshrl.u32 s14, $0x3;
	s8 =	sadd.s32 $0x16000, s8;
	s9 =	sadd.s32 s6, s9  }
0xf: {  	s6 =	sadd.s32 $0xC040, s9;
	s9 =	smax.u32 s11, $0x1;
	s11 =	simm.s32 $0x2710  }
.LBB2_1:
0x10: {  	[tilespmem:s3], [sflag:$0x2] =	stream.linear.gather [hbm4b:s6+s3], $0x2710, $0x38;
	[tilespmem:$0x4000] =	vst v63  }
0x11: {  	_ =	swait.ge [sflag:s10], $0x2710  }
0x12: {  	[sflag:s10] =	ssyncset.done $0x0  }
0x13: {  	[sflag:s10] =	ssyncadd.s32 $0xFFFFD8F0  }
0x14: {  	[tilespmem:s11], [sflag:$0x2] =	stream.linear.gather [hbm4b:s4+s3], $0xF0, $0x38;
	[tilespmem:$0x4000] =	vst v63  }
0x15: {  	_ =	swait.ge [sflag:s10], $0xF0  }
0x16: {  	[sflag:s10] =	ssyncset.done $0x0  }
0x17: {  	[sflag:s10] =	ssyncadd.s32 $0xFFFFFF10  }
0x18: {  	[tilespmem:s12], [sflag:$0x2] =	stream.linear.gather [hbm4b:s5+s3], $0x400, $0x38;
	[tilespmem:$0x4000] =	vst v63  }
0x19: {  	_ =	swait.ge [sflag:s10], $0x400  }
0x1a: {  	[sflag:s10] =	ssyncset.done $0x0  }
0x1b: {  	[sflag:s10] =	ssyncadd.s32 $0xFFFFFC00  }
0x1c: {  	[spmem:s14], [sflag:s13] =	dma.local [hbm:s7], $0x280  }
0x1d: {  	_ =	swait.ge [sflag:s10], $0x280  }
0x1e: {  	[sflag:s10] =	ssyncset.done $0x0  }
0x1f: {  	[sflag:s10] =	ssyncadd.s32 $0xFFFFFD80  }
0x20: {  	s18 =	simm.s32 $0x0;
	[bflag:$0x0] =	sbarrier.arrive $0xFFFF  }
.LBB2_2:
0x21: {  	p0 =	sne.s32 s18, $0x9E00  }
.Ltmp0:
0x22: {  	_ = 	snop;
	(pc) =	sbr.rel @p0 .LBB2_2-.Ltmp0, $3  }
0x23: {  	_ =	sdelay $0x1  }
0x24: {  	s19 =	sshra.s32 s18, $0x2;
	s18 =	sadd.s32 $0x200, s18  }
0x25: {  	[spmem:s1] =	stream.indirect.scatter.add.f32 [tilespmem:s12], [sflag:$0x1], $0x8, s19, s15, $0xb8;
	[tilespmem:$0x4000] =	vst v63  }
0x26: {  	_ =	swait.ge [sflag:s16], $0x400  }
0x27: {  	s18 =	simm.s32 $0x4F;
	[sflag:s16] =	ssyncset.done $0x0  }
.LBB2_4:
0x28: {  	p0 =	sne.s32 s18, $0x1;
	s18 =	sadd.s32 $0xFFFFFFFF, s18;
	[sflag:s16] =	ssyncadd.s32 $0xFFFFFC00  }
.Ltmp1:
0x29: {  	(pc) =	sbr.rel @p0 .LBB2_4-.Ltmp1, $3  }
0x2a: {  	_ =	sdelay $0x1  }
0x2b: {  	_ =	swait.ge [sflag:s16], $0x400  }
0x2c: {  	[sflag:s16] =	ssyncset.done $0x0  }
0x2d: {  	s17 =	sadd.s32 $0x1, s17  }
0x2e: {  	[sflag:s16] =	ssyncadd.s32 $0xFFFFFC00;
	p0 =	sne.s32 s17, s9  }
.Ltmp2:
0x2f: {  	[bflag:$0x0] =	sbarrier.arrive $0xFFFF;
	(pc) =	sbr.rel @p0 .LBB2_1-.Ltmp2, $4  }
0x30: {  	[hbm:s8], [sflag:s13] =	dma.local [spmem:s14], $0x280  }
0x31: {  	_ =	swait.ge [sflag:s10], $0x280  }
0x32: {  	[sflag:s10] =	ssyncset.done $0x0  }
0x33: {  	[sflag:s10] =	ssyncadd.s32 $0xFFFFFD80  }
0x34: {  	_ =	sfence.sel $0x180000  }
0x35: {  	[bflag:$0x0] =	sbarrier.arrive $0xFFFF  }
0x36: {  	p0 =	sne.s32 s2, $0x0;
	_ =	strace $0x90000047  }
0x37: {  	s0 =	sadd.s32 @!p0 $0x100000, s0;
	[bflag:$0x2] =	sbarrier.arrive $0xFFFF  }
0x38: {  	[sflag:s0] =	ssyncadd.tile.s32 @!p0 $0x1;
	_ =	shalt  }
.Lfunc_end2:
_tile_overlayer_lowered:
.L_overlay_start_2:
0x39: {  	(tag) =	ssettag $0x2  }
0x3a: {  	s0 =	rddreg [dreg:$0x0];
	s2 =	stileid.u32  }
0x3b: {  	s1 =	rddreg [dreg:$0x1];
	p0 =	sne.s32 s2, $0x0  }
0x3c: {  	s3 =	rddreg [dreg:$0x2];
	[bflag:$0x3] =	sbarrier.arrive $0xFFFF;
	s2 =	simm.s32 @!p0 $0x1C02  }
0x3d: {  	[timem:s3], [sflag:s2] =	dma.local @!p0 [hbm:s0], s1  }
0x3e: {  	s0 =	simm.s32 @!p0 $0x2  }
0x3f: {  	_ =	swait.ge @!p0 [sflag:s0], s1  }
0x40: {  	s1 =	ssub.s32 @!p0 $0x0, s1;
	[sflag:s0] =	ssyncset.done @!p0 $0x0  }
0x41: {  	[sflag:s0] =	ssyncadd.s32 @!p0 s1  }
0x42: {  	[bflag:$0x3] =	sbarrier.arrive $0xFFFF  }
0x43: {  	_ =	shalt  }

</sc_bundles>
